<compile_context>
chip_gen: v7x
topology: tpu7x:2x2x1
jax: 0.10.2.dev20260603
libtpu: 0.0.44.dev20260713+nightly
codegen_flags: <defaults>
</compile_context>

<pallas_src>
import functools

import jax
import jax.numpy as jnp
from jax import lax
from jax.experimental import pallas as pl
from jax.experimental.pallas import tpu as pltpu
from jax.experimental.pallas import tpu_sc as plsc

NW = 32
CHUNK = 128


def _zero_rows(ref, nrows, width16):
    zero16 = jnp.zeros((16,), jnp.float32)

    def zrow(i, _):
        for c in range(width16):
            ref[i, pl.ds(c * 16, 16)] = zero16
        return 0
    lax.fori_loop(0, nrows, zrow, 0)


def _unpack_chunk(pidx, j, sidx, didx, b):
    for c in range(8):
        w = pidx[j, pl.ds(c * 16, 16)]
        if sidx is not None:
            sidx[b, pl.ds(c * 16, 16)] = jnp.bitwise_and(w, 0xFFFF)
        didx[b, pl.ds(c * 16, 16)] = lax.shift_right_logical(w, 16)


def _make_sc_deg(n_pad, nchunk):
    rpt = n_pad // 16
    nz, rem = divmod(rpt, CHUNK)
    mesh = plsc.VectorSubcoreMesh(core_axis_name="c", subcore_axis_name="s")
    scratch = [
        pltpu.VMEM((nchunk, CHUNK), jnp.int32),
        pltpu.VMEM((2, CHUNK), jnp.int32),
        pltpu.VMEM((CHUNK, 128), jnp.float32),
        pltpu.VMEM_SHARED((n_pad, 128), jnp.float32),
    ]

    def body(packed, deg_out, pidx, didx, ones_v, deg_sh):
        c = lax.axis_index("c")
        s = lax.axis_index("s")
        wid = s * 2 + c
        base = s * rpt
        pltpu.sync_copy(packed.at[wid], pidx)

        _zero_rows(ones_v, CHUNK, 8)

        def zcopy(i, _):
            pltpu.sync_copy(ones_v, deg_sh.at[pl.ds(base + i * CHUNK, CHUNK)])
            return 0
        lax.fori_loop(0, nz, zcopy, 0)
        if rem:
            pltpu.sync_copy(ones_v.at[pl.ds(0, rem)],
                            deg_sh.at[pl.ds(base + nz * CHUNK, rem)])

        one16 = jnp.ones((16,), jnp.float32)

        def onerow(i, _):
            for cb in range(8):
                ones_v[i, pl.ds(cb * 16, 16)] = one16
            return 0
        lax.fori_loop(0, CHUNK, onerow, 0)

        plsc.subcore_barrier()

        def chunk(j, _):
            _unpack_chunk(pidx, j, None, didx, 0)
            pltpu.sync_copy(ones_v, deg_sh.at[didx.at[0]], add=True)
            return 0
        lax.fori_loop(0, nchunk, chunk, 0)

        plsc.subcore_barrier()
        pltpu.sync_copy(deg_sh.at[pl.ds(base, rpt)],
                        deg_out.at[c, pl.ds(base, rpt)])

    return functools.partial(
        pl.kernel,
        out_type=[jax.ShapeDtypeStruct((2, n_pad, 128), jnp.float32)],
        mesh=mesh, scratch_types=scratch,
    )(body)


AC = 64


def _unpack64(pidx, row, col, sidx, didx, slot):
    for c in range(4):
        w = pidx[row, pl.ds(col + c * 16, 16)]
        sidx[slot, pl.ds(c * 16, 16)] = jnp.bitwise_and(w, 0xFFFF)
        didx[slot, pl.ds(c * 16, 16)] = lax.shift_right_logical(w, 16)


def _make_sc_agg(n_pad, nc, nspan):
    rpt = n_pad // 16
    nz, rem = divmod(rpt, AC)
    assert nc % 4 == 0 and nc >= 8
    ng = nc // 4
    mesh = plsc.VectorSubcoreMesh(core_axis_name="c", subcore_axis_name="s")
    scratch = [
        pltpu.VMEM((nc // 2, CHUNK), jnp.int32),
        pltpu.VMEM((4, AC), jnp.int32),
        pltpu.VMEM((4, AC), jnp.int32),
        pltpu.VMEM((AC, 128), jnp.float32),
        pltpu.VMEM((AC, 128), jnp.float32),
        pltpu.VMEM((AC, 128), jnp.float32),
        pltpu.VMEM((AC, 128), jnp.float32),
        pltpu.VMEM_SHARED((n_pad, 128), jnp.float32),
    ] + [pltpu.SemaphoreType.DMA] * 8

    def body(table, packed, acc_out, pidx, sidx, didx, r0, r1, r2, r3,
             acc_sh, *sems):
        rows = (r0, r1, r2, r3)
        sg, ss = sems[:4], sems[4:]
        c = lax.axis_index("c")
        s = lax.axis_index("s")
        base = s * rpt

        _zero_rows(r0, AC, 8)

        def zcopy(i, _):
            pltpu.sync_copy(r0, acc_sh.at[pl.ds(base + i * AC, AC)])
            return 0
        lax.fori_loop(0, nz, zcopy, 0)
        if rem:
            pltpu.sync_copy(r0.at[pl.ds(0, rem)],
                            acc_sh.at[pl.ds(base + nz * AC, rem)])

        plsc.subcore_barrier()

        def do_group(g, first, last):
            for b in range(4):
                b2 = (b + 2) % 4
                pltpu.make_async_copy(
                    table.at[sidx.at[b]], rows[b], sg[b]).wait()
                pltpu.async_copy(rows[b], acc_sh.at[didx.at[b]], ss[b],
                                 add=True)
                if not (first and b < 2):
                    pltpu.make_async_copy(
                        rows[b2], acc_sh.at[didx.at[b2]], ss[b2]).wait()
                if not (last and b >= 2):
                    row = 2 * g + 1 + (b // 2)
                    col = (b % 2) * AC
                    _unpack64(pidx, row, col, sidx, didx, b2)
                    pltpu.async_copy(table.at[sidx.at[b2]], rows[b2],
                                     sg[b2])

        def run_span(wid, span):
            pltpu.sync_copy(
                packed.at[wid, pl.ds(span * (nc // 2), nc // 2)], pidx)
            _unpack64(pidx, 0, 0, sidx, didx, 0)
            _unpack64(pidx, 0, AC, sidx, didx, 1)
            pltpu.async_copy(table.at[sidx.at[0]], r0, sg[0])
            pltpu.async_copy(table.at[sidx.at[1]], r1, sg[1])

            do_group(0, True, ng == 1)

            def group(g, _):
                do_group(g, False, False)
                return 0
            lax.fori_loop(1, ng - 1, group, 0)

            if ng > 1:
                do_group(ng - 1, False, True)
            pltpu.make_async_copy(
                rows[2], acc_sh.at[didx.at[2]], ss[2]).wait()
            pltpu.make_async_copy(
                rows[3], acc_sh.at[didx.at[3]], ss[3]).wait()

        if nspan == 1:
            run_span(s * 2 + c, 0)
        else:
            @pl.when(c == 0)
            def _():
                for span in range(nspan):
                    run_span(s, span)

        plsc.subcore_barrier()
        pltpu.sync_copy(acc_sh.at[pl.ds(base, rpt)],
                        acc_out.at[c, pl.ds(base, rpt)])

    return functools.partial(
        pl.kernel,
        out_type=[jax.ShapeDtypeStruct((2, n_pad, 128), jnp.float32)],
        mesh=mesh, scratch_types=scratch,
    )(body)


def _tc_layer(acc, d0, d1, x, W_l, W_r, b, apply_relu):
    n, dim = x.shape
    blk = 1024
    grid = (pl.cdiv(n, blk),)

    def tc_body(a_ref, d0_ref, d1_ref, x_ref, wl_ref, wr_ref, b_ref, o_ref):
        deg = d0_ref[...] + d1_ref[...]
        recip = 1.0 / jnp.maximum(deg, 1.0)
        mean = (a_ref[0] + a_ref[1]) * recip
        y = jnp.dot(mean, wl_ref[...], preferred_element_type=jnp.float32)
        y += jnp.dot(x_ref[...], wr_ref[...], preferred_element_type=jnp.float32)
        y += b_ref[...]
        if apply_relu:
            y = jnp.maximum(y, 0.0)
        o_ref[...] = y

    return pl.pallas_call(
        tc_body,
        grid=grid,
        in_specs=[
            pl.BlockSpec((2, blk, 128), lambda i: (0, i, 0)),
            pl.BlockSpec((blk, 1), lambda i: (i, 0)),
            pl.BlockSpec((blk, 1), lambda i: (i, 0)),
            pl.BlockSpec((blk, 128), lambda i: (i, 0)),
            pl.BlockSpec((128, 128), lambda i: (0, 0)),
            pl.BlockSpec((128, 128), lambda i: (0, 0)),
            pl.BlockSpec((1, 128), lambda i: (0, 0)),
        ],
        out_specs=pl.BlockSpec((blk, 128), lambda i: (i, 0)),
        out_shape=jax.ShapeDtypeStruct((n, dim), jnp.float32),
    )(acc, d0, d1, x, W_l, W_r, b.reshape(1, 128))


def kernel(x, edge_index, W_l1, W_r1, b1, W_l2, W_r2, b2):
    n = x.shape[0]
    e = edge_index.shape[1]
    n_pad = -(-n // 128) * 128
    nc = -(-e // (NW * AC))
    nc = -(-nc // 4) * 4
    ept = nc * AC
    e_pad = NW * ept

    src = edge_index[0].astype(jnp.int32)
    dst = edge_index[1].astype(jnp.int32)
    pad = e_pad - e
    src_p = jnp.concatenate([src, jnp.zeros((pad,), jnp.int32)])
    dst_p = jnp.concatenate([dst, jnp.full((pad,), n_pad - 1, jnp.int32)])
    packed = jnp.bitwise_or(jnp.left_shift(dst_p, 16), src_p)
    packed = packed.reshape(NW, nc // 2, CHUNK)

    (deg,) = _make_sc_deg(n_pad, nc // 2)(packed)
    d0 = deg[0, :n, 0:1]
    d1 = deg[1, :n, 0:1]
    (agg1,) = _make_sc_agg(n_pad, nc, 1)(x, packed)
    h = _tc_layer(agg1, d0, d1, x, W_l1, W_r1, b1, True)
    (agg2,) = _make_sc_agg(n_pad, nc, 1)(h, packed)
    out = _tc_layer(agg2, d0, d1, h, W_l2, W_r2, b2, False)
    return out

# --- scband reference (transcript-rebuilt; emitter-appended) ---
"""Pipeline reference for scband-sage-2869038153994 (READ-ONLY COPY).

The authoritative reference and input builder live on the scoring server;
editing this copy changes nothing except your own understanding.
"""

import jax, jax.numpy as jnp
import numpy as np

N_NODES = 10000
N_EDGES = 320000
D_IN = 128
D_HID = 128
D_OUT = 128


def setup_inputs(seed: int = 0) -> dict:
    key = jax.random.key(seed)
    k_x, k_ei, k1, k2, k3, k4 = jax.random.split(key, 6)
    x = jax.random.normal(k_x, (N_NODES, D_IN), dtype=jnp.float32)
    edge_index = jax.random.randint(k_ei, (2, N_EDGES), 0, N_NODES, dtype=jnp.int64)
    s1 = 1.0 / np.sqrt(D_IN)
    s2 = 1.0 / np.sqrt(D_HID)
    W_l1 = jax.random.uniform(k1, (D_IN, D_HID), dtype=jnp.float32, minval=-s1, maxval=s1)
    W_r1 = jax.random.uniform(k2, (D_IN, D_HID), dtype=jnp.float32, minval=-s1, maxval=s1)
    b1 = jnp.zeros((D_HID,), dtype=jnp.float32)
    W_l2 = jax.random.uniform(k3, (D_HID, D_OUT), dtype=jnp.float32, minval=-s2, maxval=s2)
    W_r2 = jax.random.uniform(k4, (D_HID, D_OUT), dtype=jnp.float32, minval=-s2, maxval=s2)
    b2 = jnp.zeros((D_OUT,), dtype=jnp.float32)
    return {"x": x, "edge_index": edge_index, "W_l1": W_l1, "W_r1": W_r1, "b1": b1, "W_l2": W_l2, "W_r2": W_r2, "b2": b2}


def _sage_conv(x, src, dst, n_nodes, W_l, W_r, b):
    # mean aggregation of neighbor (source) features at destination nodes
    msg = jnp.take(x, src, axis=0)
    agg = jax.ops.segment_sum(msg, dst, num_segments=n_nodes)
    deg = jax.ops.segment_sum(jnp.ones((src.shape[0],), dtype=x.dtype), dst, num_segments=n_nodes)
    mean = agg / jnp.clip(deg, 1.0)[:, None]
    return mean @ W_l + x @ W_r + b


def reference(x, edge_index, W_l1, W_r1, b1, W_l2, W_r2, b2):
    src = edge_index[0]
    dst = edge_index[1]
    n = x.shape[0]
    h = _sage_conv(x, src, dst, n, W_l1, W_r1, b1)
    h = jax.nn.relu(h)
    # dropout omitted (deterministic eval-mode reference)
    out = _sage_conv(h, src, dst, n, W_l2, W_r2, b2)
    return out

if __name__ == "__main__":
    import jax
    _d = setup_inputs()
    print(jax.jit(kernel)(*tuple(_d.values())))

</pallas_src>

<mosaic_0001>
#map = affine_map<(d0, d1) -> (0, 0, 0)>
module attributes {stable_mosaic.version = 14 : i64} {
  func.func @body(%arg0: i32, %arg1: i32, %arg2: memref<32x80x128xi32, #tpu.memory_space<hbm>>, %arg3: memref<2x10112x128xf32, #tpu.memory_space<hbm>>, %arg4: memref<80x128xi32, #tpu.memory_space<vmem>>, %arg5: memref<2x128xi32, #tpu.memory_space<vmem>>, %arg6: memref<128x128xf32, #tpu.memory_space<vmem>>, %arg7: memref<10112x128xf32, #tpu.memory_space<vmem_shared>>) attributes {dimension_semantics = [#tpu.dimension_semantics<core_parallel>, #tpu.dimension_semantics<subcore_parallel>], iteration_bounds = array<i64: 2, 16>, scalar_prefetch = 0 : i64, scratch_operands = 4 : i64, tpu.core_type = #tpu.core_type<sc_vector_subcore>, window_params = [{transform_indices = #map}, {transform_indices = #map}]} {
    %mul3A = arith.constant 2 : i32
    %mul3A_0 = arith.muli %arg1, %mul3A : i32
    %add3A = arith.addi %mul3A_0, %arg0 : i32
    %mul3A_1 = arith.constant 632 : i32
    %mul3A_2 = arith.muli %arg1, %mul3A_1 : i32
    "tpu.region"() ({
      %run_scoped3A = tpu.sem_alloc : memref<!tpu.dma_semaphore, #tpu.memory_space<semaphore_mem>>
      %dma_start3A = arith.constant 0 : i32
      %dma_start3A_36 = arith.constant 0 : i32
      %dma_start3A_37 = tpu.memref_slice %arg2[%add3A, %dma_start3A, %dma_start3A_36] : memref<32x80x128xi32, #tpu.memory_space<hbm>> -> memref<1x80x128xi32, #tpu.memory_space<hbm>>
      %dma_start3A_38 = tpu.memref_squeeze %dma_start3A_37 : memref<1x80x128xi32, #tpu.memory_space<hbm>> -> memref<80x128xi32, #tpu.memory_space<hbm>>
      %dma_start3A_39 = arith.constant 0 : i32
      %dma_start3A_40 = arith.constant 0 : i32
      %dma_start3A_41 = tpu.memref_slice %arg2[%add3A, %dma_start3A_39, %dma_start3A_40] : memref<32x80x128xi32, #tpu.memory_space<hbm>> -> memref<1x80x128xi32, #tpu.memory_space<hbm>>
      %dma_start3A_42 = tpu.memref_squeeze %dma_start3A_41 : memref<1x80x128xi32, #tpu.memory_space<hbm>> -> memref<80x128xi32, #tpu.memory_space<hbm>>
      tpu.enqueue_dma source(%dma_start3A_42 : memref<80x128xi32, #tpu.memory_space<hbm>>) target(%arg4 : memref<80x128xi32, #tpu.memory_space<vmem>>) target_semaphore(%run_scoped3A : memref<!tpu.dma_semaphore, #tpu.memory_space<semaphore_mem>>)
      %dma_wait3A = arith.constant 0 : i32
      %dma_wait3A_43 = arith.constant 0 : i32
      %dma_wait3A_44 = tpu.memref_slice %arg2[%add3A, %dma_wait3A, %dma_wait3A_43] : memref<32x80x128xi32, #tpu.memory_space<hbm>> -> memref<1x80x128xi32, #tpu.memory_space<hbm>>
      %dma_wait3A_45 = tpu.memref_squeeze %dma_wait3A_44 : memref<1x80x128xi32, #tpu.memory_space<hbm>> -> memref<80x128xi32, #tpu.memory_space<hbm>>
      %dma_wait3A_46 = arith.constant 0 : i32
      %dma_wait3A_47 = arith.constant 0 : i32
      %dma_wait3A_48 = tpu.memref_slice %arg2[%add3A, %dma_wait3A_46, %dma_wait3A_47] : memref<32x80x128xi32, #tpu.memory_space<hbm>> -> memref<1x80x128xi32, #tpu.memory_space<hbm>>
      %dma_wait3A_49 = tpu.memref_squeeze %dma_wait3A_48 : memref<1x80x128xi32, #tpu.memory_space<hbm>> -> memref<80x128xi32, #tpu.memory_space<hbm>>
      tpu.wait_dma2 semaphore(%run_scoped3A : memref<!tpu.dma_semaphore, #tpu.memory_space<semaphore_mem>>) src(%dma_wait3A_49 : memref<80x128xi32, #tpu.memory_space<hbm>>) dst(%arg4 : memref<80x128xi32, #tpu.memory_space<vmem>>)
      tpu.yield
    }) : () -> ()
    %broadcast_in_dim3A = arith.constant 0.000000e+00 : f32
    %broadcast_in_dim3A_3 = vector.broadcast %broadcast_in_dim3A : f32 to vector<16xf32>
    %scan3A = arith.constant 0 : i32
    %scan3A_4 = arith.constant 0 : i32
    %scan3A_5 = arith.constant 128 : i32
    %scan3A_6 = arith.addi %scan3A_4, %scan3A_5 : i32
    %scan3A_7 = arith.constant 1 : i32
    %scan3A_8 = scf.for %scan3A_36 = %scan3A_4 to %scan3A_6 step %scan3A_7 iter_args(%scan3A_37 = %scan3A) -> (i32)  : i32 {
      %swap3A = arith.index_cast %scan3A_36 : i32 to index
      %swap3A_38 = arith.constant 0 : index
      %swap3A_39 = tpu.vector_load %arg6[%swap3A, %swap3A_38] {strides = array<i32>} : memref<128x128xf32, #tpu.memory_space<vmem>>, vector<1x16xf32>,
      %swap3A_40 = vector.shape_cast %swap3A_39 : vector<1x16xf32> to vector<16xf32>
      %swap3A_41 = vector.shape_cast %broadcast_in_dim3A_3 : vector<16xf32> to vector<1x16xf32>
      tpu.vector_store %arg6[%swap3A, %swap3A_38], %swap3A_41 {strides = array<i32>} : memref<128x128xf32, #tpu.memory_space<vmem>>, vector<1x16xf32>,
      %swap3A_42 = arith.index_cast %scan3A_36 : i32 to index
      %swap3A_43 = arith.constant 16 : index
      %swap3A_44 = tpu.vector_load %arg6[%swap3A_42, %swap3A_43] {strides = array<i32>} : memref<128x128xf32, #tpu.memory_space<vmem>>, vector<1x16xf32>,
      %swap3A_45 = vector.shape_cast %swap3A_44 : vector<1x16xf32> to vector<16xf32>
      %swap3A_46 = vector.shape_cast %broadcast_in_dim3A_3 : vector<16xf32> to vector<1x16xf32>
      tpu.vector_store %arg6[%swap3A_42, %swap3A_43], %swap3A_46 {strides = array<i32>} : memref<128x128xf32, #tpu.memory_space<vmem>>, vector<1x16xf32>,
      %swap3A_47 = arith.index_cast %scan3A_36 : i32 to index
      %swap3A_48 = arith.constant 32 : index
      %swap3A_49 = tpu.vector_load %arg6[%swap3A_47, %swap3A_48] {strides = array<i32>} : memref<128x128xf32, #tpu.memory_space<vmem>>, vector<1x16xf32>,
      %swap3A_50 = vector.shape_cast %swap3A_49 : vector<1x16xf32> to vector<16xf32>
      %swap3A_51 = vector.shape_cast %broadcast_in_dim3A_3 : vector<16xf32> to vector<1x16xf32>
      tpu.vector_store %arg6[%swap3A_47, %swap3A_48], %swap3A_51 {strides = array<i32>} : memref<128x128xf32, #tpu.memory_space<vmem>>, vector<1x16xf32>,
      %swap3A_52 = arith.index_cast %scan3A_36 : i32 to index
      %swap3A_53 = arith.constant 48 : index
      %swap3A_54 = tpu.vector_load %arg6[%swap3A_52, %swap3A_53] {strides = array<i32>} : memref<128x128xf32, #tpu.memory_space<vmem>>, vector<1x16xf32>,
      %swap3A_55 = vector.shape_cast %swap3A_54 : vector<1x16xf32> to vector<16xf32>
      %swap3A_56 = vector.shape_cast %broadcast_in_dim3A_3 : vector<16xf32> to vector<1x16xf32>
      tpu.vector_store %arg6[%swap3A_52, %swap3A_53], %swap3A_56 {strides = array<i32>} : memref<128x128xf32, #tpu.memory_space<vmem>>, vector<1x16xf32>,
      %swap3A_57 = arith.index_cast %scan3A_36 : i32 to index
      %swap3A_58 = arith.constant 64 : index
      %swap3A_59 = tpu.vector_load %arg6[%swap3A_57, %swap3A_58] {strides = array<i32>} : memref<128x128xf32, #tpu.memory_space<vmem>>, vector<1x16xf32>,
      %swap3A_60 = vector.shape_cast %swap3A_59 : vector<1x16xf32> to vector<16xf32>
      %swap3A_61 = vector.shape_cast %broadcast_in_dim3A_3 : vector<16xf32> to vector<1x16xf32>
      tpu.vector_store %arg6[%swap3A_57, %swap3A_58], %swap3A_61 {strides = array<i32>} : memref<128x128xf32, #tpu.memory_space<vmem>>, vector<1x16xf32>,
      %swap3A_62 = arith.index_cast %scan3A_36 : i32 to index
      %swap3A_63 = arith.constant 80 : index
      %swap3A_64 = tpu.vector_load %arg6[%swap3A_62, %swap3A_63] {strides = array<i32>} : memref<128x128xf32, #tpu.memory_space<vmem>>, vector<1x16xf32>,
      %swap3A_65 = vector.shape_cast %swap3A_64 : vector<1x16xf32> to vector<16xf32>
      %swap3A_66 = vector.shape_cast %broadcast_in_dim3A_3 : vector<16xf32> to vector<1x16xf32>
      tpu.vector_store %arg6[%swap3A_62, %swap3A_63], %swap3A_66 {strides = array<i32>} : memref<128x128xf32, #tpu.memory_space<vmem>>, vector<1x16xf32>,
      %swap3A_67 = arith.index_cast %scan3A_36 : i32 to index
      %swap3A_68 = arith.constant 96 : index
      %swap3A_69 = tpu.vector_load %arg6[%swap3A_67, %swap3A_68] {strides = array<i32>} : memref<128x128xf32, #tpu.memory_space<vmem>>, vector<1x16xf32>,
      %swap3A_70 = vector.shape_cast %swap3A_69 : vector<1x16xf32> to vector<16xf32>
      %swap3A_71 = vector.shape_cast %broadcast_in_dim3A_3 : vector<16xf32> to vector<1x16xf32>
      tpu.vector_store %arg6[%swap3A_67, %swap3A_68], %swap3A_71 {strides = array<i32>} : memref<128x128xf32, #tpu.memory_space<vmem>>, vector<1x16xf32>,
      %swap3A_72 = arith.index_cast %scan3A_36 : i32 to index
      %swap3A_73 = arith.constant 112 : index
      %swap3A_74 = tpu.vector_load %arg6[%swap3A_72, %swap3A_73] {strides = array<i32>} : memref<128x128xf32, #tpu.memory_space<vmem>>, vector<1x16xf32>,
      %swap3A_75 = vector.shape_cast %swap3A_74 : vector<1x16xf32> to vector<16xf32>
      %swap3A_76 = vector.shape_cast %broadcast_in_dim3A_3 : vector<16xf32> to vector<1x16xf32>
      tpu.vector_store %arg6[%swap3A_72, %swap3A_73], %swap3A_76 {strides = array<i32>} : memref<128x128xf32, #tpu.memory_space<vmem>>, vector<1x16xf32>,
      %scan3A_77 = arith.constant 0 : i32
      scf.yield %scan3A_77 : i32
    }
    %scan3A_9 = arith.constant 128 : i32
    %scan3A_10 = arith.constant 0 : i32
    %scan3A_11 = arith.constant 0 : i32
    %scan3A_12 = arith.constant 4 : i32
    %scan3A_13 = arith.addi %scan3A_11, %scan3A_12 : i32
    %scan3A_14 = arith.constant 1 : i32
    %scan3A_15 = scf.for %scan3A_36 = %scan3A_11 to %scan3A_13 step %scan3A_14 iter_args(%scan3A_37 = %scan3A_10) -> (i32)  : i32 {
      %mul3A_38 = arith.constant 128 : i32
      %mul3A_39 = arith.muli %scan3A_36, %mul3A_38 : i32
      %add3A_40 = arith.addi %mul3A_2, %mul3A_39 : i32
      "tpu.region"() ({
        %run_scoped3A = tpu.sem_alloc : memref<!tpu.dma_semaphore, #tpu.memory_space<semaphore_mem>>
        %dma_start3A = arith.constant 0 : i32
        %dma_start3A_42 = tpu.memref_slice %arg7[%add3A_40, %dma_start3A] : memref<10112x128xf32, #tpu.memory_space<vmem_shared>> -> memref<128x128xf32, #tpu.memory_space<vmem_shared>>
        %dma_start3A_43 = arith.constant 0 : i32
        %dma_start3A_44 = tpu.memref_slice %arg7[%add3A_40, %dma_start3A_43] : memref<10112x128xf32, #tpu.memory_space<vmem_shared>> -> memref<128x128xf32, #tpu.memory_space<vmem_shared>>
        tpu.enqueue_dma source(%arg6 : memref<128x128xf32, #tpu.memory_space<vmem>>) target(%dma_start3A_44 : memref<128x128xf32, #tpu.memory_space<vmem_shared>>) target_semaphore(%run_scoped3A : memref<!tpu.dma_semaphore, #tpu.memory_space<semaphore_mem>>)
        %dma_wait3A = arith.constant 0 : i32
        %dma_wait3A_45 = tpu.memref_slice %arg7[%add3A_40, %dma_wait3A] : memref<10112x128xf32, #tpu.memory_space<vmem_shared>> -> memref<128x128xf32, #tpu.memory_space<vmem_shared>>
        %dma_wait3A_46 = arith.constant 0 : i32
        %dma_wait3A_47 = tpu.memref_slice %arg7[%add3A_40, %dma_wait3A_46] : memref<10112x128xf32, #tpu.memory_space<vmem_shared>> -> memref<128x128xf32, #tpu.memory_space<vmem_shared>>
        tpu.wait_dma2 semaphore(%run_scoped3A : memref<!tpu.dma_semaphore, #tpu.memory_space<semaphore_mem>>) src(%arg6 : memref<128x128xf32, #tpu.memory_space<vmem>>) dst(%dma_wait3A_47 : memref<128x128xf32, #tpu.memory_space<vmem_shared>>)
        tpu.yield
      }) : () -> ()
      %scan3A_41 = arith.constant 0 : i32
      scf.yield %scan3A_41 : i32
    }
    %scan3A_16 = arith.constant 4 : i32
    %add3A_17 = arith.constant 512 : i32
    %add3A_18 = arith.addi %mul3A_2, %add3A_17 : i32
    "tpu.region"() ({
      %run_scoped3A = tpu.sem_alloc : memref<!tpu.dma_semaphore, #tpu.memory_space<semaphore_mem>>
      %dma_start3A = arith.constant 0 : i32
      %dma_start3A_36 = arith.constant 0 : i32
      %dma_start3A_37 = tpu.memref_slice %arg6[%dma_start3A, %dma_start3A_36] : memref<128x128xf32, #tpu.memory_space<vmem>> -> memref<120x128xf32, #tpu.memory_space<vmem>>
      %dma_start3A_38 = arith.constant 0 : i32
      %dma_start3A_39 = tpu.memref_slice %arg7[%add3A_18, %dma_start3A_38] : memref<10112x128xf32, #tpu.memory_space<vmem_shared>> -> memref<120x128xf32, #tpu.memory_space<vmem_shared>>
      %dma_start3A_40 = arith.constant 0 : i32
      %dma_start3A_41 = tpu.memref_slice %arg7[%add3A_18, %dma_start3A_40] : memref<10112x128xf32, #tpu.memory_space<vmem_shared>> -> memref<120x128xf32, #tpu.memory_space<vmem_shared>>
      %dma_start3A_42 = arith.constant 0 : i32
      %dma_start3A_43 = arith.constant 0 : i32
      %dma_start3A_44 = tpu.memref_slice %arg6[%dma_start3A_42, %dma_start3A_43] : memref<128x128xf32, #tpu.memory_space<vmem>> -> memref<120x128xf32, #tpu.memory_space<vmem>>
      tpu.enqueue_dma source(%dma_start3A_44 : memref<120x128xf32, #tpu.memory_space<vmem>>) target(%dma_start3A_41 : memref<120x128xf32, #tpu.memory_space<vmem_shared>>) target_semaphore(%run_scoped3A : memref<!tpu.dma_semaphore, #tpu.memory_space<semaphore_mem>>)
      %dma_wait3A = arith.constant 0 : i32
      %dma_wait3A_45 = arith.constant 0 : i32
      %dma_wait3A_46 = tpu.memref_slice %arg6[%dma_wait3A, %dma_wait3A_45] : memref<128x128xf32, #tpu.memory_space<vmem>> -> memref<120x128xf32, #tpu.memory_space<vmem>>
      %dma_wait3A_47 = arith.constant 0 : i32
      %dma_wait3A_48 = tpu.memref_slice %arg7[%add3A_18, %dma_wait3A_47] : memref<10112x128xf32, #tpu.memory_space<vmem_shared>> -> memref<120x128xf32, #tpu.memory_space<vmem_shared>>
      %dma_wait3A_49 = arith.constant 0 : i32
      %dma_wait3A_50 = tpu.memref_slice %arg7[%add3A_18, %dma_wait3A_49] : memref<10112x128xf32, #tpu.memory_space<vmem_shared>> -> memref<120x128xf32, #tpu.memory_space<vmem_shared>>
      %dma_wait3A_51 = arith.constant 0 : i32
      %dma_wait3A_52 = arith.constant 0 : i32
      %dma_wait3A_53 = tpu.memref_slice %arg6[%dma_wait3A_51, %dma_wait3A_52] : memref<128x128xf32, #tpu.memory_space<vmem>> -> memref<120x128xf32, #tpu.memory_space<vmem>>
      tpu.wait_dma2 semaphore(%run_scoped3A : memref<!tpu.dma_semaphore, #tpu.memory_space<semaphore_mem>>) src(%dma_wait3A_53 : memref<120x128xf32, #tpu.memory_space<vmem>>) dst(%dma_wait3A_50 : memref<120x128xf32, #tpu.memory_space<vmem_shared>>)
      tpu.yield
    }) : () -> ()
    %broadcast_in_dim3A_19 = arith.constant 1.000000e+00 : f32
    %broadcast_in_dim3A_20 = vector.broadcast %broadcast_in_dim3A_19 : f32 to vector<16xf32>
    %scan3A_21 = arith.constant 0 : i32
    %scan3A_22 = arith.constant 0 : i32
    %scan3A_23 = arith.constant 128 : i32
    %scan3A_24 = arith.addi %scan3A_22, %scan3A_23 : i32
    %scan3A_25 = arith.constant 1 : i32
    %scan3A_26 = scf.for %scan3A_36 = %scan3A_22 to %scan3A_24 step %scan3A_25 iter_args(%scan3A_37 = %scan3A_21) -> (i32)  : i32 {
      %swap3A = arith.index_cast %scan3A_36 : i32 to index
      %swap3A_38 = arith.constant 0 : index
      %swap3A_39 = tpu.vector_load %arg6[%swap3A, %swap3A_38] {strides = array<i32>} : memref<128x128xf32, #tpu.memory_space<vmem>>, vector<1x16xf32>,
      %swap3A_40 = vector.shape_cast %swap3A_39 : vector<1x16xf32> to vector<16xf32>
      %swap3A_41 = vector.shape_cast %broadcast_in_dim3A_20 : vector<16xf32> to vector<1x16xf32>
      tpu.vector_store %arg6[%swap3A, %swap3A_38], %swap3A_41 {strides = array<i32>} : memref<128x128xf32, #tpu.memory_space<vmem>>, vector<1x16xf32>,
      %swap3A_42 = arith.index_cast %scan3A_36 : i32 to index
      %swap3A_43 = arith.constant 16 : index
      %swap3A_44 = tpu.vector_load %arg6[%swap3A_42, %swap3A_43] {strides = array<i32>} : memref<128x128xf32, #tpu.memory_space<vmem>>, vector<1x16xf32>,
      %swap3A_45 = vector.shape_cast %swap3A_44 : vector<1x16xf32> to vector<16xf32>
      %swap3A_46 = vector.shape_cast %broadcast_in_dim3A_20 : vector<16xf32> to vector<1x16xf32>
      tpu.vector_store %arg6[%swap3A_42, %swap3A_43], %swap3A_46 {strides = array<i32>} : memref<128x128xf32, #tpu.memory_space<vmem>>, vector<1x16xf32>,
      %swap3A_47 = arith.index_cast %scan3A_36 : i32 to index
      %swap3A_48 = arith.constant 32 : index
      %swap3A_49 = tpu.vector_load %arg6[%swap3A_47, %swap3A_48] {strides = array<i32>} : memref<128x128xf32, #tpu.memory_space<vmem>>, vector<1x16xf32>,
      %swap3A_50 = vector.shape_cast %swap3A_49 : vector<1x16xf32> to vector<16xf32>
      %swap3A_51 = vector.shape_cast %broadcast_in_dim3A_20 : vector<16xf32> to vector<1x16xf32>
      tpu.vector_store %arg6[%swap3A_47, %swap3A_48], %swap3A_51 {strides = array<i32>} : memref<128x128xf32, #tpu.memory_space<vmem>>, vector<1x16xf32>,
      %swap3A_52 = arith.index_cast %scan3A_36 : i32 to index
      %swap3A_53 = arith.constant 48 : index
      %swap3A_54 = tpu.vector_load %arg6[%swap3A_52, %swap3A_53] {strides = array<i32>} : memref<128x128xf32, #tpu.memory_space<vmem>>, vector<1x16xf32>,
      %swap3A_55 = vector.shape_cast %swap3A_54 : vector<1x16xf32> to vector<16xf32>
      %swap3A_56 = vector.shape_cast %broadcast_in_dim3A_20 : vector<16xf32> to vector<1x16xf32>
      tpu.vector_store %arg6[%swap3A_52, %swap3A_53], %swap3A_56 {strides = array<i32>} : memref<128x128xf32, #tpu.memory_space<vmem>>, vector<1x16xf32>,
      %swap3A_57 = arith.index_cast %scan3A_36 : i32 to index
      %swap3A_58 = arith.constant 64 : index
      %swap3A_59 = tpu.vector_load %arg6[%swap3A_57, %swap3A_58] {strides = array<i32>} : memref<128x128xf32, #tpu.memory_space<vmem>>, vector<1x16xf32>,
      %swap3A_60 = vector.shape_cast %swap3A_59 : vector<1x16xf32> to vector<16xf32>
      %swap3A_61 = vector.shape_cast %broadcast_in_dim3A_20 : vector<16xf32> to vector<1x16xf32>
      tpu.vector_store %arg6[%swap3A_57, %swap3A_58], %swap3A_61 {strides = array<i32>} : memref<128x128xf32, #tpu.memory_space<vmem>>, vector<1x16xf32>,
      %swap3A_62 = arith.index_cast %scan3A_36 : i32 to index
      %swap3A_63 = arith.constant 80 : index
      %swap3A_64 = tpu.vector_load %arg6[%swap3A_62, %swap3A_63] {strides = array<i32>} : memref<128x128xf32, #tpu.memory_space<vmem>>, vector<1x16xf32>,
      %swap3A_65 = vector.shape_cast %swap3A_64 : vector<1x16xf32> to vector<16xf32>
      %swap3A_66 = vector.shape_cast %broadcast_in_dim3A_20 : vector<16xf32> to vector<1x16xf32>
      tpu.vector_store %arg6[%swap3A_62, %swap3A_63], %swap3A_66 {strides = array<i32>} : memref<128x128xf32, #tpu.memory_space<vmem>>, vector<1x16xf32>,
      %swap3A_67 = arith.index_cast %scan3A_36 : i32 to index
      %swap3A_68 = arith.constant 96 : index
      %swap3A_69 = tpu.vector_load %arg6[%swap3A_67, %swap3A_68] {strides = array<i32>} : memref<128x128xf32, #tpu.memory_space<vmem>>, vector<1x16xf32>,
      %swap3A_70 = vector.shape_cast %swap3A_69 : vector<1x16xf32> to vector<16xf32>
      %swap3A_71 = vector.shape_cast %broadcast_in_dim3A_20 : vector<16xf32> to vector<1x16xf32>
      tpu.vector_store %arg6[%swap3A_67, %swap3A_68], %swap3A_71 {strides = array<i32>} : memref<128x128xf32, #tpu.memory_space<vmem>>, vector<1x16xf32>,
      %swap3A_72 = arith.index_cast %scan3A_36 : i32 to index
      %swap3A_73 = arith.constant 112 : index
      %swap3A_74 = tpu.vector_load %arg6[%swap3A_72, %swap3A_73] {strides = array<i32>} : memref<128x128xf32, #tpu.memory_space<vmem>>, vector<1x16xf32>,
      %swap3A_75 = vector.shape_cast %swap3A_74 : vector<1x16xf32> to vector<16xf32>
      %swap3A_76 = vector.shape_cast %broadcast_in_dim3A_20 : vector<16xf32> to vector<1x16xf32>
      tpu.vector_store %arg6[%swap3A_72, %swap3A_73], %swap3A_76 {strides = array<i32>} : memref<128x128xf32, #tpu.memory_space<vmem>>, vector<1x16xf32>,
      %scan3A_77 = arith.constant 0 : i32
      scf.yield %scan3A_77 : i32
    }
    %scan3A_27 = arith.constant 128 : i32
    %barrier3A = arith.constant 0 : index
    tpu.barrier barrier_id(%barrier3A)
    %scan3A_28 = arith.constant 0 : i32
    %scan3A_29 = arith.constant 0 : i32
    %scan3A_30 = arith.constant 80 : i32
    %scan3A_31 = arith.addi %scan3A_29, %scan3A_30 : i32
    %scan3A_32 = arith.constant 1 : i32
    %scan3A_33 = scf.for %scan3A_36 = %scan3A_29 to %scan3A_31 step %scan3A_32 iter_args(%scan3A_37 = %scan3A_28) -> (i32)  : i32 {
      %get3A = arith.index_cast %scan3A_36 : i32 to index
      %get3A_38 = arith.constant 0 : index
      %get3A_39 = tpu.vector_load %arg4[%get3A, %get3A_38] {strides = array<i32>} : memref<80x128xi32, #tpu.memory_space<vmem>>, vector<1x16xi32>,
      %get3A_40 = vector.shape_cast %get3A_39 : vector<1x16xi32> to vector<16xi32>
      %shift_right_logical3A = arith.constant 16 : i32
      %shift_right_logical3A_41 = vector.broadcast %shift_right_logical3A : i32 to vector<16xi32>
      %shift_right_logical3A_42 = arith.shrui %get3A_40, %shift_right_logical3A_41 : vector<16xi32>
      %swap3A = arith.constant 0 : i32
      %swap3A_43 = arith.index_cast %swap3A : i32 to index
      %swap3A_44 = arith.constant 0 : index
      %swap3A_45 = tpu.vector_load %arg5[%swap3A_43, %swap3A_44] {strides = array<i32>} : memref<2x128xi32, #tpu.memory_space<vmem>>, vector<1x16xi32>,
      %swap3A_46 = vector.shape_cast %swap3A_45 : vector<1x16xi32> to vector<16xi32>
      %swap3A_47 = vector.shape_cast %shift_right_logical3A_42 : vector<16xi32> to vector<1x16xi32>
      tpu.vector_store %arg5[%swap3A_43, %swap3A_44], %swap3A_47 {strides = array<i32>} : memref<2x128xi32, #tpu.memory_space<vmem>>, vector<1x16xi32>,
      %get3A_48 = arith.index_cast %scan3A_36 : i32 to index
      %get3A_49 = arith.constant 16 : index
      %get3A_50 = tpu.vector_load %arg4[%get3A_48, %get3A_49] {strides = array<i32>} : memref<80x128xi32, #tpu.memory_space<vmem>>, vector<1x16xi32>,
      %get3A_51 = vector.shape_cast %get3A_50 : vector<1x16xi32> to vector<16xi32>
      %shift_right_logical3A_52 = arith.constant 16 : i32
      %shift_right_logical3A_53 = vector.broadcast %shift_right_logical3A_52 : i32 to vector<16xi32>
      %shift_right_logical3A_54 = arith.shrui %get3A_51, %shift_right_logical3A_53 : vector<16xi32>
      %swap3A_55 = arith.constant 0 : i32
      %swap3A_56 = arith.index_cast %swap3A_55 : i32 to index
      %swap3A_57 = arith.constant 16 : index
      %swap3A_58 = tpu.vector_load %arg5[%swap3A_56, %swap3A_57] {strides = array<i32>} : memref<2x128xi32, #tpu.memory_space<vmem>>, vector<1x16xi32>,
      %swap3A_59 = vector.shape_cast %swap3A_58 : vector<1x16xi32> to vector<16xi32>
      %swap3A_60 = vector.shape_cast %shift_right_logical3A_54 : vector<16xi32> to vector<1x16xi32>
      tpu.vector_store %arg5[%swap3A_56, %swap3A_57], %swap3A_60 {strides = array<i32>} : memref<2x128xi32, #tpu.memory_space<vmem>>, vector<1x16xi32>,
      %get3A_61 = arith.index_cast %scan3A_36 : i32 to index
      %get3A_62 = arith.constant 32 : index
      %get3A_63 = tpu.vector_load %arg4[%get3A_61, %get3A_62] {strides = array<i32>} : memref<80x128xi32, #tpu.memory_space<vmem>>, vector<1x16xi32>,
      %get3A_64 = vector.shape_cast %get3A_63 : vector<1x16xi32> to vector<16xi32>
      %shift_right_logical3A_65 = arith.constant 16 : i32
      %shift_right_logical3A_66 = vector.broadcast %shift_right_logical3A_65 : i32 to vector<16xi32>
      %shift_right_logical3A_67 = arith.shrui %get3A_64, %shift_right_logical3A_66 : vector<16xi32>
      %swap3A_68 = arith.constant 0 : i32
      %swap3A_69 = arith.index_cast %swap3A_68 : i32 to index
      %swap3A_70 = arith.constant 32 : index
      %swap3A_71 = tpu.vector_load %arg5[%swap3A_69, %swap3A_70] {strides = array<i32>} : memref<2x128xi32, #tpu.memory_space<vmem>>, vector<1x16xi32>,
      %swap3A_72 = vector.shape_cast %swap3A_71 : vector<1x16xi32> to vector<16xi32>
      %swap3A_73 = vector.shape_cast %shift_right_logical3A_67 : vector<16xi32> to vector<1x16xi32>
      tpu.vector_store %arg5[%swap3A_69, %swap3A_70], %swap3A_73 {strides = array<i32>} : memref<2x128xi32, #tpu.memory_space<vmem>>, vector<1x16xi32>,
      %get3A_74 = arith.index_cast %scan3A_36 : i32 to index
      %get3A_75 = arith.constant 48 : index
      %get3A_76 = tpu.vector_load %arg4[%get3A_74, %get3A_75] {strides = array<i32>} : memref<80x128xi32, #tpu.memory_space<vmem>>, vector<1x16xi32>,
      %get3A_77 = vector.shape_cast %get3A_76 : vector<1x16xi32> to vector<16xi32>
      %shift_right_logical3A_78 = arith.constant 16 : i32
      %shift_right_logical3A_79 = vector.broadcast %shift_right_logical3A_78 : i32 to vector<16xi32>
      %shift_right_logical3A_80 = arith.shrui %get3A_77, %shift_right_logical3A_79 : vector<16xi32>
      %swap3A_81 = arith.constant 0 : i32
      %swap3A_82 = arith.index_cast %swap3A_81 : i32 to index
      %swap3A_83 = arith.constant 48 : index
      %swap3A_84 = tpu.vector_load %arg5[%swap3A_82, %swap3A_83] {strides = array<i32>} : memref<2x128xi32, #tpu.memory_space<vmem>>, vector<1x16xi32>,
      %swap3A_85 = vector.shape_cast %swap3A_84 : vector<1x16xi32> to vector<16xi32>
      %swap3A_86 = vector.shape_cast %shift_right_logical3A_80 : vector<16xi32> to vector<1x16xi32>
      tpu.vector_store %arg5[%swap3A_82, %swap3A_83], %swap3A_86 {strides = array<i32>} : memref<2x128xi32, #tpu.memory_space<vmem>>, vector<1x16xi32>,
      %get3A_87 = arith.index_cast %scan3A_36 : i32 to index
      %get3A_88 = arith.constant 64 : index
      %get3A_89 = tpu.vector_load %arg4[%get3A_87, %get3A_88] {strides = array<i32>} : memref<80x128xi32, #tpu.memory_space<vmem>>, vector<1x16xi32>,
      %get3A_90 = vector.shape_cast %get3A_89 : vector<1x16xi32> to vector<16xi32>
      %shift_right_logical3A_91 = arith.constant 16 : i32
      %shift_right_logical3A_92 = vector.broadcast %shift_right_logical3A_91 : i32 to vector<16xi32>
      %shift_right_logical3A_93 = arith.shrui %get3A_90, %shift_right_logical3A_92 : vector<16xi32>
      %swap3A_94 = arith.constant 0 : i32
      %swap3A_95 = arith.index_cast %swap3A_94 : i32 to index
      %swap3A_96 = arith.constant 64 : index
      %swap3A_97 = tpu.vector_load %arg5[%swap3A_95, %swap3A_96] {strides = array<i32>} : memref<2x128xi32, #tpu.memory_space<vmem>>, vector<1x16xi32>,
      %swap3A_98 = vector.shape_cast %swap3A_97 : vector<1x16xi32> to vector<16xi32>
      %swap3A_99 = vector.shape_cast %shift_right_logical3A_93 : vector<16xi32> to vector<1x16xi32>
      tpu.vector_store %arg5[%swap3A_95, %swap3A_96], %swap3A_99 {strides = array<i32>} : memref<2x128xi32, #tpu.memory_space<vmem>>, vector<1x16xi32>,
      %get3A_100 = arith.index_cast %scan3A_36 : i32 to index
      %get3A_101 = arith.constant 80 : index
      %get3A_102 = tpu.vector_load %arg4[%get3A_100, %get3A_101] {strides = array<i32>} : memref<80x128xi32, #tpu.memory_space<vmem>>, vector<1x16xi32>,
      %get3A_103 = vector.shape_cast %get3A_102 : vector<1x16xi32> to vector<16xi32>
      %shift_right_logical3A_104 = arith.constant 16 : i32
      %shift_right_logical3A_105 = vector.broadcast %shift_right_logical3A_104 : i32 to vector<16xi32>
      %shift_right_logical3A_106 = arith.shrui %get3A_103, %shift_right_logical3A_105 : vector<16xi32>
      %swap3A_107 = arith.constant 0 : i32
      %swap3A_108 = arith.index_cast %swap3A_107 : i32 to index
      %swap3A_109 = arith.constant 80 : index
      %swap3A_110 = tpu.vector_load %arg5[%swap3A_108, %swap3A_109] {strides = array<i32>} : memref<2x128xi32, #tpu.memory_space<vmem>>, vector<1x16xi32>,
      %swap3A_111 = vector.shape_cast %swap3A_110 : vector<1x16xi32> to vector<16xi32>
      %swap3A_112 = vector.shape_cast %shift_right_logical3A_106 : vector<16xi32> to vector<1x16xi32>
      tpu.vector_store %arg5[%swap3A_108, %swap3A_109], %swap3A_112 {strides = array<i32>} : memref<2x128xi32, #tpu.memory_space<vmem>>, vector<1x16xi32>,
      %get3A_113 = arith.index_cast %scan3A_36 : i32 to index
      %get3A_114 = arith.constant 96 : index
      %get3A_115 = tpu.vector_load %arg4[%get3A_113, %get3A_114] {strides = array<i32>} : memref<80x128xi32, #tpu.memory_space<vmem>>, vector<1x16xi32>,
      %get3A_116 = vector.shape_cast %get3A_115 : vector<1x16xi32> to vector<16xi32>
      %shift_right_logical3A_117 = arith.constant 16 : i32
      %shift_right_logical3A_118 = vector.broadcast %shift_right_logical3A_117 : i32 to vector<16xi32>
      %shift_right_logical3A_119 = arith.shrui %get3A_116, %shift_right_logical3A_118 : vector<16xi32>
      %swap3A_120 = arith.constant 0 : i32
      %swap3A_121 = arith.index_cast %swap3A_120 : i32 to index
      %swap3A_122 = arith.constant 96 : index
      %swap3A_123 = tpu.vector_load %arg5[%swap3A_121, %swap3A_122] {strides = array<i32>} : memref<2x128xi32, #tpu.memory_space<vmem>>, vector<1x16xi32>,
      %swap3A_124 = vector.shape_cast %swap3A_123 : vector<1x16xi32> to vector<16xi32>
      %swap3A_125 = vector.shape_cast %shift_right_logical3A_119 : vector<16xi32> to vector<1x16xi32>
      tpu.vector_store %arg5[%swap3A_121, %swap3A_122], %swap3A_125 {strides = array<i32>} : memref<2x128xi32, #tpu.memory_space<vmem>>, vector<1x16xi32>,
      %get3A_126 = arith.index_cast %scan3A_36 : i32 to index
      %get3A_127 = arith.constant 112 : index
      %get3A_128 = tpu.vector_load %arg4[%get3A_126, %get3A_127] {strides = array<i32>} : memref<80x128xi32, #tpu.memory_space<vmem>>, vector<1x16xi32>,
      %get3A_129 = vector.shape_cast %get3A_128 : vector<1x16xi32> to vector<16xi32>
      %shift_right_logical3A_130 = arith.constant 16 : i32
      %shift_right_logical3A_131 = vector.broadcast %shift_right_logical3A_130 : i32 to vector<16xi32>
      %shift_right_logical3A_132 = arith.shrui %get3A_129, %shift_right_logical3A_131 : vector<16xi32>
      %swap3A_133 = arith.constant 0 : i32
      %swap3A_134 = arith.index_cast %swap3A_133 : i32 to index
      %swap3A_135 = arith.constant 112 : index
      %swap3A_136 = tpu.vector_load %arg5[%swap3A_134, %swap3A_135] {strides = array<i32>} : memref<2x128xi32, #tpu.memory_space<vmem>>, vector<1x16xi32>,
      %swap3A_137 = vector.shape_cast %swap3A_136 : vector<1x16xi32> to vector<16xi32>
      %swap3A_138 = vector.shape_cast %shift_right_logical3A_132 : vector<16xi32> to vector<1x16xi32>
      tpu.vector_store %arg5[%swap3A_134, %swap3A_135], %swap3A_138 {strides = array<i32>} : memref<2x128xi32, #tpu.memory_space<vmem>>, vector<1x16xi32>,
      %run_scoped3A = arith.constant 0 : i32
      "tpu.region"() ({
        %run_scoped3A_140 = tpu.sem_alloc : memref<!tpu.dma_semaphore, #tpu.memory_space<semaphore_mem>>
        %dma_start3A = arith.constant 0 : i32
        %dma_start3A_141 = tpu.memref_slice %arg5[%run_scoped3A, %dma_start3A] : memref<2x128xi32, #tpu.memory_space<vmem>> -> memref<1x128xi32, #tpu.memory_space<vmem>>
        %dma_start3A_142 = tpu.memref_squeeze %dma_start3A_141 : memref<1x128xi32, #tpu.memory_space<vmem>> -> memref<128xi32, #tpu.memory_space<vmem>>
        %dma_start3A_143 = arith.constant 0 : i32
        %dma_start3A_144 = arith.constant 0 : i32
        %dma_start3A_145 = tpu.memref_slice %arg7[%dma_start3A_143, %dma_start3A_144] : memref<10112x128xf32, #tpu.memory_space<vmem_shared>> -> memref<10112x128xf32, #tpu.memory_space<vmem_shared>>
        tpu.enqueue_indirect_dma source(%arg6 : memref<128x128xf32, #tpu.memory_space<vmem>>) target(%dma_start3A_145 : memref<10112x128xf32, #tpu.memory_space<vmem_shared>>) offsets(%dma_start3A_142 : memref<128xi32, #tpu.memory_space<vmem>>) semaphore(%run_scoped3A_140 : memref<!tpu.dma_semaphore, #tpu.memory_space<semaphore_mem>>) {add = true}
        %dma_wait3A = arith.constant 0 : i32
        %dma_wait3A_146 = tpu.memref_slice %arg5[%run_scoped3A, %dma_wait3A] : memref<2x128xi32, #tpu.memory_space<vmem>> -> memref<1x128xi32, #tpu.memory_space<vmem>>
        %dma_wait3A_147 = tpu.memref_squeeze %dma_wait3A_146 : memref<1x128xi32, #tpu.memory_space<vmem>> -> memref<128xi32, #tpu.memory_space<vmem>>
        %dma_wait3A_148 = arith.constant 0 : i32
        %dma_wait3A_149 = arith.constant 0 : i32
        %dma_wait3A_150 = tpu.memref_slice %arg7[%dma_wait3A_148, %dma_wait3A_149] : memref<10112x128xf32, #tpu.memory_space<vmem_shared>> -> memref<10112x128xf32, #tpu.memory_space<vmem_shared>>
        tpu.wait_indirect_dma semaphore(%run_scoped3A_140 : memref<!tpu.dma_semaphore, #tpu.memory_space<semaphore_mem>>) src(%arg6 : memref<128x128xf32, #tpu.memory_space<vmem>>) dst(%dma_wait3A_150 : memref<10112x128xf32, #tpu.memory_space<vmem_shared>>)
        tpu.yield
      }) : () -> ()
      %scan3A_139 = arith.constant 0 : i32
      scf.yield %scan3A_139 : i32
    }
    %scan3A_34 = arith.constant 80 : i32
    %barrier3A_35 = arith.constant 0 : index
    tpu.barrier barrier_id(%barrier3A_35)
    "tpu.region"() ({
      %run_scoped3A = tpu.sem_alloc : memref<!tpu.dma_semaphore, #tpu.memory_space<semaphore_mem>>
      %dma_start3A = arith.constant 0 : i32
      %dma_start3A_36 = tpu.memref_slice %arg3[%arg0, %mul3A_2, %dma_start3A] : memref<2x10112x128xf32, #tpu.memory_space<hbm>> -> memref<1x632x128xf32, #tpu.memory_space<hbm>>
      %dma_start3A_37 = tpu.memref_squeeze %dma_start3A_36 : memref<1x632x128xf32, #tpu.memory_space<hbm>> -> memref<632x128xf32, #tpu.memory_space<hbm>>
      %dma_start3A_38 = arith.constant 0 : i32
      %dma_start3A_39 = tpu.memref_slice %arg7[%mul3A_2, %dma_start3A_38] : memref<10112x128xf32, #tpu.memory_space<vmem_shared>> -> memref<632x128xf32, #tpu.memory_space<vmem_shared>>
      tpu.enqueue_dma source(%dma_start3A_39 : memref<632x128xf32, #tpu.memory_space<vmem_shared>>) target(%dma_start3A_37 : memref<632x128xf32, #tpu.memory_space<hbm>>) target_semaphore(%run_scoped3A : memref<!tpu.dma_semaphore, #tpu.memory_space<semaphore_mem>>)
      %dma_wait3A = arith.constant 0 : i32
      %dma_wait3A_40 = tpu.memref_slice %arg3[%arg0, %mul3A_2, %dma_wait3A] : memref<2x10112x128xf32, #tpu.memory_space<hbm>> -> memref<1x632x128xf32, #tpu.memory_space<hbm>>
      %dma_wait3A_41 = tpu.memref_squeeze %dma_wait3A_40 : memref<1x632x128xf32, #tpu.memory_space<hbm>> -> memref<632x128xf32, #tpu.memory_space<hbm>>
      %dma_wait3A_42 = arith.constant 0 : i32
      %dma_wait3A_43 = tpu.memref_slice %arg7[%mul3A_2, %dma_wait3A_42] : memref<10112x128xf32, #tpu.memory_space<vmem_shared>> -> memref<632x128xf32, #tpu.memory_space<vmem_shared>>
      tpu.wait_dma2 semaphore(%run_scoped3A : memref<!tpu.dma_semaphore, #tpu.memory_space<semaphore_mem>>) src(%dma_wait3A_43 : memref<632x128xf32, #tpu.memory_space<vmem_shared>>) dst(%dma_wait3A_41 : memref<632x128xf32, #tpu.memory_space<hbm>>)
      tpu.yield
    }) : () -> ()
    return
  }
}

#map = affine_map<(d0, d1) -> (0, 0)>
#map1 = affine_map<(d0, d1) -> (0, 0, 0)>
module attributes {stable_mosaic.version = 14 : i64} {
  func.func @body(%arg0: i32, %arg1: i32, %arg2: memref<10000x128xf32, #tpu.memory_space<hbm>>, %arg3: memref<32x80x128xi32, #tpu.memory_space<hbm>>, %arg4: memref<2x10112x128xf32, #tpu.memory_space<hbm>>, %arg5: memref<80x128xi32, #tpu.memory_space<vmem>>, %arg6: memref<4x64xi32, #tpu.memory_space<vmem>>, %arg7: memref<4x64xi32, #tpu.memory_space<vmem>>, %arg8: memref<64x128xf32, #tpu.memory_space<vmem>>, %arg9: memref<64x128xf32, #tpu.memory_space<vmem>>, %arg10: memref<64x128xf32, #tpu.memory_space<vmem>>, %arg11: memref<64x128xf32, #tpu.memory_space<vmem>>, %arg12: memref<10112x128xf32, #tpu.memory_space<vmem_shared>>, %arg13: memref<!tpu.dma_semaphore, #tpu.memory_space<semaphore_mem>>, %arg14: memref<!tpu.dma_semaphore, #tpu.memory_space<semaphore_mem>>, %arg15: memref<!tpu.dma_semaphore, #tpu.memory_space<semaphore_mem>>, %arg16: memref<!tpu.dma_semaphore, #tpu.memory_space<semaphore_mem>>, %arg17: memref<!tpu.dma_semaphore, #tpu.memory_space<semaphore_mem>>, %arg18: memref<!tpu.dma_semaphore, #tpu.memory_space<semaphore_mem>>, %arg19: memref<!tpu.dma_semaphore, #tpu.memory_space<semaphore_mem>>, %arg20: memref<!tpu.dma_semaphore, #tpu.memory_space<semaphore_mem>>) attributes {dimension_semantics = [#tpu.dimension_semantics<core_parallel>, #tpu.dimension_semantics<subcore_parallel>], iteration_bounds = array<i64: 2, 16>, scalar_prefetch = 0 : i64, scratch_operands = 16 : i64, tpu.core_type = #tpu.core_type<sc_vector_subcore>, window_params = [{transform_indices = #map}, {transform_indices = #map1}, {transform_indices = #map1}]} {
    %mul3A = arith.constant 632 : i32
    %mul3A_0 = arith.muli %arg1, %mul3A : i32
    %broadcast_in_dim3A = arith.constant 0.000000e+00 : f32
    %broadcast_in_dim3A_1 = vector.broadcast %broadcast_in_dim3A : f32 to vector<16xf32>
    %scan3A = arith.constant 0 : i32
    %scan3A_2 = arith.constant 0 : i32
    %scan3A_3 = arith.constant 64 : i32
    %scan3A_4 = arith.addi %scan3A_2, %scan3A_3 : i32
    %scan3A_5 = arith.constant 1 : i32
    %scan3A_6 = scf.for %scan3A_981 = %scan3A_2 to %scan3A_4 step %scan3A_5 iter_args(%scan3A_982 = %scan3A) -> (i32)  : i32 {
      %swap3A_983 = arith.index_cast %scan3A_981 : i32 to index
      %swap3A_984 = arith.constant 0 : index
      %swap3A_985 = tpu.vector_load %arg8[%swap3A_983, %swap3A_984] {strides = array<i32>} : memref<64x128xf32, #tpu.memory_space<vmem>>, vector<1x16xf32>,
      %swap3A_986 = vector.shape_cast %swap3A_985 : vector<1x16xf32> to vector<16xf32>
      %swap3A_987 = vector.shape_cast %broadcast_in_dim3A_1 : vector<16xf32> to vector<1x16xf32>
      tpu.vector_store %arg8[%swap3A_983, %swap3A_984], %swap3A_987 {strides = array<i32>} : memref<64x128xf32, #tpu.memory_space<vmem>>, vector<1x16xf32>,
      %swap3A_988 = arith.index_cast %scan3A_981 : i32 to index
      %swap3A_989 = arith.constant 16 : index
      %swap3A_990 = tpu.vector_load %arg8[%swap3A_988, %swap3A_989] {strides = array<i32>} : memref<64x128xf32, #tpu.memory_space<vmem>>, vector<1x16xf32>,
      %swap3A_991 = vector.shape_cast %swap3A_990 : vector<1x16xf32> to vector<16xf32>
      %swap3A_992 = vector.shape_cast %broadcast_in_dim3A_1 : vector<16xf32> to vector<1x16xf32>
      tpu.vector_store %arg8[%swap3A_988, %swap3A_989], %swap3A_992 {strides = array<i32>} : memref<64x128xf32, #tpu.memory_space<vmem>>, vector<1x16xf32>,
      %swap3A_993 = arith.index_cast %scan3A_981 : i32 to index
      %swap3A_994 = arith.constant 32 : index
      %swap3A_995 = tpu.vector_load %arg8[%swap3A_993, %swap3A_994] {strides = array<i32>} : memref<64x128xf32, #tpu.memory_space<vmem>>, vector<1x16xf32>,
      %swap3A_996 = vector.shape_cast %swap3A_995 : vector<1x16xf32> to vector<16xf32>
      %swap3A_997 = vector.shape_cast %broadcast_in_dim3A_1 : vector<16xf32> to vector<1x16xf32>
      tpu.vector_store %arg8[%swap3A_993, %swap3A_994], %swap3A_997 {strides = array<i32>} : memref<64x128xf32, #tpu.memory_space<vmem>>, vector<1x16xf32>,
      %swap3A_998 = arith.index_cast %scan3A_981 : i32 to index
      %swap3A_999 = arith.constant 48 : index
      %swap3A_1000 = tpu.vector_load %arg8[%swap3A_998, %swap3A_999] {strides = array<i32>} : memref<64x128xf32, #tpu.memory_space<vmem>>, vector<1x16xf32>,
      %swap3A_1001 = vector.shape_cast %swap3A_1000 : vector<1x16xf32> to vector<16xf32>
      %swap3A_1002 = vector.shape_cast %broadcast_in_dim3A_1 : vector<16xf32> to vector<1x16xf32>
      tpu.vector_store %arg8[%swap3A_998, %swap3A_999], %swap3A_1002 {strides = array<i32>} : memref<64x128xf32, #tpu.memory_space<vmem>>, vector<1x16xf32>,
      %swap3A_1003 = arith.index_cast %scan3A_981 : i32 to index
      %swap3A_1004 = arith.constant 64 : index
      %swap3A_1005 = tpu.vector_load %arg8[%swap3A_1003, %swap3A_1004] {strides = array<i32>} : memref<64x128xf32, #tpu.memory_space<vmem>>, vector<1x16xf32>,
      %swap3A_1006 = vector.shape_cast %swap3A_1005 : vector<1x16xf32> to vector<16xf32>
      %swap3A_1007 = vector.shape_cast %broadcast_in_dim3A_1 : vector<16xf32> to vector<1x16xf32>
      tpu.vector_store %arg8[%swap3A_1003, %swap3A_1004], %swap3A_1007 {strides = array<i32>} : memref<64x128xf32, #tpu.memory_space<vmem>>, vector<1x16xf32>,
      %swap3A_1008 = arith.index_cast %scan3A_981 : i32 to index
      %swap3A_1009 = arith.constant 80 : index
      %swap3A_1010 = tpu.vector_load %arg8[%swap3A_1008, %swap3A_1009] {strides = array<i32>} : memref<64x128xf32, #tpu.memory_space<vmem>>, vector<1x16xf32>,
      %swap3A_1011 = vector.shape_cast %swap3A_1010 : vector<1x16xf32> to vector<16xf32>
      %swap3A_1012 = vector.shape_cast %broadcast_in_dim3A_1 : vector<16xf32> to vector<1x16xf32>
      tpu.vector_store %arg8[%swap3A_1008, %swap3A_1009], %swap3A_1012 {strides = array<i32>} : memref<64x128xf32, #tpu.memory_space<vmem>>, vector<1x16xf32>,
      %swap3A_1013 = arith.index_cast %scan3A_981 : i32 to index
      %swap3A_1014 = arith.constant 96 : index
      %swap3A_1015 = tpu.vector_load %arg8[%swap3A_1013, %swap3A_1014] {strides = array<i32>} : memref<64x128xf32, #tpu.memory_space<vmem>>, vector<1x16xf32>,
      %swap3A_1016 = vector.shape_cast %swap3A_1015 : vector<1x16xf32> to vector<16xf32>
      %swap3A_1017 = vector.shape_cast %broadcast_in_dim3A_1 : vector<16xf32> to vector<1x16xf32>
      tpu.vector_store %arg8[%swap3A_1013, %swap3A_1014], %swap3A_1017 {strides = array<i32>} : memref<64x128xf32, #tpu.memory_space<vmem>>, vector<1x16xf32>,
      %swap3A_1018 = arith.index_cast %scan3A_981 : i32 to index
      %swap3A_1019 = arith.constant 112 : index
      %swap3A_1020 = tpu.vector_load %arg8[%swap3A_1018, %swap3A_1019] {strides = array<i32>} : memref<64x128xf32, #tpu.memory_space<vmem>>, vector<1x16xf32>,
      %swap3A_1021 = vector.shape_cast %swap3A_1020 : vector<1x16xf32> to vector<16xf32>
      %swap3A_1022 = vector.shape_cast %broadcast_in_dim3A_1 : vector<16xf32> to vector<1x16xf32>
      tpu.vector_store %arg8[%swap3A_1018, %swap3A_1019], %swap3A_1022 {strides = array<i32>} : memref<64x128xf32, #tpu.memory_space<vmem>>, vector<1x16xf32>,
      %scan3A_1023 = arith.constant 0 : i32
      scf.yield %scan3A_1023 : i32
    }
    %scan3A_7 = arith.constant 64 : i32
    %scan3A_8 = arith.constant 0 : i32
    %scan3A_9 = arith.constant 0 : i32
    %scan3A_10 = arith.constant 9 : i32
    %scan3A_11 = arith.addi %scan3A_9, %scan3A_10 : i32
    %scan3A_12 = arith.constant 1 : i32
    %scan3A_13 = scf.for %scan3A_981 = %scan3A_9 to %scan3A_11 step %scan3A_12 iter_args(%scan3A_982 = %scan3A_8) -> (i32)  : i32 {
      %mul3A_983 = arith.constant 64 : i32
      %mul3A_984 = arith.muli %scan3A_981, %mul3A_983 : i32
      %add3A_985 = arith.addi %mul3A_0, %mul3A_984 : i32
      "tpu.region"() ({
        %run_scoped3A = tpu.sem_alloc : memref<!tpu.dma_semaphore, #tpu.memory_space<semaphore_mem>>
        %dma_start3A_987 = arith.constant 0 : i32
        %dma_start3A_988 = tpu.memref_slice %arg12[%add3A_985, %dma_start3A_987] : memref<10112x128xf32, #tpu.memory_space<vmem_shared>> -> memref<64x128xf32, #tpu.memory_space<vmem_shared>>
        %dma_start3A_989 = arith.constant 0 : i32
        %dma_start3A_990 = tpu.memref_slice %arg12[%add3A_985, %dma_start3A_989] : memref<10112x128xf32, #tpu.memory_space<vmem_shared>> -> memref<64x128xf32, #tpu.memory_space<vmem_shared>>
        tpu.enqueue_dma source(%arg8 : memref<64x128xf32, #tpu.memory_space<vmem>>) target(%dma_start3A_990 : memref<64x128xf32, #tpu.memory_space<vmem_shared>>) target_semaphore(%run_scoped3A : memref<!tpu.dma_semaphore, #tpu.memory_space<semaphore_mem>>)
        %dma_wait3A_991 = arith.constant 0 : i32
        %dma_wait3A_992 = tpu.memref_slice %arg12[%add3A_985, %dma_wait3A_991] : memref<10112x128xf32, #tpu.memory_space<vmem_shared>> -> memref<64x128xf32, #tpu.memory_space<vmem_shared>>
        %dma_wait3A_993 = arith.constant 0 : i32
        %dma_wait3A_994 = tpu.memref_slice %arg12[%add3A_985, %dma_wait3A_993] : memref<10112x128xf32, #tpu.memory_space<vmem_shared>> -> memref<64x128xf32, #tpu.memory_space<vmem_shared>>
        tpu.wait_dma2 semaphore(%run_scoped3A : memref<!tpu.dma_semaphore, #tpu.memory_space<semaphore_mem>>) src(%arg8 : memref<64x128xf32, #tpu.memory_space<vmem>>) dst(%dma_wait3A_994 : memref<64x128xf32, #tpu.memory_space<vmem_shared>>)
        tpu.yield
      }) : () -> ()
      %scan3A_986 = arith.constant 0 : i32
      scf.yield %scan3A_986 : i32
    }
    %scan3A_14 = arith.constant 9 : i32
    %add3A = arith.constant 576 : i32
    %add3A_15 = arith.addi %mul3A_0, %add3A : i32
    "tpu.region"() ({
      %run_scoped3A = tpu.sem_alloc : memref<!tpu.dma_semaphore, #tpu.memory_space<semaphore_mem>>
      %dma_start3A_981 = arith.constant 0 : i32
      %dma_start3A_982 = arith.constant 0 : i32
      %dma_start3A_983 = tpu.memref_slice %arg8[%dma_start3A_981, %dma_start3A_982] : memref<64x128xf32, #tpu.memory_space<vmem>> -> memref<56x128xf32, #tpu.memory_space<vmem>>
      %dma_start3A_984 = arith.constant 0 : i32
      %dma_start3A_985 = tpu.memref_slice %arg12[%add3A_15, %dma_start3A_984] : memref<10112x128xf32, #tpu.memory_space<vmem_shared>> -> memref<56x128xf32, #tpu.memory_space<vmem_shared>>
      %dma_start3A_986 = arith.constant 0 : i32
      %dma_start3A_987 = tpu.memref_slice %arg12[%add3A_15, %dma_start3A_986] : memref<10112x128xf32, #tpu.memory_space<vmem_shared>> -> memref<56x128xf32, #tpu.memory_space<vmem_shared>>
      %dma_start3A_988 = arith.constant 0 : i32
      %dma_start3A_989 = arith.constant 0 : i32
      %dma_start3A_990 = tpu.memref_slice %arg8[%dma_start3A_988, %dma_start3A_989] : memref<64x128xf32, #tpu.memory_space<vmem>> -> memref<56x128xf32, #tpu.memory_space<vmem>>
      tpu.enqueue_dma source(%dma_start3A_990 : memref<56x128xf32, #tpu.memory_space<vmem>>) target(%dma_start3A_987 : memref<56x128xf32, #tpu.memory_space<vmem_shared>>) target_semaphore(%run_scoped3A : memref<!tpu.dma_semaphore, #tpu.memory_space<semaphore_mem>>)
      %dma_wait3A_991 = arith.constant 0 : i32
      %dma_wait3A_992 = arith.constant 0 : i32
      %dma_wait3A_993 = tpu.memref_slice %arg8[%dma_wait3A_991, %dma_wait3A_992] : memref<64x128xf32, #tpu.memory_space<vmem>> -> memref<56x128xf32, #tpu.memory_space<vmem>>
      %dma_wait3A_994 = arith.constant 0 : i32
      %dma_wait3A_995 = tpu.memref_slice %arg12[%add3A_15, %dma_wait3A_994] : memref<10112x128xf32, #tpu.memory_space<vmem_shared>> -> memref<56x128xf32, #tpu.memory_space<vmem_shared>>
      %dma_wait3A_996 = arith.constant 0 : i32
      %dma_wait3A_997 = tpu.memref_slice %arg12[%add3A_15, %dma_wait3A_996] : memref<10112x128xf32, #tpu.memory_space<vmem_shared>> -> memref<56x128xf32, #tpu.memory_space<vmem_shared>>
      %dma_wait3A_998 = arith.constant 0 : i32
      %dma_wait3A_999 = arith.constant 0 : i32
      %dma_wait3A_1000 = tpu.memref_slice %arg8[%dma_wait3A_998, %dma_wait3A_999] : memref<64x128xf32, #tpu.memory_space<vmem>> -> memref<56x128xf32, #tpu.memory_space<vmem>>
      tpu.wait_dma2 semaphore(%run_scoped3A : memref<!tpu.dma_semaphore, #tpu.memory_space<semaphore_mem>>) src(%dma_wait3A_1000 : memref<56x128xf32, #tpu.memory_space<vmem>>) dst(%dma_wait3A_997 : memref<56x128xf32, #tpu.memory_space<vmem_shared>>)
      tpu.yield
    }) : () -> ()
    %barrier3A = arith.constant 0 : index
    tpu.barrier barrier_id(%barrier3A)
    %mul3A_16 = arith.constant 2 : i32
    %mul3A_17 = arith.muli %arg1, %mul3A_16 : i32
    %add3A_18 = arith.addi %mul3A_17, %arg0 : i32
    "tpu.region"() ({
      %run_scoped3A = tpu.sem_alloc : memref<!tpu.dma_semaphore, #tpu.memory_space<semaphore_mem>>
      %dma_start3A_981 = arith.constant 0 : i32
      %dma_start3A_982 = arith.constant 0 : i32
      %dma_start3A_983 = tpu.memref_slice %arg3[%add3A_18, %dma_start3A_981, %dma_start3A_982] : memref<32x80x128xi32, #tpu.memory_space<hbm>> -> memref<1x80x128xi32, #tpu.memory_space<hbm>>
      %dma_start3A_984 = tpu.memref_squeeze %dma_start3A_983 : memref<1x80x128xi32, #tpu.memory_space<hbm>> -> memref<80x128xi32, #tpu.memory_space<hbm>>
      %dma_start3A_985 = arith.constant 0 : i32
      %dma_start3A_986 = arith.constant 0 : i32
      %dma_start3A_987 = tpu.memref_slice %arg3[%add3A_18, %dma_start3A_985, %dma_start3A_986] : memref<32x80x128xi32, #tpu.memory_space<hbm>> -> memref<1x80x128xi32, #tpu.memory_space<hbm>>
      %dma_start3A_988 = tpu.memref_squeeze %dma_start3A_987 : memref<1x80x128xi32, #tpu.memory_space<hbm>> -> memref<80x128xi32, #tpu.memory_space<hbm>>
      tpu.enqueue_dma source(%dma_start3A_988 : memref<80x128xi32, #tpu.memory_space<hbm>>) target(%arg5 : memref<80x128xi32, #tpu.memory_space<vmem>>) target_semaphore(%run_scoped3A : memref<!tpu.dma_semaphore, #tpu.memory_space<semaphore_mem>>)
      %dma_wait3A_989 = arith.constant 0 : i32
      %dma_wait3A_990 = arith.constant 0 : i32
      %dma_wait3A_991 = tpu.memref_slice %arg3[%add3A_18, %dma_wait3A_989, %dma_wait3A_990] : memref<32x80x128xi32, #tpu.memory_space<hbm>> -> memref<1x80x128xi32, #tpu.memory_space<hbm>>
      %dma_wait3A_992 = tpu.memref_squeeze %dma_wait3A_991 : memref<1x80x128xi32, #tpu.memory_space<hbm>> -> memref<80x128xi32, #tpu.memory_space<hbm>>
      %dma_wait3A_993 = arith.constant 0 : i32
      %dma_wait3A_994 = arith.constant 0 : i32
      %dma_wait3A_995 = tpu.memref_slice %arg3[%add3A_18, %dma_wait3A_993, %dma_wait3A_994] : memref<32x80x128xi32, #tpu.memory_space<hbm>> -> memref<1x80x128xi32, #tpu.memory_space<hbm>>
      %dma_wait3A_996 = tpu.memref_squeeze %dma_wait3A_995 : memref<1x80x128xi32, #tpu.memory_space<hbm>> -> memref<80x128xi32, #tpu.memory_space<hbm>>
      tpu.wait_dma2 semaphore(%run_scoped3A : memref<!tpu.dma_semaphore, #tpu.memory_space<semaphore_mem>>) src(%dma_wait3A_996 : memref<80x128xi32, #tpu.memory_space<hbm>>) dst(%arg5 : memref<80x128xi32, #tpu.memory_space<vmem>>)
      tpu.yield
    }) : () -> ()
    %get3A = arith.constant 0 : i32
    %get3A_19 = arith.index_cast %get3A : i32 to index
    %get3A_20 = arith.constant 0 : index
    %get3A_21 = tpu.vector_load %arg5[%get3A_19, %get3A_20] {strides = array<i32>} : memref<80x128xi32, #tpu.memory_space<vmem>>, vector<1x16xi32>,
    %get3A_22 = vector.shape_cast %get3A_21 : vector<1x16xi32> to vector<16xi32>
    %and3A = arith.constant 65535 : i32
    %and3A_23 = vector.broadcast %and3A : i32 to vector<16xi32>
    %and3A_24 = arith.andi %get3A_22, %and3A_23 : vector<16xi32>
    %swap3A = arith.constant 0 : i32
    %swap3A_25 = arith.index_cast %swap3A : i32 to index
    %swap3A_26 = arith.constant 0 : index
    %swap3A_27 = tpu.vector_load %arg6[%swap3A_25, %swap3A_26] {strides = array<i32>} : memref<4x64xi32, #tpu.memory_space<vmem>>, vector<1x16xi32>,
    %swap3A_28 = vector.shape_cast %swap3A_27 : vector<1x16xi32> to vector<16xi32>
    %swap3A_29 = vector.shape_cast %and3A_24 : vector<16xi32> to vector<1x16xi32>
    tpu.vector_store %arg6[%swap3A_25, %swap3A_26], %swap3A_29 {strides = array<i32>} : memref<4x64xi32, #tpu.memory_space<vmem>>, vector<1x16xi32>,
    %shift_right_logical3A = arith.constant 16 : i32
    %shift_right_logical3A_30 = vector.broadcast %shift_right_logical3A : i32 to vector<16xi32>
    %shift_right_logical3A_31 = arith.shrui %get3A_22, %shift_right_logical3A_30 : vector<16xi32>
    %swap3A_32 = arith.constant 0 : i32
    %swap3A_33 = arith.index_cast %swap3A_32 : i32 to index
    %swap3A_34 = arith.constant 0 : index
    %swap3A_35 = tpu.vector_load %arg7[%swap3A_33, %swap3A_34] {strides = array<i32>} : memref<4x64xi32, #tpu.memory_space<vmem>>, vector<1x16xi32>,
    %swap3A_36 = vector.shape_cast %swap3A_35 : vector<1x16xi32> to vector<16xi32>
    %swap3A_37 = vector.shape_cast %shift_right_logical3A_31 : vector<16xi32> to vector<1x16xi32>
    tpu.vector_store %arg7[%swap3A_33, %swap3A_34], %swap3A_37 {strides = array<i32>} : memref<4x64xi32, #tpu.memory_space<vmem>>, vector<1x16xi32>,
    %get3A_38 = arith.constant 0 : i32
    %get3A_39 = arith.index_cast %get3A_38 : i32 to index
    %get3A_40 = arith.constant 16 : index
    %get3A_41 = tpu.vector_load %arg5[%get3A_39, %get3A_40] {strides = array<i32>} : memref<80x128xi32, #tpu.memory_space<vmem>>, vector<1x16xi32>,
    %get3A_42 = vector.shape_cast %get3A_41 : vector<1x16xi32> to vector<16xi32>
    %and3A_43 = arith.constant 65535 : i32
    %and3A_44 = vector.broadcast %and3A_43 : i32 to vector<16xi32>
    %and3A_45 = arith.andi %get3A_42, %and3A_44 : vector<16xi32>
    %swap3A_46 = arith.constant 0 : i32
    %swap3A_47 = arith.index_cast %swap3A_46 : i32 to index
    %swap3A_48 = arith.constant 16 : index
    %swap3A_49 = tpu.vector_load %arg6[%swap3A_47, %swap3A_48] {strides = array<i32>} : memref<4x64xi32, #tpu.memory_space<vmem>>, vector<1x16xi32>,
    %swap3A_50 = vector.shape_cast %swap3A_49 : vector<1x16xi32> to vector<16xi32>
    %swap3A_51 = vector.shape_cast %and3A_45 : vector<16xi32> to vector<1x16xi32>
    tpu.vector_store %arg6[%swap3A_47, %swap3A_48], %swap3A_51 {strides = array<i32>} : memref<4x64xi32, #tpu.memory_space<vmem>>, vector<1x16xi32>,
    %shift_right_logical3A_52 = arith.constant 16 : i32
    %shift_right_logical3A_53 = vector.broadcast %shift_right_logical3A_52 : i32 to vector<16xi32>
    %shift_right_logical3A_54 = arith.shrui %get3A_42, %shift_right_logical3A_53 : vector<16xi32>
    %swap3A_55 = arith.constant 0 : i32
    %swap3A_56 = arith.index_cast %swap3A_55 : i32 to index
    %swap3A_57 = arith.constant 16 : index
    %swap3A_58 = tpu.vector_load %arg7[%swap3A_56, %swap3A_57] {strides = array<i32>} : memref<4x64xi32, #tpu.memory_space<vmem>>, vector<1x16xi32>,
    %swap3A_59 = vector.shape_cast %swap3A_58 : vector<1x16xi32> to vector<16xi32>
    %swap3A_60 = vector.shape_cast %shift_right_logical3A_54 : vector<16xi32> to vector<1x16xi32>
    tpu.vector_store %arg7[%swap3A_56, %swap3A_57], %swap3A_60 {strides = array<i32>} : memref<4x64xi32, #tpu.memory_space<vmem>>, vector<1x16xi32>,
    %get3A_61 = arith.constant 0 : i32
    %get3A_62 = arith.index_cast %get3A_61 : i32 to index
    %get3A_63 = arith.constant 32 : index
    %get3A_64 = tpu.vector_load %arg5[%get3A_62, %get3A_63] {strides = array<i32>} : memref<80x128xi32, #tpu.memory_space<vmem>>, vector<1x16xi32>,
    %get3A_65 = vector.shape_cast %get3A_64 : vector<1x16xi32> to vector<16xi32>
    %and3A_66 = arith.constant 65535 : i32
    %and3A_67 = vector.broadcast %and3A_66 : i32 to vector<16xi32>
    %and3A_68 = arith.andi %get3A_65, %and3A_67 : vector<16xi32>
    %swap3A_69 = arith.constant 0 : i32
    %swap3A_70 = arith.index_cast %swap3A_69 : i32 to index
    %swap3A_71 = arith.constant 32 : index
    %swap3A_72 = tpu.vector_load %arg6[%swap3A_70, %swap3A_71] {strides = array<i32>} : memref<4x64xi32, #tpu.memory_space<vmem>>, vector<1x16xi32>,
    %swap3A_73 = vector.shape_cast %swap3A_72 : vector<1x16xi32> to vector<16xi32>
    %swap3A_74 = vector.shape_cast %and3A_68 : vector<16xi32> to vector<1x16xi32>
    tpu.vector_store %arg6[%swap3A_70, %swap3A_71], %swap3A_74 {strides = array<i32>} : memref<4x64xi32, #tpu.memory_space<vmem>>, vector<1x16xi32>,
    %shift_right_logical3A_75 = arith.constant 16 : i32
    %shift_right_logical3A_76 = vector.broadcast %shift_right_logical3A_75 : i32 to vector<16xi32>
    %shift_right_logical3A_77 = arith.shrui %get3A_65, %shift_right_logical3A_76 : vector<16xi32>
    %swap3A_78 = arith.constant 0 : i32
    %swap3A_79 = arith.index_cast %swap3A_78 : i32 to index
    %swap3A_80 = arith.constant 32 : index
    %swap3A_81 = tpu.vector_load %arg7[%swap3A_79, %swap3A_80] {strides = array<i32>} : memref<4x64xi32, #tpu.memory_space<vmem>>, vector<1x16xi32>,
    %swap3A_82 = vector.shape_cast %swap3A_81 : vector<1x16xi32> to vector<16xi32>
    %swap3A_83 = vector.shape_cast %shift_right_logical3A_77 : vector<16xi32> to vector<1x16xi32>
    tpu.vector_store %arg7[%swap3A_79, %swap3A_80], %swap3A_83 {strides = array<i32>} : memref<4x64xi32, #tpu.memory_space<vmem>>, vector<1x16xi32>,
    %get3A_84 = arith.constant 0 : i32
    %get3A_85 = arith.index_cast %get3A_84 : i32 to index
    %get3A_86 = arith.constant 48 : index
    %get3A_87 = tpu.vector_load %arg5[%get3A_85, %get3A_86] {strides = array<i32>} : memref<80x128xi32, #tpu.memory_space<vmem>>, vector<1x16xi32>,
    %get3A_88 = vector.shape_cast %get3A_87 : vector<1x16xi32> to vector<16xi32>
    %and3A_89 = arith.constant 65535 : i32
    %and3A_90 = vector.broadcast %and3A_89 : i32 to vector<16xi32>
    %and3A_91 = arith.andi %get3A_88, %and3A_90 : vector<16xi32>
    %swap3A_92 = arith.constant 0 : i32
    %swap3A_93 = arith.index_cast %swap3A_92 : i32 to index
    %swap3A_94 = arith.constant 48 : index
    %swap3A_95 = tpu.vector_load %arg6[%swap3A_93, %swap3A_94] {strides = array<i32>} : memref<4x64xi32, #tpu.memory_space<vmem>>, vector<1x16xi32>,
    %swap3A_96 = vector.shape_cast %swap3A_95 : vector<1x16xi32> to vector<16xi32>
    %swap3A_97 = vector.shape_cast %and3A_91 : vector<16xi32> to vector<1x16xi32>
    tpu.vector_store %arg6[%swap3A_93, %swap3A_94], %swap3A_97 {strides = array<i32>} : memref<4x64xi32, #tpu.memory_space<vmem>>, vector<1x16xi32>,
    %shift_right_logical3A_98 = arith.constant 16 : i32
    %shift_right_logical3A_99 = vector.broadcast %shift_right_logical3A_98 : i32 to vector<16xi32>
    %shift_right_logical3A_100 = arith.shrui %get3A_88, %shift_right_logical3A_99 : vector<16xi32>
    %swap3A_101 = arith.constant 0 : i32
    %swap3A_102 = arith.index_cast %swap3A_101 : i32 to index
    %swap3A_103 = arith.constant 48 : index
    %swap3A_104 = tpu.vector_load %arg7[%swap3A_102, %swap3A_103] {strides = array<i32>} : memref<4x64xi32, #tpu.memory_space<vmem>>, vector<1x16xi32>,
    %swap3A_105 = vector.shape_cast %swap3A_104 : vector<1x16xi32> to vector<16xi32>
    %swap3A_106 = vector.shape_cast %shift_right_logical3A_100 : vector<16xi32> to vector<1x16xi32>
    tpu.vector_store %arg7[%swap3A_102, %swap3A_103], %swap3A_106 {strides = array<i32>} : memref<4x64xi32, #tpu.memory_space<vmem>>, vector<1x16xi32>,
    %get3A_107 = arith.constant 0 : i32
    %get3A_108 = arith.index_cast %get3A_107 : i32 to index
    %get3A_109 = arith.constant 64 : index
    %get3A_110 = tpu.vector_load %arg5[%get3A_108, %get3A_109] {strides = array<i32>} : memref<80x128xi32, #tpu.memory_space<vmem>>, vector<1x16xi32>,
    %get3A_111 = vector.shape_cast %get3A_110 : vector<1x16xi32> to vector<16xi32>
    %and3A_112 = arith.constant 65535 : i32
    %and3A_113 = vector.broadcast %and3A_112 : i32 to vector<16xi32>
    %and3A_114 = arith.andi %get3A_111, %and3A_113 : vector<16xi32>
    %swap3A_115 = arith.constant 1 : i32
    %swap3A_116 = arith.index_cast %swap3A_115 : i32 to index
    %swap3A_117 = arith.constant 0 : index
    %swap3A_118 = tpu.vector_load %arg6[%swap3A_116, %swap3A_117] {strides = array<i32>} : memref<4x64xi32, #tpu.memory_space<vmem>>, vector<1x16xi32>,
    %swap3A_119 = vector.shape_cast %swap3A_118 : vector<1x16xi32> to vector<16xi32>
    %swap3A_120 = vector.shape_cast %and3A_114 : vector<16xi32> to vector<1x16xi32>
    tpu.vector_store %arg6[%swap3A_116, %swap3A_117], %swap3A_120 {strides = array<i32>} : memref<4x64xi32, #tpu.memory_space<vmem>>, vector<1x16xi32>,
    %shift_right_logical3A_121 = arith.constant 16 : i32
    %shift_right_logical3A_122 = vector.broadcast %shift_right_logical3A_121 : i32 to vector<16xi32>
    %shift_right_logical3A_123 = arith.shrui %get3A_111, %shift_right_logical3A_122 : vector<16xi32>
    %swap3A_124 = arith.constant 1 : i32
    %swap3A_125 = arith.index_cast %swap3A_124 : i32 to index
    %swap3A_126 = arith.constant 0 : index
    %swap3A_127 = tpu.vector_load %arg7[%swap3A_125, %swap3A_126] {strides = array<i32>} : memref<4x64xi32, #tpu.memory_space<vmem>>, vector<1x16xi32>,
    %swap3A_128 = vector.shape_cast %swap3A_127 : vector<1x16xi32> to vector<16xi32>
    %swap3A_129 = vector.shape_cast %shift_right_logical3A_123 : vector<16xi32> to vector<1x16xi32>
    tpu.vector_store %arg7[%swap3A_125, %swap3A_126], %swap3A_129 {strides = array<i32>} : memref<4x64xi32, #tpu.memory_space<vmem>>, vector<1x16xi32>,
    %get3A_130 = arith.constant 0 : i32
    %get3A_131 = arith.index_cast %get3A_130 : i32 to index
    %get3A_132 = arith.constant 80 : index
    %get3A_133 = tpu.vector_load %arg5[%get3A_131, %get3A_132] {strides = array<i32>} : memref<80x128xi32, #tpu.memory_space<vmem>>, vector<1x16xi32>,
    %get3A_134 = vector.shape_cast %get3A_133 : vector<1x16xi32> to vector<16xi32>
    %and3A_135 = arith.constant 65535 : i32
    %and3A_136 = vector.broadcast %and3A_135 : i32 to vector<16xi32>
    %and3A_137 = arith.andi %get3A_134, %and3A_136 : vector<16xi32>
    %swap3A_138 = arith.constant 1 : i32
    %swap3A_139 = arith.index_cast %swap3A_138 : i32 to index
    %swap3A_140 = arith.constant 16 : index
    %swap3A_141 = tpu.vector_load %arg6[%swap3A_139, %swap3A_140] {strides = array<i32>} : memref<4x64xi32, #tpu.memory_space<vmem>>, vector<1x16xi32>,
    %swap3A_142 = vector.shape_cast %swap3A_141 : vector<1x16xi32> to vector<16xi32>
    %swap3A_143 = vector.shape_cast %and3A_137 : vector<16xi32> to vector<1x16xi32>
    tpu.vector_store %arg6[%swap3A_139, %swap3A_140], %swap3A_143 {strides = array<i32>} : memref<4x64xi32, #tpu.memory_space<vmem>>, vector<1x16xi32>,
    %shift_right_logical3A_144 = arith.constant 16 : i32
    %shift_right_logical3A_145 = vector.broadcast %shift_right_logical3A_144 : i32 to vector<16xi32>
    %shift_right_logical3A_146 = arith.shrui %get3A_134, %shift_right_logical3A_145 : vector<16xi32>
    %swap3A_147 = arith.constant 1 : i32
    %swap3A_148 = arith.index_cast %swap3A_147 : i32 to index
    %swap3A_149 = arith.constant 16 : index
    %swap3A_150 = tpu.vector_load %arg7[%swap3A_148, %swap3A_149] {strides = array<i32>} : memref<4x64xi32, #tpu.memory_space<vmem>>, vector<1x16xi32>,
    %swap3A_151 = vector.shape_cast %swap3A_150 : vector<1x16xi32> to vector<16xi32>
    %swap3A_152 = vector.shape_cast %shift_right_logical3A_146 : vector<16xi32> to vector<1x16xi32>
    tpu.vector_store %arg7[%swap3A_148, %swap3A_149], %swap3A_152 {strides = array<i32>} : memref<4x64xi32, #tpu.memory_space<vmem>>, vector<1x16xi32>,
    %get3A_153 = arith.constant 0 : i32
    %get3A_154 = arith.index_cast %get3A_153 : i32 to index
    %get3A_155 = arith.constant 96 : index
    %get3A_156 = tpu.vector_load %arg5[%get3A_154, %get3A_155] {strides = array<i32>} : memref<80x128xi32, #tpu.memory_space<vmem>>, vector<1x16xi32>,
    %get3A_157 = vector.shape_cast %get3A_156 : vector<1x16xi32> to vector<16xi32>
    %and3A_158 = arith.constant 65535 : i32
    %and3A_159 = vector.broadcast %and3A_158 : i32 to vector<16xi32>
    %and3A_160 = arith.andi %get3A_157, %and3A_159 : vector<16xi32>
    %swap3A_161 = arith.constant 1 : i32
    %swap3A_162 = arith.index_cast %swap3A_161 : i32 to index
    %swap3A_163 = arith.constant 32 : index
    %swap3A_164 = tpu.vector_load %arg6[%swap3A_162, %swap3A_163] {strides = array<i32>} : memref<4x64xi32, #tpu.memory_space<vmem>>, vector<1x16xi32>,
    %swap3A_165 = vector.shape_cast %swap3A_164 : vector<1x16xi32> to vector<16xi32>
    %swap3A_166 = vector.shape_cast %and3A_160 : vector<16xi32> to vector<1x16xi32>
    tpu.vector_store %arg6[%swap3A_162, %swap3A_163], %swap3A_166 {strides = array<i32>} : memref<4x64xi32, #tpu.memory_space<vmem>>, vector<1x16xi32>,
    %shift_right_logical3A_167 = arith.constant 16 : i32
    %shift_right_logical3A_168 = vector.broadcast %shift_right_logical3A_167 : i32 to vector<16xi32>
    %shift_right_logical3A_169 = arith.shrui %get3A_157, %shift_right_logical3A_168 : vector<16xi32>
    %swap3A_170 = arith.constant 1 : i32
    %swap3A_171 = arith.index_cast %swap3A_170 : i32 to index
    %swap3A_172 = arith.constant 32 : index
    %swap3A_173 = tpu.vector_load %arg7[%swap3A_171, %swap3A_172] {strides = array<i32>} : memref<4x64xi32, #tpu.memory_space<vmem>>, vector<1x16xi32>,
    %swap3A_174 = vector.shape_cast %swap3A_173 : vector<1x16xi32> to vector<16xi32>
    %swap3A_175 = vector.shape_cast %shift_right_logical3A_169 : vector<16xi32> to vector<1x16xi32>
    tpu.vector_store %arg7[%swap3A_171, %swap3A_172], %swap3A_175 {strides = array<i32>} : memref<4x64xi32, #tpu.memory_space<vmem>>, vector<1x16xi32>,
    %get3A_176 = arith.constant 0 : i32
    %get3A_177 = arith.index_cast %get3A_176 : i32 to index
    %get3A_178 = arith.constant 112 : index
    %get3A_179 = tpu.vector_load %arg5[%get3A_177, %get3A_178] {strides = array<i32>} : memref<80x128xi32, #tpu.memory_space<vmem>>, vector<1x16xi32>,
    %get3A_180 = vector.shape_cast %get3A_179 : vector<1x16xi32> to vector<16xi32>
    %and3A_181 = arith.constant 65535 : i32
    %and3A_182 = vector.broadcast %and3A_181 : i32 to vector<16xi32>
    %and3A_183 = arith.andi %get3A_180, %and3A_182 : vector<16xi32>
    %swap3A_184 = arith.constant 1 : i32
    %swap3A_185 = arith.index_cast %swap3A_184 : i32 to index
    %swap3A_186 = arith.constant 48 : index
    %swap3A_187 = tpu.vector_load %arg6[%swap3A_185, %swap3A_186] {strides = array<i32>} : memref<4x64xi32, #tpu.memory_space<vmem>>, vector<1x16xi32>,
    %swap3A_188 = vector.shape_cast %swap3A_187 : vector<1x16xi32> to vector<16xi32>
    %swap3A_189 = vector.shape_cast %and3A_183 : vector<16xi32> to vector<1x16xi32>
    tpu.vector_store %arg6[%swap3A_185, %swap3A_186], %swap3A_189 {strides = array<i32>} : memref<4x64xi32, #tpu.memory_space<vmem>>, vector<1x16xi32>,
    %shift_right_logical3A_190 = arith.constant 16 : i32
    %shift_right_logical3A_191 = vector.broadcast %shift_right_logical3A_190 : i32 to vector<16xi32>
    %shift_right_logical3A_192 = arith.shrui %get3A_180, %shift_right_logical3A_191 : vector<16xi32>
    %swap3A_193 = arith.constant 1 : i32
    %swap3A_194 = arith.index_cast %swap3A_193 : i32 to index
    %swap3A_195 = arith.constant 48 : index
    %swap3A_196 = tpu.vector_load %arg7[%swap3A_194, %swap3A_195] {strides = array<i32>} : memref<4x64xi32, #tpu.memory_space<vmem>>, vector<1x16xi32>,
    %swap3A_197 = vector.shape_cast %swap3A_196 : vector<1x16xi32> to vector<16xi32>
    %swap3A_198 = vector.shape_cast %shift_right_logical3A_192 : vector<16xi32> to vector<1x16xi32>
    tpu.vector_store %arg7[%swap3A_194, %swap3A_195], %swap3A_198 {strides = array<i32>} : memref<4x64xi32, #tpu.memory_space<vmem>>, vector<1x16xi32>,
    %dma_start3A = arith.constant 0 : i32
    %dma_start3A_199 = arith.constant 0 : i32
    %dma_start3A_200 = tpu.memref_slice %arg6[%dma_start3A, %dma_start3A_199] : memref<4x64xi32, #tpu.memory_space<vmem>> -> memref<1x64xi32, #tpu.memory_space<vmem>>
    %dma_start3A_201 = tpu.memref_squeeze %dma_start3A_200 : memref<1x64xi32, #tpu.memory_space<vmem>> -> memref<64xi32, #tpu.memory_space<vmem>>
    %dma_start3A_202 = arith.constant 0 : i32
    %dma_start3A_203 = arith.constant 0 : i32
    %dma_start3A_204 = tpu.memref_slice %arg2[%dma_start3A_202, %dma_start3A_203] : memref<10000x128xf32, #tpu.memory_space<hbm>> -> memref<10000x128xf32, #tpu.memory_space<hbm>>
    tpu.enqueue_indirect_dma source(%dma_start3A_204 : memref<10000x128xf32, #tpu.memory_space<hbm>>) target(%arg8 : memref<64x128xf32, #tpu.memory_space<vmem>>) offsets(%dma_start3A_201 : memref<64xi32, #tpu.memory_space<vmem>>) semaphore(%arg13 : memref<!tpu.dma_semaphore, #tpu.memory_space<semaphore_mem>>)
    %dma_start3A_205 = arith.constant 1 : i32
    %dma_start3A_206 = arith.constant 0 : i32
    %dma_start3A_207 = tpu.memref_slice %arg6[%dma_start3A_205, %dma_start3A_206] : memref<4x64xi32, #tpu.memory_space<vmem>> -> memref<1x64xi32, #tpu.memory_space<vmem>>
    %dma_start3A_208 = tpu.memref_squeeze %dma_start3A_207 : memref<1x64xi32, #tpu.memory_space<vmem>> -> memref<64xi32, #tpu.memory_space<vmem>>
    %dma_start3A_209 = arith.constant 0 : i32
    %dma_start3A_210 = arith.constant 0 : i32
    %dma_start3A_211 = tpu.memref_slice %arg2[%dma_start3A_209, %dma_start3A_210] : memref<10000x128xf32, #tpu.memory_space<hbm>> -> memref<10000x128xf32, #tpu.memory_space<hbm>>
    tpu.enqueue_indirect_dma source(%dma_start3A_211 : memref<10000x128xf32, #tpu.memory_space<hbm>>) target(%arg9 : memref<64x128xf32, #tpu.memory_space<vmem>>) offsets(%dma_start3A_208 : memref<64xi32, #tpu.memory_space<vmem>>) semaphore(%arg14 : memref<!tpu.dma_semaphore, #tpu.memory_space<semaphore_mem>>)
    %dma_wait3A = arith.constant 0 : i32
    %dma_wait3A_212 = arith.constant 0 : i32
    %dma_wait3A_213 = tpu.memref_slice %arg6[%dma_wait3A, %dma_wait3A_212] : memref<4x64xi32, #tpu.memory_space<vmem>> -> memref<1x64xi32, #tpu.memory_space<vmem>>
    %dma_wait3A_214 = tpu.memref_squeeze %dma_wait3A_213 : memref<1x64xi32, #tpu.memory_space<vmem>> -> memref<64xi32, #tpu.memory_space<vmem>>
    %dma_wait3A_215 = arith.constant 0 : i32
    %dma_wait3A_216 = arith.constant 0 : i32
    %dma_wait3A_217 = tpu.memref_slice %arg2[%dma_wait3A_215, %dma_wait3A_216] : memref<10000x128xf32, #tpu.memory_space<hbm>> -> memref<10000x128xf32, #tpu.memory_space<hbm>>
    tpu.wait_indirect_dma semaphore(%arg13 : memref<!tpu.dma_semaphore, #tpu.memory_space<semaphore_mem>>) src(%dma_wait3A_217 : memref<10000x128xf32, #tpu.memory_space<hbm>>) dst(%arg8 : memref<64x128xf32, #tpu.memory_space<vmem>>)
    %dma_start3A_218 = arith.constant 0 : i32
    %dma_start3A_219 = arith.constant 0 : i32
    %dma_start3A_220 = tpu.memref_slice %arg7[%dma_start3A_218, %dma_start3A_219] : memref<4x64xi32, #tpu.memory_space<vmem>> -> memref<1x64xi32, #tpu.memory_space<vmem>>
    %dma_start3A_221 = tpu.memref_squeeze %dma_start3A_220 : memref<1x64xi32, #tpu.memory_space<vmem>> -> memref<64xi32, #tpu.memory_space<vmem>>
    %dma_start3A_222 = arith.constant 0 : i32
    %dma_start3A_223 = arith.constant 0 : i32
    %dma_start3A_224 = tpu.memref_slice %arg12[%dma_start3A_222, %dma_start3A_223] : memref<10112x128xf32, #tpu.memory_space<vmem_shared>> -> memref<10112x128xf32, #tpu.memory_space<vmem_shared>>
    tpu.enqueue_indirect_dma source(%arg8 : memref<64x128xf32, #tpu.memory_space<vmem>>) target(%dma_start3A_224 : memref<10112x128xf32, #tpu.memory_space<vmem_shared>>) offsets(%dma_start3A_221 : memref<64xi32, #tpu.memory_space<vmem>>) semaphore(%arg17 : memref<!tpu.dma_semaphore, #tpu.memory_space<semaphore_mem>>) {add = true}
    %get3A_225 = arith.constant 1 : i32
    %get3A_226 = arith.index_cast %get3A_225 : i32 to index
    %get3A_227 = arith.constant 0 : index
    %get3A_228 = tpu.vector_load %arg5[%get3A_226, %get3A_227] {strides = array<i32>} : memref<80x128xi32, #tpu.memory_space<vmem>>, vector<1x16xi32>,
    %get3A_229 = vector.shape_cast %get3A_228 : vector<1x16xi32> to vector<16xi32>
    %and3A_230 = arith.constant 65535 : i32
    %and3A_231 = vector.broadcast %and3A_230 : i32 to vector<16xi32>
    %and3A_232 = arith.andi %get3A_229, %and3A_231 : vector<16xi32>
    %swap3A_233 = arith.constant 2 : i32
    %swap3A_234 = arith.index_cast %swap3A_233 : i32 to index
    %swap3A_235 = arith.constant 0 : index
    %swap3A_236 = tpu.vector_load %arg6[%swap3A_234, %swap3A_235] {strides = array<i32>} : memref<4x64xi32, #tpu.memory_space<vmem>>, vector<1x16xi32>,
    %swap3A_237 = vector.shape_cast %swap3A_236 : vector<1x16xi32> to vector<16xi32>
    %swap3A_238 = vector.shape_cast %and3A_232 : vector<16xi32> to vector<1x16xi32>
    tpu.vector_store %arg6[%swap3A_234, %swap3A_235], %swap3A_238 {strides = array<i32>} : memref<4x64xi32, #tpu.memory_space<vmem>>, vector<1x16xi32>,
    %shift_right_logical3A_239 = arith.constant 16 : i32
    %shift_right_logical3A_240 = vector.broadcast %shift_right_logical3A_239 : i32 to vector<16xi32>
    %shift_right_logical3A_241 = arith.shrui %get3A_229, %shift_right_logical3A_240 : vector<16xi32>
    %swap3A_242 = arith.constant 2 : i32
    %swap3A_243 = arith.index_cast %swap3A_242 : i32 to index
    %swap3A_244 = arith.constant 0 : index
    %swap3A_245 = tpu.vector_load %arg7[%swap3A_243, %swap3A_244] {strides = array<i32>} : memref<4x64xi32, #tpu.memory_space<vmem>>, vector<1x16xi32>,
    %swap3A_246 = vector.shape_cast %swap3A_245 : vector<1x16xi32> to vector<16xi32>
    %swap3A_247 = vector.shape_cast %shift_right_logical3A_241 : vector<16xi32> to vector<1x16xi32>
    tpu.vector_store %arg7[%swap3A_243, %swap3A_244], %swap3A_247 {strides = array<i32>} : memref<4x64xi32, #tpu.memory_space<vmem>>, vector<1x16xi32>,
    %get3A_248 = arith.constant 1 : i32
    %get3A_249 = arith.index_cast %get3A_248 : i32 to index
    %get3A_250 = arith.constant 16 : index
    %get3A_251 = tpu.vector_load %arg5[%get3A_249, %get3A_250] {strides = array<i32>} : memref<80x128xi32, #tpu.memory_space<vmem>>, vector<1x16xi32>,
    %get3A_252 = vector.shape_cast %get3A_251 : vector<1x16xi32> to vector<16xi32>
    %and3A_253 = arith.constant 65535 : i32
    %and3A_254 = vector.broadcast %and3A_253 : i32 to vector<16xi32>
    %and3A_255 = arith.andi %get3A_252, %and3A_254 : vector<16xi32>
    %swap3A_256 = arith.constant 2 : i32
    %swap3A_257 = arith.index_cast %swap3A_256 : i32 to index
    %swap3A_258 = arith.constant 16 : index
    %swap3A_259 = tpu.vector_load %arg6[%swap3A_257, %swap3A_258] {strides = array<i32>} : memref<4x64xi32, #tpu.memory_space<vmem>>, vector<1x16xi32>,
    %swap3A_260 = vector.shape_cast %swap3A_259 : vector<1x16xi32> to vector<16xi32>
    %swap3A_261 = vector.shape_cast %and3A_255 : vector<16xi32> to vector<1x16xi32>
    tpu.vector_store %arg6[%swap3A_257, %swap3A_258], %swap3A_261 {strides = array<i32>} : memref<4x64xi32, #tpu.memory_space<vmem>>, vector<1x16xi32>,
    %shift_right_logical3A_262 = arith.constant 16 : i32
    %shift_right_logical3A_263 = vector.broadcast %shift_right_logical3A_262 : i32 to vector<16xi32>
    %shift_right_logical3A_264 = arith.shrui %get3A_252, %shift_right_logical3A_263 : vector<16xi32>
    %swap3A_265 = arith.constant 2 : i32
    %swap3A_266 = arith.index_cast %swap3A_265 : i32 to index
    %swap3A_267 = arith.constant 16 : index
    %swap3A_268 = tpu.vector_load %arg7[%swap3A_266, %swap3A_267] {strides = array<i32>} : memref<4x64xi32, #tpu.memory_space<vmem>>, vector<1x16xi32>,
    %swap3A_269 = vector.shape_cast %swap3A_268 : vector<1x16xi32> to vector<16xi32>
    %swap3A_270 = vector.shape_cast %shift_right_logical3A_264 : vector<16xi32> to vector<1x16xi32>
    tpu.vector_store %arg7[%swap3A_266, %swap3A_267], %swap3A_270 {strides = array<i32>} : memref<4x64xi32, #tpu.memory_space<vmem>>, vector<1x16xi32>,
    %get3A_271 = arith.constant 1 : i32
    %get3A_272 = arith.index_cast %get3A_271 : i32 to index
    %get3A_273 = arith.constant 32 : index
    %get3A_274 = tpu.vector_load %arg5[%get3A_272, %get3A_273] {strides = array<i32>} : memref<80x128xi32, #tpu.memory_space<vmem>>, vector<1x16xi32>,
    %get3A_275 = vector.shape_cast %get3A_274 : vector<1x16xi32> to vector<16xi32>
    %and3A_276 = arith.constant 65535 : i32
    %and3A_277 = vector.broadcast %and3A_276 : i32 to vector<16xi32>
    %and3A_278 = arith.andi %get3A_275, %and3A_277 : vector<16xi32>
    %swap3A_279 = arith.constant 2 : i32
    %swap3A_280 = arith.index_cast %swap3A_279 : i32 to index
    %swap3A_281 = arith.constant 32 : index
    %swap3A_282 = tpu.vector_load %arg6[%swap3A_280, %swap3A_281] {strides = array<i32>} : memref<4x64xi32, #tpu.memory_space<vmem>>, vector<1x16xi32>,
    %swap3A_283 = vector.shape_cast %swap3A_282 : vector<1x16xi32> to vector<16xi32>
    %swap3A_284 = vector.shape_cast %and3A_278 : vector<16xi32> to vector<1x16xi32>
    tpu.vector_store %arg6[%swap3A_280, %swap3A_281], %swap3A_284 {strides = array<i32>} : memref<4x64xi32, #tpu.memory_space<vmem>>, vector<1x16xi32>,
    %shift_right_logical3A_285 = arith.constant 16 : i32
    %shift_right_logical3A_286 = vector.broadcast %shift_right_logical3A_285 : i32 to vector<16xi32>
    %shift_right_logical3A_287 = arith.shrui %get3A_275, %shift_right_logical3A_286 : vector<16xi32>
    %swap3A_288 = arith.constant 2 : i32
    %swap3A_289 = arith.index_cast %swap3A_288 : i32 to index
    %swap3A_290 = arith.constant 32 : index
    %swap3A_291 = tpu.vector_load %arg7[%swap3A_289, %swap3A_290] {strides = array<i32>} : memref<4x64xi32, #tpu.memory_space<vmem>>, vector<1x16xi32>,
    %swap3A_292 = vector.shape_cast %swap3A_291 : vector<1x16xi32> to vector<16xi32>
    %swap3A_293 = vector.shape_cast %shift_right_logical3A_287 : vector<16xi32> to vector<1x16xi32>
    tpu.vector_store %arg7[%swap3A_289, %swap3A_290], %swap3A_293 {strides = array<i32>} : memref<4x64xi32, #tpu.memory_space<vmem>>, vector<1x16xi32>,
    %get3A_294 = arith.constant 1 : i32
    %get3A_295 = arith.index_cast %get3A_294 : i32 to index
    %get3A_296 = arith.constant 48 : index
    %get3A_297 = tpu.vector_load %arg5[%get3A_295, %get3A_296] {strides = array<i32>} : memref<80x128xi32, #tpu.memory_space<vmem>>, vector<1x16xi32>,
    %get3A_298 = vector.shape_cast %get3A_297 : vector<1x16xi32> to vector<16xi32>
    %and3A_299 = arith.constant 65535 : i32
    %and3A_300 = vector.broadcast %and3A_299 : i32 to vector<16xi32>
    %and3A_301 = arith.andi %get3A_298, %and3A_300 : vector<16xi32>
    %swap3A_302 = arith.constant 2 : i32
    %swap3A_303 = arith.index_cast %swap3A_302 : i32 to index
    %swap3A_304 = arith.constant 48 : index
    %swap3A_305 = tpu.vector_load %arg6[%swap3A_303, %swap3A_304] {strides = array<i32>} : memref<4x64xi32, #tpu.memory_space<vmem>>, vector<1x16xi32>,
    %swap3A_306 = vector.shape_cast %swap3A_305 : vector<1x16xi32> to vector<16xi32>
    %swap3A_307 = vector.shape_cast %and3A_301 : vector<16xi32> to vector<1x16xi32>
    tpu.vector_store %arg6[%swap3A_303, %swap3A_304], %swap3A_307 {strides = array<i32>} : memref<4x64xi32, #tpu.memory_space<vmem>>, vector<1x16xi32>,
    %shift_right_logical3A_308 = arith.constant 16 : i32
    %shift_right_logical3A_309 = vector.broadcast %shift_right_logical3A_308 : i32 to vector<16xi32>
    %shift_right_logical3A_310 = arith.shrui %get3A_298, %shift_right_logical3A_309 : vector<16xi32>
    %swap3A_311 = arith.constant 2 : i32
    %swap3A_312 = arith.index_cast %swap3A_311 : i32 to index
    %swap3A_313 = arith.constant 48 : index
    %swap3A_314 = tpu.vector_load %arg7[%swap3A_312, %swap3A_313] {strides = array<i32>} : memref<4x64xi32, #tpu.memory_space<vmem>>, vector<1x16xi32>,
    %swap3A_315 = vector.shape_cast %swap3A_314 : vector<1x16xi32> to vector<16xi32>
    %swap3A_316 = vector.shape_cast %shift_right_logical3A_310 : vector<16xi32> to vector<1x16xi32>
    tpu.vector_store %arg7[%swap3A_312, %swap3A_313], %swap3A_316 {strides = array<i32>} : memref<4x64xi32, #tpu.memory_space<vmem>>, vector<1x16xi32>,
    %dma_start3A_317 = arith.constant 2 : i32
    %dma_start3A_318 = arith.constant 0 : i32
    %dma_start3A_319 = tpu.memref_slice %arg6[%dma_start3A_317, %dma_start3A_318] : memref<4x64xi32, #tpu.memory_space<vmem>> -> memref<1x64xi32, #tpu.memory_space<vmem>>
    %dma_start3A_320 = tpu.memref_squeeze %dma_start3A_319 : memref<1x64xi32, #tpu.memory_space<vmem>> -> memref<64xi32, #tpu.memory_space<vmem>>
    %dma_start3A_321 = arith.constant 0 : i32
    %dma_start3A_322 = arith.constant 0 : i32
    %dma_start3A_323 = tpu.memref_slice %arg2[%dma_start3A_321, %dma_start3A_322] : memref<10000x128xf32, #tpu.memory_space<hbm>> -> memref<10000x128xf32, #tpu.memory_space<hbm>>
    tpu.enqueue_indirect_dma source(%dma_start3A_323 : memref<10000x128xf32, #tpu.memory_space<hbm>>) target(%arg10 : memref<64x128xf32, #tpu.memory_space<vmem>>) offsets(%dma_start3A_320 : memref<64xi32, #tpu.memory_space<vmem>>) semaphore(%arg15 : memref<!tpu.dma_semaphore, #tpu.memory_space<semaphore_mem>>)
    %dma_wait3A_324 = arith.constant 1 : i32
    %dma_wait3A_325 = arith.constant 0 : i32
    %dma_wait3A_326 = tpu.memref_slice %arg6[%dma_wait3A_324, %dma_wait3A_325] : memref<4x64xi32, #tpu.memory_space<vmem>> -> memref<1x64xi32, #tpu.memory_space<vmem>>
    %dma_wait3A_327 = tpu.memref_squeeze %dma_wait3A_326 : memref<1x64xi32, #tpu.memory_space<vmem>> -> memref<64xi32, #tpu.memory_space<vmem>>
    %dma_wait3A_328 = arith.constant 0 : i32
    %dma_wait3A_329 = arith.constant 0 : i32
    %dma_wait3A_330 = tpu.memref_slice %arg2[%dma_wait3A_328, %dma_wait3A_329] : memref<10000x128xf32, #tpu.memory_space<hbm>> -> memref<10000x128xf32, #tpu.memory_space<hbm>>
    tpu.wait_indirect_dma semaphore(%arg14 : memref<!tpu.dma_semaphore, #tpu.memory_space<semaphore_mem>>) src(%dma_wait3A_330 : memref<10000x128xf32, #tpu.memory_space<hbm>>) dst(%arg9 : memref<64x128xf32, #tpu.memory_space<vmem>>)
    %dma_start3A_331 = arith.constant 1 : i32
    %dma_start3A_332 = arith.constant 0 : i32
    %dma_start3A_333 = tpu.memref_slice %arg7[%dma_start3A_331, %dma_start3A_332] : memref<4x64xi32, #tpu.memory_space<vmem>> -> memref<1x64xi32, #tpu.memory_space<vmem>>
    %dma_start3A_334 = tpu.memref_squeeze %dma_start3A_333 : memref<1x64xi32, #tpu.memory_space<vmem>> -> memref<64xi32, #tpu.memory_space<vmem>>
    %dma_start3A_335 = arith.constant 0 : i32
    %dma_start3A_336 = arith.constant 0 : i32
    %dma_start3A_337 = tpu.memref_slice %arg12[%dma_start3A_335, %dma_start3A_336] : memref<10112x128xf32, #tpu.memory_space<vmem_shared>> -> memref<10112x128xf32, #tpu.memory_space<vmem_shared>>
    tpu.enqueue_indirect_dma source(%arg9 : memref<64x128xf32, #tpu.memory_space<vmem>>) target(%dma_start3A_337 : memref<10112x128xf32, #tpu.memory_space<vmem_shared>>) offsets(%dma_start3A_334 : memref<64xi32, #tpu.memory_space<vmem>>) semaphore(%arg18 : memref<!tpu.dma_semaphore, #tpu.memory_space<semaphore_mem>>) {add = true}
    %get3A_338 = arith.constant 1 : i32
    %get3A_339 = arith.index_cast %get3A_338 : i32 to index
    %get3A_340 = arith.constant 64 : index
    %get3A_341 = tpu.vector_load %arg5[%get3A_339, %get3A_340] {strides = array<i32>} : memref<80x128xi32, #tpu.memory_space<vmem>>, vector<1x16xi32>,
    %get3A_342 = vector.shape_cast %get3A_341 : vector<1x16xi32> to vector<16xi32>
    %and3A_343 = arith.constant 65535 : i32
    %and3A_344 = vector.broadcast %and3A_343 : i32 to vector<16xi32>
    %and3A_345 = arith.andi %get3A_342, %and3A_344 : vector<16xi32>
    %swap3A_346 = arith.constant 3 : i32
    %swap3A_347 = arith.index_cast %swap3A_346 : i32 to index
    %swap3A_348 = arith.constant 0 : index
    %swap3A_349 = tpu.vector_load %arg6[%swap3A_347, %swap3A_348] {strides = array<i32>} : memref<4x64xi32, #tpu.memory_space<vmem>>, vector<1x16xi32>,
    %swap3A_350 = vector.shape_cast %swap3A_349 : vector<1x16xi32> to vector<16xi32>
    %swap3A_351 = vector.shape_cast %and3A_345 : vector<16xi32> to vector<1x16xi32>
    tpu.vector_store %arg6[%swap3A_347, %swap3A_348], %swap3A_351 {strides = array<i32>} : memref<4x64xi32, #tpu.memory_space<vmem>>, vector<1x16xi32>,
    %shift_right_logical3A_352 = arith.constant 16 : i32
    %shift_right_logical3A_353 = vector.broadcast %shift_right_logical3A_352 : i32 to vector<16xi32>
    %shift_right_logical3A_354 = arith.shrui %get3A_342, %shift_right_logical3A_353 : vector<16xi32>
    %swap3A_355 = arith.constant 3 : i32
    %swap3A_356 = arith.index_cast %swap3A_355 : i32 to index
    %swap3A_357 = arith.constant 0 : index
    %swap3A_358 = tpu.vector_load %arg7[%swap3A_356, %swap3A_357] {strides = array<i32>} : memref<4x64xi32, #tpu.memory_space<vmem>>, vector<1x16xi32>,
    %swap3A_359 = vector.shape_cast %swap3A_358 : vector<1x16xi32> to vector<16xi32>
    %swap3A_360 = vector.shape_cast %shift_right_logical3A_354 : vector<16xi32> to vector<1x16xi32>
    tpu.vector_store %arg7[%swap3A_356, %swap3A_357], %swap3A_360 {strides = array<i32>} : memref<4x64xi32, #tpu.memory_space<vmem>>, vector<1x16xi32>,
    %get3A_361 = arith.constant 1 : i32
    %get3A_362 = arith.index_cast %get3A_361 : i32 to index
    %get3A_363 = arith.constant 80 : index
    %get3A_364 = tpu.vector_load %arg5[%get3A_362, %get3A_363] {strides = array<i32>} : memref<80x128xi32, #tpu.memory_space<vmem>>, vector<1x16xi32>,
    %get3A_365 = vector.shape_cast %get3A_364 : vector<1x16xi32> to vector<16xi32>
    %and3A_366 = arith.constant 65535 : i32
    %and3A_367 = vector.broadcast %and3A_366 : i32 to vector<16xi32>
    %and3A_368 = arith.andi %get3A_365, %and3A_367 : vector<16xi32>
    %swap3A_369 = arith.constant 3 : i32
    %swap3A_370 = arith.index_cast %swap3A_369 : i32 to index
    %swap3A_371 = arith.constant 16 : index
    %swap3A_372 = tpu.vector_load %arg6[%swap3A_370, %swap3A_371] {strides = array<i32>} : memref<4x64xi32, #tpu.memory_space<vmem>>, vector<1x16xi32>,
    %swap3A_373 = vector.shape_cast %swap3A_372 : vector<1x16xi32> to vector<16xi32>
    %swap3A_374 = vector.shape_cast %and3A_368 : vector<16xi32> to vector<1x16xi32>
    tpu.vector_store %arg6[%swap3A_370, %swap3A_371], %swap3A_374 {strides = array<i32>} : memref<4x64xi32, #tpu.memory_space<vmem>>, vector<1x16xi32>,
    %shift_right_logical3A_375 = arith.constant 16 : i32
    %shift_right_logical3A_376 = vector.broadcast %shift_right_logical3A_375 : i32 to vector<16xi32>
    %shift_right_logical3A_377 = arith.shrui %get3A_365, %shift_right_logical3A_376 : vector<16xi32>
    %swap3A_378 = arith.constant 3 : i32
    %swap3A_379 = arith.index_cast %swap3A_378 : i32 to index
    %swap3A_380 = arith.constant 16 : index
    %swap3A_381 = tpu.vector_load %arg7[%swap3A_379, %swap3A_380] {strides = array<i32>} : memref<4x64xi32, #tpu.memory_space<vmem>>, vector<1x16xi32>,
    %swap3A_382 = vector.shape_cast %swap3A_381 : vector<1x16xi32> to vector<16xi32>
    %swap3A_383 = vector.shape_cast %shift_right_logical3A_377 : vector<16xi32> to vector<1x16xi32>
    tpu.vector_store %arg7[%swap3A_379, %swap3A_380], %swap3A_383 {strides = array<i32>} : memref<4x64xi32, #tpu.memory_space<vmem>>, vector<1x16xi32>,
    %get3A_384 = arith.constant 1 : i32
    %get3A_385 = arith.index_cast %get3A_384 : i32 to index
    %get3A_386 = arith.constant 96 : index
    %get3A_387 = tpu.vector_load %arg5[%get3A_385, %get3A_386] {strides = array<i32>} : memref<80x128xi32, #tpu.memory_space<vmem>>, vector<1x16xi32>,
    %get3A_388 = vector.shape_cast %get3A_387 : vector<1x16xi32> to vector<16xi32>
    %and3A_389 = arith.constant 65535 : i32
    %and3A_390 = vector.broadcast %and3A_389 : i32 to vector<16xi32>
    %and3A_391 = arith.andi %get3A_388, %and3A_390 : vector<16xi32>
    %swap3A_392 = arith.constant 3 : i32
    %swap3A_393 = arith.index_cast %swap3A_392 : i32 to index
    %swap3A_394 = arith.constant 32 : index
    %swap3A_395 = tpu.vector_load %arg6[%swap3A_393, %swap3A_394] {strides = array<i32>} : memref<4x64xi32, #tpu.memory_space<vmem>>, vector<1x16xi32>,
    %swap3A_396 = vector.shape_cast %swap3A_395 : vector<1x16xi32> to vector<16xi32>
    %swap3A_397 = vector.shape_cast %and3A_391 : vector<16xi32> to vector<1x16xi32>
    tpu.vector_store %arg6[%swap3A_393, %swap3A_394], %swap3A_397 {strides = array<i32>} : memref<4x64xi32, #tpu.memory_space<vmem>>, vector<1x16xi32>,
    %shift_right_logical3A_398 = arith.constant 16 : i32
    %shift_right_logical3A_399 = vector.broadcast %shift_right_logical3A_398 : i32 to vector<16xi32>
    %shift_right_logical3A_400 = arith.shrui %get3A_388, %shift_right_logical3A_399 : vector<16xi32>
    %swap3A_401 = arith.constant 3 : i32
    %swap3A_402 = arith.index_cast %swap3A_401 : i32 to index
    %swap3A_403 = arith.constant 32 : index
    %swap3A_404 = tpu.vector_load %arg7[%swap3A_402, %swap3A_403] {strides = array<i32>} : memref<4x64xi32, #tpu.memory_space<vmem>>, vector<1x16xi32>,
    %swap3A_405 = vector.shape_cast %swap3A_404 : vector<1x16xi32> to vector<16xi32>
    %swap3A_406 = vector.shape_cast %shift_right_logical3A_400 : vector<16xi32> to vector<1x16xi32>
    tpu.vector_store %arg7[%swap3A_402, %swap3A_403], %swap3A_406 {strides = array<i32>} : memref<4x64xi32, #tpu.memory_space<vmem>>, vector<1x16xi32>,
    %get3A_407 = arith.constant 1 : i32
    %get3A_408 = arith.index_cast %get3A_407 : i32 to index
    %get3A_409 = arith.constant 112 : index
    %get3A_410 = tpu.vector_load %arg5[%get3A_408, %get3A_409] {strides = array<i32>} : memref<80x128xi32, #tpu.memory_space<vmem>>, vector<1x16xi32>,
    %get3A_411 = vector.shape_cast %get3A_410 : vector<1x16xi32> to vector<16xi32>
    %and3A_412 = arith.constant 65535 : i32
    %and3A_413 = vector.broadcast %and3A_412 : i32 to vector<16xi32>
    %and3A_414 = arith.andi %get3A_411, %and3A_413 : vector<16xi32>
    %swap3A_415 = arith.constant 3 : i32
    %swap3A_416 = arith.index_cast %swap3A_415 : i32 to index
    %swap3A_417 = arith.constant 48 : index
    %swap3A_418 = tpu.vector_load %arg6[%swap3A_416, %swap3A_417] {strides = array<i32>} : memref<4x64xi32, #tpu.memory_space<vmem>>, vector<1x16xi32>,
    %swap3A_419 = vector.shape_cast %swap3A_418 : vector<1x16xi32> to vector<16xi32>
    %swap3A_420 = vector.shape_cast %and3A_414 : vector<16xi32> to vector<1x16xi32>
    tpu.vector_store %arg6[%swap3A_416, %swap3A_417], %swap3A_420 {strides = array<i32>} : memref<4x64xi32, #tpu.memory_space<vmem>>, vector<1x16xi32>,
    %shift_right_logical3A_421 = arith.constant 16 : i32
    %shift_right_logical3A_422 = vector.broadcast %shift_right_logical3A_421 : i32 to vector<16xi32>
    %shift_right_logical3A_423 = arith.shrui %get3A_411, %shift_right_logical3A_422 : vector<16xi32>
    %swap3A_424 = arith.constant 3 : i32
    %swap3A_425 = arith.index_cast %swap3A_424 : i32 to index
    %swap3A_426 = arith.constant 48 : index
    %swap3A_427 = tpu.vector_load %arg7[%swap3A_425, %swap3A_426] {strides = array<i32>} : memref<4x64xi32, #tpu.memory_space<vmem>>, vector<1x16xi32>,
    %swap3A_428 = vector.shape_cast %swap3A_427 : vector<1x16xi32> to vector<16xi32>
    %swap3A_429 = vector.shape_cast %shift_right_logical3A_423 : vector<16xi32> to vector<1x16xi32>
    tpu.vector_store %arg7[%swap3A_425, %swap3A_426], %swap3A_429 {strides = array<i32>} : memref<4x64xi32, #tpu.memory_space<vmem>>, vector<1x16xi32>,
    %dma_start3A_430 = arith.constant 3 : i32
    %dma_start3A_431 = arith.constant 0 : i32
    %dma_start3A_432 = tpu.memref_slice %arg6[%dma_start3A_430, %dma_start3A_431] : memref<4x64xi32, #tpu.memory_space<vmem>> -> memref<1x64xi32, #tpu.memory_space<vmem>>
    %dma_start3A_433 = tpu.memref_squeeze %dma_start3A_432 : memref<1x64xi32, #tpu.memory_space<vmem>> -> memref<64xi32, #tpu.memory_space<vmem>>
    %dma_start3A_434 = arith.constant 0 : i32
    %dma_start3A_435 = arith.constant 0 : i32
    %dma_start3A_436 = tpu.memref_slice %arg2[%dma_start3A_434, %dma_start3A_435] : memref<10000x128xf32, #tpu.memory_space<hbm>> -> memref<10000x128xf32, #tpu.memory_space<hbm>>
    tpu.enqueue_indirect_dma source(%dma_start3A_436 : memref<10000x128xf32, #tpu.memory_space<hbm>>) target(%arg11 : memref<64x128xf32, #tpu.memory_space<vmem>>) offsets(%dma_start3A_433 : memref<64xi32, #tpu.memory_space<vmem>>) semaphore(%arg16 : memref<!tpu.dma_semaphore, #tpu.memory_space<semaphore_mem>>)
    %dma_wait3A_437 = arith.constant 2 : i32
    %dma_wait3A_438 = arith.constant 0 : i32
    %dma_wait3A_439 = tpu.memref_slice %arg6[%dma_wait3A_437, %dma_wait3A_438] : memref<4x64xi32, #tpu.memory_space<vmem>> -> memref<1x64xi32, #tpu.memory_space<vmem>>
    %dma_wait3A_440 = tpu.memref_squeeze %dma_wait3A_439 : memref<1x64xi32, #tpu.memory_space<vmem>> -> memref<64xi32, #tpu.memory_space<vmem>>
    %dma_wait3A_441 = arith.constant 0 : i32
    %dma_wait3A_442 = arith.constant 0 : i32
    %dma_wait3A_443 = tpu.memref_slice %arg2[%dma_wait3A_441, %dma_wait3A_442] : memref<10000x128xf32, #tpu.memory_space<hbm>> -> memref<10000x128xf32, #tpu.memory_space<hbm>>
    tpu.wait_indirect_dma semaphore(%arg15 : memref<!tpu.dma_semaphore, #tpu.memory_space<semaphore_mem>>) src(%dma_wait3A_443 : memref<10000x128xf32, #tpu.memory_space<hbm>>) dst(%arg10 : memref<64x128xf32, #tpu.memory_space<vmem>>)
    %dma_start3A_444 = arith.constant 2 : i32
    %dma_start3A_445 = arith.constant 0 : i32
    %dma_start3A_446 = tpu.memref_slice %arg7[%dma_start3A_444, %dma_start3A_445] : memref<4x64xi32, #tpu.memory_space<vmem>> -> memref<1x64xi32, #tpu.memory_space<vmem>>
    %dma_start3A_447 = tpu.memref_squeeze %dma_start3A_446 : memref<1x64xi32, #tpu.memory_space<vmem>> -> memref<64xi32, #tpu.memory_space<vmem>>
    %dma_start3A_448 = arith.constant 0 : i32
    %dma_start3A_449 = arith.constant 0 : i32
    %dma_start3A_450 = tpu.memref_slice %arg12[%dma_start3A_448, %dma_start3A_449] : memref<10112x128xf32, #tpu.memory_space<vmem_shared>> -> memref<10112x128xf32, #tpu.memory_space<vmem_shared>>
    tpu.enqueue_indirect_dma source(%arg10 : memref<64x128xf32, #tpu.memory_space<vmem>>) target(%dma_start3A_450 : memref<10112x128xf32, #tpu.memory_space<vmem_shared>>) offsets(%dma_start3A_447 : memref<64xi32, #tpu.memory_space<vmem>>) semaphore(%arg19 : memref<!tpu.dma_semaphore, #tpu.memory_space<semaphore_mem>>) {add = true}
    %dma_wait3A_451 = arith.constant 0 : i32
    %dma_wait3A_452 = arith.constant 0 : i32
    %dma_wait3A_453 = tpu.memref_slice %arg7[%dma_wait3A_451, %dma_wait3A_452] : memref<4x64xi32, #tpu.memory_space<vmem>> -> memref<1x64xi32, #tpu.memory_space<vmem>>
    %dma_wait3A_454 = tpu.memref_squeeze %dma_wait3A_453 : memref<1x64xi32, #tpu.memory_space<vmem>> -> memref<64xi32, #tpu.memory_space<vmem>>
    %dma_wait3A_455 = arith.constant 0 : i32
    %dma_wait3A_456 = arith.constant 0 : i32
    %dma_wait3A_457 = tpu.memref_slice %arg12[%dma_wait3A_455, %dma_wait3A_456] : memref<10112x128xf32, #tpu.memory_space<vmem_shared>> -> memref<10112x128xf32, #tpu.memory_space<vmem_shared>>
    tpu.wait_indirect_dma semaphore(%arg17 : memref<!tpu.dma_semaphore, #tpu.memory_space<semaphore_mem>>) src(%arg8 : memref<64x128xf32, #tpu.memory_space<vmem>>) dst(%dma_wait3A_457 : memref<10112x128xf32, #tpu.memory_space<vmem_shared>>)
    %get3A_458 = arith.constant 2 : i32
    %get3A_459 = arith.index_cast %get3A_458 : i32 to index
    %get3A_460 = arith.constant 0 : index
    %get3A_461 = tpu.vector_load %arg5[%get3A_459, %get3A_460] {strides = array<i32>} : memref<80x128xi32, #tpu.memory_space<vmem>>, vector<1x16xi32>,
    %get3A_462 = vector.shape_cast %get3A_461 : vector<1x16xi32> to vector<16xi32>
    %and3A_463 = arith.constant 65535 : i32
    %and3A_464 = vector.broadcast %and3A_463 : i32 to vector<16xi32>
    %and3A_465 = arith.andi %get3A_462, %and3A_464 : vector<16xi32>
    %swap3A_466 = arith.constant 0 : i32
    %swap3A_467 = arith.index_cast %swap3A_466 : i32 to index
    %swap3A_468 = arith.constant 0 : index
    %swap3A_469 = tpu.vector_load %arg6[%swap3A_467, %swap3A_468] {strides = array<i32>} : memref<4x64xi32, #tpu.memory_space<vmem>>, vector<1x16xi32>,
    %swap3A_470 = vector.shape_cast %swap3A_469 : vector<1x16xi32> to vector<16xi32>
    %swap3A_471 = vector.shape_cast %and3A_465 : vector<16xi32> to vector<1x16xi32>
    tpu.vector_store %arg6[%swap3A_467, %swap3A_468], %swap3A_471 {strides = array<i32>} : memref<4x64xi32, #tpu.memory_space<vmem>>, vector<1x16xi32>,
    %shift_right_logical3A_472 = arith.constant 16 : i32
    %shift_right_logical3A_473 = vector.broadcast %shift_right_logical3A_472 : i32 to vector<16xi32>
    %shift_right_logical3A_474 = arith.shrui %get3A_462, %shift_right_logical3A_473 : vector<16xi32>
    %swap3A_475 = arith.constant 0 : i32
    %swap3A_476 = arith.index_cast %swap3A_475 : i32 to index
    %swap3A_477 = arith.constant 0 : index
    %swap3A_478 = tpu.vector_load %arg7[%swap3A_476, %swap3A_477] {strides = array<i32>} : memref<4x64xi32, #tpu.memory_space<vmem>>, vector<1x16xi32>,
    %swap3A_479 = vector.shape_cast %swap3A_478 : vector<1x16xi32> to vector<16xi32>
    %swap3A_480 = vector.shape_cast %shift_right_logical3A_474 : vector<16xi32> to vector<1x16xi32>
    tpu.vector_store %arg7[%swap3A_476, %swap3A_477], %swap3A_480 {strides = array<i32>} : memref<4x64xi32, #tpu.memory_space<vmem>>, vector<1x16xi32>,
    %get3A_481 = arith.constant 2 : i32
    %get3A_482 = arith.index_cast %get3A_481 : i32 to index
    %get3A_483 = arith.constant 16 : index
    %get3A_484 = tpu.vector_load %arg5[%get3A_482, %get3A_483] {strides = array<i32>} : memref<80x128xi32, #tpu.memory_space<vmem>>, vector<1x16xi32>,
    %get3A_485 = vector.shape_cast %get3A_484 : vector<1x16xi32> to vector<16xi32>
    %and3A_486 = arith.constant 65535 : i32
    %and3A_487 = vector.broadcast %and3A_486 : i32 to vector<16xi32>
    %and3A_488 = arith.andi %get3A_485, %and3A_487 : vector<16xi32>
    %swap3A_489 = arith.constant 0 : i32
    %swap3A_490 = arith.index_cast %swap3A_489 : i32 to index
    %swap3A_491 = arith.constant 16 : index
    %swap3A_492 = tpu.vector_load %arg6[%swap3A_490, %swap3A_491] {strides = array<i32>} : memref<4x64xi32, #tpu.memory_space<vmem>>, vector<1x16xi32>,
    %swap3A_493 = vector.shape_cast %swap3A_492 : vector<1x16xi32> to vector<16xi32>
    %swap3A_494 = vector.shape_cast %and3A_488 : vector<16xi32> to vector<1x16xi32>
    tpu.vector_store %arg6[%swap3A_490, %swap3A_491], %swap3A_494 {strides = array<i32>} : memref<4x64xi32, #tpu.memory_space<vmem>>, vector<1x16xi32>,
    %shift_right_logical3A_495 = arith.constant 16 : i32
    %shift_right_logical3A_496 = vector.broadcast %shift_right_logical3A_495 : i32 to vector<16xi32>
    %shift_right_logical3A_497 = arith.shrui %get3A_485, %shift_right_logical3A_496 : vector<16xi32>
    %swap3A_498 = arith.constant 0 : i32
    %swap3A_499 = arith.index_cast %swap3A_498 : i32 to index
    %swap3A_500 = arith.constant 16 : index
    %swap3A_501 = tpu.vector_load %arg7[%swap3A_499, %swap3A_500] {strides = array<i32>} : memref<4x64xi32, #tpu.memory_space<vmem>>, vector<1x16xi32>,
    %swap3A_502 = vector.shape_cast %swap3A_501 : vector<1x16xi32> to vector<16xi32>
    %swap3A_503 = vector.shape_cast %shift_right_logical3A_497 : vector<16xi32> to vector<1x16xi32>
    tpu.vector_store %arg7[%swap3A_499, %swap3A_500], %swap3A_503 {strides = array<i32>} : memref<4x64xi32, #tpu.memory_space<vmem>>, vector<1x16xi32>,
    %get3A_504 = arith.constant 2 : i32
    %get3A_505 = arith.index_cast %get3A_504 : i32 to index
    %get3A_506 = arith.constant 32 : index
    %get3A_507 = tpu.vector_load %arg5[%get3A_505, %get3A_506] {strides = array<i32>} : memref<80x128xi32, #tpu.memory_space<vmem>>, vector<1x16xi32>,
    %get3A_508 = vector.shape_cast %get3A_507 : vector<1x16xi32> to vector<16xi32>
    %and3A_509 = arith.constant 65535 : i32
    %and3A_510 = vector.broadcast %and3A_509 : i32 to vector<16xi32>
    %and3A_511 = arith.andi %get3A_508, %and3A_510 : vector<16xi32>
    %swap3A_512 = arith.constant 0 : i32
    %swap3A_513 = arith.index_cast %swap3A_512 : i32 to index
    %swap3A_514 = arith.constant 32 : index
    %swap3A_515 = tpu.vector_load %arg6[%swap3A_513, %swap3A_514] {strides = array<i32>} : memref<4x64xi32, #tpu.memory_space<vmem>>, vector<1x16xi32>,
    %swap3A_516 = vector.shape_cast %swap3A_515 : vector<1x16xi32> to vector<16xi32>
    %swap3A_517 = vector.shape_cast %and3A_511 : vector<16xi32> to vector<1x16xi32>
    tpu.vector_store %arg6[%swap3A_513, %swap3A_514], %swap3A_517 {strides = array<i32>} : memref<4x64xi32, #tpu.memory_space<vmem>>, vector<1x16xi32>,
    %shift_right_logical3A_518 = arith.constant 16 : i32
    %shift_right_logical3A_519 = vector.broadcast %shift_right_logical3A_518 : i32 to vector<16xi32>
    %shift_right_logical3A_520 = arith.shrui %get3A_508, %shift_right_logical3A_519 : vector<16xi32>
    %swap3A_521 = arith.constant 0 : i32
    %swap3A_522 = arith.index_cast %swap3A_521 : i32 to index
    %swap3A_523 = arith.constant 32 : index
    %swap3A_524 = tpu.vector_load %arg7[%swap3A_522, %swap3A_523] {strides = array<i32>} : memref<4x64xi32, #tpu.memory_space<vmem>>, vector<1x16xi32>,
    %swap3A_525 = vector.shape_cast %swap3A_524 : vector<1x16xi32> to vector<16xi32>
    %swap3A_526 = vector.shape_cast %shift_right_logical3A_520 : vector<16xi32> to vector<1x16xi32>
    tpu.vector_store %arg7[%swap3A_522, %swap3A_523], %swap3A_526 {strides = array<i32>} : memref<4x64xi32, #tpu.memory_space<vmem>>, vector<1x16xi32>,
    %get3A_527 = arith.constant 2 : i32
    %get3A_528 = arith.index_cast %get3A_527 : i32 to index
    %get3A_529 = arith.constant 48 : index
    %get3A_530 = tpu.vector_load %arg5[%get3A_528, %get3A_529] {strides = array<i32>} : memref<80x128xi32, #tpu.memory_space<vmem>>, vector<1x16xi32>,
    %get3A_531 = vector.shape_cast %get3A_530 : vector<1x16xi32> to vector<16xi32>
    %and3A_532 = arith.constant 65535 : i32
    %and3A_533 = vector.broadcast %and3A_532 : i32 to vector<16xi32>
    %and3A_534 = arith.andi %get3A_531, %and3A_533 : vector<16xi32>
    %swap3A_535 = arith.constant 0 : i32
    %swap3A_536 = arith.index_cast %swap3A_535 : i32 to index
    %swap3A_537 = arith.constant 48 : index
    %swap3A_538 = tpu.vector_load %arg6[%swap3A_536, %swap3A_537] {strides = array<i32>} : memref<4x64xi32, #tpu.memory_space<vmem>>, vector<1x16xi32>,
    %swap3A_539 = vector.shape_cast %swap3A_538 : vector<1x16xi32> to vector<16xi32>
    %swap3A_540 = vector.shape_cast %and3A_534 : vector<16xi32> to vector<1x16xi32>
    tpu.vector_store %arg6[%swap3A_536, %swap3A_537], %swap3A_540 {strides = array<i32>} : memref<4x64xi32, #tpu.memory_space<vmem>>, vector<1x16xi32>,
    %shift_right_logical3A_541 = arith.constant 16 : i32
    %shift_right_logical3A_542 = vector.broadcast %shift_right_logical3A_541 : i32 to vector<16xi32>
    %shift_right_logical3A_543 = arith.shrui %get3A_531, %shift_right_logical3A_542 : vector<16xi32>
    %swap3A_544 = arith.constant 0 : i32
    %swap3A_545 = arith.index_cast %swap3A_544 : i32 to index
    %swap3A_546 = arith.constant 48 : index
    %swap3A_547 = tpu.vector_load %arg7[%swap3A_545, %swap3A_546] {strides = array<i32>} : memref<4x64xi32, #tpu.memory_space<vmem>>, vector<1x16xi32>,
    %swap3A_548 = vector.shape_cast %swap3A_547 : vector<1x16xi32> to vector<16xi32>
    %swap3A_549 = vector.shape_cast %shift_right_logical3A_543 : vector<16xi32> to vector<1x16xi32>
    tpu.vector_store %arg7[%swap3A_545, %swap3A_546], %swap3A_549 {strides = array<i32>} : memref<4x64xi32, #tpu.memory_space<vmem>>, vector<1x16xi32>,
    %dma_start3A_550 = arith.constant 0 : i32
    %dma_start3A_551 = arith.constant 0 : i32
    %dma_start3A_552 = tpu.memref_slice %arg6[%dma_start3A_550, %dma_start3A_551] : memref<4x64xi32, #tpu.memory_space<vmem>> -> memref<1x64xi32, #tpu.memory_space<vmem>>
    %dma_start3A_553 = tpu.memref_squeeze %dma_start3A_552 : memref<1x64xi32, #tpu.memory_space<vmem>> -> memref<64xi32, #tpu.memory_space<vmem>>
    %dma_start3A_554 = arith.constant 0 : i32
    %dma_start3A_555 = arith.constant 0 : i32
    %dma_start3A_556 = tpu.memref_slice %arg2[%dma_start3A_554, %dma_start3A_555] : memref<10000x128xf32, #tpu.memory_space<hbm>> -> memref<10000x128xf32, #tpu.memory_space<hbm>>
    tpu.enqueue_indirect_dma source(%dma_start3A_556 : memref<10000x128xf32, #tpu.memory_space<hbm>>) target(%arg8 : memref<64x128xf32, #tpu.memory_space<vmem>>) offsets(%dma_start3A_553 : memref<64xi32, #tpu.memory_space<vmem>>) semaphore(%arg13 : memref<!tpu.dma_semaphore, #tpu.memory_space<semaphore_mem>>)
    %dma_wait3A_557 = arith.constant 3 : i32
    %dma_wait3A_558 = arith.constant 0 : i32
    %dma_wait3A_559 = tpu.memref_slice %arg6[%dma_wait3A_557, %dma_wait3A_558] : memref<4x64xi32, #tpu.memory_space<vmem>> -> memref<1x64xi32, #tpu.memory_space<vmem>>
    %dma_wait3A_560 = tpu.memref_squeeze %dma_wait3A_559 : memref<1x64xi32, #tpu.memory_space<vmem>> -> memref<64xi32, #tpu.memory_space<vmem>>
    %dma_wait3A_561 = arith.constant 0 : i32
    %dma_wait3A_562 = arith.constant 0 : i32
    %dma_wait3A_563 = tpu.memref_slice %arg2[%dma_wait3A_561, %dma_wait3A_562] : memref<10000x128xf32, #tpu.memory_space<hbm>> -> memref<10000x128xf32, #tpu.memory_space<hbm>>
    tpu.wait_indirect_dma semaphore(%arg16 : memref<!tpu.dma_semaphore, #tpu.memory_space<semaphore_mem>>) src(%dma_wait3A_563 : memref<10000x128xf32, #tpu.memory_space<hbm>>) dst(%arg11 : memref<64x128xf32, #tpu.memory_space<vmem>>)
    %dma_start3A_564 = arith.constant 3 : i32
    %dma_start3A_565 = arith.constant 0 : i32
    %dma_start3A_566 = tpu.memref_slice %arg7[%dma_start3A_564, %dma_start3A_565] : memref<4x64xi32, #tpu.memory_space<vmem>> -> memref<1x64xi32, #tpu.memory_space<vmem>>
    %dma_start3A_567 = tpu.memref_squeeze %dma_start3A_566 : memref<1x64xi32, #tpu.memory_space<vmem>> -> memref<64xi32, #tpu.memory_space<vmem>>
    %dma_start3A_568 = arith.constant 0 : i32
    %dma_start3A_569 = arith.constant 0 : i32
    %dma_start3A_570 = tpu.memref_slice %arg12[%dma_start3A_568, %dma_start3A_569] : memref<10112x128xf32, #tpu.memory_space<vmem_shared>> -> memref<10112x128xf32, #tpu.memory_space<vmem_shared>>
    tpu.enqueue_indirect_dma source(%arg11 : memref<64x128xf32, #tpu.memory_space<vmem>>) target(%dma_start3A_570 : memref<10112x128xf32, #tpu.memory_space<vmem_shared>>) offsets(%dma_start3A_567 : memref<64xi32, #tpu.memory_space<vmem>>) semaphore(%arg20 : memref<!tpu.dma_semaphore, #tpu.memory_space<semaphore_mem>>) {add = true}
    %dma_wait3A_571 = arith.constant 1 : i32
    %dma_wait3A_572 = arith.constant 0 : i32
    %dma_wait3A_573 = tpu.memref_slice %arg7[%dma_wait3A_571, %dma_wait3A_572] : memref<4x64xi32, #tpu.memory_space<vmem>> -> memref<1x64xi32, #tpu.memory_space<vmem>>
    %dma_wait3A_574 = tpu.memref_squeeze %dma_wait3A_573 : memref<1x64xi32, #tpu.memory_space<vmem>> -> memref<64xi32, #tpu.memory_space<vmem>>
    %dma_wait3A_575 = arith.constant 0 : i32
    %dma_wait3A_576 = arith.constant 0 : i32
    %dma_wait3A_577 = tpu.memref_slice %arg12[%dma_wait3A_575, %dma_wait3A_576] : memref<10112x128xf32, #tpu.memory_space<vmem_shared>> -> memref<10112x128xf32, #tpu.memory_space<vmem_shared>>
    tpu.wait_indirect_dma semaphore(%arg18 : memref<!tpu.dma_semaphore, #tpu.memory_space<semaphore_mem>>) src(%arg9 : memref<64x128xf32, #tpu.memory_space<vmem>>) dst(%dma_wait3A_577 : memref<10112x128xf32, #tpu.memory_space<vmem_shared>>)
    %get3A_578 = arith.constant 2 : i32
    %get3A_579 = arith.index_cast %get3A_578 : i32 to index
    %get3A_580 = arith.constant 64 : index
    %get3A_581 = tpu.vector_load %arg5[%get3A_579, %get3A_580] {strides = array<i32>} : memref<80x128xi32, #tpu.memory_space<vmem>>, vector<1x16xi32>,
    %get3A_582 = vector.shape_cast %get3A_581 : vector<1x16xi32> to vector<16xi32>
    %and3A_583 = arith.constant 65535 : i32
    %and3A_584 = vector.broadcast %and3A_583 : i32 to vector<16xi32>
    %and3A_585 = arith.andi %get3A_582, %and3A_584 : vector<16xi32>
    %swap3A_586 = arith.constant 1 : i32
    %swap3A_587 = arith.index_cast %swap3A_586 : i32 to index
    %swap3A_588 = arith.constant 0 : index
    %swap3A_589 = tpu.vector_load %arg6[%swap3A_587, %swap3A_588] {strides = array<i32>} : memref<4x64xi32, #tpu.memory_space<vmem>>, vector<1x16xi32>,
    %swap3A_590 = vector.shape_cast %swap3A_589 : vector<1x16xi32> to vector<16xi32>
    %swap3A_591 = vector.shape_cast %and3A_585 : vector<16xi32> to vector<1x16xi32>
    tpu.vector_store %arg6[%swap3A_587, %swap3A_588], %swap3A_591 {strides = array<i32>} : memref<4x64xi32, #tpu.memory_space<vmem>>, vector<1x16xi32>,
    %shift_right_logical3A_592 = arith.constant 16 : i32
    %shift_right_logical3A_593 = vector.broadcast %shift_right_logical3A_592 : i32 to vector<16xi32>
    %shift_right_logical3A_594 = arith.shrui %get3A_582, %shift_right_logical3A_593 : vector<16xi32>
    %swap3A_595 = arith.constant 1 : i32
    %swap3A_596 = arith.index_cast %swap3A_595 : i32 to index
    %swap3A_597 = arith.constant 0 : index
    %swap3A_598 = tpu.vector_load %arg7[%swap3A_596, %swap3A_597] {strides = array<i32>} : memref<4x64xi32, #tpu.memory_space<vmem>>, vector<1x16xi32>,
    %swap3A_599 = vector.shape_cast %swap3A_598 : vector<1x16xi32> to vector<16xi32>
    %swap3A_600 = vector.shape_cast %shift_right_logical3A_594 : vector<16xi32> to vector<1x16xi32>
    tpu.vector_store %arg7[%swap3A_596, %swap3A_597], %swap3A_600 {strides = array<i32>} : memref<4x64xi32, #tpu.memory_space<vmem>>, vector<1x16xi32>,
    %get3A_601 = arith.constant 2 : i32
    %get3A_602 = arith.index_cast %get3A_601 : i32 to index
    %get3A_603 = arith.constant 80 : index
    %get3A_604 = tpu.vector_load %arg5[%get3A_602, %get3A_603] {strides = array<i32>} : memref<80x128xi32, #tpu.memory_space<vmem>>, vector<1x16xi32>,
    %get3A_605 = vector.shape_cast %get3A_604 : vector<1x16xi32> to vector<16xi32>
    %and3A_606 = arith.constant 65535 : i32
    %and3A_607 = vector.broadcast %and3A_606 : i32 to vector<16xi32>
    %and3A_608 = arith.andi %get3A_605, %and3A_607 : vector<16xi32>
    %swap3A_609 = arith.constant 1 : i32
    %swap3A_610 = arith.index_cast %swap3A_609 : i32 to index
    %swap3A_611 = arith.constant 16 : index
    %swap3A_612 = tpu.vector_load %arg6[%swap3A_610, %swap3A_611] {strides = array<i32>} : memref<4x64xi32, #tpu.memory_space<vmem>>, vector<1x16xi32>,
    %swap3A_613 = vector.shape_cast %swap3A_612 : vector<1x16xi32> to vector<16xi32>
    %swap3A_614 = vector.shape_cast %and3A_608 : vector<16xi32> to vector<1x16xi32>
    tpu.vector_store %arg6[%swap3A_610, %swap3A_611], %swap3A_614 {strides = array<i32>} : memref<4x64xi32, #tpu.memory_space<vmem>>, vector<1x16xi32>,
    %shift_right_logical3A_615 = arith.constant 16 : i32
    %shift_right_logical3A_616 = vector.broadcast %shift_right_logical3A_615 : i32 to vector<16xi32>
    %shift_right_logical3A_617 = arith.shrui %get3A_605, %shift_right_logical3A_616 : vector<16xi32>
    %swap3A_618 = arith.constant 1 : i32
    %swap3A_619 = arith.index_cast %swap3A_618 : i32 to index
    %swap3A_620 = arith.constant 16 : index
    %swap3A_621 = tpu.vector_load %arg7[%swap3A_619, %swap3A_620] {strides = array<i32>} : memref<4x64xi32, #tpu.memory_space<vmem>>, vector<1x16xi32>,
    %swap3A_622 = vector.shape_cast %swap3A_621 : vector<1x16xi32> to vector<16xi32>
    %swap3A_623 = vector.shape_cast %shift_right_logical3A_617 : vector<16xi32> to vector<1x16xi32>
    tpu.vector_store %arg7[%swap3A_619, %swap3A_620], %swap3A_623 {strides = array<i32>} : memref<4x64xi32, #tpu.memory_space<vmem>>, vector<1x16xi32>,
    %get3A_624 = arith.constant 2 : i32
    %get3A_625 = arith.index_cast %get3A_624 : i32 to index
    %get3A_626 = arith.constant 96 : index
    %get3A_627 = tpu.vector_load %arg5[%get3A_625, %get3A_626] {strides = array<i32>} : memref<80x128xi32, #tpu.memory_space<vmem>>, vector<1x16xi32>,
    %get3A_628 = vector.shape_cast %get3A_627 : vector<1x16xi32> to vector<16xi32>
    %and3A_629 = arith.constant 65535 : i32
    %and3A_630 = vector.broadcast %and3A_629 : i32 to vector<16xi32>
    %and3A_631 = arith.andi %get3A_628, %and3A_630 : vector<16xi32>
    %swap3A_632 = arith.constant 1 : i32
    %swap3A_633 = arith.index_cast %swap3A_632 : i32 to index
    %swap3A_634 = arith.constant 32 : index
    %swap3A_635 = tpu.vector_load %arg6[%swap3A_633, %swap3A_634] {strides = array<i32>} : memref<4x64xi32, #tpu.memory_space<vmem>>, vector<1x16xi32>,
    %swap3A_636 = vector.shape_cast %swap3A_635 : vector<1x16xi32> to vector<16xi32>
    %swap3A_637 = vector.shape_cast %and3A_631 : vector<16xi32> to vector<1x16xi32>
    tpu.vector_store %arg6[%swap3A_633, %swap3A_634], %swap3A_637 {strides = array<i32>} : memref<4x64xi32, #tpu.memory_space<vmem>>, vector<1x16xi32>,
    %shift_right_logical3A_638 = arith.constant 16 : i32
    %shift_right_logical3A_639 = vector.broadcast %shift_right_logical3A_638 : i32 to vector<16xi32>
    %shift_right_logical3A_640 = arith.shrui %get3A_628, %shift_right_logical3A_639 : vector<16xi32>
    %swap3A_641 = arith.constant 1 : i32
    %swap3A_642 = arith.index_cast %swap3A_641 : i32 to index
    %swap3A_643 = arith.constant 32 : index
    %swap3A_644 = tpu.vector_load %arg7[%swap3A_642, %swap3A_643] {strides = array<i32>} : memref<4x64xi32, #tpu.memory_space<vmem>>, vector<1x16xi32>,
    %swap3A_645 = vector.shape_cast %swap3A_644 : vector<1x16xi32> to vector<16xi32>
    %swap3A_646 = vector.shape_cast %shift_right_logical3A_640 : vector<16xi32> to vector<1x16xi32>
    tpu.vector_store %arg7[%swap3A_642, %swap3A_643], %swap3A_646 {strides = array<i32>} : memref<4x64xi32, #tpu.memory_space<vmem>>, vector<1x16xi32>,
    %get3A_647 = arith.constant 2 : i32
    %get3A_648 = arith.index_cast %get3A_647 : i32 to index
    %get3A_649 = arith.constant 112 : index
    %get3A_650 = tpu.vector_load %arg5[%get3A_648, %get3A_649] {strides = array<i32>} : memref<80x128xi32, #tpu.memory_space<vmem>>, vector<1x16xi32>,
    %get3A_651 = vector.shape_cast %get3A_650 : vector<1x16xi32> to vector<16xi32>
    %and3A_652 = arith.constant 65535 : i32
    %and3A_653 = vector.broadcast %and3A_652 : i32 to vector<16xi32>
    %and3A_654 = arith.andi %get3A_651, %and3A_653 : vector<16xi32>
    %swap3A_655 = arith.constant 1 : i32
    %swap3A_656 = arith.index_cast %swap3A_655 : i32 to index
    %swap3A_657 = arith.constant 48 : index
    %swap3A_658 = tpu.vector_load %arg6[%swap3A_656, %swap3A_657] {strides = array<i32>} : memref<4x64xi32, #tpu.memory_space<vmem>>, vector<1x16xi32>,
    %swap3A_659 = vector.shape_cast %swap3A_658 : vector<1x16xi32> to vector<16xi32>
    %swap3A_660 = vector.shape_cast %and3A_654 : vector<16xi32> to vector<1x16xi32>
    tpu.vector_store %arg6[%swap3A_656, %swap3A_657], %swap3A_660 {strides = array<i32>} : memref<4x64xi32, #tpu.memory_space<vmem>>, vector<1x16xi32>,
    %shift_right_logical3A_661 = arith.constant 16 : i32
    %shift_right_logical3A_662 = vector.broadcast %shift_right_logical3A_661 : i32 to vector<16xi32>
    %shift_right_logical3A_663 = arith.shrui %get3A_651, %shift_right_logical3A_662 : vector<16xi32>
    %swap3A_664 = arith.constant 1 : i32
    %swap3A_665 = arith.index_cast %swap3A_664 : i32 to index
    %swap3A_666 = arith.constant 48 : index
    %swap3A_667 = tpu.vector_load %arg7[%swap3A_665, %swap3A_666] {strides = array<i32>} : memref<4x64xi32, #tpu.memory_space<vmem>>, vector<1x16xi32>,
    %swap3A_668 = vector.shape_cast %swap3A_667 : vector<1x16xi32> to vector<16xi32>
    %swap3A_669 = vector.shape_cast %shift_right_logical3A_663 : vector<16xi32> to vector<1x16xi32>
    tpu.vector_store %arg7[%swap3A_665, %swap3A_666], %swap3A_669 {strides = array<i32>} : memref<4x64xi32, #tpu.memory_space<vmem>>, vector<1x16xi32>,
    %dma_start3A_670 = arith.constant 1 : i32
    %dma_start3A_671 = arith.constant 0 : i32
    %dma_start3A_672 = tpu.memref_slice %arg6[%dma_start3A_670, %dma_start3A_671] : memref<4x64xi32, #tpu.memory_space<vmem>> -> memref<1x64xi32, #tpu.memory_space<vmem>>
    %dma_start3A_673 = tpu.memref_squeeze %dma_start3A_672 : memref<1x64xi32, #tpu.memory_space<vmem>> -> memref<64xi32, #tpu.memory_space<vmem>>
    %dma_start3A_674 = arith.constant 0 : i32
    %dma_start3A_675 = arith.constant 0 : i32
    %dma_start3A_676 = tpu.memref_slice %arg2[%dma_start3A_674, %dma_start3A_675] : memref<10000x128xf32, #tpu.memory_space<hbm>> -> memref<10000x128xf32, #tpu.memory_space<hbm>>
    tpu.enqueue_indirect_dma source(%dma_start3A_676 : memref<10000x128xf32, #tpu.memory_space<hbm>>) target(%arg9 : memref<64x128xf32, #tpu.memory_space<vmem>>) offsets(%dma_start3A_673 : memref<64xi32, #tpu.memory_space<vmem>>) semaphore(%arg14 : memref<!tpu.dma_semaphore, #tpu.memory_space<semaphore_mem>>)
    %scan3A_677 = arith.constant 0 : i32
    %scan3A_678 = arith.constant 1 : i32
    %scan3A_679 = arith.constant 38 : i32
    %scan3A_680 = arith.addi %scan3A_678, %scan3A_679 : i32
    %scan3A_681 = arith.constant 1 : i32
    %scan3A_682 = scf.for %scan3A_981 = %scan3A_678 to %scan3A_680 step %scan3A_681 iter_args(%scan3A_982 = %scan3A_677) -> (i32)  : i32 {
      %dma_wait3A_983 = arith.constant 0 : i32
      %dma_wait3A_984 = arith.constant 0 : i32
      %dma_wait3A_985 = tpu.memref_slice %arg6[%dma_wait3A_983, %dma_wait3A_984] : memref<4x64xi32, #tpu.memory_space<vmem>> -> memref<1x64xi32, #tpu.memory_space<vmem>>
      %dma_wait3A_986 = tpu.memref_squeeze %dma_wait3A_985 : memref<1x64xi32, #tpu.memory_space<vmem>> -> memref<64xi32, #tpu.memory_space<vmem>>
      %dma_wait3A_987 = arith.constant 0 : i32
      %dma_wait3A_988 = arith.constant 0 : i32
      %dma_wait3A_989 = tpu.memref_slice %arg2[%dma_wait3A_987, %dma_wait3A_988] : memref<10000x128xf32, #tpu.memory_space<hbm>> -> memref<10000x128xf32, #tpu.memory_space<hbm>>
      tpu.wait_indirect_dma semaphore(%arg13 : memref<!tpu.dma_semaphore, #tpu.memory_space<semaphore_mem>>) src(%dma_wait3A_989 : memref<10000x128xf32, #tpu.memory_space<hbm>>) dst(%arg8 : memref<64x128xf32, #tpu.memory_space<vmem>>)
      %dma_start3A_990 = arith.constant 0 : i32
      %dma_start3A_991 = arith.constant 0 : i32
      %dma_start3A_992 = tpu.memref_slice %arg7[%dma_start3A_990, %dma_start3A_991] : memref<4x64xi32, #tpu.memory_space<vmem>> -> memref<1x64xi32, #tpu.memory_space<vmem>>
      %dma_start3A_993 = tpu.memref_squeeze %dma_start3A_992 : memref<1x64xi32, #tpu.memory_space<vmem>> -> memref<64xi32, #tpu.memory_space<vmem>>
      %dma_start3A_994 = arith.constant 0 : i32
      %dma_start3A_995 = arith.constant 0 : i32
      %dma_start3A_996 = tpu.memref_slice %arg12[%dma_start3A_994, %dma_start3A_995] : memref<10112x128xf32, #tpu.memory_space<vmem_shared>> -> memref<10112x128xf32, #tpu.memory_space<vmem_shared>>
      tpu.enqueue_indirect_dma source(%arg8 : memref<64x128xf32, #tpu.memory_space<vmem>>) target(%dma_start3A_996 : memref<10112x128xf32, #tpu.memory_space<vmem_shared>>) offsets(%dma_start3A_993 : memref<64xi32, #tpu.memory_space<vmem>>) semaphore(%arg17 : memref<!tpu.dma_semaphore, #tpu.memory_space<semaphore_mem>>) {add = true}
      %dma_wait3A_997 = arith.constant 2 : i32
      %dma_wait3A_998 = arith.constant 0 : i32
      %dma_wait3A_999 = tpu.memref_slice %arg7[%dma_wait3A_997, %dma_wait3A_998] : memref<4x64xi32, #tpu.memory_space<vmem>> -> memref<1x64xi32, #tpu.memory_space<vmem>>
      %dma_wait3A_1000 = tpu.memref_squeeze %dma_wait3A_999 : memref<1x64xi32, #tpu.memory_space<vmem>> -> memref<64xi32, #tpu.memory_space<vmem>>
      %dma_wait3A_1001 = arith.constant 0 : i32
      %dma_wait3A_1002 = arith.constant 0 : i32
      %dma_wait3A_1003 = tpu.memref_slice %arg12[%dma_wait3A_1001, %dma_wait3A_1002] : memref<10112x128xf32, #tpu.memory_space<vmem_shared>> -> memref<10112x128xf32, #tpu.memory_space<vmem_shared>>
      tpu.wait_indirect_dma semaphore(%arg19 : memref<!tpu.dma_semaphore, #tpu.memory_space<semaphore_mem>>) src(%arg10 : memref<64x128xf32, #tpu.memory_space<vmem>>) dst(%dma_wait3A_1003 : memref<10112x128xf32, #tpu.memory_space<vmem_shared>>)
      %mul3A_1004 = arith.constant 2 : i32
      %mul3A_1005 = arith.muli %mul3A_1004, %scan3A_981 : i32
      %add3A_1006 = arith.constant 1 : i32
      %add3A_1007 = arith.addi %mul3A_1005, %add3A_1006 : i32
      %add3A_1008 = arith.constant 0 : i32
      %add3A_1009 = arith.addi %add3A_1007, %add3A_1008 : i32
      %get3A_1010 = arith.index_cast %add3A_1009 : i32 to index
      %get3A_1011 = arith.constant 0 : index
      %get3A_1012 = tpu.vector_load %arg5[%get3A_1010, %get3A_1011] {strides = array<i32>} : memref<80x128xi32, #tpu.memory_space<vmem>>, vector<1x16xi32>,
      %get3A_1013 = vector.shape_cast %get3A_1012 : vector<1x16xi32> to vector<16xi32>
      %and3A_1014 = arith.constant 65535 : i32
      %and3A_1015 = vector.broadcast %and3A_1014 : i32 to vector<16xi32>
      %and3A_1016 = arith.andi %get3A_1013, %and3A_1015 : vector<16xi32>
      %swap3A_1017 = arith.constant 2 : i32
      %swap3A_1018 = arith.index_cast %swap3A_1017 : i32 to index
      %swap3A_1019 = arith.constant 0 : index
      %swap3A_1020 = tpu.vector_load %arg6[%swap3A_1018, %swap3A_1019] {strides = array<i32>} : memref<4x64xi32, #tpu.memory_space<vmem>>, vector<1x16xi32>,
      %swap3A_1021 = vector.shape_cast %swap3A_1020 : vector<1x16xi32> to vector<16xi32>
      %swap3A_1022 = vector.shape_cast %and3A_1016 : vector<16xi32> to vector<1x16xi32>
      tpu.vector_store %arg6[%swap3A_1018, %swap3A_1019], %swap3A_1022 {strides = array<i32>} : memref<4x64xi32, #tpu.memory_space<vmem>>, vector<1x16xi32>,
      %shift_right_logical3A_1023 = arith.constant 16 : i32
      %shift_right_logical3A_1024 = vector.broadcast %shift_right_logical3A_1023 : i32 to vector<16xi32>
      %shift_right_logical3A_1025 = arith.shrui %get3A_1013, %shift_right_logical3A_1024 : vector<16xi32>
      %swap3A_1026 = arith.constant 2 : i32
      %swap3A_1027 = arith.index_cast %swap3A_1026 : i32 to index
      %swap3A_1028 = arith.constant 0 : index
      %swap3A_1029 = tpu.vector_load %arg7[%swap3A_1027, %swap3A_1028] {strides = array<i32>} : memref<4x64xi32, #tpu.memory_space<vmem>>, vector<1x16xi32>,
      %swap3A_1030 = vector.shape_cast %swap3A_1029 : vector<1x16xi32> to vector<16xi32>
      %swap3A_1031 = vector.shape_cast %shift_right_logical3A_1025 : vector<16xi32> to vector<1x16xi32>
      tpu.vector_store %arg7[%swap3A_1027, %swap3A_1028], %swap3A_1031 {strides = array<i32>} : memref<4x64xi32, #tpu.memory_space<vmem>>, vector<1x16xi32>,
      %get3A_1032 = arith.index_cast %add3A_1009 : i32 to index
      %get3A_1033 = arith.constant 16 : index
      %get3A_1034 = tpu.vector_load %arg5[%get3A_1032, %get3A_1033] {strides = array<i32>} : memref<80x128xi32, #tpu.memory_space<vmem>>, vector<1x16xi32>,
      %get3A_1035 = vector.shape_cast %get3A_1034 : vector<1x16xi32> to vector<16xi32>
      %and3A_1036 = arith.constant 65535 : i32
      %and3A_1037 = vector.broadcast %and3A_1036 : i32 to vector<16xi32>
      %and3A_1038 = arith.andi %get3A_1035, %and3A_1037 : vector<16xi32>
      %swap3A_1039 = arith.constant 2 : i32
      %swap3A_1040 = arith.index_cast %swap3A_1039 : i32 to index
      %swap3A_1041 = arith.constant 16 : index
      %swap3A_1042 = tpu.vector_load %arg6[%swap3A_1040, %swap3A_1041] {strides = array<i32>} : memref<4x64xi32, #tpu.memory_space<vmem>>, vector<1x16xi32>,
      %swap3A_1043 = vector.shape_cast %swap3A_1042 : vector<1x16xi32> to vector<16xi32>
      %swap3A_1044 = vector.shape_cast %and3A_1038 : vector<16xi32> to vector<1x16xi32>
      tpu.vector_store %arg6[%swap3A_1040, %swap3A_1041], %swap3A_1044 {strides = array<i32>} : memref<4x64xi32, #tpu.memory_space<vmem>>, vector<1x16xi32>,
      %shift_right_logical3A_1045 = arith.constant 16 : i32
      %shift_right_logical3A_1046 = vector.broadcast %shift_right_logical3A_1045 : i32 to vector<16xi32>
      %shift_right_logical3A_1047 = arith.shrui %get3A_1035, %shift_right_logical3A_1046 : vector<16xi32>
      %swap3A_1048 = arith.constant 2 : i32
      %swap3A_1049 = arith.index_cast %swap3A_1048 : i32 to index
      %swap3A_1050 = arith.constant 16 : index
      %swap3A_1051 = tpu.vector_load %arg7[%swap3A_1049, %swap3A_1050] {strides = array<i32>} : memref<4x64xi32, #tpu.memory_space<vmem>>, vector<1x16xi32>,
      %swap3A_1052 = vector.shape_cast %swap3A_1051 : vector<1x16xi32> to vector<16xi32>
      %swap3A_1053 = vector.shape_cast %shift_right_logical3A_1047 : vector<16xi32> to vector<1x16xi32>
      tpu.vector_store %arg7[%swap3A_1049, %swap3A_1050], %swap3A_1053 {strides = array<i32>} : memref<4x64xi32, #tpu.memory_space<vmem>>, vector<1x16xi32>,
      %get3A_1054 = arith.index_cast %add3A_1009 : i32 to index
      %get3A_1055 = arith.constant 32 : index
      %get3A_1056 = tpu.vector_load %arg5[%get3A_1054, %get3A_1055] {strides = array<i32>} : memref<80x128xi32, #tpu.memory_space<vmem>>, vector<1x16xi32>,
      %get3A_1057 = vector.shape_cast %get3A_1056 : vector<1x16xi32> to vector<16xi32>
      %and3A_1058 = arith.constant 65535 : i32
      %and3A_1059 = vector.broadcast %and3A_1058 : i32 to vector<16xi32>
      %and3A_1060 = arith.andi %get3A_1057, %and3A_1059 : vector<16xi32>
      %swap3A_1061 = arith.constant 2 : i32
      %swap3A_1062 = arith.index_cast %swap3A_1061 : i32 to index
      %swap3A_1063 = arith.constant 32 : index
      %swap3A_1064 = tpu.vector_load %arg6[%swap3A_1062, %swap3A_1063] {strides = array<i32>} : memref<4x64xi32, #tpu.memory_space<vmem>>, vector<1x16xi32>,
      %swap3A_1065 = vector.shape_cast %swap3A_1064 : vector<1x16xi32> to vector<16xi32>
      %swap3A_1066 = vector.shape_cast %and3A_1060 : vector<16xi32> to vector<1x16xi32>
      tpu.vector_store %arg6[%swap3A_1062, %swap3A_1063], %swap3A_1066 {strides = array<i32>} : memref<4x64xi32, #tpu.memory_space<vmem>>, vector<1x16xi32>,
      %shift_right_logical3A_1067 = arith.constant 16 : i32
      %shift_right_logical3A_1068 = vector.broadcast %shift_right_logical3A_1067 : i32 to vector<16xi32>
      %shift_right_logical3A_1069 = arith.shrui %get3A_1057, %shift_right_logical3A_1068 : vector<16xi32>
      %swap3A_1070 = arith.constant 2 : i32
      %swap3A_1071 = arith.index_cast %swap3A_1070 : i32 to index
      %swap3A_1072 = arith.constant 32 : index
      %swap3A_1073 = tpu.vector_load %arg7[%swap3A_1071, %swap3A_1072] {strides = array<i32>} : memref<4x64xi32, #tpu.memory_space<vmem>>, vector<1x16xi32>,
      %swap3A_1074 = vector.shape_cast %swap3A_1073 : vector<1x16xi32> to vector<16xi32>
      %swap3A_1075 = vector.shape_cast %shift_right_logical3A_1069 : vector<16xi32> to vector<1x16xi32>
      tpu.vector_store %arg7[%swap3A_1071, %swap3A_1072], %swap3A_1075 {strides = array<i32>} : memref<4x64xi32, #tpu.memory_space<vmem>>, vector<1x16xi32>,
      %get3A_1076 = arith.index_cast %add3A_1009 : i32 to index
      %get3A_1077 = arith.constant 48 : index
      %get3A_1078 = tpu.vector_load %arg5[%get3A_1076, %get3A_1077] {strides = array<i32>} : memref<80x128xi32, #tpu.memory_space<vmem>>, vector<1x16xi32>,
      %get3A_1079 = vector.shape_cast %get3A_1078 : vector<1x16xi32> to vector<16xi32>
      %and3A_1080 = arith.constant 65535 : i32
      %and3A_1081 = vector.broadcast %and3A_1080 : i32 to vector<16xi32>
      %and3A_1082 = arith.andi %get3A_1079, %and3A_1081 : vector<16xi32>
      %swap3A_1083 = arith.constant 2 : i32
      %swap3A_1084 = arith.index_cast %swap3A_1083 : i32 to index
      %swap3A_1085 = arith.constant 48 : index
      %swap3A_1086 = tpu.vector_load %arg6[%swap3A_1084, %swap3A_1085] {strides = array<i32>} : memref<4x64xi32, #tpu.memory_space<vmem>>, vector<1x16xi32>,
      %swap3A_1087 = vector.shape_cast %swap3A_1086 : vector<1x16xi32> to vector<16xi32>
      %swap3A_1088 = vector.shape_cast %and3A_1082 : vector<16xi32> to vector<1x16xi32>
      tpu.vector_store %arg6[%swap3A_1084, %swap3A_1085], %swap3A_1088 {strides = array<i32>} : memref<4x64xi32, #tpu.memory_space<vmem>>, vector<1x16xi32>,
      %shift_right_logical3A_1089 = arith.constant 16 : i32
      %shift_right_logical3A_1090 = vector.broadcast %shift_right_logical3A_1089 : i32 to vector<16xi32>
      %shift_right_logical3A_1091 = arith.shrui %get3A_1079, %shift_right_logical3A_1090 : vector<16xi32>
      %swap3A_1092 = arith.constant 2 : i32
      %swap3A_1093 = arith.index_cast %swap3A_1092 : i32 to index
      %swap3A_1094 = arith.constant 48 : index
      %swap3A_1095 = tpu.vector_load %arg7[%swap3A_1093, %swap3A_1094] {strides = array<i32>} : memref<4x64xi32, #tpu.memory_space<vmem>>, vector<1x16xi32>,
      %swap3A_1096 = vector.shape_cast %swap3A_1095 : vector<1x16xi32> to vector<16xi32>
      %swap3A_1097 = vector.shape_cast %shift_right_logical3A_1091 : vector<16xi32> to vector<1x16xi32>
      tpu.vector_store %arg7[%swap3A_1093, %swap3A_1094], %swap3A_1097 {strides = array<i32>} : memref<4x64xi32, #tpu.memory_space<vmem>>, vector<1x16xi32>,
      %dma_start3A_1098 = arith.constant 2 : i32
      %dma_start3A_1099 = arith.constant 0 : i32
      %dma_start3A_1100 = tpu.memref_slice %arg6[%dma_start3A_1098, %dma_start3A_1099] : memref<4x64xi32, #tpu.memory_space<vmem>> -> memref<1x64xi32, #tpu.memory_space<vmem>>
      %dma_start3A_1101 = tpu.memref_squeeze %dma_start3A_1100 : memref<1x64xi32, #tpu.memory_space<vmem>> -> memref<64xi32, #tpu.memory_space<vmem>>
      %dma_start3A_1102 = arith.constant 0 : i32
      %dma_start3A_1103 = arith.constant 0 : i32
      %dma_start3A_1104 = tpu.memref_slice %arg2[%dma_start3A_1102, %dma_start3A_1103] : memref<10000x128xf32, #tpu.memory_space<hbm>> -> memref<10000x128xf32, #tpu.memory_space<hbm>>
      tpu.enqueue_indirect_dma source(%dma_start3A_1104 : memref<10000x128xf32, #tpu.memory_space<hbm>>) target(%arg10 : memref<64x128xf32, #tpu.memory_space<vmem>>) offsets(%dma_start3A_1101 : memref<64xi32, #tpu.memory_space<vmem>>) semaphore(%arg15 : memref<!tpu.dma_semaphore, #tpu.memory_space<semaphore_mem>>)
      %dma_wait3A_1105 = arith.constant 1 : i32
      %dma_wait3A_1106 = arith.constant 0 : i32
      %dma_wait3A_1107 = tpu.memref_slice %arg6[%dma_wait3A_1105, %dma_wait3A_1106] : memref<4x64xi32, #tpu.memory_space<vmem>> -> memref<1x64xi32, #tpu.memory_space<vmem>>
      %dma_wait3A_1108 = tpu.memref_squeeze %dma_wait3A_1107 : memref<1x64xi32, #tpu.memory_space<vmem>> -> memref<64xi32, #tpu.memory_space<vmem>>
      %dma_wait3A_1109 = arith.constant 0 : i32
      %dma_wait3A_1110 = arith.constant 0 : i32
      %dma_wait3A_1111 = tpu.memref_slice %arg2[%dma_wait3A_1109, %dma_wait3A_1110] : memref<10000x128xf32, #tpu.memory_space<hbm>> -> memref<10000x128xf32, #tpu.memory_space<hbm>>
      tpu.wait_indirect_dma semaphore(%arg14 : memref<!tpu.dma_semaphore, #tpu.memory_space<semaphore_mem>>) src(%dma_wait3A_1111 : memref<10000x128xf32, #tpu.memory_space<hbm>>) dst(%arg9 : memref<64x128xf32, #tpu.memory_space<vmem>>)
      %dma_start3A_1112 = arith.constant 1 : i32
      %dma_start3A_1113 = arith.constant 0 : i32
      %dma_start3A_1114 = tpu.memref_slice %arg7[%dma_start3A_1112, %dma_start3A_1113] : memref<4x64xi32, #tpu.memory_space<vmem>> -> memref<1x64xi32, #tpu.memory_space<vmem>>
      %dma_start3A_1115 = tpu.memref_squeeze %dma_start3A_1114 : memref<1x64xi32, #tpu.memory_space<vmem>> -> memref<64xi32, #tpu.memory_space<vmem>>
      %dma_start3A_1116 = arith.constant 0 : i32
      %dma_start3A_1117 = arith.constant 0 : i32
      %dma_start3A_1118 = tpu.memref_slice %arg12[%dma_start3A_1116, %dma_start3A_1117] : memref<10112x128xf32, #tpu.memory_space<vmem_shared>> -> memref<10112x128xf32, #tpu.memory_space<vmem_shared>>
      tpu.enqueue_indirect_dma source(%arg9 : memref<64x128xf32, #tpu.memory_space<vmem>>) target(%dma_start3A_1118 : memref<10112x128xf32, #tpu.memory_space<vmem_shared>>) offsets(%dma_start3A_1115 : memref<64xi32, #tpu.memory_space<vmem>>) semaphore(%arg18 : memref<!tpu.dma_semaphore, #tpu.memory_space<semaphore_mem>>) {add = true}
      %dma_wait3A_1119 = arith.constant 3 : i32
      %dma_wait3A_1120 = arith.constant 0 : i32
      %dma_wait3A_1121 = tpu.memref_slice %arg7[%dma_wait3A_1119, %dma_wait3A_1120] : memref<4x64xi32, #tpu.memory_space<vmem>> -> memref<1x64xi32, #tpu.memory_space<vmem>>
      %dma_wait3A_1122 = tpu.memref_squeeze %dma_wait3A_1121 : memref<1x64xi32, #tpu.memory_space<vmem>> -> memref<64xi32, #tpu.memory_space<vmem>>
      %dma_wait3A_1123 = arith.constant 0 : i32
      %dma_wait3A_1124 = arith.constant 0 : i32
      %dma_wait3A_1125 = tpu.memref_slice %arg12[%dma_wait3A_1123, %dma_wait3A_1124] : memref<10112x128xf32, #tpu.memory_space<vmem_shared>> -> memref<10112x128xf32, #tpu.memory_space<vmem_shared>>
      tpu.wait_indirect_dma semaphore(%arg20 : memref<!tpu.dma_semaphore, #tpu.memory_space<semaphore_mem>>) src(%arg11 : memref<64x128xf32, #tpu.memory_space<vmem>>) dst(%dma_wait3A_1125 : memref<10112x128xf32, #tpu.memory_space<vmem_shared>>)
      %mul3A_1126 = arith.constant 2 : i32
      %mul3A_1127 = arith.muli %mul3A_1126, %scan3A_981 : i32
      %add3A_1128 = arith.constant 1 : i32
      %add3A_1129 = arith.addi %mul3A_1127, %add3A_1128 : i32
      %add3A_1130 = arith.constant 0 : i32
      %add3A_1131 = arith.addi %add3A_1129, %add3A_1130 : i32
      %get3A_1132 = arith.index_cast %add3A_1131 : i32 to index
      %get3A_1133 = arith.constant 64 : index
      %get3A_1134 = tpu.vector_load %arg5[%get3A_1132, %get3A_1133] {strides = array<i32>} : memref<80x128xi32, #tpu.memory_space<vmem>>, vector<1x16xi32>,
      %get3A_1135 = vector.shape_cast %get3A_1134 : vector<1x16xi32> to vector<16xi32>
      %and3A_1136 = arith.constant 65535 : i32
      %and3A_1137 = vector.broadcast %and3A_1136 : i32 to vector<16xi32>
      %and3A_1138 = arith.andi %get3A_1135, %and3A_1137 : vector<16xi32>
      %swap3A_1139 = arith.constant 3 : i32
      %swap3A_1140 = arith.index_cast %swap3A_1139 : i32 to index
      %swap3A_1141 = arith.constant 0 : index
      %swap3A_1142 = tpu.vector_load %arg6[%swap3A_1140, %swap3A_1141] {strides = array<i32>} : memref<4x64xi32, #tpu.memory_space<vmem>>, vector<1x16xi32>,
      %swap3A_1143 = vector.shape_cast %swap3A_1142 : vector<1x16xi32> to vector<16xi32>
      %swap3A_1144 = vector.shape_cast %and3A_1138 : vector<16xi32> to vector<1x16xi32>
      tpu.vector_store %arg6[%swap3A_1140, %swap3A_1141], %swap3A_1144 {strides = array<i32>} : memref<4x64xi32, #tpu.memory_space<vmem>>, vector<1x16xi32>,
      %shift_right_logical3A_1145 = arith.constant 16 : i32
      %shift_right_logical3A_1146 = vector.broadcast %shift_right_logical3A_1145 : i32 to vector<16xi32>
      %shift_right_logical3A_1147 = arith.shrui %get3A_1135, %shift_right_logical3A_1146 : vector<16xi32>
      %swap3A_1148 = arith.constant 3 : i32
      %swap3A_1149 = arith.index_cast %swap3A_1148 : i32 to index
      %swap3A_1150 = arith.constant 0 : index
      %swap3A_1151 = tpu.vector_load %arg7[%swap3A_1149, %swap3A_1150] {strides = array<i32>} : memref<4x64xi32, #tpu.memory_space<vmem>>, vector<1x16xi32>,
      %swap3A_1152 = vector.shape_cast %swap3A_1151 : vector<1x16xi32> to vector<16xi32>
      %swap3A_1153 = vector.shape_cast %shift_right_logical3A_1147 : vector<16xi32> to vector<1x16xi32>
      tpu.vector_store %arg7[%swap3A_1149, %swap3A_1150], %swap3A_1153 {strides = array<i32>} : memref<4x64xi32, #tpu.memory_space<vmem>>, vector<1x16xi32>,
      %get3A_1154 = arith.index_cast %add3A_1131 : i32 to index
      %get3A_1155 = arith.constant 80 : index
      %get3A_1156 = tpu.vector_load %arg5[%get3A_1154, %get3A_1155] {strides = array<i32>} : memref<80x128xi32, #tpu.memory_space<vmem>>, vector<1x16xi32>,
      %get3A_1157 = vector.shape_cast %get3A_1156 : vector<1x16xi32> to vector<16xi32>
      %and3A_1158 = arith.constant 65535 : i32
      %and3A_1159 = vector.broadcast %and3A_1158 : i32 to vector<16xi32>
      %and3A_1160 = arith.andi %get3A_1157, %and3A_1159 : vector<16xi32>
      %swap3A_1161 = arith.constant 3 : i32
      %swap3A_1162 = arith.index_cast %swap3A_1161 : i32 to index
      %swap3A_1163 = arith.constant 16 : index
      %swap3A_1164 = tpu.vector_load %arg6[%swap3A_1162, %swap3A_1163] {strides = array<i32>} : memref<4x64xi32, #tpu.memory_space<vmem>>, vector<1x16xi32>,
      %swap3A_1165 = vector.shape_cast %swap3A_1164 : vector<1x16xi32> to vector<16xi32>
      %swap3A_1166 = vector.shape_cast %and3A_1160 : vector<16xi32> to vector<1x16xi32>
      tpu.vector_store %arg6[%swap3A_1162, %swap3A_1163], %swap3A_1166 {strides = array<i32>} : memref<4x64xi32, #tpu.memory_space<vmem>>, vector<1x16xi32>,
      %shift_right_logical3A_1167 = arith.constant 16 : i32
      %shift_right_logical3A_1168 = vector.broadcast %shift_right_logical3A_1167 : i32 to vector<16xi32>
      %shift_right_logical3A_1169 = arith.shrui %get3A_1157, %shift_right_logical3A_1168 : vector<16xi32>
      %swap3A_1170 = arith.constant 3 : i32
      %swap3A_1171 = arith.index_cast %swap3A_1170 : i32 to index
      %swap3A_1172 = arith.constant 16 : index
      %swap3A_1173 = tpu.vector_load %arg7[%swap3A_1171, %swap3A_1172] {strides = array<i32>} : memref<4x64xi32, #tpu.memory_space<vmem>>, vector<1x16xi32>,
      %swap3A_1174 = vector.shape_cast %swap3A_1173 : vector<1x16xi32> to vector<16xi32>
      %swap3A_1175 = vector.shape_cast %shift_right_logical3A_1169 : vector<16xi32> to vector<1x16xi32>
      tpu.vector_store %arg7[%swap3A_1171, %swap3A_1172], %swap3A_1175 {strides = array<i32>} : memref<4x64xi32, #tpu.memory_space<vmem>>, vector<1x16xi32>,
      %get3A_1176 = arith.index_cast %add3A_1131 : i32 to index
      %get3A_1177 = arith.constant 96 : index
      %get3A_1178 = tpu.vector_load %arg5[%get3A_1176, %get3A_1177] {strides = array<i32>} : memref<80x128xi32, #tpu.memory_space<vmem>>, vector<1x16xi32>,
      %get3A_1179 = vector.shape_cast %get3A_1178 : vector<1x16xi32> to vector<16xi32>
      %and3A_1180 = arith.constant 65535 : i32
      %and3A_1181 = vector.broadcast %and3A_1180 : i32 to vector<16xi32>
      %and3A_1182 = arith.andi %get3A_1179, %and3A_1181 : vector<16xi32>
      %swap3A_1183 = arith.constant 3 : i32
      %swap3A_1184 = arith.index_cast %swap3A_1183 : i32 to index
      %swap3A_1185 = arith.constant 32 : index
      %swap3A_1186 = tpu.vector_load %arg6[%swap3A_1184, %swap3A_1185] {strides = array<i32>} : memref<4x64xi32, #tpu.memory_space<vmem>>, vector<1x16xi32>,
      %swap3A_1187 = vector.shape_cast %swap3A_1186 : vector<1x16xi32> to vector<16xi32>
      %swap3A_1188 = vector.shape_cast %and3A_1182 : vector<16xi32> to vector<1x16xi32>
      tpu.vector_store %arg6[%swap3A_1184, %swap3A_1185], %swap3A_1188 {strides = array<i32>} : memref<4x64xi32, #tpu.memory_space<vmem>>, vector<1x16xi32>,
      %shift_right_logical3A_1189 = arith.constant 16 : i32
      %shift_right_logical3A_1190 = vector.broadcast %shift_right_logical3A_1189 : i32 to vector<16xi32>
      %shift_right_logical3A_1191 = arith.shrui %get3A_1179, %shift_right_logical3A_1190 : vector<16xi32>
      %swap3A_1192 = arith.constant 3 : i32
      %swap3A_1193 = arith.index_cast %swap3A_1192 : i32 to index
      %swap3A_1194 = arith.constant 32 : index
      %swap3A_1195 = tpu.vector_load %arg7[%swap3A_1193, %swap3A_1194] {strides = array<i32>} : memref<4x64xi32, #tpu.memory_space<vmem>>, vector<1x16xi32>,
      %swap3A_1196 = vector.shape_cast %swap3A_1195 : vector<1x16xi32> to vector<16xi32>
      %swap3A_1197 = vector.shape_cast %shift_right_logical3A_1191 : vector<16xi32> to vector<1x16xi32>
      tpu.vector_store %arg7[%swap3A_1193, %swap3A_1194], %swap3A_1197 {strides = array<i32>} : memref<4x64xi32, #tpu.memory_space<vmem>>, vector<1x16xi32>,
      %get3A_1198 = arith.index_cast %add3A_1131 : i32 to index
      %get3A_1199 = arith.constant 112 : index
      %get3A_1200 = tpu.vector_load %arg5[%get3A_1198, %get3A_1199] {strides = array<i32>} : memref<80x128xi32, #tpu.memory_space<vmem>>, vector<1x16xi32>,
      %get3A_1201 = vector.shape_cast %get3A_1200 : vector<1x16xi32> to vector<16xi32>
      %and3A_1202 = arith.constant 65535 : i32
      %and3A_1203 = vector.broadcast %and3A_1202 : i32 to vector<16xi32>
      %and3A_1204 = arith.andi %get3A_1201, %and3A_1203 : vector<16xi32>
      %swap3A_1205 = arith.constant 3 : i32
      %swap3A_1206 = arith.index_cast %swap3A_1205 : i32 to index
      %swap3A_1207 = arith.constant 48 : index
      %swap3A_1208 = tpu.vector_load %arg6[%swap3A_1206, %swap3A_1207] {strides = array<i32>} : memref<4x64xi32, #tpu.memory_space<vmem>>, vector<1x16xi32>,
      %swap3A_1209 = vector.shape_cast %swap3A_1208 : vector<1x16xi32> to vector<16xi32>
      %swap3A_1210 = vector.shape_cast %and3A_1204 : vector<16xi32> to vector<1x16xi32>
      tpu.vector_store %arg6[%swap3A_1206, %swap3A_1207], %swap3A_1210 {strides = array<i32>} : memref<4x64xi32, #tpu.memory_space<vmem>>, vector<1x16xi32>,
      %shift_right_logical3A_1211 = arith.constant 16 : i32
      %shift_right_logical3A_1212 = vector.broadcast %shift_right_logical3A_1211 : i32 to vector<16xi32>
      %shift_right_logical3A_1213 = arith.shrui %get3A_1201, %shift_right_logical3A_1212 : vector<16xi32>
      %swap3A_1214 = arith.constant 3 : i32
      %swap3A_1215 = arith.index_cast %swap3A_1214 : i32 to index
      %swap3A_1216 = arith.constant 48 : index
      %swap3A_1217 = tpu.vector_load %arg7[%swap3A_1215, %swap3A_1216] {strides = array<i32>} : memref<4x64xi32, #tpu.memory_space<vmem>>, vector<1x16xi32>,
      %swap3A_1218 = vector.shape_cast %swap3A_1217 : vector<1x16xi32> to vector<16xi32>
      %swap3A_1219 = vector.shape_cast %shift_right_logical3A_1213 : vector<16xi32> to vector<1x16xi32>
      tpu.vector_store %arg7[%swap3A_1215, %swap3A_1216], %swap3A_1219 {strides = array<i32>} : memref<4x64xi32, #tpu.memory_space<vmem>>, vector<1x16xi32>,
      %dma_start3A_1220 = arith.constant 3 : i32
      %dma_start3A_1221 = arith.constant 0 : i32
      %dma_start3A_1222 = tpu.memref_slice %arg6[%dma_start3A_1220, %dma_start3A_1221] : memref<4x64xi32, #tpu.memory_space<vmem>> -> memref<1x64xi32, #tpu.memory_space<vmem>>
      %dma_start3A_1223 = tpu.memref_squeeze %dma_start3A_1222 : memref<1x64xi32, #tpu.memory_space<vmem>> -> memref<64xi32, #tpu.memory_space<vmem>>
      %dma_start3A_1224 = arith.constant 0 : i32
      %dma_start3A_1225 = arith.constant 0 : i32
      %dma_start3A_1226 = tpu.memref_slice %arg2[%dma_start3A_1224, %dma_start3A_1225] : memref<10000x128xf32, #tpu.memory_space<hbm>> -> memref<10000x128xf32, #tpu.memory_space<hbm>>
      tpu.enqueue_indirect_dma source(%dma_start3A_1226 : memref<10000x128xf32, #tpu.memory_space<hbm>>) target(%arg11 : memref<64x128xf32, #tpu.memory_space<vmem>>) offsets(%dma_start3A_1223 : memref<64xi32, #tpu.memory_space<vmem>>) semaphore(%arg16 : memref<!tpu.dma_semaphore, #tpu.memory_space<semaphore_mem>>)
      %dma_wait3A_1227 = arith.constant 2 : i32
      %dma_wait3A_1228 = arith.constant 0 : i32
      %dma_wait3A_1229 = tpu.memref_slice %arg6[%dma_wait3A_1227, %dma_wait3A_1228] : memref<4x64xi32, #tpu.memory_space<vmem>> -> memref<1x64xi32, #tpu.memory_space<vmem>>
      %dma_wait3A_1230 = tpu.memref_squeeze %dma_wait3A_1229 : memref<1x64xi32, #tpu.memory_space<vmem>> -> memref<64xi32, #tpu.memory_space<vmem>>
      %dma_wait3A_1231 = arith.constant 0 : i32
      %dma_wait3A_1232 = arith.constant 0 : i32
      %dma_wait3A_1233 = tpu.memref_slice %arg2[%dma_wait3A_1231, %dma_wait3A_1232] : memref<10000x128xf32, #tpu.memory_space<hbm>> -> memref<10000x128xf32, #tpu.memory_space<hbm>>
      tpu.wait_indirect_dma semaphore(%arg15 : memref<!tpu.dma_semaphore, #tpu.memory_space<semaphore_mem>>) src(%dma_wait3A_1233 : memref<10000x128xf32, #tpu.memory_space<hbm>>) dst(%arg10 : memref<64x128xf32, #tpu.memory_space<vmem>>)
      %dma_start3A_1234 = arith.constant 2 : i32
      %dma_start3A_1235 = arith.constant 0 : i32
      %dma_start3A_1236 = tpu.memref_slice %arg7[%dma_start3A_1234, %dma_start3A_1235] : memref<4x64xi32, #tpu.memory_space<vmem>> -> memref<1x64xi32, #tpu.memory_space<vmem>>
      %dma_start3A_1237 = tpu.memref_squeeze %dma_start3A_1236 : memref<1x64xi32, #tpu.memory_space<vmem>> -> memref<64xi32, #tpu.memory_space<vmem>>
      %dma_start3A_1238 = arith.constant 0 : i32
      %dma_start3A_1239 = arith.constant 0 : i32
      %dma_start3A_1240 = tpu.memref_slice %arg12[%dma_start3A_1238, %dma_start3A_1239] : memref<10112x128xf32, #tpu.memory_space<vmem_shared>> -> memref<10112x128xf32, #tpu.memory_space<vmem_shared>>
      tpu.enqueue_indirect_dma source(%arg10 : memref<64x128xf32, #tpu.memory_space<vmem>>) target(%dma_start3A_1240 : memref<10112x128xf32, #tpu.memory_space<vmem_shared>>) offsets(%dma_start3A_1237 : memref<64xi32, #tpu.memory_space<vmem>>) semaphore(%arg19 : memref<!tpu.dma_semaphore, #tpu.memory_space<semaphore_mem>>) {add = true}
      %dma_wait3A_1241 = arith.constant 0 : i32
      %dma_wait3A_1242 = arith.constant 0 : i32
      %dma_wait3A_1243 = tpu.memref_slice %arg7[%dma_wait3A_1241, %dma_wait3A_1242] : memref<4x64xi32, #tpu.memory_space<vmem>> -> memref<1x64xi32, #tpu.memory_space<vmem>>
      %dma_wait3A_1244 = tpu.memref_squeeze %dma_wait3A_1243 : memref<1x64xi32, #tpu.memory_space<vmem>> -> memref<64xi32, #tpu.memory_space<vmem>>
      %dma_wait3A_1245 = arith.constant 0 : i32
      %dma_wait3A_1246 = arith.constant 0 : i32
      %dma_wait3A_1247 = tpu.memref_slice %arg12[%dma_wait3A_1245, %dma_wait3A_1246] : memref<10112x128xf32, #tpu.memory_space<vmem_shared>> -> memref<10112x128xf32, #tpu.memory_space<vmem_shared>>
      tpu.wait_indirect_dma semaphore(%arg17 : memref<!tpu.dma_semaphore, #tpu.memory_space<semaphore_mem>>) src(%arg8 : memref<64x128xf32, #tpu.memory_space<vmem>>) dst(%dma_wait3A_1247 : memref<10112x128xf32, #tpu.memory_space<vmem_shared>>)
      %mul3A_1248 = arith.constant 2 : i32
      %mul3A_1249 = arith.muli %mul3A_1248, %scan3A_981 : i32
      %add3A_1250 = arith.constant 1 : i32
      %add3A_1251 = arith.addi %mul3A_1249, %add3A_1250 : i32
      %add3A_1252 = arith.constant 1 : i32
      %add3A_1253 = arith.addi %add3A_1251, %add3A_1252 : i32
      %get3A_1254 = arith.index_cast %add3A_1253 : i32 to index
      %get3A_1255 = arith.constant 0 : index
      %get3A_1256 = tpu.vector_load %arg5[%get3A_1254, %get3A_1255] {strides = array<i32>} : memref<80x128xi32, #tpu.memory_space<vmem>>, vector<1x16xi32>,
      %get3A_1257 = vector.shape_cast %get3A_1256 : vector<1x16xi32> to vector<16xi32>
      %and3A_1258 = arith.constant 65535 : i32
      %and3A_1259 = vector.broadcast %and3A_1258 : i32 to vector<16xi32>
      %and3A_1260 = arith.andi %get3A_1257, %and3A_1259 : vector<16xi32>
      %swap3A_1261 = arith.constant 0 : i32
      %swap3A_1262 = arith.index_cast %swap3A_1261 : i32 to index
      %swap3A_1263 = arith.constant 0 : index
      %swap3A_1264 = tpu.vector_load %arg6[%swap3A_1262, %swap3A_1263] {strides = array<i32>} : memref<4x64xi32, #tpu.memory_space<vmem>>, vector<1x16xi32>,
      %swap3A_1265 = vector.shape_cast %swap3A_1264 : vector<1x16xi32> to vector<16xi32>
      %swap3A_1266 = vector.shape_cast %and3A_1260 : vector<16xi32> to vector<1x16xi32>
      tpu.vector_store %arg6[%swap3A_1262, %swap3A_1263], %swap3A_1266 {strides = array<i32>} : memref<4x64xi32, #tpu.memory_space<vmem>>, vector<1x16xi32>,
      %shift_right_logical3A_1267 = arith.constant 16 : i32
      %shift_right_logical3A_1268 = vector.broadcast %shift_right_logical3A_1267 : i32 to vector<16xi32>
      %shift_right_logical3A_1269 = arith.shrui %get3A_1257, %shift_right_logical3A_1268 : vector<16xi32>
      %swap3A_1270 = arith.constant 0 : i32
      %swap3A_1271 = arith.index_cast %swap3A_1270 : i32 to index
      %swap3A_1272 = arith.constant 0 : index
      %swap3A_1273 = tpu.vector_load %arg7[%swap3A_1271, %swap3A_1272] {strides = array<i32>} : memref<4x64xi32, #tpu.memory_space<vmem>>, vector<1x16xi32>,
      %swap3A_1274 = vector.shape_cast %swap3A_1273 : vector<1x16xi32> to vector<16xi32>
      %swap3A_1275 = vector.shape_cast %shift_right_logical3A_1269 : vector<16xi32> to vector<1x16xi32>
      tpu.vector_store %arg7[%swap3A_1271, %swap3A_1272], %swap3A_1275 {strides = array<i32>} : memref<4x64xi32, #tpu.memory_space<vmem>>, vector<1x16xi32>,
      %get3A_1276 = arith.index_cast %add3A_1253 : i32 to index
      %get3A_1277 = arith.constant 16 : index
      %get3A_1278 = tpu.vector_load %arg5[%get3A_1276, %get3A_1277] {strides = array<i32>} : memref<80x128xi32, #tpu.memory_space<vmem>>, vector<1x16xi32>,
      %get3A_1279 = vector.shape_cast %get3A_1278 : vector<1x16xi32> to vector<16xi32>
      %and3A_1280 = arith.constant 65535 : i32
      %and3A_1281 = vector.broadcast %and3A_1280 : i32 to vector<16xi32>
      %and3A_1282 = arith.andi %get3A_1279, %and3A_1281 : vector<16xi32>
      %swap3A_1283 = arith.constant 0 : i32
      %swap3A_1284 = arith.index_cast %swap3A_1283 : i32 to index
      %swap3A_1285 = arith.constant 16 : index
      %swap3A_1286 = tpu.vector_load %arg6[%swap3A_1284, %swap3A_1285] {strides = array<i32>} : memref<4x64xi32, #tpu.memory_space<vmem>>, vector<1x16xi32>,
      %swap3A_1287 = vector.shape_cast %swap3A_1286 : vector<1x16xi32> to vector<16xi32>
      %swap3A_1288 = vector.shape_cast %and3A_1282 : vector<16xi32> to vector<1x16xi32>
      tpu.vector_store %arg6[%swap3A_1284, %swap3A_1285], %swap3A_1288 {strides = array<i32>} : memref<4x64xi32, #tpu.memory_space<vmem>>, vector<1x16xi32>,
      %shift_right_logical3A_1289 = arith.constant 16 : i32
      %shift_right_logical3A_1290 = vector.broadcast %shift_right_logical3A_1289 : i32 to vector<16xi32>
      %shift_right_logical3A_1291 = arith.shrui %get3A_1279, %shift_right_logical3A_1290 : vector<16xi32>
      %swap3A_1292 = arith.constant 0 : i32
      %swap3A_1293 = arith.index_cast %swap3A_1292 : i32 to index
      %swap3A_1294 = arith.constant 16 : index
      %swap3A_1295 = tpu.vector_load %arg7[%swap3A_1293, %swap3A_1294] {strides = array<i32>} : memref<4x64xi32, #tpu.memory_space<vmem>>, vector<1x16xi32>,
      %swap3A_1296 = vector.shape_cast %swap3A_1295 : vector<1x16xi32> to vector<16xi32>
      %swap3A_1297 = vector.shape_cast %shift_right_logical3A_1291 : vector<16xi32> to vector<1x16xi32>
      tpu.vector_store %arg7[%swap3A_1293, %swap3A_1294], %swap3A_1297 {strides = array<i32>} : memref<4x64xi32, #tpu.memory_space<vmem>>, vector<1x16xi32>,
      %get3A_1298 = arith.index_cast %add3A_1253 : i32 to index
      %get3A_1299 = arith.constant 32 : index
      %get3A_1300 = tpu.vector_load %arg5[%get3A_1298, %get3A_1299] {strides = array<i32>} : memref<80x128xi32, #tpu.memory_space<vmem>>, vector<1x16xi32>,
      %get3A_1301 = vector.shape_cast %get3A_1300 : vector<1x16xi32> to vector<16xi32>
      %and3A_1302 = arith.constant 65535 : i32
      %and3A_1303 = vector.broadcast %and3A_1302 : i32 to vector<16xi32>
      %and3A_1304 = arith.andi %get3A_1301, %and3A_1303 : vector<16xi32>
      %swap3A_1305 = arith.constant 0 : i32
      %swap3A_1306 = arith.index_cast %swap3A_1305 : i32 to index
      %swap3A_1307 = arith.constant 32 : index
      %swap3A_1308 = tpu.vector_load %arg6[%swap3A_1306, %swap3A_1307] {strides = array<i32>} : memref<4x64xi32, #tpu.memory_space<vmem>>, vector<1x16xi32>,
      %swap3A_1309 = vector.shape_cast %swap3A_1308 : vector<1x16xi32> to vector<16xi32>
      %swap3A_1310 = vector.shape_cast %and3A_1304 : vector<16xi32> to vector<1x16xi32>
      tpu.vector_store %arg6[%swap3A_1306, %swap3A_1307], %swap3A_1310 {strides = array<i32>} : memref<4x64xi32, #tpu.memory_space<vmem>>, vector<1x16xi32>,
      %shift_right_logical3A_1311 = arith.constant 16 : i32
      %shift_right_logical3A_1312 = vector.broadcast %shift_right_logical3A_1311 : i32 to vector<16xi32>
      %shift_right_logical3A_1313 = arith.shrui %get3A_1301, %shift_right_logical3A_1312 : vector<16xi32>
      %swap3A_1314 = arith.constant 0 : i32
      %swap3A_1315 = arith.index_cast %swap3A_1314 : i32 to index
      %swap3A_1316 = arith.constant 32 : index
      %swap3A_1317 = tpu.vector_load %arg7[%swap3A_1315, %swap3A_1316] {strides = array<i32>} : memref<4x64xi32, #tpu.memory_space<vmem>>, vector<1x16xi32>,
      %swap3A_1318 = vector.shape_cast %swap3A_1317 : vector<1x16xi32> to vector<16xi32>
      %swap3A_1319 = vector.shape_cast %shift_right_logical3A_1313 : vector<16xi32> to vector<1x16xi32>
      tpu.vector_store %arg7[%swap3A_1315, %swap3A_1316], %swap3A_1319 {strides = array<i32>} : memref<4x64xi32, #tpu.memory_space<vmem>>, vector<1x16xi32>,
      %get3A_1320 = arith.index_cast %add3A_1253 : i32 to index
      %get3A_1321 = arith.constant 48 : index
      %get3A_1322 = tpu.vector_load %arg5[%get3A_1320, %get3A_1321] {strides = array<i32>} : memref<80x128xi32, #tpu.memory_space<vmem>>, vector<1x16xi32>,
      %get3A_1323 = vector.shape_cast %get3A_1322 : vector<1x16xi32> to vector<16xi32>
      %and3A_1324 = arith.constant 65535 : i32
      %and3A_1325 = vector.broadcast %and3A_1324 : i32 to vector<16xi32>
      %and3A_1326 = arith.andi %get3A_1323, %and3A_1325 : vector<16xi32>
      %swap3A_1327 = arith.constant 0 : i32
      %swap3A_1328 = arith.index_cast %swap3A_1327 : i32 to index
      %swap3A_1329 = arith.constant 48 : index
      %swap3A_1330 = tpu.vector_load %arg6[%swap3A_1328, %swap3A_1329] {strides = array<i32>} : memref<4x64xi32, #tpu.memory_space<vmem>>, vector<1x16xi32>,
      %swap3A_1331 = vector.shape_cast %swap3A_1330 : vector<1x16xi32> to vector<16xi32>
      %swap3A_1332 = vector.shape_cast %and3A_1326 : vector<16xi32> to vector<1x16xi32>
      tpu.vector_store %arg6[%swap3A_1328, %swap3A_1329], %swap3A_1332 {strides = array<i32>} : memref<4x64xi32, #tpu.memory_space<vmem>>, vector<1x16xi32>,
      %shift_right_logical3A_1333 = arith.constant 16 : i32
      %shift_right_logical3A_1334 = vector.broadcast %shift_right_logical3A_1333 : i32 to vector<16xi32>
      %shift_right_logical3A_1335 = arith.shrui %get3A_1323, %shift_right_logical3A_1334 : vector<16xi32>
      %swap3A_1336 = arith.constant 0 : i32
      %swap3A_1337 = arith.index_cast %swap3A_1336 : i32 to index
      %swap3A_1338 = arith.constant 48 : index
      %swap3A_1339 = tpu.vector_load %arg7[%swap3A_1337, %swap3A_1338] {strides = array<i32>} : memref<4x64xi32, #tpu.memory_space<vmem>>, vector<1x16xi32>,
      %swap3A_1340 = vector.shape_cast %swap3A_1339 : vector<1x16xi32> to vector<16xi32>
      %swap3A_1341 = vector.shape_cast %shift_right_logical3A_1335 : vector<16xi32> to vector<1x16xi32>
      tpu.vector_store %arg7[%swap3A_1337, %swap3A_1338], %swap3A_1341 {strides = array<i32>} : memref<4x64xi32, #tpu.memory_space<vmem>>, vector<1x16xi32>,
      %dma_start3A_1342 = arith.constant 0 : i32
      %dma_start3A_1343 = arith.constant 0 : i32
      %dma_start3A_1344 = tpu.memref_slice %arg6[%dma_start3A_1342, %dma_start3A_1343] : memref<4x64xi32, #tpu.memory_space<vmem>> -> memref<1x64xi32, #tpu.memory_space<vmem>>
      %dma_start3A_1345 = tpu.memref_squeeze %dma_start3A_1344 : memref<1x64xi32, #tpu.memory_space<vmem>> -> memref<64xi32, #tpu.memory_space<vmem>>
      %dma_start3A_1346 = arith.constant 0 : i32
      %dma_start3A_1347 = arith.constant 0 : i32
      %dma_start3A_1348 = tpu.memref_slice %arg2[%dma_start3A_1346, %dma_start3A_1347] : memref<10000x128xf32, #tpu.memory_space<hbm>> -> memref<10000x128xf32, #tpu.memory_space<hbm>>
      tpu.enqueue_indirect_dma source(%dma_start3A_1348 : memref<10000x128xf32, #tpu.memory_space<hbm>>) target(%arg8 : memref<64x128xf32, #tpu.memory_space<vmem>>) offsets(%dma_start3A_1345 : memref<64xi32, #tpu.memory_space<vmem>>) semaphore(%arg13 : memref<!tpu.dma_semaphore, #tpu.memory_space<semaphore_mem>>)
      %dma_wait3A_1349 = arith.constant 3 : i32
      %dma_wait3A_1350 = arith.constant 0 : i32
      %dma_wait3A_1351 = tpu.memref_slice %arg6[%dma_wait3A_1349, %dma_wait3A_1350] : memref<4x64xi32, #tpu.memory_space<vmem>> -> memref<1x64xi32, #tpu.memory_space<vmem>>
      %dma_wait3A_1352 = tpu.memref_squeeze %dma_wait3A_1351 : memref<1x64xi32, #tpu.memory_space<vmem>> -> memref<64xi32, #tpu.memory_space<vmem>>
      %dma_wait3A_1353 = arith.constant 0 : i32
      %dma_wait3A_1354 = arith.constant 0 : i32
      %dma_wait3A_1355 = tpu.memref_slice %arg2[%dma_wait3A_1353, %dma_wait3A_1354] : memref<10000x128xf32, #tpu.memory_space<hbm>> -> memref<10000x128xf32, #tpu.memory_space<hbm>>
      tpu.wait_indirect_dma semaphore(%arg16 : memref<!tpu.dma_semaphore, #tpu.memory_space<semaphore_mem>>) src(%dma_wait3A_1355 : memref<10000x128xf32, #tpu.memory_space<hbm>>) dst(%arg11 : memref<64x128xf32, #tpu.memory_space<vmem>>)
      %dma_start3A_1356 = arith.constant 3 : i32
      %dma_start3A_1357 = arith.constant 0 : i32
      %dma_start3A_1358 = tpu.memref_slice %arg7[%dma_start3A_1356, %dma_start3A_1357] : memref<4x64xi32, #tpu.memory_space<vmem>> -> memref<1x64xi32, #tpu.memory_space<vmem>>
      %dma_start3A_1359 = tpu.memref_squeeze %dma_start3A_1358 : memref<1x64xi32, #tpu.memory_space<vmem>> -> memref<64xi32, #tpu.memory_space<vmem>>
      %dma_start3A_1360 = arith.constant 0 : i32
      %dma_start3A_1361 = arith.constant 0 : i32
      %dma_start3A_1362 = tpu.memref_slice %arg12[%dma_start3A_1360, %dma_start3A_1361] : memref<10112x128xf32, #tpu.memory_space<vmem_shared>> -> memref<10112x128xf32, #tpu.memory_space<vmem_shared>>
      tpu.enqueue_indirect_dma source(%arg11 : memref<64x128xf32, #tpu.memory_space<vmem>>) target(%dma_start3A_1362 : memref<10112x128xf32, #tpu.memory_space<vmem_shared>>) offsets(%dma_start3A_1359 : memref<64xi32, #tpu.memory_space<vmem>>) semaphore(%arg20 : memref<!tpu.dma_semaphore, #tpu.memory_space<semaphore_mem>>) {add = true}
      %dma_wait3A_1363 = arith.constant 1 : i32
      %dma_wait3A_1364 = arith.constant 0 : i32
      %dma_wait3A_1365 = tpu.memref_slice %arg7[%dma_wait3A_1363, %dma_wait3A_1364] : memref<4x64xi32, #tpu.memory_space<vmem>> -> memref<1x64xi32, #tpu.memory_space<vmem>>
      %dma_wait3A_1366 = tpu.memref_squeeze %dma_wait3A_1365 : memref<1x64xi32, #tpu.memory_space<vmem>> -> memref<64xi32, #tpu.memory_space<vmem>>
      %dma_wait3A_1367 = arith.constant 0 : i32
      %dma_wait3A_1368 = arith.constant 0 : i32
      %dma_wait3A_1369 = tpu.memref_slice %arg12[%dma_wait3A_1367, %dma_wait3A_1368] : memref<10112x128xf32, #tpu.memory_space<vmem_shared>> -> memref<10112x128xf32, #tpu.memory_space<vmem_shared>>
      tpu.wait_indirect_dma semaphore(%arg18 : memref<!tpu.dma_semaphore, #tpu.memory_space<semaphore_mem>>) src(%arg9 : memref<64x128xf32, #tpu.memory_space<vmem>>) dst(%dma_wait3A_1369 : memref<10112x128xf32, #tpu.memory_space<vmem_shared>>)
      %mul3A_1370 = arith.constant 2 : i32
      %mul3A_1371 = arith.muli %mul3A_1370, %scan3A_981 : i32
      %add3A_1372 = arith.constant 1 : i32
      %add3A_1373 = arith.addi %mul3A_1371, %add3A_1372 : i32
      %add3A_1374 = arith.constant 1 : i32
      %add3A_1375 = arith.addi %add3A_1373, %add3A_1374 : i32
      %get3A_1376 = arith.index_cast %add3A_1375 : i32 to index
      %get3A_1377 = arith.constant 64 : index
      %get3A_1378 = tpu.vector_load %arg5[%get3A_1376, %get3A_1377] {strides = array<i32>} : memref<80x128xi32, #tpu.memory_space<vmem>>, vector<1x16xi32>,
      %get3A_1379 = vector.shape_cast %get3A_1378 : vector<1x16xi32> to vector<16xi32>
      %and3A_1380 = arith.constant 65535 : i32
      %and3A_1381 = vector.broadcast %and3A_1380 : i32 to vector<16xi32>
      %and3A_1382 = arith.andi %get3A_1379, %and3A_1381 : vector<16xi32>
      %swap3A_1383 = arith.constant 1 : i32
      %swap3A_1384 = arith.index_cast %swap3A_1383 : i32 to index
      %swap3A_1385 = arith.constant 0 : index
      %swap3A_1386 = tpu.vector_load %arg6[%swap3A_1384, %swap3A_1385] {strides = array<i32>} : memref<4x64xi32, #tpu.memory_space<vmem>>, vector<1x16xi32>,
      %swap3A_1387 = vector.shape_cast %swap3A_1386 : vector<1x16xi32> to vector<16xi32>
      %swap3A_1388 = vector.shape_cast %and3A_1382 : vector<16xi32> to vector<1x16xi32>
      tpu.vector_store %arg6[%swap3A_1384, %swap3A_1385], %swap3A_1388 {strides = array<i32>} : memref<4x64xi32, #tpu.memory_space<vmem>>, vector<1x16xi32>,
      %shift_right_logical3A_1389 = arith.constant 16 : i32
      %shift_right_logical3A_1390 = vector.broadcast %shift_right_logical3A_1389 : i32 to vector<16xi32>
      %shift_right_logical3A_1391 = arith.shrui %get3A_1379, %shift_right_logical3A_1390 : vector<16xi32>
      %swap3A_1392 = arith.constant 1 : i32
      %swap3A_1393 = arith.index_cast %swap3A_1392 : i32 to index
      %swap3A_1394 = arith.constant 0 : index
      %swap3A_1395 = tpu.vector_load %arg7[%swap3A_1393, %swap3A_1394] {strides = array<i32>} : memref<4x64xi32, #tpu.memory_space<vmem>>, vector<1x16xi32>,
      %swap3A_1396 = vector.shape_cast %swap3A_1395 : vector<1x16xi32> to vector<16xi32>
      %swap3A_1397 = vector.shape_cast %shift_right_logical3A_1391 : vector<16xi32> to vector<1x16xi32>
      tpu.vector_store %arg7[%swap3A_1393, %swap3A_1394], %swap3A_1397 {strides = array<i32>} : memref<4x64xi32, #tpu.memory_space<vmem>>, vector<1x16xi32>,
      %get3A_1398 = arith.index_cast %add3A_1375 : i32 to index
      %get3A_1399 = arith.constant 80 : index
      %get3A_1400 = tpu.vector_load %arg5[%get3A_1398, %get3A_1399] {strides = array<i32>} : memref<80x128xi32, #tpu.memory_space<vmem>>, vector<1x16xi32>,
      %get3A_1401 = vector.shape_cast %get3A_1400 : vector<1x16xi32> to vector<16xi32>
      %and3A_1402 = arith.constant 65535 : i32
      %and3A_1403 = vector.broadcast %and3A_1402 : i32 to vector<16xi32>
      %and3A_1404 = arith.andi %get3A_1401, %and3A_1403 : vector<16xi32>
      %swap3A_1405 = arith.constant 1 : i32
      %swap3A_1406 = arith.index_cast %swap3A_1405 : i32 to index
      %swap3A_1407 = arith.constant 16 : index
      %swap3A_1408 = tpu.vector_load %arg6[%swap3A_1406, %swap3A_1407] {strides = array<i32>} : memref<4x64xi32, #tpu.memory_space<vmem>>, vector<1x16xi32>,
      %swap3A_1409 = vector.shape_cast %swap3A_1408 : vector<1x16xi32> to vector<16xi32>
      %swap3A_1410 = vector.shape_cast %and3A_1404 : vector<16xi32> to vector<1x16xi32>
      tpu.vector_store %arg6[%swap3A_1406, %swap3A_1407], %swap3A_1410 {strides = array<i32>} : memref<4x64xi32, #tpu.memory_space<vmem>>, vector<1x16xi32>,
      %shift_right_logical3A_1411 = arith.constant 16 : i32
      %shift_right_logical3A_1412 = vector.broadcast %shift_right_logical3A_1411 : i32 to vector<16xi32>
      %shift_right_logical3A_1413 = arith.shrui %get3A_1401, %shift_right_logical3A_1412 : vector<16xi32>
      %swap3A_1414 = arith.constant 1 : i32
      %swap3A_1415 = arith.index_cast %swap3A_1414 : i32 to index
      %swap3A_1416 = arith.constant 16 : index
      %swap3A_1417 = tpu.vector_load %arg7[%swap3A_1415, %swap3A_1416] {strides = array<i32>} : memref<4x64xi32, #tpu.memory_space<vmem>>, vector<1x16xi32>,
      %swap3A_1418 = vector.shape_cast %swap3A_1417 : vector<1x16xi32> to vector<16xi32>
      %swap3A_1419 = vector.shape_cast %shift_right_logical3A_1413 : vector<16xi32> to vector<1x16xi32>
      tpu.vector_store %arg7[%swap3A_1415, %swap3A_1416], %swap3A_1419 {strides = array<i32>} : memref<4x64xi32, #tpu.memory_space<vmem>>, vector<1x16xi32>,
      %get3A_1420 = arith.index_cast %add3A_1375 : i32 to index
      %get3A_1421 = arith.constant 96 : index
      %get3A_1422 = tpu.vector_load %arg5[%get3A_1420, %get3A_1421] {strides = array<i32>} : memref<80x128xi32, #tpu.memory_space<vmem>>, vector<1x16xi32>,
      %get3A_1423 = vector.shape_cast %get3A_1422 : vector<1x16xi32> to vector<16xi32>
      %and3A_1424 = arith.constant 65535 : i32
      %and3A_1425 = vector.broadcast %and3A_1424 : i32 to vector<16xi32>
      %and3A_1426 = arith.andi %get3A_1423, %and3A_1425 : vector<16xi32>
      %swap3A_1427 = arith.constant 1 : i32
      %swap3A_1428 = arith.index_cast %swap3A_1427 : i32 to index
      %swap3A_1429 = arith.constant 32 : index
      %swap3A_1430 = tpu.vector_load %arg6[%swap3A_1428, %swap3A_1429] {strides = array<i32>} : memref<4x64xi32, #tpu.memory_space<vmem>>, vector<1x16xi32>,
      %swap3A_1431 = vector.shape_cast %swap3A_1430 : vector<1x16xi32> to vector<16xi32>
      %swap3A_1432 = vector.shape_cast %and3A_1426 : vector<16xi32> to vector<1x16xi32>
      tpu.vector_store %arg6[%swap3A_1428, %swap3A_1429], %swap3A_1432 {strides = array<i32>} : memref<4x64xi32, #tpu.memory_space<vmem>>, vector<1x16xi32>,
      %shift_right_logical3A_1433 = arith.constant 16 : i32
      %shift_right_logical3A_1434 = vector.broadcast %shift_right_logical3A_1433 : i32 to vector<16xi32>
      %shift_right_logical3A_1435 = arith.shrui %get3A_1423, %shift_right_logical3A_1434 : vector<16xi32>
      %swap3A_1436 = arith.constant 1 : i32
      %swap3A_1437 = arith.index_cast %swap3A_1436 : i32 to index
      %swap3A_1438 = arith.constant 32 : index
      %swap3A_1439 = tpu.vector_load %arg7[%swap3A_1437, %swap3A_1438] {strides = array<i32>} : memref<4x64xi32, #tpu.memory_space<vmem>>, vector<1x16xi32>,
      %swap3A_1440 = vector.shape_cast %swap3A_1439 : vector<1x16xi32> to vector<16xi32>
      %swap3A_1441 = vector.shape_cast %shift_right_logical3A_1435 : vector<16xi32> to vector<1x16xi32>
      tpu.vector_store %arg7[%swap3A_1437, %swap3A_1438], %swap3A_1441 {strides = array<i32>} : memref<4x64xi32, #tpu.memory_space<vmem>>, vector<1x16xi32>,
      %get3A_1442 = arith.index_cast %add3A_1375 : i32 to index
      %get3A_1443 = arith.constant 112 : index
      %get3A_1444 = tpu.vector_load %arg5[%get3A_1442, %get3A_1443] {strides = array<i32>} : memref<80x128xi32, #tpu.memory_space<vmem>>, vector<1x16xi32>,
      %get3A_1445 = vector.shape_cast %get3A_1444 : vector<1x16xi32> to vector<16xi32>
      %and3A_1446 = arith.constant 65535 : i32
      %and3A_1447 = vector.broadcast %and3A_1446 : i32 to vector<16xi32>
      %and3A_1448 = arith.andi %get3A_1445, %and3A_1447 : vector<16xi32>
      %swap3A_1449 = arith.constant 1 : i32
      %swap3A_1450 = arith.index_cast %swap3A_1449 : i32 to index
      %swap3A_1451 = arith.constant 48 : index
      %swap3A_1452 = tpu.vector_load %arg6[%swap3A_1450, %swap3A_1451] {strides = array<i32>} : memref<4x64xi32, #tpu.memory_space<vmem>>, vector<1x16xi32>,
      %swap3A_1453 = vector.shape_cast %swap3A_1452 : vector<1x16xi32> to vector<16xi32>
      %swap3A_1454 = vector.shape_cast %and3A_1448 : vector<16xi32> to vector<1x16xi32>
      tpu.vector_store %arg6[%swap3A_1450, %swap3A_1451], %swap3A_1454 {strides = array<i32>} : memref<4x64xi32, #tpu.memory_space<vmem>>, vector<1x16xi32>,
      %shift_right_logical3A_1455 = arith.constant 16 : i32
      %shift_right_logical3A_1456 = vector.broadcast %shift_right_logical3A_1455 : i32 to vector<16xi32>
      %shift_right_logical3A_1457 = arith.shrui %get3A_1445, %shift_right_logical3A_1456 : vector<16xi32>
      %swap3A_1458 = arith.constant 1 : i32
      %swap3A_1459 = arith.index_cast %swap3A_1458 : i32 to index
      %swap3A_1460 = arith.constant 48 : index
      %swap3A_1461 = tpu.vector_load %arg7[%swap3A_1459, %swap3A_1460] {strides = array<i32>} : memref<4x64xi32, #tpu.memory_space<vmem>>, vector<1x16xi32>,
      %swap3A_1462 = vector.shape_cast %swap3A_1461 : vector<1x16xi32> to vector<16xi32>
      %swap3A_1463 = vector.shape_cast %shift_right_logical3A_1457 : vector<16xi32> to vector<1x16xi32>
      tpu.vector_store %arg7[%swap3A_1459, %swap3A_1460], %swap3A_1463 {strides = array<i32>} : memref<4x64xi32, #tpu.memory_space<vmem>>, vector<1x16xi32>,
      %dma_start3A_1464 = arith.constant 1 : i32
      %dma_start3A_1465 = arith.constant 0 : i32
      %dma_start3A_1466 = tpu.memref_slice %arg6[%dma_start3A_1464, %dma_start3A_1465] : memref<4x64xi32, #tpu.memory_space<vmem>> -> memref<1x64xi32, #tpu.memory_space<vmem>>
      %dma_start3A_1467 = tpu.memref_squeeze %dma_start3A_1466 : memref<1x64xi32, #tpu.memory_space<vmem>> -> memref<64xi32, #tpu.memory_space<vmem>>
      %dma_start3A_1468 = arith.constant 0 : i32
      %dma_start3A_1469 = arith.constant 0 : i32
      %dma_start3A_1470 = tpu.memref_slice %arg2[%dma_start3A_1468, %dma_start3A_1469] : memref<10000x128xf32, #tpu.memory_space<hbm>> -> memref<10000x128xf32, #tpu.memory_space<hbm>>
      tpu.enqueue_indirect_dma source(%dma_start3A_1470 : memref<10000x128xf32, #tpu.memory_space<hbm>>) target(%arg9 : memref<64x128xf32, #tpu.memory_space<vmem>>) offsets(%dma_start3A_1467 : memref<64xi32, #tpu.memory_space<vmem>>) semaphore(%arg14 : memref<!tpu.dma_semaphore, #tpu.memory_space<semaphore_mem>>)
      %scan3A_1471 = arith.constant 0 : i32
      scf.yield %scan3A_1471 : i32
    }
    %scan3A_683 = arith.constant 38 : i32
    %dma_wait3A_684 = arith.constant 0 : i32
    %dma_wait3A_685 = arith.constant 0 : i32
    %dma_wait3A_686 = tpu.memref_slice %arg6[%dma_wait3A_684, %dma_wait3A_685] : memref<4x64xi32, #tpu.memory_space<vmem>> -> memref<1x64xi32, #tpu.memory_space<vmem>>
    %dma_wait3A_687 = tpu.memref_squeeze %dma_wait3A_686 : memref<1x64xi32, #tpu.memory_space<vmem>> -> memref<64xi32, #tpu.memory_space<vmem>>
    %dma_wait3A_688 = arith.constant 0 : i32
    %dma_wait3A_689 = arith.constant 0 : i32
    %dma_wait3A_690 = tpu.memref_slice %arg2[%dma_wait3A_688, %dma_wait3A_689] : memref<10000x128xf32, #tpu.memory_space<hbm>> -> memref<10000x128xf32, #tpu.memory_space<hbm>>
    tpu.wait_indirect_dma semaphore(%arg13 : memref<!tpu.dma_semaphore, #tpu.memory_space<semaphore_mem>>) src(%dma_wait3A_690 : memref<10000x128xf32, #tpu.memory_space<hbm>>) dst(%arg8 : memref<64x128xf32, #tpu.memory_space<vmem>>)
    %dma_start3A_691 = arith.constant 0 : i32
    %dma_start3A_692 = arith.constant 0 : i32
    %dma_start3A_693 = tpu.memref_slice %arg7[%dma_start3A_691, %dma_start3A_692] : memref<4x64xi32, #tpu.memory_space<vmem>> -> memref<1x64xi32, #tpu.memory_space<vmem>>
    %dma_start3A_694 = tpu.memref_squeeze %dma_start3A_693 : memref<1x64xi32, #tpu.memory_space<vmem>> -> memref<64xi32, #tpu.memory_space<vmem>>
    %dma_start3A_695 = arith.constant 0 : i32
    %dma_start3A_696 = arith.constant 0 : i32
    %dma_start3A_697 = tpu.memref_slice %arg12[%dma_start3A_695, %dma_start3A_696] : memref<10112x128xf32, #tpu.memory_space<vmem_shared>> -> memref<10112x128xf32, #tpu.memory_space<vmem_shared>>
    tpu.enqueue_indirect_dma source(%arg8 : memref<64x128xf32, #tpu.memory_space<vmem>>) target(%dma_start3A_697 : memref<10112x128xf32, #tpu.memory_space<vmem_shared>>) offsets(%dma_start3A_694 : memref<64xi32, #tpu.memory_space<vmem>>) semaphore(%arg17 : memref<!tpu.dma_semaphore, #tpu.memory_space<semaphore_mem>>) {add = true}
    %dma_wait3A_698 = arith.constant 2 : i32
    %dma_wait3A_699 = arith.constant 0 : i32
    %dma_wait3A_700 = tpu.memref_slice %arg7[%dma_wait3A_698, %dma_wait3A_699] : memref<4x64xi32, #tpu.memory_space<vmem>> -> memref<1x64xi32, #tpu.memory_space<vmem>>
    %dma_wait3A_701 = tpu.memref_squeeze %dma_wait3A_700 : memref<1x64xi32, #tpu.memory_space<vmem>> -> memref<64xi32, #tpu.memory_space<vmem>>
    %dma_wait3A_702 = arith.constant 0 : i32
    %dma_wait3A_703 = arith.constant 0 : i32
    %dma_wait3A_704 = tpu.memref_slice %arg12[%dma_wait3A_702, %dma_wait3A_703] : memref<10112x128xf32, #tpu.memory_space<vmem_shared>> -> memref<10112x128xf32, #tpu.memory_space<vmem_shared>>
    tpu.wait_indirect_dma semaphore(%arg19 : memref<!tpu.dma_semaphore, #tpu.memory_space<semaphore_mem>>) src(%arg10 : memref<64x128xf32, #tpu.memory_space<vmem>>) dst(%dma_wait3A_704 : memref<10112x128xf32, #tpu.memory_space<vmem_shared>>)
    %get3A_705 = arith.constant 79 : i32
    %get3A_706 = arith.index_cast %get3A_705 : i32 to index
    %get3A_707 = arith.constant 0 : index
    %get3A_708 = tpu.vector_load %arg5[%get3A_706, %get3A_707] {strides = array<i32>} : memref<80x128xi32, #tpu.memory_space<vmem>>, vector<1x16xi32>,
    %get3A_709 = vector.shape_cast %get3A_708 : vector<1x16xi32> to vector<16xi32>
    %and3A_710 = arith.constant 65535 : i32
    %and3A_711 = vector.broadcast %and3A_710 : i32 to vector<16xi32>
    %and3A_712 = arith.andi %get3A_709, %and3A_711 : vector<16xi32>
    %swap3A_713 = arith.constant 2 : i32
    %swap3A_714 = arith.index_cast %swap3A_713 : i32 to index
    %swap3A_715 = arith.constant 0 : index
    %swap3A_716 = tpu.vector_load %arg6[%swap3A_714, %swap3A_715] {strides = array<i32>} : memref<4x64xi32, #tpu.memory_space<vmem>>, vector<1x16xi32>,
    %swap3A_717 = vector.shape_cast %swap3A_716 : vector<1x16xi32> to vector<16xi32>
    %swap3A_718 = vector.shape_cast %and3A_712 : vector<16xi32> to vector<1x16xi32>
    tpu.vector_store %arg6[%swap3A_714, %swap3A_715], %swap3A_718 {strides = array<i32>} : memref<4x64xi32, #tpu.memory_space<vmem>>, vector<1x16xi32>,
    %shift_right_logical3A_719 = arith.constant 16 : i32
    %shift_right_logical3A_720 = vector.broadcast %shift_right_logical3A_719 : i32 to vector<16xi32>
    %shift_right_logical3A_721 = arith.shrui %get3A_709, %shift_right_logical3A_720 : vector<16xi32>
    %swap3A_722 = arith.constant 2 : i32
    %swap3A_723 = arith.index_cast %swap3A_722 : i32 to index
    %swap3A_724 = arith.constant 0 : index
    %swap3A_725 = tpu.vector_load %arg7[%swap3A_723, %swap3A_724] {strides = array<i32>} : memref<4x64xi32, #tpu.memory_space<vmem>>, vector<1x16xi32>,
    %swap3A_726 = vector.shape_cast %swap3A_725 : vector<1x16xi32> to vector<16xi32>
    %swap3A_727 = vector.shape_cast %shift_right_logical3A_721 : vector<16xi32> to vector<1x16xi32>
    tpu.vector_store %arg7[%swap3A_723, %swap3A_724], %swap3A_727 {strides = array<i32>} : memref<4x64xi32, #tpu.memory_space<vmem>>, vector<1x16xi32>,
    %get3A_728 = arith.constant 79 : i32
    %get3A_729 = arith.index_cast %get3A_728 : i32 to index
    %get3A_730 = arith.constant 16 : index
    %get3A_731 = tpu.vector_load %arg5[%get3A_729, %get3A_730] {strides = array<i32>} : memref<80x128xi32, #tpu.memory_space<vmem>>, vector<1x16xi32>,
    %get3A_732 = vector.shape_cast %get3A_731 : vector<1x16xi32> to vector<16xi32>
    %and3A_733 = arith.constant 65535 : i32
    %and3A_734 = vector.broadcast %and3A_733 : i32 to vector<16xi32>
    %and3A_735 = arith.andi %get3A_732, %and3A_734 : vector<16xi32>
    %swap3A_736 = arith.constant 2 : i32
    %swap3A_737 = arith.index_cast %swap3A_736 : i32 to index
    %swap3A_738 = arith.constant 16 : index
    %swap3A_739 = tpu.vector_load %arg6[%swap3A_737, %swap3A_738] {strides = array<i32>} : memref<4x64xi32, #tpu.memory_space<vmem>>, vector<1x16xi32>,
    %swap3A_740 = vector.shape_cast %swap3A_739 : vector<1x16xi32> to vector<16xi32>
    %swap3A_741 = vector.shape_cast %and3A_735 : vector<16xi32> to vector<1x16xi32>
    tpu.vector_store %arg6[%swap3A_737, %swap3A_738], %swap3A_741 {strides = array<i32>} : memref<4x64xi32, #tpu.memory_space<vmem>>, vector<1x16xi32>,
    %shift_right_logical3A_742 = arith.constant 16 : i32
    %shift_right_logical3A_743 = vector.broadcast %shift_right_logical3A_742 : i32 to vector<16xi32>
    %shift_right_logical3A_744 = arith.shrui %get3A_732, %shift_right_logical3A_743 : vector<16xi32>
    %swap3A_745 = arith.constant 2 : i32
    %swap3A_746 = arith.index_cast %swap3A_745 : i32 to index
    %swap3A_747 = arith.constant 16 : index
    %swap3A_748 = tpu.vector_load %arg7[%swap3A_746, %swap3A_747] {strides = array<i32>} : memref<4x64xi32, #tpu.memory_space<vmem>>, vector<1x16xi32>,
    %swap3A_749 = vector.shape_cast %swap3A_748 : vector<1x16xi32> to vector<16xi32>
    %swap3A_750 = vector.shape_cast %shift_right_logical3A_744 : vector<16xi32> to vector<1x16xi32>
    tpu.vector_store %arg7[%swap3A_746, %swap3A_747], %swap3A_750 {strides = array<i32>} : memref<4x64xi32, #tpu.memory_space<vmem>>, vector<1x16xi32>,
    %get3A_751 = arith.constant 79 : i32
    %get3A_752 = arith.index_cast %get3A_751 : i32 to index
    %get3A_753 = arith.constant 32 : index
    %get3A_754 = tpu.vector_load %arg5[%get3A_752, %get3A_753] {strides = array<i32>} : memref<80x128xi32, #tpu.memory_space<vmem>>, vector<1x16xi32>,
    %get3A_755 = vector.shape_cast %get3A_754 : vector<1x16xi32> to vector<16xi32>
    %and3A_756 = arith.constant 65535 : i32
    %and3A_757 = vector.broadcast %and3A_756 : i32 to vector<16xi32>
    %and3A_758 = arith.andi %get3A_755, %and3A_757 : vector<16xi32>
    %swap3A_759 = arith.constant 2 : i32
    %swap3A_760 = arith.index_cast %swap3A_759 : i32 to index
    %swap3A_761 = arith.constant 32 : index
    %swap3A_762 = tpu.vector_load %arg6[%swap3A_760, %swap3A_761] {strides = array<i32>} : memref<4x64xi32, #tpu.memory_space<vmem>>, vector<1x16xi32>,
    %swap3A_763 = vector.shape_cast %swap3A_762 : vector<1x16xi32> to vector<16xi32>
    %swap3A_764 = vector.shape_cast %and3A_758 : vector<16xi32> to vector<1x16xi32>
    tpu.vector_store %arg6[%swap3A_760, %swap3A_761], %swap3A_764 {strides = array<i32>} : memref<4x64xi32, #tpu.memory_space<vmem>>, vector<1x16xi32>,
    %shift_right_logical3A_765 = arith.constant 16 : i32
    %shift_right_logical3A_766 = vector.broadcast %shift_right_logical3A_765 : i32 to vector<16xi32>
    %shift_right_logical3A_767 = arith.shrui %get3A_755, %shift_right_logical3A_766 : vector<16xi32>
    %swap3A_768 = arith.constant 2 : i32
    %swap3A_769 = arith.index_cast %swap3A_768 : i32 to index
    %swap3A_770 = arith.constant 32 : index
    %swap3A_771 = tpu.vector_load %arg7[%swap3A_769, %swap3A_770] {strides = array<i32>} : memref<4x64xi32, #tpu.memory_space<vmem>>, vector<1x16xi32>,
    %swap3A_772 = vector.shape_cast %swap3A_771 : vector<1x16xi32> to vector<16xi32>
    %swap3A_773 = vector.shape_cast %shift_right_logical3A_767 : vector<16xi32> to vector<1x16xi32>
    tpu.vector_store %arg7[%swap3A_769, %swap3A_770], %swap3A_773 {strides = array<i32>} : memref<4x64xi32, #tpu.memory_space<vmem>>, vector<1x16xi32>,
    %get3A_774 = arith.constant 79 : i32
    %get3A_775 = arith.index_cast %get3A_774 : i32 to index
    %get3A_776 = arith.constant 48 : index
    %get3A_777 = tpu.vector_load %arg5[%get3A_775, %get3A_776] {strides = array<i32>} : memref<80x128xi32, #tpu.memory_space<vmem>>, vector<1x16xi32>,
    %get3A_778 = vector.shape_cast %get3A_777 : vector<1x16xi32> to vector<16xi32>
    %and3A_779 = arith.constant 65535 : i32
    %and3A_780 = vector.broadcast %and3A_779 : i32 to vector<16xi32>
    %and3A_781 = arith.andi %get3A_778, %and3A_780 : vector<16xi32>
    %swap3A_782 = arith.constant 2 : i32
    %swap3A_783 = arith.index_cast %swap3A_782 : i32 to index
    %swap3A_784 = arith.constant 48 : index
    %swap3A_785 = tpu.vector_load %arg6[%swap3A_783, %swap3A_784] {strides = array<i32>} : memref<4x64xi32, #tpu.memory_space<vmem>>, vector<1x16xi32>,
    %swap3A_786 = vector.shape_cast %swap3A_785 : vector<1x16xi32> to vector<16xi32>
    %swap3A_787 = vector.shape_cast %and3A_781 : vector<16xi32> to vector<1x16xi32>
    tpu.vector_store %arg6[%swap3A_783, %swap3A_784], %swap3A_787 {strides = array<i32>} : memref<4x64xi32, #tpu.memory_space<vmem>>, vector<1x16xi32>,
    %shift_right_logical3A_788 = arith.constant 16 : i32
    %shift_right_logical3A_789 = vector.broadcast %shift_right_logical3A_788 : i32 to vector<16xi32>
    %shift_right_logical3A_790 = arith.shrui %get3A_778, %shift_right_logical3A_789 : vector<16xi32>
    %swap3A_791 = arith.constant 2 : i32
    %swap3A_792 = arith.index_cast %swap3A_791 : i32 to index
    %swap3A_793 = arith.constant 48 : index
    %swap3A_794 = tpu.vector_load %arg7[%swap3A_792, %swap3A_793] {strides = array<i32>} : memref<4x64xi32, #tpu.memory_space<vmem>>, vector<1x16xi32>,
    %swap3A_795 = vector.shape_cast %swap3A_794 : vector<1x16xi32> to vector<16xi32>
    %swap3A_796 = vector.shape_cast %shift_right_logical3A_790 : vector<16xi32> to vector<1x16xi32>
    tpu.vector_store %arg7[%swap3A_792, %swap3A_793], %swap3A_796 {strides = array<i32>} : memref<4x64xi32, #tpu.memory_space<vmem>>, vector<1x16xi32>,
    %dma_start3A_797 = arith.constant 2 : i32
    %dma_start3A_798 = arith.constant 0 : i32
    %dma_start3A_799 = tpu.memref_slice %arg6[%dma_start3A_797, %dma_start3A_798] : memref<4x64xi32, #tpu.memory_space<vmem>> -> memref<1x64xi32, #tpu.memory_space<vmem>>
    %dma_start3A_800 = tpu.memref_squeeze %dma_start3A_799 : memref<1x64xi32, #tpu.memory_space<vmem>> -> memref<64xi32, #tpu.memory_space<vmem>>
    %dma_start3A_801 = arith.constant 0 : i32
    %dma_start3A_802 = arith.constant 0 : i32
    %dma_start3A_803 = tpu.memref_slice %arg2[%dma_start3A_801, %dma_start3A_802] : memref<10000x128xf32, #tpu.memory_space<hbm>> -> memref<10000x128xf32, #tpu.memory_space<hbm>>
    tpu.enqueue_indirect_dma source(%dma_start3A_803 : memref<10000x128xf32, #tpu.memory_space<hbm>>) target(%arg10 : memref<64x128xf32, #tpu.memory_space<vmem>>) offsets(%dma_start3A_800 : memref<64xi32, #tpu.memory_space<vmem>>) semaphore(%arg15 : memref<!tpu.dma_semaphore, #tpu.memory_space<semaphore_mem>>)
    %dma_wait3A_804 = arith.constant 1 : i32
    %dma_wait3A_805 = arith.constant 0 : i32
    %dma_wait3A_806 = tpu.memref_slice %arg6[%dma_wait3A_804, %dma_wait3A_805] : memref<4x64xi32, #tpu.memory_space<vmem>> -> memref<1x64xi32, #tpu.memory_space<vmem>>
    %dma_wait3A_807 = tpu.memref_squeeze %dma_wait3A_806 : memref<1x64xi32, #tpu.memory_space<vmem>> -> memref<64xi32, #tpu.memory_space<vmem>>
    %dma_wait3A_808 = arith.constant 0 : i32
    %dma_wait3A_809 = arith.constant 0 : i32
    %dma_wait3A_810 = tpu.memref_slice %arg2[%dma_wait3A_808, %dma_wait3A_809] : memref<10000x128xf32, #tpu.memory_space<hbm>> -> memref<10000x128xf32, #tpu.memory_space<hbm>>
    tpu.wait_indirect_dma semaphore(%arg14 : memref<!tpu.dma_semaphore, #tpu.memory_space<semaphore_mem>>) src(%dma_wait3A_810 : memref<10000x128xf32, #tpu.memory_space<hbm>>) dst(%arg9 : memref<64x128xf32, #tpu.memory_space<vmem>>)
    %dma_start3A_811 = arith.constant 1 : i32
    %dma_start3A_812 = arith.constant 0 : i32
    %dma_start3A_813 = tpu.memref_slice %arg7[%dma_start3A_811, %dma_start3A_812] : memref<4x64xi32, #tpu.memory_space<vmem>> -> memref<1x64xi32, #tpu.memory_space<vmem>>
    %dma_start3A_814 = tpu.memref_squeeze %dma_start3A_813 : memref<1x64xi32, #tpu.memory_space<vmem>> -> memref<64xi32, #tpu.memory_space<vmem>>
    %dma_start3A_815 = arith.constant 0 : i32
    %dma_start3A_816 = arith.constant 0 : i32
    %dma_start3A_817 = tpu.memref_slice %arg12[%dma_start3A_815, %dma_start3A_816] : memref<10112x128xf32, #tpu.memory_space<vmem_shared>> -> memref<10112x128xf32, #tpu.memory_space<vmem_shared>>
    tpu.enqueue_indirect_dma source(%arg9 : memref<64x128xf32, #tpu.memory_space<vmem>>) target(%dma_start3A_817 : memref<10112x128xf32, #tpu.memory_space<vmem_shared>>) offsets(%dma_start3A_814 : memref<64xi32, #tpu.memory_space<vmem>>) semaphore(%arg18 : memref<!tpu.dma_semaphore, #tpu.memory_space<semaphore_mem>>) {add = true}
    %dma_wait3A_818 = arith.constant 3 : i32
    %dma_wait3A_819 = arith.constant 0 : i32
    %dma_wait3A_820 = tpu.memref_slice %arg7[%dma_wait3A_818, %dma_wait3A_819] : memref<4x64xi32, #tpu.memory_space<vmem>> -> memref<1x64xi32, #tpu.memory_space<vmem>>
    %dma_wait3A_821 = tpu.memref_squeeze %dma_wait3A_820 : memref<1x64xi32, #tpu.memory_space<vmem>> -> memref<64xi32, #tpu.memory_space<vmem>>
    %dma_wait3A_822 = arith.constant 0 : i32
    %dma_wait3A_823 = arith.constant 0 : i32
    %dma_wait3A_824 = tpu.memref_slice %arg12[%dma_wait3A_822, %dma_wait3A_823] : memref<10112x128xf32, #tpu.memory_space<vmem_shared>> -> memref<10112x128xf32, #tpu.memory_space<vmem_shared>>
    tpu.wait_indirect_dma semaphore(%arg20 : memref<!tpu.dma_semaphore, #tpu.memory_space<semaphore_mem>>) src(%arg11 : memref<64x128xf32, #tpu.memory_space<vmem>>) dst(%dma_wait3A_824 : memref<10112x128xf32, #tpu.memory_space<vmem_shared>>)
    %get3A_825 = arith.constant 79 : i32
    %get3A_826 = arith.index_cast %get3A_825 : i32 to index
    %get3A_827 = arith.constant 64 : index
    %get3A_828 = tpu.vector_load %arg5[%get3A_826, %get3A_827] {strides = array<i32>} : memref<80x128xi32, #tpu.memory_space<vmem>>, vector<1x16xi32>,
    %get3A_829 = vector.shape_cast %get3A_828 : vector<1x16xi32> to vector<16xi32>
    %and3A_830 = arith.constant 65535 : i32
    %and3A_831 = vector.broadcast %and3A_830 : i32 to vector<16xi32>
    %and3A_832 = arith.andi %get3A_829, %and3A_831 : vector<16xi32>
    %swap3A_833 = arith.constant 3 : i32
    %swap3A_834 = arith.index_cast %swap3A_833 : i32 to index
    %swap3A_835 = arith.constant 0 : index
    %swap3A_836 = tpu.vector_load %arg6[%swap3A_834, %swap3A_835] {strides = array<i32>} : memref<4x64xi32, #tpu.memory_space<vmem>>, vector<1x16xi32>,
    %swap3A_837 = vector.shape_cast %swap3A_836 : vector<1x16xi32> to vector<16xi32>
    %swap3A_838 = vector.shape_cast %and3A_832 : vector<16xi32> to vector<1x16xi32>
    tpu.vector_store %arg6[%swap3A_834, %swap3A_835], %swap3A_838 {strides = array<i32>} : memref<4x64xi32, #tpu.memory_space<vmem>>, vector<1x16xi32>,
    %shift_right_logical3A_839 = arith.constant 16 : i32
    %shift_right_logical3A_840 = vector.broadcast %shift_right_logical3A_839 : i32 to vector<16xi32>
    %shift_right_logical3A_841 = arith.shrui %get3A_829, %shift_right_logical3A_840 : vector<16xi32>
    %swap3A_842 = arith.constant 3 : i32
    %swap3A_843 = arith.index_cast %swap3A_842 : i32 to index
    %swap3A_844 = arith.constant 0 : index
    %swap3A_845 = tpu.vector_load %arg7[%swap3A_843, %swap3A_844] {strides = array<i32>} : memref<4x64xi32, #tpu.memory_space<vmem>>, vector<1x16xi32>,
    %swap3A_846 = vector.shape_cast %swap3A_845 : vector<1x16xi32> to vector<16xi32>
    %swap3A_847 = vector.shape_cast %shift_right_logical3A_841 : vector<16xi32> to vector<1x16xi32>
    tpu.vector_store %arg7[%swap3A_843, %swap3A_844], %swap3A_847 {strides = array<i32>} : memref<4x64xi32, #tpu.memory_space<vmem>>, vector<1x16xi32>,
    %get3A_848 = arith.constant 79 : i32
    %get3A_849 = arith.index_cast %get3A_848 : i32 to index
    %get3A_850 = arith.constant 80 : index
    %get3A_851 = tpu.vector_load %arg5[%get3A_849, %get3A_850] {strides = array<i32>} : memref<80x128xi32, #tpu.memory_space<vmem>>, vector<1x16xi32>,
    %get3A_852 = vector.shape_cast %get3A_851 : vector<1x16xi32> to vector<16xi32>
    %and3A_853 = arith.constant 65535 : i32
    %and3A_854 = vector.broadcast %and3A_853 : i32 to vector<16xi32>
    %and3A_855 = arith.andi %get3A_852, %and3A_854 : vector<16xi32>
    %swap3A_856 = arith.constant 3 : i32
    %swap3A_857 = arith.index_cast %swap3A_856 : i32 to index
    %swap3A_858 = arith.constant 16 : index
    %swap3A_859 = tpu.vector_load %arg6[%swap3A_857, %swap3A_858] {strides = array<i32>} : memref<4x64xi32, #tpu.memory_space<vmem>>, vector<1x16xi32>,
    %swap3A_860 = vector.shape_cast %swap3A_859 : vector<1x16xi32> to vector<16xi32>
    %swap3A_861 = vector.shape_cast %and3A_855 : vector<16xi32> to vector<1x16xi32>
    tpu.vector_store %arg6[%swap3A_857, %swap3A_858], %swap3A_861 {strides = array<i32>} : memref<4x64xi32, #tpu.memory_space<vmem>>, vector<1x16xi32>,
    %shift_right_logical3A_862 = arith.constant 16 : i32
    %shift_right_logical3A_863 = vector.broadcast %shift_right_logical3A_862 : i32 to vector<16xi32>
    %shift_right_logical3A_864 = arith.shrui %get3A_852, %shift_right_logical3A_863 : vector<16xi32>
    %swap3A_865 = arith.constant 3 : i32
    %swap3A_866 = arith.index_cast %swap3A_865 : i32 to index
    %swap3A_867 = arith.constant 16 : index
    %swap3A_868 = tpu.vector_load %arg7[%swap3A_866, %swap3A_867] {strides = array<i32>} : memref<4x64xi32, #tpu.memory_space<vmem>>, vector<1x16xi32>,
    %swap3A_869 = vector.shape_cast %swap3A_868 : vector<1x16xi32> to vector<16xi32>
    %swap3A_870 = vector.shape_cast %shift_right_logical3A_864 : vector<16xi32> to vector<1x16xi32>
    tpu.vector_store %arg7[%swap3A_866, %swap3A_867], %swap3A_870 {strides = array<i32>} : memref<4x64xi32, #tpu.memory_space<vmem>>, vector<1x16xi32>,
    %get3A_871 = arith.constant 79 : i32
    %get3A_872 = arith.index_cast %get3A_871 : i32 to index
    %get3A_873 = arith.constant 96 : index
    %get3A_874 = tpu.vector_load %arg5[%get3A_872, %get3A_873] {strides = array<i32>} : memref<80x128xi32, #tpu.memory_space<vmem>>, vector<1x16xi32>,
    %get3A_875 = vector.shape_cast %get3A_874 : vector<1x16xi32> to vector<16xi32>
    %and3A_876 = arith.constant 65535 : i32
    %and3A_877 = vector.broadcast %and3A_876 : i32 to vector<16xi32>
    %and3A_878 = arith.andi %get3A_875, %and3A_877 : vector<16xi32>
    %swap3A_879 = arith.constant 3 : i32
    %swap3A_880 = arith.index_cast %swap3A_879 : i32 to index
    %swap3A_881 = arith.constant 32 : index
    %swap3A_882 = tpu.vector_load %arg6[%swap3A_880, %swap3A_881] {strides = array<i32>} : memref<4x64xi32, #tpu.memory_space<vmem>>, vector<1x16xi32>,
    %swap3A_883 = vector.shape_cast %swap3A_882 : vector<1x16xi32> to vector<16xi32>
    %swap3A_884 = vector.shape_cast %and3A_878 : vector<16xi32> to vector<1x16xi32>
    tpu.vector_store %arg6[%swap3A_880, %swap3A_881], %swap3A_884 {strides = array<i32>} : memref<4x64xi32, #tpu.memory_space<vmem>>, vector<1x16xi32>,
    %shift_right_logical3A_885 = arith.constant 16 : i32
    %shift_right_logical3A_886 = vector.broadcast %shift_right_logical3A_885 : i32 to vector<16xi32>
    %shift_right_logical3A_887 = arith.shrui %get3A_875, %shift_right_logical3A_886 : vector<16xi32>
    %swap3A_888 = arith.constant 3 : i32
    %swap3A_889 = arith.index_cast %swap3A_888 : i32 to index
    %swap3A_890 = arith.constant 32 : index
    %swap3A_891 = tpu.vector_load %arg7[%swap3A_889, %swap3A_890] {strides = array<i32>} : memref<4x64xi32, #tpu.memory_space<vmem>>, vector<1x16xi32>,
    %swap3A_892 = vector.shape_cast %swap3A_891 : vector<1x16xi32> to vector<16xi32>
    %swap3A_893 = vector.shape_cast %shift_right_logical3A_887 : vector<16xi32> to vector<1x16xi32>
    tpu.vector_store %arg7[%swap3A_889, %swap3A_890], %swap3A_893 {strides = array<i32>} : memref<4x64xi32, #tpu.memory_space<vmem>>, vector<1x16xi32>,
    %get3A_894 = arith.constant 79 : i32
    %get3A_895 = arith.index_cast %get3A_894 : i32 to index
    %get3A_896 = arith.constant 112 : index
    %get3A_897 = tpu.vector_load %arg5[%get3A_895, %get3A_896] {strides = array<i32>} : memref<80x128xi32, #tpu.memory_space<vmem>>, vector<1x16xi32>,
    %get3A_898 = vector.shape_cast %get3A_897 : vector<1x16xi32> to vector<16xi32>
    %and3A_899 = arith.constant 65535 : i32
    %and3A_900 = vector.broadcast %and3A_899 : i32 to vector<16xi32>
    %and3A_901 = arith.andi %get3A_898, %and3A_900 : vector<16xi32>
    %swap3A_902 = arith.constant 3 : i32
    %swap3A_903 = arith.index_cast %swap3A_902 : i32 to index
    %swap3A_904 = arith.constant 48 : index
    %swap3A_905 = tpu.vector_load %arg6[%swap3A_903, %swap3A_904] {strides = array<i32>} : memref<4x64xi32, #tpu.memory_space<vmem>>, vector<1x16xi32>,
    %swap3A_906 = vector.shape_cast %swap3A_905 : vector<1x16xi32> to vector<16xi32>
    %swap3A_907 = vector.shape_cast %and3A_901 : vector<16xi32> to vector<1x16xi32>
    tpu.vector_store %arg6[%swap3A_903, %swap3A_904], %swap3A_907 {strides = array<i32>} : memref<4x64xi32, #tpu.memory_space<vmem>>, vector<1x16xi32>,
    %shift_right_logical3A_908 = arith.constant 16 : i32
    %shift_right_logical3A_909 = vector.broadcast %shift_right_logical3A_908 : i32 to vector<16xi32>
    %shift_right_logical3A_910 = arith.shrui %get3A_898, %shift_right_logical3A_909 : vector<16xi32>
    %swap3A_911 = arith.constant 3 : i32
    %swap3A_912 = arith.index_cast %swap3A_911 : i32 to index
    %swap3A_913 = arith.constant 48 : index
    %swap3A_914 = tpu.vector_load %arg7[%swap3A_912, %swap3A_913] {strides = array<i32>} : memref<4x64xi32, #tpu.memory_space<vmem>>, vector<1x16xi32>,
    %swap3A_915 = vector.shape_cast %swap3A_914 : vector<1x16xi32> to vector<16xi32>
    %swap3A_916 = vector.shape_cast %shift_right_logical3A_910 : vector<16xi32> to vector<1x16xi32>
    tpu.vector_store %arg7[%swap3A_912, %swap3A_913], %swap3A_916 {strides = array<i32>} : memref<4x64xi32, #tpu.memory_space<vmem>>, vector<1x16xi32>,
    %dma_start3A_917 = arith.constant 3 : i32
    %dma_start3A_918 = arith.constant 0 : i32
    %dma_start3A_919 = tpu.memref_slice %arg6[%dma_start3A_917, %dma_start3A_918] : memref<4x64xi32, #tpu.memory_space<vmem>> -> memref<1x64xi32, #tpu.memory_space<vmem>>
    %dma_start3A_920 = tpu.memref_squeeze %dma_start3A_919 : memref<1x64xi32, #tpu.memory_space<vmem>> -> memref<64xi32, #tpu.memory_space<vmem>>
    %dma_start3A_921 = arith.constant 0 : i32
    %dma_start3A_922 = arith.constant 0 : i32
    %dma_start3A_923 = tpu.memref_slice %arg2[%dma_start3A_921, %dma_start3A_922] : memref<10000x128xf32, #tpu.memory_space<hbm>> -> memref<10000x128xf32, #tpu.memory_space<hbm>>
    tpu.enqueue_indirect_dma source(%dma_start3A_923 : memref<10000x128xf32, #tpu.memory_space<hbm>>) target(%arg11 : memref<64x128xf32, #tpu.memory_space<vmem>>) offsets(%dma_start3A_920 : memref<64xi32, #tpu.memory_space<vmem>>) semaphore(%arg16 : memref<!tpu.dma_semaphore, #tpu.memory_space<semaphore_mem>>)
    %dma_wait3A_924 = arith.constant 2 : i32
    %dma_wait3A_925 = arith.constant 0 : i32
    %dma_wait3A_926 = tpu.memref_slice %arg6[%dma_wait3A_924, %dma_wait3A_925] : memref<4x64xi32, #tpu.memory_space<vmem>> -> memref<1x64xi32, #tpu.memory_space<vmem>>
    %dma_wait3A_927 = tpu.memref_squeeze %dma_wait3A_926 : memref<1x64xi32, #tpu.memory_space<vmem>> -> memref<64xi32, #tpu.memory_space<vmem>>
    %dma_wait3A_928 = arith.constant 0 : i32
    %dma_wait3A_929 = arith.constant 0 : i32
    %dma_wait3A_930 = tpu.memref_slice %arg2[%dma_wait3A_928, %dma_wait3A_929] : memref<10000x128xf32, #tpu.memory_space<hbm>> -> memref<10000x128xf32, #tpu.memory_space<hbm>>
    tpu.wait_indirect_dma semaphore(%arg15 : memref<!tpu.dma_semaphore, #tpu.memory_space<semaphore_mem>>) src(%dma_wait3A_930 : memref<10000x128xf32, #tpu.memory_space<hbm>>) dst(%arg10 : memref<64x128xf32, #tpu.memory_space<vmem>>)
    %dma_start3A_931 = arith.constant 2 : i32
    %dma_start3A_932 = arith.constant 0 : i32
    %dma_start3A_933 = tpu.memref_slice %arg7[%dma_start3A_931, %dma_start3A_932] : memref<4x64xi32, #tpu.memory_space<vmem>> -> memref<1x64xi32, #tpu.memory_space<vmem>>
    %dma_start3A_934 = tpu.memref_squeeze %dma_start3A_933 : memref<1x64xi32, #tpu.memory_space<vmem>> -> memref<64xi32, #tpu.memory_space<vmem>>
    %dma_start3A_935 = arith.constant 0 : i32
    %dma_start3A_936 = arith.constant 0 : i32
    %dma_start3A_937 = tpu.memref_slice %arg12[%dma_start3A_935, %dma_start3A_936] : memref<10112x128xf32, #tpu.memory_space<vmem_shared>> -> memref<10112x128xf32, #tpu.memory_space<vmem_shared>>
    tpu.enqueue_indirect_dma source(%arg10 : memref<64x128xf32, #tpu.memory_space<vmem>>) target(%dma_start3A_937 : memref<10112x128xf32, #tpu.memory_space<vmem_shared>>) offsets(%dma_start3A_934 : memref<64xi32, #tpu.memory_space<vmem>>) semaphore(%arg19 : memref<!tpu.dma_semaphore, #tpu.memory_space<semaphore_mem>>) {add = true}
    %dma_wait3A_938 = arith.constant 0 : i32
    %dma_wait3A_939 = arith.constant 0 : i32
    %dma_wait3A_940 = tpu.memref_slice %arg7[%dma_wait3A_938, %dma_wait3A_939] : memref<4x64xi32, #tpu.memory_space<vmem>> -> memref<1x64xi32, #tpu.memory_space<vmem>>
    %dma_wait3A_941 = tpu.memref_squeeze %dma_wait3A_940 : memref<1x64xi32, #tpu.memory_space<vmem>> -> memref<64xi32, #tpu.memory_space<vmem>>
    %dma_wait3A_942 = arith.constant 0 : i32
    %dma_wait3A_943 = arith.constant 0 : i32
    %dma_wait3A_944 = tpu.memref_slice %arg12[%dma_wait3A_942, %dma_wait3A_943] : memref<10112x128xf32, #tpu.memory_space<vmem_shared>> -> memref<10112x128xf32, #tpu.memory_space<vmem_shared>>
    tpu.wait_indirect_dma semaphore(%arg17 : memref<!tpu.dma_semaphore, #tpu.memory_space<semaphore_mem>>) src(%arg8 : memref<64x128xf32, #tpu.memory_space<vmem>>) dst(%dma_wait3A_944 : memref<10112x128xf32, #tpu.memory_space<vmem_shared>>)
    %dma_wait3A_945 = arith.constant 3 : i32
    %dma_wait3A_946 = arith.constant 0 : i32
    %dma_wait3A_947 = tpu.memref_slice %arg6[%dma_wait3A_945, %dma_wait3A_946] : memref<4x64xi32, #tpu.memory_space<vmem>> -> memref<1x64xi32, #tpu.memory_space<vmem>>
    %dma_wait3A_948 = tpu.memref_squeeze %dma_wait3A_947 : memref<1x64xi32, #tpu.memory_space<vmem>> -> memref<64xi32, #tpu.memory_space<vmem>>
    %dma_wait3A_949 = arith.constant 0 : i32
    %dma_wait3A_950 = arith.constant 0 : i32
    %dma_wait3A_951 = tpu.memref_slice %arg2[%dma_wait3A_949, %dma_wait3A_950] : memref<10000x128xf32, #tpu.memory_space<hbm>> -> memref<10000x128xf32, #tpu.memory_space<hbm>>
    tpu.wait_indirect_dma semaphore(%arg16 : memref<!tpu.dma_semaphore, #tpu.memory_space<semaphore_mem>>) src(%dma_wait3A_951 : memref<10000x128xf32, #tpu.memory_space<hbm>>) dst(%arg11 : memref<64x128xf32, #tpu.memory_space<vmem>>)
    %dma_start3A_952 = arith.constant 3 : i32
    %dma_start3A_953 = arith.constant 0 : i32
    %dma_start3A_954 = tpu.memref_slice %arg7[%dma_start3A_952, %dma_start3A_953] : memref<4x64xi32, #tpu.memory_space<vmem>> -> memref<1x64xi32, #tpu.memory_space<vmem>>
    %dma_start3A_955 = tpu.memref_squeeze %dma_start3A_954 : memref<1x64xi32, #tpu.memory_space<vmem>> -> memref<64xi32, #tpu.memory_space<vmem>>
    %dma_start3A_956 = arith.constant 0 : i32
    %dma_start3A_957 = arith.constant 0 : i32
    %dma_start3A_958 = tpu.memref_slice %arg12[%dma_start3A_956, %dma_start3A_957] : memref<10112x128xf32, #tpu.memory_space<vmem_shared>> -> memref<10112x128xf32, #tpu.memory_space<vmem_shared>>
    tpu.enqueue_indirect_dma source(%arg11 : memref<64x128xf32, #tpu.memory_space<vmem>>) target(%dma_start3A_958 : memref<10112x128xf32, #tpu.memory_space<vmem_shared>>) offsets(%dma_start3A_955 : memref<64xi32, #tpu.memory_space<vmem>>) semaphore(%arg20 : memref<!tpu.dma_semaphore, #tpu.memory_space<semaphore_mem>>) {add = true}
    %dma_wait3A_959 = arith.constant 1 : i32
    %dma_wait3A_960 = arith.constant 0 : i32
    %dma_wait3A_961 = tpu.memref_slice %arg7[%dma_wait3A_959, %dma_wait3A_960] : memref<4x64xi32, #tpu.memory_space<vmem>> -> memref<1x64xi32, #tpu.memory_space<vmem>>
    %dma_wait3A_962 = tpu.memref_squeeze %dma_wait3A_961 : memref<1x64xi32, #tpu.memory_space<vmem>> -> memref<64xi32, #tpu.memory_space<vmem>>
    %dma_wait3A_963 = arith.constant 0 : i32
    %dma_wait3A_964 = arith.constant 0 : i32
    %dma_wait3A_965 = tpu.memref_slice %arg12[%dma_wait3A_963, %dma_wait3A_964] : memref<10112x128xf32, #tpu.memory_space<vmem_shared>> -> memref<10112x128xf32, #tpu.memory_space<vmem_shared>>
    tpu.wait_indirect_dma semaphore(%arg18 : memref<!tpu.dma_semaphore, #tpu.memory_space<semaphore_mem>>) src(%arg9 : memref<64x128xf32, #tpu.memory_space<vmem>>) dst(%dma_wait3A_965 : memref<10112x128xf32, #tpu.memory_space<vmem_shared>>)
    %dma_wait3A_966 = arith.constant 2 : i32
    %dma_wait3A_967 = arith.constant 0 : i32
    %dma_wait3A_968 = tpu.memref_slice %arg7[%dma_wait3A_966, %dma_wait3A_967] : memref<4x64xi32, #tpu.memory_space<vmem>> -> memref<1x64xi32, #tpu.memory_space<vmem>>
    %dma_wait3A_969 = tpu.memref_squeeze %dma_wait3A_968 : memref<1x64xi32, #tpu.memory_space<vmem>> -> memref<64xi32, #tpu.memory_space<vmem>>
    %dma_wait3A_970 = arith.constant 0 : i32
    %dma_wait3A_971 = arith.constant 0 : i32
    %dma_wait3A_972 = tpu.memref_slice %arg12[%dma_wait3A_970, %dma_wait3A_971] : memref<10112x128xf32, #tpu.memory_space<vmem_shared>> -> memref<10112x128xf32, #tpu.memory_space<vmem_shared>>
    tpu.wait_indirect_dma semaphore(%arg19 : memref<!tpu.dma_semaphore, #tpu.memory_space<semaphore_mem>>) src(%arg10 : memref<64x128xf32, #tpu.memory_space<vmem>>) dst(%dma_wait3A_972 : memref<10112x128xf32, #tpu.memory_space<vmem_shared>>)
    %dma_wait3A_973 = arith.constant 3 : i32
    %dma_wait3A_974 = arith.constant 0 : i32
    %dma_wait3A_975 = tpu.memref_slice %arg7[%dma_wait3A_973, %dma_wait3A_974] : memref<4x64xi32, #tpu.memory_space<vmem>> -> memref<1x64xi32, #tpu.memory_space<vmem>>
    %dma_wait3A_976 = tpu.memref_squeeze %dma_wait3A_975 : memref<1x64xi32, #tpu.memory_space<vmem>> -> memref<64xi32, #tpu.memory_space<vmem>>
    %dma_wait3A_977 = arith.constant 0 : i32
    %dma_wait3A_978 = arith.constant 0 : i32
    %dma_wait3A_979 = tpu.memref_slice %arg12[%dma_wait3A_977, %dma_wait3A_978] : memref<10112x128xf32, #tpu.memory_space<vmem_shared>> -> memref<10112x128xf32, #tpu.memory_space<vmem_shared>>
    tpu.wait_indirect_dma semaphore(%arg20 : memref<!tpu.dma_semaphore, #tpu.memory_space<semaphore_mem>>) src(%arg11 : memref<64x128xf32, #tpu.memory_space<vmem>>) dst(%dma_wait3A_979 : memref<10112x128xf32, #tpu.memory_space<vmem_shared>>)
    %barrier3A_980 = arith.constant 0 : index
    tpu.barrier barrier_id(%barrier3A_980)
    "tpu.region"() ({
      %run_scoped3A = tpu.sem_alloc : memref<!tpu.dma_semaphore, #tpu.memory_space<semaphore_mem>>
      %dma_start3A_981 = arith.constant 0 : i32
      %dma_start3A_982 = tpu.memref_slice %arg4[%arg0, %mul3A_0, %dma_start3A_981] : memref<2x10112x128xf32, #tpu.memory_space<hbm>> -> memref<1x632x128xf32, #tpu.memory_space<hbm>>
      %dma_start3A_983 = tpu.memref_squeeze %dma_start3A_982 : memref<1x632x128xf32, #tpu.memory_space<hbm>> -> memref<632x128xf32, #tpu.memory_space<hbm>>
      %dma_start3A_984 = arith.constant 0 : i32
      %dma_start3A_985 = tpu.memref_slice %arg12[%mul3A_0, %dma_start3A_984] : memref<10112x128xf32, #tpu.memory_space<vmem_shared>> -> memref<632x128xf32, #tpu.memory_space<vmem_shared>>
      tpu.enqueue_dma source(%dma_start3A_985 : memref<632x128xf32, #tpu.memory_space<vmem_shared>>) target(%dma_start3A_983 : memref<632x128xf32, #tpu.memory_space<hbm>>) target_semaphore(%run_scoped3A : memref<!tpu.dma_semaphore, #tpu.memory_space<semaphore_mem>>)
      %dma_wait3A_986 = arith.constant 0 : i32
      %dma_wait3A_987 = tpu.memref_slice %arg4[%arg0, %mul3A_0, %dma_wait3A_986] : memref<2x10112x128xf32, #tpu.memory_space<hbm>> -> memref<1x632x128xf32, #tpu.memory_space<hbm>>
      %dma_wait3A_988 = tpu.memref_squeeze %dma_wait3A_987 : memref<1x632x128xf32, #tpu.memory_space<hbm>> -> memref<632x128xf32, #tpu.memory_space<hbm>>
      %dma_wait3A_989 = arith.constant 0 : i32
      %dma_wait3A_990 = tpu.memref_slice %arg12[%mul3A_0, %dma_wait3A_989] : memref<10112x128xf32, #tpu.memory_space<vmem_shared>> -> memref<632x128xf32, #tpu.memory_space<vmem_shared>>
      tpu.wait_dma2 semaphore(%run_scoped3A : memref<!tpu.dma_semaphore, #tpu.memory_space<semaphore_mem>>) src(%dma_wait3A_990 : memref<632x128xf32, #tpu.memory_space<vmem_shared>>) dst(%dma_wait3A_988 : memref<632x128xf32, #tpu.memory_space<hbm>>)
      tpu.yield
    }) : () -> ()
    return
  }
}

#map = affine_map<(d0, d1) -> (0, 0)>
#map1 = affine_map<(d0, d1) -> (0, 0, 0)>
module attributes {stable_mosaic.version = 14 : i64} {
  func.func @body(%arg0: i32, %arg1: i32, %arg2: memref<10000x128xf32, #tpu.memory_space<hbm>>, %arg3: memref<32x80x128xi32, #tpu.memory_space<hbm>>, %arg4: memref<2x10112x128xf32, #tpu.memory_space<hbm>>, %arg5: memref<80x128xi32, #tpu.memory_space<vmem>>, %arg6: memref<4x64xi32, #tpu.memory_space<vmem>>, %arg7: memref<4x64xi32, #tpu.memory_space<vmem>>, %arg8: memref<64x128xf32, #tpu.memory_space<vmem>>, %arg9: memref<64x128xf32, #tpu.memory_space<vmem>>, %arg10: memref<64x128xf32, #tpu.memory_space<vmem>>, %arg11: memref<64x128xf32, #tpu.memory_space<vmem>>, %arg12: memref<10112x128xf32, #tpu.memory_space<vmem_shared>>, %arg13: memref<!tpu.dma_semaphore, #tpu.memory_space<semaphore_mem>>, %arg14: memref<!tpu.dma_semaphore, #tpu.memory_space<semaphore_mem>>, %arg15: memref<!tpu.dma_semaphore, #tpu.memory_space<semaphore_mem>>, %arg16: memref<!tpu.dma_semaphore, #tpu.memory_space<semaphore_mem>>, %arg17: memref<!tpu.dma_semaphore, #tpu.memory_space<semaphore_mem>>, %arg18: memref<!tpu.dma_semaphore, #tpu.memory_space<semaphore_mem>>, %arg19: memref<!tpu.dma_semaphore, #tpu.memory_space<semaphore_mem>>, %arg20: memref<!tpu.dma_semaphore, #tpu.memory_space<semaphore_mem>>) attributes {dimension_semantics = [#tpu.dimension_semantics<core_parallel>, #tpu.dimension_semantics<subcore_parallel>], iteration_bounds = array<i64: 2, 16>, scalar_prefetch = 0 : i64, scratch_operands = 16 : i64, tpu.core_type = #tpu.core_type<sc_vector_subcore>, window_params = [{transform_indices = #map}, {transform_indices = #map1}, {transform_indices = #map1}]} {
    %mul3A = arith.constant 632 : i32
    %mul3A_0 = arith.muli %arg1, %mul3A : i32
    %broadcast_in_dim3A = arith.constant 0.000000e+00 : f32
    %broadcast_in_dim3A_1 = vector.broadcast %broadcast_in_dim3A : f32 to vector<16xf32>
    %scan3A = arith.constant 0 : i32
    %scan3A_2 = arith.constant 0 : i32
    %scan3A_3 = arith.constant 64 : i32
    %scan3A_4 = arith.addi %scan3A_2, %scan3A_3 : i32
    %scan3A_5 = arith.constant 1 : i32
    %scan3A_6 = scf.for %scan3A_981 = %scan3A_2 to %scan3A_4 step %scan3A_5 iter_args(%scan3A_982 = %scan3A) -> (i32)  : i32 {
      %swap3A_983 = arith.index_cast %scan3A_981 : i32 to index
      %swap3A_984 = arith.constant 0 : index
      %swap3A_985 = tpu.vector_load %arg8[%swap3A_983, %swap3A_984] {strides = array<i32>} : memref<64x128xf32, #tpu.memory_space<vmem>>, vector<1x16xf32>,
      %swap3A_986 = vector.shape_cast %swap3A_985 : vector<1x16xf32> to vector<16xf32>
      %swap3A_987 = vector.shape_cast %broadcast_in_dim3A_1 : vector<16xf32> to vector<1x16xf32>
      tpu.vector_store %arg8[%swap3A_983, %swap3A_984], %swap3A_987 {strides = array<i32>} : memref<64x128xf32, #tpu.memory_space<vmem>>, vector<1x16xf32>,
      %swap3A_988 = arith.index_cast %scan3A_981 : i32 to index
      %swap3A_989 = arith.constant 16 : index
      %swap3A_990 = tpu.vector_load %arg8[%swap3A_988, %swap3A_989] {strides = array<i32>} : memref<64x128xf32, #tpu.memory_space<vmem>>, vector<1x16xf32>,
      %swap3A_991 = vector.shape_cast %swap3A_990 : vector<1x16xf32> to vector<16xf32>
      %swap3A_992 = vector.shape_cast %broadcast_in_dim3A_1 : vector<16xf32> to vector<1x16xf32>
      tpu.vector_store %arg8[%swap3A_988, %swap3A_989], %swap3A_992 {strides = array<i32>} : memref<64x128xf32, #tpu.memory_space<vmem>>, vector<1x16xf32>,
      %swap3A_993 = arith.index_cast %scan3A_981 : i32 to index
      %swap3A_994 = arith.constant 32 : index
      %swap3A_995 = tpu.vector_load %arg8[%swap3A_993, %swap3A_994] {strides = array<i32>} : memref<64x128xf32, #tpu.memory_space<vmem>>, vector<1x16xf32>,
      %swap3A_996 = vector.shape_cast %swap3A_995 : vector<1x16xf32> to vector<16xf32>
      %swap3A_997 = vector.shape_cast %broadcast_in_dim3A_1 : vector<16xf32> to vector<1x16xf32>
      tpu.vector_store %arg8[%swap3A_993, %swap3A_994], %swap3A_997 {strides = array<i32>} : memref<64x128xf32, #tpu.memory_space<vmem>>, vector<1x16xf32>,
      %swap3A_998 = arith.index_cast %scan3A_981 : i32 to index
      %swap3A_999 = arith.constant 48 : index
      %swap3A_1000 = tpu.vector_load %arg8[%swap3A_998, %swap3A_999] {strides = array<i32>} : memref<64x128xf32, #tpu.memory_space<vmem>>, vector<1x16xf32>,
      %swap3A_1001 = vector.shape_cast %swap3A_1000 : vector<1x16xf32> to vector<16xf32>
      %swap3A_1002 = vector.shape_cast %broadcast_in_dim3A_1 : vector<16xf32> to vector<1x16xf32>
      tpu.vector_store %arg8[%swap3A_998, %swap3A_999], %swap3A_1002 {strides = array<i32>} : memref<64x128xf32, #tpu.memory_space<vmem>>, vector<1x16xf32>,
      %swap3A_1003 = arith.index_cast %scan3A_981 : i32 to index
      %swap3A_1004 = arith.constant 64 : index
      %swap3A_1005 = tpu.vector_load %arg8[%swap3A_1003, %swap3A_1004] {strides = array<i32>} : memref<64x128xf32, #tpu.memory_space<vmem>>, vector<1x16xf32>,
      %swap3A_1006 = vector.shape_cast %swap3A_1005 : vector<1x16xf32> to vector<16xf32>
      %swap3A_1007 = vector.shape_cast %broadcast_in_dim3A_1 : vector<16xf32> to vector<1x16xf32>
      tpu.vector_store %arg8[%swap3A_1003, %swap3A_1004], %swap3A_1007 {strides = array<i32>} : memref<64x128xf32, #tpu.memory_space<vmem>>, vector<1x16xf32>,
      %swap3A_1008 = arith.index_cast %scan3A_981 : i32 to index
      %swap3A_1009 = arith.constant 80 : index
      %swap3A_1010 = tpu.vector_load %arg8[%swap3A_1008, %swap3A_1009] {strides = array<i32>} : memref<64x128xf32, #tpu.memory_space<vmem>>, vector<1x16xf32>,
      %swap3A_1011 = vector.shape_cast %swap3A_1010 : vector<1x16xf32> to vector<16xf32>
      %swap3A_1012 = vector.shape_cast %broadcast_in_dim3A_1 : vector<16xf32> to vector<1x16xf32>
      tpu.vector_store %arg8[%swap3A_1008, %swap3A_1009], %swap3A_1012 {strides = array<i32>} : memref<64x128xf32, #tpu.memory_space<vmem>>, vector<1x16xf32>,
      %swap3A_1013 = arith.index_cast %scan3A_981 : i32 to index
      %swap3A_1014 = arith.constant 96 : index
      %swap3A_1015 = tpu.vector_load %arg8[%swap3A_1013, %swap3A_1014] {strides = array<i32>} : memref<64x128xf32, #tpu.memory_space<vmem>>, vector<1x16xf32>,
      %swap3A_1016 = vector.shape_cast %swap3A_1015 : vector<1x16xf32> to vector<16xf32>
      %swap3A_1017 = vector.shape_cast %broadcast_in_dim3A_1 : vector<16xf32> to vector<1x16xf32>
      tpu.vector_store %arg8[%swap3A_1013, %swap3A_1014], %swap3A_1017 {strides = array<i32>} : memref<64x128xf32, #tpu.memory_space<vmem>>, vector<1x16xf32>,
      %swap3A_1018 = arith.index_cast %scan3A_981 : i32 to index
      %swap3A_1019 = arith.constant 112 : index
      %swap3A_1020 = tpu.vector_load %arg8[%swap3A_1018, %swap3A_1019] {strides = array<i32>} : memref<64x128xf32, #tpu.memory_space<vmem>>, vector<1x16xf32>,
      %swap3A_1021 = vector.shape_cast %swap3A_1020 : vector<1x16xf32> to vector<16xf32>
      %swap3A_1022 = vector.shape_cast %broadcast_in_dim3A_1 : vector<16xf32> to vector<1x16xf32>
      tpu.vector_store %arg8[%swap3A_1018, %swap3A_1019], %swap3A_1022 {strides = array<i32>} : memref<64x128xf32, #tpu.memory_space<vmem>>, vector<1x16xf32>,
      %scan3A_1023 = arith.constant 0 : i32
      scf.yield %scan3A_1023 : i32
    }
    %scan3A_7 = arith.constant 64 : i32
    %scan3A_8 = arith.constant 0 : i32
    %scan3A_9 = arith.constant 0 : i32
    %scan3A_10 = arith.constant 9 : i32
    %scan3A_11 = arith.addi %scan3A_9, %scan3A_10 : i32
    %scan3A_12 = arith.constant 1 : i32
    %scan3A_13 = scf.for %scan3A_981 = %scan3A_9 to %scan3A_11 step %scan3A_12 iter_args(%scan3A_982 = %scan3A_8) -> (i32)  : i32 {
      %mul3A_983 = arith.constant 64 : i32
      %mul3A_984 = arith.muli %scan3A_981, %mul3A_983 : i32
      %add3A_985 = arith.addi %mul3A_0, %mul3A_984 : i32
      "tpu.region"() ({
        %run_scoped3A = tpu.sem_alloc : memref<!tpu.dma_semaphore, #tpu.memory_space<semaphore_mem>>
        %dma_start3A_987 = arith.constant 0 : i32
        %dma_start3A_988 = tpu.memref_slice %arg12[%add3A_985, %dma_start3A_987] : memref<10112x128xf32, #tpu.memory_space<vmem_shared>> -> memref<64x128xf32, #tpu.memory_space<vmem_shared>>
        %dma_start3A_989 = arith.constant 0 : i32
        %dma_start3A_990 = tpu.memref_slice %arg12[%add3A_985, %dma_start3A_989] : memref<10112x128xf32, #tpu.memory_space<vmem_shared>> -> memref<64x128xf32, #tpu.memory_space<vmem_shared>>
        tpu.enqueue_dma source(%arg8 : memref<64x128xf32, #tpu.memory_space<vmem>>) target(%dma_start3A_990 : memref<64x128xf32, #tpu.memory_space<vmem_shared>>) target_semaphore(%run_scoped3A : memref<!tpu.dma_semaphore, #tpu.memory_space<semaphore_mem>>)
        %dma_wait3A_991 = arith.constant 0 : i32
        %dma_wait3A_992 = tpu.memref_slice %arg12[%add3A_985, %dma_wait3A_991] : memref<10112x128xf32, #tpu.memory_space<vmem_shared>> -> memref<64x128xf32, #tpu.memory_space<vmem_shared>>
        %dma_wait3A_993 = arith.constant 0 : i32
        %dma_wait3A_994 = tpu.memref_slice %arg12[%add3A_985, %dma_wait3A_993] : memref<10112x128xf32, #tpu.memory_space<vmem_shared>> -> memref<64x128xf32, #tpu.memory_space<vmem_shared>>
        tpu.wait_dma2 semaphore(%run_scoped3A : memref<!tpu.dma_semaphore, #tpu.memory_space<semaphore_mem>>) src(%arg8 : memref<64x128xf32, #tpu.memory_space<vmem>>) dst(%dma_wait3A_994 : memref<64x128xf32, #tpu.memory_space<vmem_shared>>)
        tpu.yield
      }) : () -> ()
      %scan3A_986 = arith.constant 0 : i32
      scf.yield %scan3A_986 : i32
    }
    %scan3A_14 = arith.constant 9 : i32
    %add3A = arith.constant 576 : i32
    %add3A_15 = arith.addi %mul3A_0, %add3A : i32
    "tpu.region"() ({
      %run_scoped3A = tpu.sem_alloc : memref<!tpu.dma_semaphore, #tpu.memory_space<semaphore_mem>>
      %dma_start3A_981 = arith.constant 0 : i32
      %dma_start3A_982 = arith.constant 0 : i32
      %dma_start3A_983 = tpu.memref_slice %arg8[%dma_start3A_981, %dma_start3A_982] : memref<64x128xf32, #tpu.memory_space<vmem>> -> memref<56x128xf32, #tpu.memory_space<vmem>>
      %dma_start3A_984 = arith.constant 0 : i32
      %dma_start3A_985 = tpu.memref_slice %arg12[%add3A_15, %dma_start3A_984] : memref<10112x128xf32, #tpu.memory_space<vmem_shared>> -> memref<56x128xf32, #tpu.memory_space<vmem_shared>>
      %dma_start3A_986 = arith.constant 0 : i32
      %dma_start3A_987 = tpu.memref_slice %arg12[%add3A_15, %dma_start3A_986] : memref<10112x128xf32, #tpu.memory_space<vmem_shared>> -> memref<56x128xf32, #tpu.memory_space<vmem_shared>>
      %dma_start3A_988 = arith.constant 0 : i32
      %dma_start3A_989 = arith.constant 0 : i32
      %dma_start3A_990 = tpu.memref_slice %arg8[%dma_start3A_988, %dma_start3A_989] : memref<64x128xf32, #tpu.memory_space<vmem>> -> memref<56x128xf32, #tpu.memory_space<vmem>>
      tpu.enqueue_dma source(%dma_start3A_990 : memref<56x128xf32, #tpu.memory_space<vmem>>) target(%dma_start3A_987 : memref<56x128xf32, #tpu.memory_space<vmem_shared>>) target_semaphore(%run_scoped3A : memref<!tpu.dma_semaphore, #tpu.memory_space<semaphore_mem>>)
      %dma_wait3A_991 = arith.constant 0 : i32
      %dma_wait3A_992 = arith.constant 0 : i32
      %dma_wait3A_993 = tpu.memref_slice %arg8[%dma_wait3A_991, %dma_wait3A_992] : memref<64x128xf32, #tpu.memory_space<vmem>> -> memref<56x128xf32, #tpu.memory_space<vmem>>
      %dma_wait3A_994 = arith.constant 0 : i32
      %dma_wait3A_995 = tpu.memref_slice %arg12[%add3A_15, %dma_wait3A_994] : memref<10112x128xf32, #tpu.memory_space<vmem_shared>> -> memref<56x128xf32, #tpu.memory_space<vmem_shared>>
      %dma_wait3A_996 = arith.constant 0 : i32
      %dma_wait3A_997 = tpu.memref_slice %arg12[%add3A_15, %dma_wait3A_996] : memref<10112x128xf32, #tpu.memory_space<vmem_shared>> -> memref<56x128xf32, #tpu.memory_space<vmem_shared>>
      %dma_wait3A_998 = arith.constant 0 : i32
      %dma_wait3A_999 = arith.constant 0 : i32
      %dma_wait3A_1000 = tpu.memref_slice %arg8[%dma_wait3A_998, %dma_wait3A_999] : memref<64x128xf32, #tpu.memory_space<vmem>> -> memref<56x128xf32, #tpu.memory_space<vmem>>
      tpu.wait_dma2 semaphore(%run_scoped3A : memref<!tpu.dma_semaphore, #tpu.memory_space<semaphore_mem>>) src(%dma_wait3A_1000 : memref<56x128xf32, #tpu.memory_space<vmem>>) dst(%dma_wait3A_997 : memref<56x128xf32, #tpu.memory_space<vmem_shared>>)
      tpu.yield
    }) : () -> ()
    %barrier3A = arith.constant 0 : index
    tpu.barrier barrier_id(%barrier3A)
    %mul3A_16 = arith.constant 2 : i32
    %mul3A_17 = arith.muli %arg1, %mul3A_16 : i32
    %add3A_18 = arith.addi %mul3A_17, %arg0 : i32
    "tpu.region"() ({
      %run_scoped3A = tpu.sem_alloc : memref<!tpu.dma_semaphore, #tpu.memory_space<semaphore_mem>>
      %dma_start3A_981 = arith.constant 0 : i32
      %dma_start3A_982 = arith.constant 0 : i32
      %dma_start3A_983 = tpu.memref_slice %arg3[%add3A_18, %dma_start3A_981, %dma_start3A_982] : memref<32x80x128xi32, #tpu.memory_space<hbm>> -> memref<1x80x128xi32, #tpu.memory_space<hbm>>
      %dma_start3A_984 = tpu.memref_squeeze %dma_start3A_983 : memref<1x80x128xi32, #tpu.memory_space<hbm>> -> memref<80x128xi32, #tpu.memory_space<hbm>>
      %dma_start3A_985 = arith.constant 0 : i32
      %dma_start3A_986 = arith.constant 0 : i32
      %dma_start3A_987 = tpu.memref_slice %arg3[%add3A_18, %dma_start3A_985, %dma_start3A_986] : memref<32x80x128xi32, #tpu.memory_space<hbm>> -> memref<1x80x128xi32, #tpu.memory_space<hbm>>
      %dma_start3A_988 = tpu.memref_squeeze %dma_start3A_987 : memref<1x80x128xi32, #tpu.memory_space<hbm>> -> memref<80x128xi32, #tpu.memory_space<hbm>>
      tpu.enqueue_dma source(%dma_start3A_988 : memref<80x128xi32, #tpu.memory_space<hbm>>) target(%arg5 : memref<80x128xi32, #tpu.memory_space<vmem>>) target_semaphore(%run_scoped3A : memref<!tpu.dma_semaphore, #tpu.memory_space<semaphore_mem>>)
      %dma_wait3A_989 = arith.constant 0 : i32
      %dma_wait3A_990 = arith.constant 0 : i32
      %dma_wait3A_991 = tpu.memref_slice %arg3[%add3A_18, %dma_wait3A_989, %dma_wait3A_990] : memref<32x80x128xi32, #tpu.memory_space<hbm>> -> memref<1x80x128xi32, #tpu.memory_space<hbm>>
      %dma_wait3A_992 = tpu.memref_squeeze %dma_wait3A_991 : memref<1x80x128xi32, #tpu.memory_space<hbm>> -> memref<80x128xi32, #tpu.memory_space<hbm>>
      %dma_wait3A_993 = arith.constant 0 : i32
      %dma_wait3A_994 = arith.constant 0 : i32
      %dma_wait3A_995 = tpu.memref_slice %arg3[%add3A_18, %dma_wait3A_993, %dma_wait3A_994] : memref<32x80x128xi32, #tpu.memory_space<hbm>> -> memref<1x80x128xi32, #tpu.memory_space<hbm>>
      %dma_wait3A_996 = tpu.memref_squeeze %dma_wait3A_995 : memref<1x80x128xi32, #tpu.memory_space<hbm>> -> memref<80x128xi32, #tpu.memory_space<hbm>>
      tpu.wait_dma2 semaphore(%run_scoped3A : memref<!tpu.dma_semaphore, #tpu.memory_space<semaphore_mem>>) src(%dma_wait3A_996 : memref<80x128xi32, #tpu.memory_space<hbm>>) dst(%arg5 : memref<80x128xi32, #tpu.memory_space<vmem>>)
      tpu.yield
    }) : () -> ()
    %get3A = arith.constant 0 : i32
    %get3A_19 = arith.index_cast %get3A : i32 to index
    %get3A_20 = arith.constant 0 : index
    %get3A_21 = tpu.vector_load %arg5[%get3A_19, %get3A_20] {strides = array<i32>} : memref<80x128xi32, #tpu.memory_space<vmem>>, vector<1x16xi32>,
    %get3A_22 = vector.shape_cast %get3A_21 : vector<1x16xi32> to vector<16xi32>
    %and3A = arith.constant 65535 : i32
    %and3A_23 = vector.broadcast %and3A : i32 to vector<16xi32>
    %and3A_24 = arith.andi %get3A_22, %and3A_23 : vector<16xi32>
    %swap3A = arith.constant 0 : i32
    %swap3A_25 = arith.index_cast %swap3A : i32 to index
    %swap3A_26 = arith.constant 0 : index
    %swap3A_27 = tpu.vector_load %arg6[%swap3A_25, %swap3A_26] {strides = array<i32>} : memref<4x64xi32, #tpu.memory_space<vmem>>, vector<1x16xi32>,
    %swap3A_28 = vector.shape_cast %swap3A_27 : vector<1x16xi32> to vector<16xi32>
    %swap3A_29 = vector.shape_cast %and3A_24 : vector<16xi32> to vector<1x16xi32>
    tpu.vector_store %arg6[%swap3A_25, %swap3A_26], %swap3A_29 {strides = array<i32>} : memref<4x64xi32, #tpu.memory_space<vmem>>, vector<1x16xi32>,
    %shift_right_logical3A = arith.constant 16 : i32
    %shift_right_logical3A_30 = vector.broadcast %shift_right_logical3A : i32 to vector<16xi32>
    %shift_right_logical3A_31 = arith.shrui %get3A_22, %shift_right_logical3A_30 : vector<16xi32>
    %swap3A_32 = arith.constant 0 : i32
    %swap3A_33 = arith.index_cast %swap3A_32 : i32 to index
    %swap3A_34 = arith.constant 0 : index
    %swap3A_35 = tpu.vector_load %arg7[%swap3A_33, %swap3A_34] {strides = array<i32>} : memref<4x64xi32, #tpu.memory_space<vmem>>, vector<1x16xi32>,
    %swap3A_36 = vector.shape_cast %swap3A_35 : vector<1x16xi32> to vector<16xi32>
    %swap3A_37 = vector.shape_cast %shift_right_logical3A_31 : vector<16xi32> to vector<1x16xi32>
    tpu.vector_store %arg7[%swap3A_33, %swap3A_34], %swap3A_37 {strides = array<i32>} : memref<4x64xi32, #tpu.memory_space<vmem>>, vector<1x16xi32>,
    %get3A_38 = arith.constant 0 : i32
    %get3A_39 = arith.index_cast %get3A_38 : i32 to index
    %get3A_40 = arith.constant 16 : index
    %get3A_41 = tpu.vector_load %arg5[%get3A_39, %get3A_40] {strides = array<i32>} : memref<80x128xi32, #tpu.memory_space<vmem>>, vector<1x16xi32>,
    %get3A_42 = vector.shape_cast %get3A_41 : vector<1x16xi32> to vector<16xi32>
    %and3A_43 = arith.constant 65535 : i32
    %and3A_44 = vector.broadcast %and3A_43 : i32 to vector<16xi32>
    %and3A_45 = arith.andi %get3A_42, %and3A_44 : vector<16xi32>
    %swap3A_46 = arith.constant 0 : i32
    %swap3A_47 = arith.index_cast %swap3A_46 : i32 to index
    %swap3A_48 = arith.constant 16 : index
    %swap3A_49 = tpu.vector_load %arg6[%swap3A_47, %swap3A_48] {strides = array<i32>} : memref<4x64xi32, #tpu.memory_space<vmem>>, vector<1x16xi32>,
    %swap3A_50 = vector.shape_cast %swap3A_49 : vector<1x16xi32> to vector<16xi32>
    %swap3A_51 = vector.shape_cast %and3A_45 : vector<16xi32> to vector<1x16xi32>
    tpu.vector_store %arg6[%swap3A_47, %swap3A_48], %swap3A_51 {strides = array<i32>} : memref<4x64xi32, #tpu.memory_space<vmem>>, vector<1x16xi32>,
    %shift_right_logical3A_52 = arith.constant 16 : i32
    %shift_right_logical3A_53 = vector.broadcast %shift_right_logical3A_52 : i32 to vector<16xi32>
    %shift_right_logical3A_54 = arith.shrui %get3A_42, %shift_right_logical3A_53 : vector<16xi32>
    %swap3A_55 = arith.constant 0 : i32
    %swap3A_56 = arith.index_cast %swap3A_55 : i32 to index
    %swap3A_57 = arith.constant 16 : index
    %swap3A_58 = tpu.vector_load %arg7[%swap3A_56, %swap3A_57] {strides = array<i32>} : memref<4x64xi32, #tpu.memory_space<vmem>>, vector<1x16xi32>,
    %swap3A_59 = vector.shape_cast %swap3A_58 : vector<1x16xi32> to vector<16xi32>
    %swap3A_60 = vector.shape_cast %shift_right_logical3A_54 : vector<16xi32> to vector<1x16xi32>
    tpu.vector_store %arg7[%swap3A_56, %swap3A_57], %swap3A_60 {strides = array<i32>} : memref<4x64xi32, #tpu.memory_space<vmem>>, vector<1x16xi32>,
    %get3A_61 = arith.constant 0 : i32
    %get3A_62 = arith.index_cast %get3A_61 : i32 to index
    %get3A_63 = arith.constant 32 : index
    %get3A_64 = tpu.vector_load %arg5[%get3A_62, %get3A_63] {strides = array<i32>} : memref<80x128xi32, #tpu.memory_space<vmem>>, vector<1x16xi32>,
    %get3A_65 = vector.shape_cast %get3A_64 : vector<1x16xi32> to vector<16xi32>
    %and3A_66 = arith.constant 65535 : i32
    %and3A_67 = vector.broadcast %and3A_66 : i32 to vector<16xi32>
    %and3A_68 = arith.andi %get3A_65, %and3A_67 : vector<16xi32>
    %swap3A_69 = arith.constant 0 : i32
    %swap3A_70 = arith.index_cast %swap3A_69 : i32 to index
    %swap3A_71 = arith.constant 32 : index
    %swap3A_72 = tpu.vector_load %arg6[%swap3A_70, %swap3A_71] {strides = array<i32>} : memref<4x64xi32, #tpu.memory_space<vmem>>, vector<1x16xi32>,
    %swap3A_73 = vector.shape_cast %swap3A_72 : vector<1x16xi32> to vector<16xi32>
    %swap3A_74 = vector.shape_cast %and3A_68 : vector<16xi32> to vector<1x16xi32>
    tpu.vector_store %arg6[%swap3A_70, %swap3A_71], %swap3A_74 {strides = array<i32>} : memref<4x64xi32, #tpu.memory_space<vmem>>, vector<1x16xi32>,
    %shift_right_logical3A_75 = arith.constant 16 : i32
    %shift_right_logical3A_76 = vector.broadcast %shift_right_logical3A_75 : i32 to vector<16xi32>
    %shift_right_logical3A_77 = arith.shrui %get3A_65, %shift_right_logical3A_76 : vector<16xi32>
    %swap3A_78 = arith.constant 0 : i32
    %swap3A_79 = arith.index_cast %swap3A_78 : i32 to index
    %swap3A_80 = arith.constant 32 : index
    %swap3A_81 = tpu.vector_load %arg7[%swap3A_79, %swap3A_80] {strides = array<i32>} : memref<4x64xi32, #tpu.memory_space<vmem>>, vector<1x16xi32>,
    %swap3A_82 = vector.shape_cast %swap3A_81 : vector<1x16xi32> to vector<16xi32>
    %swap3A_83 = vector.shape_cast %shift_right_logical3A_77 : vector<16xi32> to vector<1x16xi32>
    tpu.vector_store %arg7[%swap3A_79, %swap3A_80], %swap3A_83 {strides = array<i32>} : memref<4x64xi32, #tpu.memory_space<vmem>>, vector<1x16xi32>,
    %get3A_84 = arith.constant 0 : i32
    %get3A_85 = arith.index_cast %get3A_84 : i32 to index
    %get3A_86 = arith.constant 48 : index
    %get3A_87 = tpu.vector_load %arg5[%get3A_85, %get3A_86] {strides = array<i32>} : memref<80x128xi32, #tpu.memory_space<vmem>>, vector<1x16xi32>,
    %get3A_88 = vector.shape_cast %get3A_87 : vector<1x16xi32> to vector<16xi32>
    %and3A_89 = arith.constant 65535 : i32
    %and3A_90 = vector.broadcast %and3A_89 : i32 to vector<16xi32>
    %and3A_91 = arith.andi %get3A_88, %and3A_90 : vector<16xi32>
    %swap3A_92 = arith.constant 0 : i32
    %swap3A_93 = arith.index_cast %swap3A_92 : i32 to index
    %swap3A_94 = arith.constant 48 : index
    %swap3A_95 = tpu.vector_load %arg6[%swap3A_93, %swap3A_94] {strides = array<i32>} : memref<4x64xi32, #tpu.memory_space<vmem>>, vector<1x16xi32>,
    %swap3A_96 = vector.shape_cast %swap3A_95 : vector<1x16xi32> to vector<16xi32>
    %swap3A_97 = vector.shape_cast %and3A_91 : vector<16xi32> to vector<1x16xi32>
    tpu.vector_store %arg6[%swap3A_93, %swap3A_94], %swap3A_97 {strides = array<i32>} : memref<4x64xi32, #tpu.memory_space<vmem>>, vector<1x16xi32>,
    %shift_right_logical3A_98 = arith.constant 16 : i32
    %shift_right_logical3A_99 = vector.broadcast %shift_right_logical3A_98 : i32 to vector<16xi32>
    %shift_right_logical3A_100 = arith.shrui %get3A_88, %shift_right_logical3A_99 : vector<16xi32>
    %swap3A_101 = arith.constant 0 : i32
    %swap3A_102 = arith.index_cast %swap3A_101 : i32 to index
    %swap3A_103 = arith.constant 48 : index
    %swap3A_104 = tpu.vector_load %arg7[%swap3A_102, %swap3A_103] {strides = array<i32>} : memref<4x64xi32, #tpu.memory_space<vmem>>, vector<1x16xi32>,
    %swap3A_105 = vector.shape_cast %swap3A_104 : vector<1x16xi32> to vector<16xi32>
    %swap3A_106 = vector.shape_cast %shift_right_logical3A_100 : vector<16xi32> to vector<1x16xi32>
    tpu.vector_store %arg7[%swap3A_102, %swap3A_103], %swap3A_106 {strides = array<i32>} : memref<4x64xi32, #tpu.memory_space<vmem>>, vector<1x16xi32>,
    %get3A_107 = arith.constant 0 : i32
    %get3A_108 = arith.index_cast %get3A_107 : i32 to index
    %get3A_109 = arith.constant 64 : index
    %get3A_110 = tpu.vector_load %arg5[%get3A_108, %get3A_109] {strides = array<i32>} : memref<80x128xi32, #tpu.memory_space<vmem>>, vector<1x16xi32>,
    %get3A_111 = vector.shape_cast %get3A_110 : vector<1x16xi32> to vector<16xi32>
    %and3A_112 = arith.constant 65535 : i32
    %and3A_113 = vector.broadcast %and3A_112 : i32 to vector<16xi32>
    %and3A_114 = arith.andi %get3A_111, %and3A_113 : vector<16xi32>
    %swap3A_115 = arith.constant 1 : i32
    %swap3A_116 = arith.index_cast %swap3A_115 : i32 to index
    %swap3A_117 = arith.constant 0 : index
    %swap3A_118 = tpu.vector_load %arg6[%swap3A_116, %swap3A_117] {strides = array<i32>} : memref<4x64xi32, #tpu.memory_space<vmem>>, vector<1x16xi32>,
    %swap3A_119 = vector.shape_cast %swap3A_118 : vector<1x16xi32> to vector<16xi32>
    %swap3A_120 = vector.shape_cast %and3A_114 : vector<16xi32> to vector<1x16xi32>
    tpu.vector_store %arg6[%swap3A_116, %swap3A_117], %swap3A_120 {strides = array<i32>} : memref<4x64xi32, #tpu.memory_space<vmem>>, vector<1x16xi32>,
    %shift_right_logical3A_121 = arith.constant 16 : i32
    %shift_right_logical3A_122 = vector.broadcast %shift_right_logical3A_121 : i32 to vector<16xi32>
    %shift_right_logical3A_123 = arith.shrui %get3A_111, %shift_right_logical3A_122 : vector<16xi32>
    %swap3A_124 = arith.constant 1 : i32
    %swap3A_125 = arith.index_cast %swap3A_124 : i32 to index
    %swap3A_126 = arith.constant 0 : index
    %swap3A_127 = tpu.vector_load %arg7[%swap3A_125, %swap3A_126] {strides = array<i32>} : memref<4x64xi32, #tpu.memory_space<vmem>>, vector<1x16xi32>,
    %swap3A_128 = vector.shape_cast %swap3A_127 : vector<1x16xi32> to vector<16xi32>
    %swap3A_129 = vector.shape_cast %shift_right_logical3A_123 : vector<16xi32> to vector<1x16xi32>
    tpu.vector_store %arg7[%swap3A_125, %swap3A_126], %swap3A_129 {strides = array<i32>} : memref<4x64xi32, #tpu.memory_space<vmem>>, vector<1x16xi32>,
    %get3A_130 = arith.constant 0 : i32
    %get3A_131 = arith.index_cast %get3A_130 : i32 to index
    %get3A_132 = arith.constant 80 : index
    %get3A_133 = tpu.vector_load %arg5[%get3A_131, %get3A_132] {strides = array<i32>} : memref<80x128xi32, #tpu.memory_space<vmem>>, vector<1x16xi32>,
    %get3A_134 = vector.shape_cast %get3A_133 : vector<1x16xi32> to vector<16xi32>
    %and3A_135 = arith.constant 65535 : i32
    %and3A_136 = vector.broadcast %and3A_135 : i32 to vector<16xi32>
    %and3A_137 = arith.andi %get3A_134, %and3A_136 : vector<16xi32>
    %swap3A_138 = arith.constant 1 : i32
    %swap3A_139 = arith.index_cast %swap3A_138 : i32 to index
    %swap3A_140 = arith.constant 16 : index
    %swap3A_141 = tpu.vector_load %arg6[%swap3A_139, %swap3A_140] {strides = array<i32>} : memref<4x64xi32, #tpu.memory_space<vmem>>, vector<1x16xi32>,
    %swap3A_142 = vector.shape_cast %swap3A_141 : vector<1x16xi32> to vector<16xi32>
    %swap3A_143 = vector.shape_cast %and3A_137 : vector<16xi32> to vector<1x16xi32>
    tpu.vector_store %arg6[%swap3A_139, %swap3A_140], %swap3A_143 {strides = array<i32>} : memref<4x64xi32, #tpu.memory_space<vmem>>, vector<1x16xi32>,
    %shift_right_logical3A_144 = arith.constant 16 : i32
    %shift_right_logical3A_145 = vector.broadcast %shift_right_logical3A_144 : i32 to vector<16xi32>
    %shift_right_logical3A_146 = arith.shrui %get3A_134, %shift_right_logical3A_145 : vector<16xi32>
    %swap3A_147 = arith.constant 1 : i32
    %swap3A_148 = arith.index_cast %swap3A_147 : i32 to index
    %swap3A_149 = arith.constant 16 : index
    %swap3A_150 = tpu.vector_load %arg7[%swap3A_148, %swap3A_149] {strides = array<i32>} : memref<4x64xi32, #tpu.memory_space<vmem>>, vector<1x16xi32>,
    %swap3A_151 = vector.shape_cast %swap3A_150 : vector<1x16xi32> to vector<16xi32>
    %swap3A_152 = vector.shape_cast %shift_right_logical3A_146 : vector<16xi32> to vector<1x16xi32>
    tpu.vector_store %arg7[%swap3A_148, %swap3A_149], %swap3A_152 {strides = array<i32>} : memref<4x64xi32, #tpu.memory_space<vmem>>, vector<1x16xi32>,
    %get3A_153 = arith.constant 0 : i32
    %get3A_154 = arith.index_cast %get3A_153 : i32 to index
    %get3A_155 = arith.constant 96 : index
    %get3A_156 = tpu.vector_load %arg5[%get3A_154, %get3A_155] {strides = array<i32>} : memref<80x128xi32, #tpu.memory_space<vmem>>, vector<1x16xi32>,
    %get3A_157 = vector.shape_cast %get3A_156 : vector<1x16xi32> to vector<16xi32>
    %and3A_158 = arith.constant 65535 : i32
    %and3A_159 = vector.broadcast %and3A_158 : i32 to vector<16xi32>
    %and3A_160 = arith.andi %get3A_157, %and3A_159 : vector<16xi32>
    %swap3A_161 = arith.constant 1 : i32
    %swap3A_162 = arith.index_cast %swap3A_161 : i32 to index
    %swap3A_163 = arith.constant 32 : index
    %swap3A_164 = tpu.vector_load %arg6[%swap3A_162, %swap3A_163] {strides = array<i32>} : memref<4x64xi32, #tpu.memory_space<vmem>>, vector<1x16xi32>,
    %swap3A_165 = vector.shape_cast %swap3A_164 : vector<1x16xi32> to vector<16xi32>
    %swap3A_166 = vector.shape_cast %and3A_160 : vector<16xi32> to vector<1x16xi32>
    tpu.vector_store %arg6[%swap3A_162, %swap3A_163], %swap3A_166 {strides = array<i32>} : memref<4x64xi32, #tpu.memory_space<vmem>>, vector<1x16xi32>,
    %shift_right_logical3A_167 = arith.constant 16 : i32
    %shift_right_logical3A_168 = vector.broadcast %shift_right_logical3A_167 : i32 to vector<16xi32>
    %shift_right_logical3A_169 = arith.shrui %get3A_157, %shift_right_logical3A_168 : vector<16xi32>
    %swap3A_170 = arith.constant 1 : i32
    %swap3A_171 = arith.index_cast %swap3A_170 : i32 to index
    %swap3A_172 = arith.constant 32 : index
    %swap3A_173 = tpu.vector_load %arg7[%swap3A_171, %swap3A_172] {strides = array<i32>} : memref<4x64xi32, #tpu.memory_space<vmem>>, vector<1x16xi32>,
    %swap3A_174 = vector.shape_cast %swap3A_173 : vector<1x16xi32> to vector<16xi32>
    %swap3A_175 = vector.shape_cast %shift_right_logical3A_169 : vector<16xi32> to vector<1x16xi32>
    tpu.vector_store %arg7[%swap3A_171, %swap3A_172], %swap3A_175 {strides = array<i32>} : memref<4x64xi32, #tpu.memory_space<vmem>>, vector<1x16xi32>,
    %get3A_176 = arith.constant 0 : i32
    %get3A_177 = arith.index_cast %get3A_176 : i32 to index
    %get3A_178 = arith.constant 112 : index
    %get3A_179 = tpu.vector_load %arg5[%get3A_177, %get3A_178] {strides = array<i32>} : memref<80x128xi32, #tpu.memory_space<vmem>>, vector<1x16xi32>,
    %get3A_180 = vector.shape_cast %get3A_179 : vector<1x16xi32> to vector<16xi32>
    %and3A_181 = arith.constant 65535 : i32
    %and3A_182 = vector.broadcast %and3A_181 : i32 to vector<16xi32>
    %and3A_183 = arith.andi %get3A_180, %and3A_182 : vector<16xi32>
    %swap3A_184 = arith.constant 1 : i32
    %swap3A_185 = arith.index_cast %swap3A_184 : i32 to index
    %swap3A_186 = arith.constant 48 : index
    %swap3A_187 = tpu.vector_load %arg6[%swap3A_185, %swap3A_186] {strides = array<i32>} : memref<4x64xi32, #tpu.memory_space<vmem>>, vector<1x16xi32>,
    %swap3A_188 = vector.shape_cast %swap3A_187 : vector<1x16xi32> to vector<16xi32>
    %swap3A_189 = vector.shape_cast %and3A_183 : vector<16xi32> to vector<1x16xi32>
    tpu.vector_store %arg6[%swap3A_185, %swap3A_186], %swap3A_189 {strides = array<i32>} : memref<4x64xi32, #tpu.memory_space<vmem>>, vector<1x16xi32>,
    %shift_right_logical3A_190 = arith.constant 16 : i32
    %shift_right_logical3A_191 = vector.broadcast %shift_right_logical3A_190 : i32 to vector<16xi32>
    %shift_right_logical3A_192 = arith.shrui %get3A_180, %shift_right_logical3A_191 : vector<16xi32>
    %swap3A_193 = arith.constant 1 : i32
    %swap3A_194 = arith.index_cast %swap3A_193 : i32 to index
    %swap3A_195 = arith.constant 48 : index
    %swap3A_196 = tpu.vector_load %arg7[%swap3A_194, %swap3A_195] {strides = array<i32>} : memref<4x64xi32, #tpu.memory_space<vmem>>, vector<1x16xi32>,
    %swap3A_197 = vector.shape_cast %swap3A_196 : vector<1x16xi32> to vector<16xi32>
    %swap3A_198 = vector.shape_cast %shift_right_logical3A_192 : vector<16xi32> to vector<1x16xi32>
    tpu.vector_store %arg7[%swap3A_194, %swap3A_195], %swap3A_198 {strides = array<i32>} : memref<4x64xi32, #tpu.memory_space<vmem>>, vector<1x16xi32>,
    %dma_start3A = arith.constant 0 : i32
    %dma_start3A_199 = arith.constant 0 : i32
    %dma_start3A_200 = tpu.memref_slice %arg6[%dma_start3A, %dma_start3A_199] : memref<4x64xi32, #tpu.memory_space<vmem>> -> memref<1x64xi32, #tpu.memory_space<vmem>>
    %dma_start3A_201 = tpu.memref_squeeze %dma_start3A_200 : memref<1x64xi32, #tpu.memory_space<vmem>> -> memref<64xi32, #tpu.memory_space<vmem>>
    %dma_start3A_202 = arith.constant 0 : i32
    %dma_start3A_203 = arith.constant 0 : i32
    %dma_start3A_204 = tpu.memref_slice %arg2[%dma_start3A_202, %dma_start3A_203] : memref<10000x128xf32, #tpu.memory_space<hbm>> -> memref<10000x128xf32, #tpu.memory_space<hbm>>
    tpu.enqueue_indirect_dma source(%dma_start3A_204 : memref<10000x128xf32, #tpu.memory_space<hbm>>) target(%arg8 : memref<64x128xf32, #tpu.memory_space<vmem>>) offsets(%dma_start3A_201 : memref<64xi32, #tpu.memory_space<vmem>>) semaphore(%arg13 : memref<!tpu.dma_semaphore, #tpu.memory_space<semaphore_mem>>)
    %dma_start3A_205 = arith.constant 1 : i32
    %dma_start3A_206 = arith.constant 0 : i32
    %dma_start3A_207 = tpu.memref_slice %arg6[%dma_start3A_205, %dma_start3A_206] : memref<4x64xi32, #tpu.memory_space<vmem>> -> memref<1x64xi32, #tpu.memory_space<vmem>>
    %dma_start3A_208 = tpu.memref_squeeze %dma_start3A_207 : memref<1x64xi32, #tpu.memory_space<vmem>> -> memref<64xi32, #tpu.memory_space<vmem>>
    %dma_start3A_209 = arith.constant 0 : i32
    %dma_start3A_210 = arith.constant 0 : i32
    %dma_start3A_211 = tpu.memref_slice %arg2[%dma_start3A_209, %dma_start3A_210] : memref<10000x128xf32, #tpu.memory_space<hbm>> -> memref<10000x128xf32, #tpu.memory_space<hbm>>
    tpu.enqueue_indirect_dma source(%dma_start3A_211 : memref<10000x128xf32, #tpu.memory_space<hbm>>) target(%arg9 : memref<64x128xf32, #tpu.memory_space<vmem>>) offsets(%dma_start3A_208 : memref<64xi32, #tpu.memory_space<vmem>>) semaphore(%arg14 : memref<!tpu.dma_semaphore, #tpu.memory_space<semaphore_mem>>)
    %dma_wait3A = arith.constant 0 : i32
    %dma_wait3A_212 = arith.constant 0 : i32
    %dma_wait3A_213 = tpu.memref_slice %arg6[%dma_wait3A, %dma_wait3A_212] : memref<4x64xi32, #tpu.memory_space<vmem>> -> memref<1x64xi32, #tpu.memory_space<vmem>>
    %dma_wait3A_214 = tpu.memref_squeeze %dma_wait3A_213 : memref<1x64xi32, #tpu.memory_space<vmem>> -> memref<64xi32, #tpu.memory_space<vmem>>
    %dma_wait3A_215 = arith.constant 0 : i32
    %dma_wait3A_216 = arith.constant 0 : i32
    %dma_wait3A_217 = tpu.memref_slice %arg2[%dma_wait3A_215, %dma_wait3A_216] : memref<10000x128xf32, #tpu.memory_space<hbm>> -> memref<10000x128xf32, #tpu.memory_space<hbm>>
    tpu.wait_indirect_dma semaphore(%arg13 : memref<!tpu.dma_semaphore, #tpu.memory_space<semaphore_mem>>) src(%dma_wait3A_217 : memref<10000x128xf32, #tpu.memory_space<hbm>>) dst(%arg8 : memref<64x128xf32, #tpu.memory_space<vmem>>)
    %dma_start3A_218 = arith.constant 0 : i32
    %dma_start3A_219 = arith.constant 0 : i32
    %dma_start3A_220 = tpu.memref_slice %arg7[%dma_start3A_218, %dma_start3A_219] : memref<4x64xi32, #tpu.memory_space<vmem>> -> memref<1x64xi32, #tpu.memory_space<vmem>>
    %dma_start3A_221 = tpu.memref_squeeze %dma_start3A_220 : memref<1x64xi32, #tpu.memory_space<vmem>> -> memref<64xi32, #tpu.memory_space<vmem>>
    %dma_start3A_222 = arith.constant 0 : i32
    %dma_start3A_223 = arith.constant 0 : i32
    %dma_start3A_224 = tpu.memref_slice %arg12[%dma_start3A_222, %dma_start3A_223] : memref<10112x128xf32, #tpu.memory_space<vmem_shared>> -> memref<10112x128xf32, #tpu.memory_space<vmem_shared>>
    tpu.enqueue_indirect_dma source(%arg8 : memref<64x128xf32, #tpu.memory_space<vmem>>) target(%dma_start3A_224 : memref<10112x128xf32, #tpu.memory_space<vmem_shared>>) offsets(%dma_start3A_221 : memref<64xi32, #tpu.memory_space<vmem>>) semaphore(%arg17 : memref<!tpu.dma_semaphore, #tpu.memory_space<semaphore_mem>>) {add = true}
    %get3A_225 = arith.constant 1 : i32
    %get3A_226 = arith.index_cast %get3A_225 : i32 to index
    %get3A_227 = arith.constant 0 : index
    %get3A_228 = tpu.vector_load %arg5[%get3A_226, %get3A_227] {strides = array<i32>} : memref<80x128xi32, #tpu.memory_space<vmem>>, vector<1x16xi32>,
    %get3A_229 = vector.shape_cast %get3A_228 : vector<1x16xi32> to vector<16xi32>
    %and3A_230 = arith.constant 65535 : i32
    %and3A_231 = vector.broadcast %and3A_230 : i32 to vector<16xi32>
    %and3A_232 = arith.andi %get3A_229, %and3A_231 : vector<16xi32>
    %swap3A_233 = arith.constant 2 : i32
    %swap3A_234 = arith.index_cast %swap3A_233 : i32 to index
    %swap3A_235 = arith.constant 0 : index
    %swap3A_236 = tpu.vector_load %arg6[%swap3A_234, %swap3A_235] {strides = array<i32>} : memref<4x64xi32, #tpu.memory_space<vmem>>, vector<1x16xi32>,
    %swap3A_237 = vector.shape_cast %swap3A_236 : vector<1x16xi32> to vector<16xi32>
    %swap3A_238 = vector.shape_cast %and3A_232 : vector<16xi32> to vector<1x16xi32>
    tpu.vector_store %arg6[%swap3A_234, %swap3A_235], %swap3A_238 {strides = array<i32>} : memref<4x64xi32, #tpu.memory_space<vmem>>, vector<1x16xi32>,
    %shift_right_logical3A_239 = arith.constant 16 : i32
    %shift_right_logical3A_240 = vector.broadcast %shift_right_logical3A_239 : i32 to vector<16xi32>
    %shift_right_logical3A_241 = arith.shrui %get3A_229, %shift_right_logical3A_240 : vector<16xi32>
    %swap3A_242 = arith.constant 2 : i32
    %swap3A_243 = arith.index_cast %swap3A_242 : i32 to index
    %swap3A_244 = arith.constant 0 : index
    %swap3A_245 = tpu.vector_load %arg7[%swap3A_243, %swap3A_244] {strides = array<i32>} : memref<4x64xi32, #tpu.memory_space<vmem>>, vector<1x16xi32>,
    %swap3A_246 = vector.shape_cast %swap3A_245 : vector<1x16xi32> to vector<16xi32>
    %swap3A_247 = vector.shape_cast %shift_right_logical3A_241 : vector<16xi32> to vector<1x16xi32>
    tpu.vector_store %arg7[%swap3A_243, %swap3A_244], %swap3A_247 {strides = array<i32>} : memref<4x64xi32, #tpu.memory_space<vmem>>, vector<1x16xi32>,
    %get3A_248 = arith.constant 1 : i32
    %get3A_249 = arith.index_cast %get3A_248 : i32 to index
    %get3A_250 = arith.constant 16 : index
    %get3A_251 = tpu.vector_load %arg5[%get3A_249, %get3A_250] {strides = array<i32>} : memref<80x128xi32, #tpu.memory_space<vmem>>, vector<1x16xi32>,
    %get3A_252 = vector.shape_cast %get3A_251 : vector<1x16xi32> to vector<16xi32>
    %and3A_253 = arith.constant 65535 : i32
    %and3A_254 = vector.broadcast %and3A_253 : i32 to vector<16xi32>
    %and3A_255 = arith.andi %get3A_252, %and3A_254 : vector<16xi32>
    %swap3A_256 = arith.constant 2 : i32
    %swap3A_257 = arith.index_cast %swap3A_256 : i32 to index
    %swap3A_258 = arith.constant 16 : index
    %swap3A_259 = tpu.vector_load %arg6[%swap3A_257, %swap3A_258] {strides = array<i32>} : memref<4x64xi32, #tpu.memory_space<vmem>>, vector<1x16xi32>,
    %swap3A_260 = vector.shape_cast %swap3A_259 : vector<1x16xi32> to vector<16xi32>
    %swap3A_261 = vector.shape_cast %and3A_255 : vector<16xi32> to vector<1x16xi32>
    tpu.vector_store %arg6[%swap3A_257, %swap3A_258], %swap3A_261 {strides = array<i32>} : memref<4x64xi32, #tpu.memory_space<vmem>>, vector<1x16xi32>,
    %shift_right_logical3A_262 = arith.constant 16 : i32
    %shift_right_logical3A_263 = vector.broadcast %shift_right_logical3A_262 : i32 to vector<16xi32>
    %shift_right_logical3A_264 = arith.shrui %get3A_252, %shift_right_logical3A_263 : vector<16xi32>
    %swap3A_265 = arith.constant 2 : i32
    %swap3A_266 = arith.index_cast %swap3A_265 : i32 to index
    %swap3A_267 = arith.constant 16 : index
    %swap3A_268 = tpu.vector_load %arg7[%swap3A_266, %swap3A_267] {strides = array<i32>} : memref<4x64xi32, #tpu.memory_space<vmem>>, vector<1x16xi32>,
    %swap3A_269 = vector.shape_cast %swap3A_268 : vector<1x16xi32> to vector<16xi32>
    %swap3A_270 = vector.shape_cast %shift_right_logical3A_264 : vector<16xi32> to vector<1x16xi32>
    tpu.vector_store %arg7[%swap3A_266, %swap3A_267], %swap3A_270 {strides = array<i32>} : memref<4x64xi32, #tpu.memory_space<vmem>>, vector<1x16xi32>,
    %get3A_271 = arith.constant 1 : i32
    %get3A_272 = arith.index_cast %get3A_271 : i32 to index
    %get3A_273 = arith.constant 32 : index
    %get3A_274 = tpu.vector_load %arg5[%get3A_272, %get3A_273] {strides = array<i32>} : memref<80x128xi32, #tpu.memory_space<vmem>>, vector<1x16xi32>,
    %get3A_275 = vector.shape_cast %get3A_274 : vector<1x16xi32> to vector<16xi32>
    %and3A_276 = arith.constant 65535 : i32
    %and3A_277 = vector.broadcast %and3A_276 : i32 to vector<16xi32>
    %and3A_278 = arith.andi %get3A_275, %and3A_277 : vector<16xi32>
    %swap3A_279 = arith.constant 2 : i32
    %swap3A_280 = arith.index_cast %swap3A_279 : i32 to index
    %swap3A_281 = arith.constant 32 : index
    %swap3A_282 = tpu.vector_load %arg6[%swap3A_280, %swap3A_281] {strides = array<i32>} : memref<4x64xi32, #tpu.memory_space<vmem>>, vector<1x16xi32>,
    %swap3A_283 = vector.shape_cast %swap3A_282 : vector<1x16xi32> to vector<16xi32>
    %swap3A_284 = vector.shape_cast %and3A_278 : vector<16xi32> to vector<1x16xi32>
    tpu.vector_store %arg6[%swap3A_280, %swap3A_281], %swap3A_284 {strides = array<i32>} : memref<4x64xi32, #tpu.memory_space<vmem>>, vector<1x16xi32>,
    %shift_right_logical3A_285 = arith.constant 16 : i32
    %shift_right_logical3A_286 = vector.broadcast %shift_right_logical3A_285 : i32 to vector<16xi32>
    %shift_right_logical3A_287 = arith.shrui %get3A_275, %shift_right_logical3A_286 : vector<16xi32>
    %swap3A_288 = arith.constant 2 : i32
    %swap3A_289 = arith.index_cast %swap3A_288 : i32 to index
    %swap3A_290 = arith.constant 32 : index
    %swap3A_291 = tpu.vector_load %arg7[%swap3A_289, %swap3A_290] {strides = array<i32>} : memref<4x64xi32, #tpu.memory_space<vmem>>, vector<1x16xi32>,
    %swap3A_292 = vector.shape_cast %swap3A_291 : vector<1x16xi32> to vector<16xi32>
    %swap3A_293 = vector.shape_cast %shift_right_logical3A_287 : vector<16xi32> to vector<1x16xi32>
    tpu.vector_store %arg7[%swap3A_289, %swap3A_290], %swap3A_293 {strides = array<i32>} : memref<4x64xi32, #tpu.memory_space<vmem>>, vector<1x16xi32>,
    %get3A_294 = arith.constant 1 : i32
    %get3A_295 = arith.index_cast %get3A_294 : i32 to index
    %get3A_296 = arith.constant 48 : index
    %get3A_297 = tpu.vector_load %arg5[%get3A_295, %get3A_296] {strides = array<i32>} : memref<80x128xi32, #tpu.memory_space<vmem>>, vector<1x16xi32>,
    %get3A_298 = vector.shape_cast %get3A_297 : vector<1x16xi32> to vector<16xi32>
    %and3A_299 = arith.constant 65535 : i32
    %and3A_300 = vector.broadcast %and3A_299 : i32 to vector<16xi32>
    %and3A_301 = arith.andi %get3A_298, %and3A_300 : vector<16xi32>
    %swap3A_302 = arith.constant 2 : i32
    %swap3A_303 = arith.index_cast %swap3A_302 : i32 to index
    %swap3A_304 = arith.constant 48 : index
    %swap3A_305 = tpu.vector_load %arg6[%swap3A_303, %swap3A_304] {strides = array<i32>} : memref<4x64xi32, #tpu.memory_space<vmem>>, vector<1x16xi32>,
    %swap3A_306 = vector.shape_cast %swap3A_305 : vector<1x16xi32> to vector<16xi32>
    %swap3A_307 = vector.shape_cast %and3A_301 : vector<16xi32> to vector<1x16xi32>
    tpu.vector_store %arg6[%swap3A_303, %swap3A_304], %swap3A_307 {strides = array<i32>} : memref<4x64xi32, #tpu.memory_space<vmem>>, vector<1x16xi32>,
    %shift_right_logical3A_308 = arith.constant 16 : i32
    %shift_right_logical3A_309 = vector.broadcast %shift_right_logical3A_308 : i32 to vector<16xi32>
    %shift_right_logical3A_310 = arith.shrui %get3A_298, %shift_right_logical3A_309 : vector<16xi32>
    %swap3A_311 = arith.constant 2 : i32
    %swap3A_312 = arith.index_cast %swap3A_311 : i32 to index
    %swap3A_313 = arith.constant 48 : index
    %swap3A_314 = tpu.vector_load %arg7[%swap3A_312, %swap3A_313] {strides = array<i32>} : memref<4x64xi32, #tpu.memory_space<vmem>>, vector<1x16xi32>,
    %swap3A_315 = vector.shape_cast %swap3A_314 : vector<1x16xi32> to vector<16xi32>
    %swap3A_316 = vector.shape_cast %shift_right_logical3A_310 : vector<16xi32> to vector<1x16xi32>
    tpu.vector_store %arg7[%swap3A_312, %swap3A_313], %swap3A_316 {strides = array<i32>} : memref<4x64xi32, #tpu.memory_space<vmem>>, vector<1x16xi32>,
    %dma_start3A_317 = arith.constant 2 : i32
    %dma_start3A_318 = arith.constant 0 : i32
    %dma_start3A_319 = tpu.memref_slice %arg6[%dma_start3A_317, %dma_start3A_318] : memref<4x64xi32, #tpu.memory_space<vmem>> -> memref<1x64xi32, #tpu.memory_space<vmem>>
    %dma_start3A_320 = tpu.memref_squeeze %dma_start3A_319 : memref<1x64xi32, #tpu.memory_space<vmem>> -> memref<64xi32, #tpu.memory_space<vmem>>
    %dma_start3A_321 = arith.constant 0 : i32
    %dma_start3A_322 = arith.constant 0 : i32
    %dma_start3A_323 = tpu.memref_slice %arg2[%dma_start3A_321, %dma_start3A_322] : memref<10000x128xf32, #tpu.memory_space<hbm>> -> memref<10000x128xf32, #tpu.memory_space<hbm>>
    tpu.enqueue_indirect_dma source(%dma_start3A_323 : memref<10000x128xf32, #tpu.memory_space<hbm>>) target(%arg10 : memref<64x128xf32, #tpu.memory_space<vmem>>) offsets(%dma_start3A_320 : memref<64xi32, #tpu.memory_space<vmem>>) semaphore(%arg15 : memref<!tpu.dma_semaphore, #tpu.memory_space<semaphore_mem>>)
    %dma_wait3A_324 = arith.constant 1 : i32
    %dma_wait3A_325 = arith.constant 0 : i32
    %dma_wait3A_326 = tpu.memref_slice %arg6[%dma_wait3A_324, %dma_wait3A_325] : memref<4x64xi32, #tpu.memory_space<vmem>> -> memref<1x64xi32, #tpu.memory_space<vmem>>
    %dma_wait3A_327 = tpu.memref_squeeze %dma_wait3A_326 : memref<1x64xi32, #tpu.memory_space<vmem>> -> memref<64xi32, #tpu.memory_space<vmem>>
    %dma_wait3A_328 = arith.constant 0 : i32
    %dma_wait3A_329 = arith.constant 0 : i32
    %dma_wait3A_330 = tpu.memref_slice %arg2[%dma_wait3A_328, %dma_wait3A_329] : memref<10000x128xf32, #tpu.memory_space<hbm>> -> memref<10000x128xf32, #tpu.memory_space<hbm>>
    tpu.wait_indirect_dma semaphore(%arg14 : memref<!tpu.dma_semaphore, #tpu.memory_space<semaphore_mem>>) src(%dma_wait3A_330 : memref<10000x128xf32, #tpu.memory_space<hbm>>) dst(%arg9 : memref<64x128xf32, #tpu.memory_space<vmem>>)
    %dma_start3A_331 = arith.constant 1 : i32
    %dma_start3A_332 = arith.constant 0 : i32
    %dma_start3A_333 = tpu.memref_slice %arg7[%dma_start3A_331, %dma_start3A_332] : memref<4x64xi32, #tpu.memory_space<vmem>> -> memref<1x64xi32, #tpu.memory_space<vmem>>
    %dma_start3A_334 = tpu.memref_squeeze %dma_start3A_333 : memref<1x64xi32, #tpu.memory_space<vmem>> -> memref<64xi32, #tpu.memory_space<vmem>>
    %dma_start3A_335 = arith.constant 0 : i32
    %dma_start3A_336 = arith.constant 0 : i32
    %dma_start3A_337 = tpu.memref_slice %arg12[%dma_start3A_335, %dma_start3A_336] : memref<10112x128xf32, #tpu.memory_space<vmem_shared>> -> memref<10112x128xf32, #tpu.memory_space<vmem_shared>>
    tpu.enqueue_indirect_dma source(%arg9 : memref<64x128xf32, #tpu.memory_space<vmem>>) target(%dma_start3A_337 : memref<10112x128xf32, #tpu.memory_space<vmem_shared>>) offsets(%dma_start3A_334 : memref<64xi32, #tpu.memory_space<vmem>>) semaphore(%arg18 : memref<!tpu.dma_semaphore, #tpu.memory_space<semaphore_mem>>) {add = true}
    %get3A_338 = arith.constant 1 : i32
    %get3A_339 = arith.index_cast %get3A_338 : i32 to index
    %get3A_340 = arith.constant 64 : index
    %get3A_341 = tpu.vector_load %arg5[%get3A_339, %get3A_340] {strides = array<i32>} : memref<80x128xi32, #tpu.memory_space<vmem>>, vector<1x16xi32>,
    %get3A_342 = vector.shape_cast %get3A_341 : vector<1x16xi32> to vector<16xi32>
    %and3A_343 = arith.constant 65535 : i32
    %and3A_344 = vector.broadcast %and3A_343 : i32 to vector<16xi32>
    %and3A_345 = arith.andi %get3A_342, %and3A_344 : vector<16xi32>
    %swap3A_346 = arith.constant 3 : i32
    %swap3A_347 = arith.index_cast %swap3A_346 : i32 to index
    %swap3A_348 = arith.constant 0 : index
    %swap3A_349 = tpu.vector_load %arg6[%swap3A_347, %swap3A_348] {strides = array<i32>} : memref<4x64xi32, #tpu.memory_space<vmem>>, vector<1x16xi32>,
    %swap3A_350 = vector.shape_cast %swap3A_349 : vector<1x16xi32> to vector<16xi32>
    %swap3A_351 = vector.shape_cast %and3A_345 : vector<16xi32> to vector<1x16xi32>
    tpu.vector_store %arg6[%swap3A_347, %swap3A_348], %swap3A_351 {strides = array<i32>} : memref<4x64xi32, #tpu.memory_space<vmem>>, vector<1x16xi32>,
    %shift_right_logical3A_352 = arith.constant 16 : i32
    %shift_right_logical3A_353 = vector.broadcast %shift_right_logical3A_352 : i32 to vector<16xi32>
    %shift_right_logical3A_354 = arith.shrui %get3A_342, %shift_right_logical3A_353 : vector<16xi32>
    %swap3A_355 = arith.constant 3 : i32
    %swap3A_356 = arith.index_cast %swap3A_355 : i32 to index
    %swap3A_357 = arith.constant 0 : index
    %swap3A_358 = tpu.vector_load %arg7[%swap3A_356, %swap3A_357] {strides = array<i32>} : memref<4x64xi32, #tpu.memory_space<vmem>>, vector<1x16xi32>,
    %swap3A_359 = vector.shape_cast %swap3A_358 : vector<1x16xi32> to vector<16xi32>
    %swap3A_360 = vector.shape_cast %shift_right_logical3A_354 : vector<16xi32> to vector<1x16xi32>
    tpu.vector_store %arg7[%swap3A_356, %swap3A_357], %swap3A_360 {strides = array<i32>} : memref<4x64xi32, #tpu.memory_space<vmem>>, vector<1x16xi32>,
    %get3A_361 = arith.constant 1 : i32
    %get3A_362 = arith.index_cast %get3A_361 : i32 to index
    %get3A_363 = arith.constant 80 : index
    %get3A_364 = tpu.vector_load %arg5[%get3A_362, %get3A_363] {strides = array<i32>} : memref<80x128xi32, #tpu.memory_space<vmem>>, vector<1x16xi32>,
    %get3A_365 = vector.shape_cast %get3A_364 : vector<1x16xi32> to vector<16xi32>
    %and3A_366 = arith.constant 65535 : i32
    %and3A_367 = vector.broadcast %and3A_366 : i32 to vector<16xi32>
    %and3A_368 = arith.andi %get3A_365, %and3A_367 : vector<16xi32>
    %swap3A_369 = arith.constant 3 : i32
    %swap3A_370 = arith.index_cast %swap3A_369 : i32 to index
    %swap3A_371 = arith.constant 16 : index
    %swap3A_372 = tpu.vector_load %arg6[%swap3A_370, %swap3A_371] {strides = array<i32>} : memref<4x64xi32, #tpu.memory_space<vmem>>, vector<1x16xi32>,
    %swap3A_373 = vector.shape_cast %swap3A_372 : vector<1x16xi32> to vector<16xi32>
    %swap3A_374 = vector.shape_cast %and3A_368 : vector<16xi32> to vector<1x16xi32>
    tpu.vector_store %arg6[%swap3A_370, %swap3A_371], %swap3A_374 {strides = array<i32>} : memref<4x64xi32, #tpu.memory_space<vmem>>, vector<1x16xi32>,
    %shift_right_logical3A_375 = arith.constant 16 : i32
    %shift_right_logical3A_376 = vector.broadcast %shift_right_logical3A_375 : i32 to vector<16xi32>
    %shift_right_logical3A_377 = arith.shrui %get3A_365, %shift_right_logical3A_376 : vector<16xi32>
    %swap3A_378 = arith.constant 3 : i32
    %swap3A_379 = arith.index_cast %swap3A_378 : i32 to index
    %swap3A_380 = arith.constant 16 : index
    %swap3A_381 = tpu.vector_load %arg7[%swap3A_379, %swap3A_380] {strides = array<i32>} : memref<4x64xi32, #tpu.memory_space<vmem>>, vector<1x16xi32>,
    %swap3A_382 = vector.shape_cast %swap3A_381 : vector<1x16xi32> to vector<16xi32>
    %swap3A_383 = vector.shape_cast %shift_right_logical3A_377 : vector<16xi32> to vector<1x16xi32>
    tpu.vector_store %arg7[%swap3A_379, %swap3A_380], %swap3A_383 {strides = array<i32>} : memref<4x64xi32, #tpu.memory_space<vmem>>, vector<1x16xi32>,
    %get3A_384 = arith.constant 1 : i32
    %get3A_385 = arith.index_cast %get3A_384 : i32 to index
    %get3A_386 = arith.constant 96 : index
    %get3A_387 = tpu.vector_load %arg5[%get3A_385, %get3A_386] {strides = array<i32>} : memref<80x128xi32, #tpu.memory_space<vmem>>, vector<1x16xi32>,
    %get3A_388 = vector.shape_cast %get3A_387 : vector<1x16xi32> to vector<16xi32>
    %and3A_389 = arith.constant 65535 : i32
    %and3A_390 = vector.broadcast %and3A_389 : i32 to vector<16xi32>
    %and3A_391 = arith.andi %get3A_388, %and3A_390 : vector<16xi32>
    %swap3A_392 = arith.constant 3 : i32
    %swap3A_393 = arith.index_cast %swap3A_392 : i32 to index
    %swap3A_394 = arith.constant 32 : index
    %swap3A_395 = tpu.vector_load %arg6[%swap3A_393, %swap3A_394] {strides = array<i32>} : memref<4x64xi32, #tpu.memory_space<vmem>>, vector<1x16xi32>,
    %swap3A_396 = vector.shape_cast %swap3A_395 : vector<1x16xi32> to vector<16xi32>
    %swap3A_397 = vector.shape_cast %and3A_391 : vector<16xi32> to vector<1x16xi32>
    tpu.vector_store %arg6[%swap3A_393, %swap3A_394], %swap3A_397 {strides = array<i32>} : memref<4x64xi32, #tpu.memory_space<vmem>>, vector<1x16xi32>,
    %shift_right_logical3A_398 = arith.constant 16 : i32
    %shift_right_logical3A_399 = vector.broadcast %shift_right_logical3A_398 : i32 to vector<16xi32>
    %shift_right_logical3A_400 = arith.shrui %get3A_388, %shift_right_logical3A_399 : vector<16xi32>
    %swap3A_401 = arith.constant 3 : i32
    %swap3A_402 = arith.index_cast %swap3A_401 : i32 to index
    %swap3A_403 = arith.constant 32 : index
    %swap3A_404 = tpu.vector_load %arg7[%swap3A_402, %swap3A_403] {strides = array<i32>} : memref<4x64xi32, #tpu.memory_space<vmem>>, vector<1x16xi32>,
    %swap3A_405 = vector.shape_cast %swap3A_404 : vector<1x16xi32> to vector<16xi32>
    %swap3A_406 = vector.shape_cast %shift_right_logical3A_400 : vector<16xi32> to vector<1x16xi32>
    tpu.vector_store %arg7[%swap3A_402, %swap3A_403], %swap3A_406 {strides = array<i32>} : memref<4x64xi32, #tpu.memory_space<vmem>>, vector<1x16xi32>,
    %get3A_407 = arith.constant 1 : i32
    %get3A_408 = arith.index_cast %get3A_407 : i32 to index
    %get3A_409 = arith.constant 112 : index
    %get3A_410 = tpu.vector_load %arg5[%get3A_408, %get3A_409] {strides = array<i32>} : memref<80x128xi32, #tpu.memory_space<vmem>>, vector<1x16xi32>,
    %get3A_411 = vector.shape_cast %get3A_410 : vector<1x16xi32> to vector<16xi32>
    %and3A_412 = arith.constant 65535 : i32
    %and3A_413 = vector.broadcast %and3A_412 : i32 to vector<16xi32>
    %and3A_414 = arith.andi %get3A_411, %and3A_413 : vector<16xi32>
    %swap3A_415 = arith.constant 3 : i32
    %swap3A_416 = arith.index_cast %swap3A_415 : i32 to index
    %swap3A_417 = arith.constant 48 : index
    %swap3A_418 = tpu.vector_load %arg6[%swap3A_416, %swap3A_417] {strides = array<i32>} : memref<4x64xi32, #tpu.memory_space<vmem>>, vector<1x16xi32>,
    %swap3A_419 = vector.shape_cast %swap3A_418 : vector<1x16xi32> to vector<16xi32>
    %swap3A_420 = vector.shape_cast %and3A_414 : vector<16xi32> to vector<1x16xi32>
    tpu.vector_store %arg6[%swap3A_416, %swap3A_417], %swap3A_420 {strides = array<i32>} : memref<4x64xi32, #tpu.memory_space<vmem>>, vector<1x16xi32>,
    %shift_right_logical3A_421 = arith.constant 16 : i32
    %shift_right_logical3A_422 = vector.broadcast %shift_right_logical3A_421 : i32 to vector<16xi32>
    %shift_right_logical3A_423 = arith.shrui %get3A_411, %shift_right_logical3A_422 : vector<16xi32>
    %swap3A_424 = arith.constant 3 : i32
    %swap3A_425 = arith.index_cast %swap3A_424 : i32 to index
    %swap3A_426 = arith.constant 48 : index
    %swap3A_427 = tpu.vector_load %arg7[%swap3A_425, %swap3A_426] {strides = array<i32>} : memref<4x64xi32, #tpu.memory_space<vmem>>, vector<1x16xi32>,
    %swap3A_428 = vector.shape_cast %swap3A_427 : vector<1x16xi32> to vector<16xi32>
    %swap3A_429 = vector.shape_cast %shift_right_logical3A_423 : vector<16xi32> to vector<1x16xi32>
    tpu.vector_store %arg7[%swap3A_425, %swap3A_426], %swap3A_429 {strides = array<i32>} : memref<4x64xi32, #tpu.memory_space<vmem>>, vector<1x16xi32>,
    %dma_start3A_430 = arith.constant 3 : i32
    %dma_start3A_431 = arith.constant 0 : i32
    %dma_start3A_432 = tpu.memref_slice %arg6[%dma_start3A_430, %dma_start3A_431] : memref<4x64xi32, #tpu.memory_space<vmem>> -> memref<1x64xi32, #tpu.memory_space<vmem>>
    %dma_start3A_433 = tpu.memref_squeeze %dma_start3A_432 : memref<1x64xi32, #tpu.memory_space<vmem>> -> memref<64xi32, #tpu.memory_space<vmem>>
    %dma_start3A_434 = arith.constant 0 : i32
    %dma_start3A_435 = arith.constant 0 : i32
    %dma_start3A_436 = tpu.memref_slice %arg2[%dma_start3A_434, %dma_start3A_435] : memref<10000x128xf32, #tpu.memory_space<hbm>> -> memref<10000x128xf32, #tpu.memory_space<hbm>>
    tpu.enqueue_indirect_dma source(%dma_start3A_436 : memref<10000x128xf32, #tpu.memory_space<hbm>>) target(%arg11 : memref<64x128xf32, #tpu.memory_space<vmem>>) offsets(%dma_start3A_433 : memref<64xi32, #tpu.memory_space<vmem>>) semaphore(%arg16 : memref<!tpu.dma_semaphore, #tpu.memory_space<semaphore_mem>>)
    %dma_wait3A_437 = arith.constant 2 : i32
    %dma_wait3A_438 = arith.constant 0 : i32
    %dma_wait3A_439 = tpu.memref_slice %arg6[%dma_wait3A_437, %dma_wait3A_438] : memref<4x64xi32, #tpu.memory_space<vmem>> -> memref<1x64xi32, #tpu.memory_space<vmem>>
    %dma_wait3A_440 = tpu.memref_squeeze %dma_wait3A_439 : memref<1x64xi32, #tpu.memory_space<vmem>> -> memref<64xi32, #tpu.memory_space<vmem>>
    %dma_wait3A_441 = arith.constant 0 : i32
    %dma_wait3A_442 = arith.constant 0 : i32
    %dma_wait3A_443 = tpu.memref_slice %arg2[%dma_wait3A_441, %dma_wait3A_442] : memref<10000x128xf32, #tpu.memory_space<hbm>> -> memref<10000x128xf32, #tpu.memory_space<hbm>>
    tpu.wait_indirect_dma semaphore(%arg15 : memref<!tpu.dma_semaphore, #tpu.memory_space<semaphore_mem>>) src(%dma_wait3A_443 : memref<10000x128xf32, #tpu.memory_space<hbm>>) dst(%arg10 : memref<64x128xf32, #tpu.memory_space<vmem>>)
    %dma_start3A_444 = arith.constant 2 : i32
    %dma_start3A_445 = arith.constant 0 : i32
    %dma_start3A_446 = tpu.memref_slice %arg7[%dma_start3A_444, %dma_start3A_445] : memref<4x64xi32, #tpu.memory_space<vmem>> -> memref<1x64xi32, #tpu.memory_space<vmem>>
    %dma_start3A_447 = tpu.memref_squeeze %dma_start3A_446 : memref<1x64xi32, #tpu.memory_space<vmem>> -> memref<64xi32, #tpu.memory_space<vmem>>
    %dma_start3A_448 = arith.constant 0 : i32
    %dma_start3A_449 = arith.constant 0 : i32
    %dma_start3A_450 = tpu.memref_slice %arg12[%dma_start3A_448, %dma_start3A_449] : memref<10112x128xf32, #tpu.memory_space<vmem_shared>> -> memref<10112x128xf32, #tpu.memory_space<vmem_shared>>
    tpu.enqueue_indirect_dma source(%arg10 : memref<64x128xf32, #tpu.memory_space<vmem>>) target(%dma_start3A_450 : memref<10112x128xf32, #tpu.memory_space<vmem_shared>>) offsets(%dma_start3A_447 : memref<64xi32, #tpu.memory_space<vmem>>) semaphore(%arg19 : memref<!tpu.dma_semaphore, #tpu.memory_space<semaphore_mem>>) {add = true}
    %dma_wait3A_451 = arith.constant 0 : i32
    %dma_wait3A_452 = arith.constant 0 : i32
    %dma_wait3A_453 = tpu.memref_slice %arg7[%dma_wait3A_451, %dma_wait3A_452] : memref<4x64xi32, #tpu.memory_space<vmem>> -> memref<1x64xi32, #tpu.memory_space<vmem>>
    %dma_wait3A_454 = tpu.memref_squeeze %dma_wait3A_453 : memref<1x64xi32, #tpu.memory_space<vmem>> -> memref<64xi32, #tpu.memory_space<vmem>>
    %dma_wait3A_455 = arith.constant 0 : i32
    %dma_wait3A_456 = arith.constant 0 : i32
    %dma_wait3A_457 = tpu.memref_slice %arg12[%dma_wait3A_455, %dma_wait3A_456] : memref<10112x128xf32, #tpu.memory_space<vmem_shared>> -> memref<10112x128xf32, #tpu.memory_space<vmem_shared>>
    tpu.wait_indirect_dma semaphore(%arg17 : memref<!tpu.dma_semaphore, #tpu.memory_space<semaphore_mem>>) src(%arg8 : memref<64x128xf32, #tpu.memory_space<vmem>>) dst(%dma_wait3A_457 : memref<10112x128xf32, #tpu.memory_space<vmem_shared>>)
    %get3A_458 = arith.constant 2 : i32
    %get3A_459 = arith.index_cast %get3A_458 : i32 to index
    %get3A_460 = arith.constant 0 : index
    %get3A_461 = tpu.vector_load %arg5[%get3A_459, %get3A_460] {strides = array<i32>} : memref<80x128xi32, #tpu.memory_space<vmem>>, vector<1x16xi32>,
    %get3A_462 = vector.shape_cast %get3A_461 : vector<1x16xi32> to vector<16xi32>
    %and3A_463 = arith.constant 65535 : i32
    %and3A_464 = vector.broadcast %and3A_463 : i32 to vector<16xi32>
    %and3A_465 = arith.andi %get3A_462, %and3A_464 : vector<16xi32>
    %swap3A_466 = arith.constant 0 : i32
    %swap3A_467 = arith.index_cast %swap3A_466 : i32 to index
    %swap3A_468 = arith.constant 0 : index
    %swap3A_469 = tpu.vector_load %arg6[%swap3A_467, %swap3A_468] {strides = array<i32>} : memref<4x64xi32, #tpu.memory_space<vmem>>, vector<1x16xi32>,
    %swap3A_470 = vector.shape_cast %swap3A_469 : vector<1x16xi32> to vector<16xi32>
    %swap3A_471 = vector.shape_cast %and3A_465 : vector<16xi32> to vector<1x16xi32>
    tpu.vector_store %arg6[%swap3A_467, %swap3A_468], %swap3A_471 {strides = array<i32>} : memref<4x64xi32, #tpu.memory_space<vmem>>, vector<1x16xi32>,
    %shift_right_logical3A_472 = arith.constant 16 : i32
    %shift_right_logical3A_473 = vector.broadcast %shift_right_logical3A_472 : i32 to vector<16xi32>
    %shift_right_logical3A_474 = arith.shrui %get3A_462, %shift_right_logical3A_473 : vector<16xi32>
    %swap3A_475 = arith.constant 0 : i32
    %swap3A_476 = arith.index_cast %swap3A_475 : i32 to index
    %swap3A_477 = arith.constant 0 : index
    %swap3A_478 = tpu.vector_load %arg7[%swap3A_476, %swap3A_477] {strides = array<i32>} : memref<4x64xi32, #tpu.memory_space<vmem>>, vector<1x16xi32>,
    %swap3A_479 = vector.shape_cast %swap3A_478 : vector<1x16xi32> to vector<16xi32>
    %swap3A_480 = vector.shape_cast %shift_right_logical3A_474 : vector<16xi32> to vector<1x16xi32>
    tpu.vector_store %arg7[%swap3A_476, %swap3A_477], %swap3A_480 {strides = array<i32>} : memref<4x64xi32, #tpu.memory_space<vmem>>, vector<1x16xi32>,
    %get3A_481 = arith.constant 2 : i32
    %get3A_482 = arith.index_cast %get3A_481 : i32 to index
    %get3A_483 = arith.constant 16 : index
    %get3A_484 = tpu.vector_load %arg5[%get3A_482, %get3A_483] {strides = array<i32>} : memref<80x128xi32, #tpu.memory_space<vmem>>, vector<1x16xi32>,
    %get3A_485 = vector.shape_cast %get3A_484 : vector<1x16xi32> to vector<16xi32>
    %and3A_486 = arith.constant 65535 : i32
    %and3A_487 = vector.broadcast %and3A_486 : i32 to vector<16xi32>
    %and3A_488 = arith.andi %get3A_485, %and3A_487 : vector<16xi32>
    %swap3A_489 = arith.constant 0 : i32
    %swap3A_490 = arith.index_cast %swap3A_489 : i32 to index
    %swap3A_491 = arith.constant 16 : index
    %swap3A_492 = tpu.vector_load %arg6[%swap3A_490, %swap3A_491] {strides = array<i32>} : memref<4x64xi32, #tpu.memory_space<vmem>>, vector<1x16xi32>,
    %swap3A_493 = vector.shape_cast %swap3A_492 : vector<1x16xi32> to vector<16xi32>
    %swap3A_494 = vector.shape_cast %and3A_488 : vector<16xi32> to vector<1x16xi32>
    tpu.vector_store %arg6[%swap3A_490, %swap3A_491], %swap3A_494 {strides = array<i32>} : memref<4x64xi32, #tpu.memory_space<vmem>>, vector<1x16xi32>,
    %shift_right_logical3A_495 = arith.constant 16 : i32
    %shift_right_logical3A_496 = vector.broadcast %shift_right_logical3A_495 : i32 to vector<16xi32>
    %shift_right_logical3A_497 = arith.shrui %get3A_485, %shift_right_logical3A_496 : vector<16xi32>
    %swap3A_498 = arith.constant 0 : i32
    %swap3A_499 = arith.index_cast %swap3A_498 : i32 to index
    %swap3A_500 = arith.constant 16 : index
    %swap3A_501 = tpu.vector_load %arg7[%swap3A_499, %swap3A_500] {strides = array<i32>} : memref<4x64xi32, #tpu.memory_space<vmem>>, vector<1x16xi32>,
    %swap3A_502 = vector.shape_cast %swap3A_501 : vector<1x16xi32> to vector<16xi32>
    %swap3A_503 = vector.shape_cast %shift_right_logical3A_497 : vector<16xi32> to vector<1x16xi32>
    tpu.vector_store %arg7[%swap3A_499, %swap3A_500], %swap3A_503 {strides = array<i32>} : memref<4x64xi32, #tpu.memory_space<vmem>>, vector<1x16xi32>,
    %get3A_504 = arith.constant 2 : i32
    %get3A_505 = arith.index_cast %get3A_504 : i32 to index
    %get3A_506 = arith.constant 32 : index
    %get3A_507 = tpu.vector_load %arg5[%get3A_505, %get3A_506] {strides = array<i32>} : memref<80x128xi32, #tpu.memory_space<vmem>>, vector<1x16xi32>,
    %get3A_508 = vector.shape_cast %get3A_507 : vector<1x16xi32> to vector<16xi32>
    %and3A_509 = arith.constant 65535 : i32
    %and3A_510 = vector.broadcast %and3A_509 : i32 to vector<16xi32>
    %and3A_511 = arith.andi %get3A_508, %and3A_510 : vector<16xi32>
    %swap3A_512 = arith.constant 0 : i32
    %swap3A_513 = arith.index_cast %swap3A_512 : i32 to index
    %swap3A_514 = arith.constant 32 : index
    %swap3A_515 = tpu.vector_load %arg6[%swap3A_513, %swap3A_514] {strides = array<i32>} : memref<4x64xi32, #tpu.memory_space<vmem>>, vector<1x16xi32>,
    %swap3A_516 = vector.shape_cast %swap3A_515 : vector<1x16xi32> to vector<16xi32>
    %swap3A_517 = vector.shape_cast %and3A_511 : vector<16xi32> to vector<1x16xi32>
    tpu.vector_store %arg6[%swap3A_513, %swap3A_514], %swap3A_517 {strides = array<i32>} : memref<4x64xi32, #tpu.memory_space<vmem>>, vector<1x16xi32>,
    %shift_right_logical3A_518 = arith.constant 16 : i32
    %shift_right_logical3A_519 = vector.broadcast %shift_right_logical3A_518 : i32 to vector<16xi32>
    %shift_right_logical3A_520 = arith.shrui %get3A_508, %shift_right_logical3A_519 : vector<16xi32>
    %swap3A_521 = arith.constant 0 : i32
    %swap3A_522 = arith.index_cast %swap3A_521 : i32 to index
    %swap3A_523 = arith.constant 32 : index
    %swap3A_524 = tpu.vector_load %arg7[%swap3A_522, %swap3A_523] {strides = array<i32>} : memref<4x64xi32, #tpu.memory_space<vmem>>, vector<1x16xi32>,
    %swap3A_525 = vector.shape_cast %swap3A_524 : vector<1x16xi32> to vector<16xi32>
    %swap3A_526 = vector.shape_cast %shift_right_logical3A_520 : vector<16xi32> to vector<1x16xi32>
    tpu.vector_store %arg7[%swap3A_522, %swap3A_523], %swap3A_526 {strides = array<i32>} : memref<4x64xi32, #tpu.memory_space<vmem>>, vector<1x16xi32>,
    %get3A_527 = arith.constant 2 : i32
    %get3A_528 = arith.index_cast %get3A_527 : i32 to index
    %get3A_529 = arith.constant 48 : index
    %get3A_530 = tpu.vector_load %arg5[%get3A_528, %get3A_529] {strides = array<i32>} : memref<80x128xi32, #tpu.memory_space<vmem>>, vector<1x16xi32>,
    %get3A_531 = vector.shape_cast %get3A_530 : vector<1x16xi32> to vector<16xi32>
    %and3A_532 = arith.constant 65535 : i32
    %and3A_533 = vector.broadcast %and3A_532 : i32 to vector<16xi32>
    %and3A_534 = arith.andi %get3A_531, %and3A_533 : vector<16xi32>
    %swap3A_535 = arith.constant 0 : i32
    %swap3A_536 = arith.index_cast %swap3A_535 : i32 to index
    %swap3A_537 = arith.constant 48 : index
    %swap3A_538 = tpu.vector_load %arg6[%swap3A_536, %swap3A_537] {strides = array<i32>} : memref<4x64xi32, #tpu.memory_space<vmem>>, vector<1x16xi32>,
    %swap3A_539 = vector.shape_cast %swap3A_538 : vector<1x16xi32> to vector<16xi32>
    %swap3A_540 = vector.shape_cast %and3A_534 : vector<16xi32> to vector<1x16xi32>
    tpu.vector_store %arg6[%swap3A_536, %swap3A_537], %swap3A_540 {strides = array<i32>} : memref<4x64xi32, #tpu.memory_space<vmem>>, vector<1x16xi32>,
    %shift_right_logical3A_541 = arith.constant 16 : i32
    %shift_right_logical3A_542 = vector.broadcast %shift_right_logical3A_541 : i32 to vector<16xi32>
    %shift_right_logical3A_543 = arith.shrui %get3A_531, %shift_right_logical3A_542 : vector<16xi32>
    %swap3A_544 = arith.constant 0 : i32
    %swap3A_545 = arith.index_cast %swap3A_544 : i32 to index
    %swap3A_546 = arith.constant 48 : index
    %swap3A_547 = tpu.vector_load %arg7[%swap3A_545, %swap3A_546] {strides = array<i32>} : memref<4x64xi32, #tpu.memory_space<vmem>>, vector<1x16xi32>,
    %swap3A_548 = vector.shape_cast %swap3A_547 : vector<1x16xi32> to vector<16xi32>
    %swap3A_549 = vector.shape_cast %shift_right_logical3A_543 : vector<16xi32> to vector<1x16xi32>
    tpu.vector_store %arg7[%swap3A_545, %swap3A_546], %swap3A_549 {strides = array<i32>} : memref<4x64xi32, #tpu.memory_space<vmem>>, vector<1x16xi32>,
    %dma_start3A_550 = arith.constant 0 : i32
    %dma_start3A_551 = arith.constant 0 : i32
    %dma_start3A_552 = tpu.memref_slice %arg6[%dma_start3A_550, %dma_start3A_551] : memref<4x64xi32, #tpu.memory_space<vmem>> -> memref<1x64xi32, #tpu.memory_space<vmem>>
    %dma_start3A_553 = tpu.memref_squeeze %dma_start3A_552 : memref<1x64xi32, #tpu.memory_space<vmem>> -> memref<64xi32, #tpu.memory_space<vmem>>
    %dma_start3A_554 = arith.constant 0 : i32
    %dma_start3A_555 = arith.constant 0 : i32
    %dma_start3A_556 = tpu.memref_slice %arg2[%dma_start3A_554, %dma_start3A_555] : memref<10000x128xf32, #tpu.memory_space<hbm>> -> memref<10000x128xf32, #tpu.memory_space<hbm>>
    tpu.enqueue_indirect_dma source(%dma_start3A_556 : memref<10000x128xf32, #tpu.memory_space<hbm>>) target(%arg8 : memref<64x128xf32, #tpu.memory_space<vmem>>) offsets(%dma_start3A_553 : memref<64xi32, #tpu.memory_space<vmem>>) semaphore(%arg13 : memref<!tpu.dma_semaphore, #tpu.memory_space<semaphore_mem>>)
    %dma_wait3A_557 = arith.constant 3 : i32
    %dma_wait3A_558 = arith.constant 0 : i32
    %dma_wait3A_559 = tpu.memref_slice %arg6[%dma_wait3A_557, %dma_wait3A_558] : memref<4x64xi32, #tpu.memory_space<vmem>> -> memref<1x64xi32, #tpu.memory_space<vmem>>
    %dma_wait3A_560 = tpu.memref_squeeze %dma_wait3A_559 : memref<1x64xi32, #tpu.memory_space<vmem>> -> memref<64xi32, #tpu.memory_space<vmem>>
    %dma_wait3A_561 = arith.constant 0 : i32
    %dma_wait3A_562 = arith.constant 0 : i32
    %dma_wait3A_563 = tpu.memref_slice %arg2[%dma_wait3A_561, %dma_wait3A_562] : memref<10000x128xf32, #tpu.memory_space<hbm>> -> memref<10000x128xf32, #tpu.memory_space<hbm>>
    tpu.wait_indirect_dma semaphore(%arg16 : memref<!tpu.dma_semaphore, #tpu.memory_space<semaphore_mem>>) src(%dma_wait3A_563 : memref<10000x128xf32, #tpu.memory_space<hbm>>) dst(%arg11 : memref<64x128xf32, #tpu.memory_space<vmem>>)
    %dma_start3A_564 = arith.constant 3 : i32
    %dma_start3A_565 = arith.constant 0 : i32
    %dma_start3A_566 = tpu.memref_slice %arg7[%dma_start3A_564, %dma_start3A_565] : memref<4x64xi32, #tpu.memory_space<vmem>> -> memref<1x64xi32, #tpu.memory_space<vmem>>
    %dma_start3A_567 = tpu.memref_squeeze %dma_start3A_566 : memref<1x64xi32, #tpu.memory_space<vmem>> -> memref<64xi32, #tpu.memory_space<vmem>>
    %dma_start3A_568 = arith.constant 0 : i32
    %dma_start3A_569 = arith.constant 0 : i32
    %dma_start3A_570 = tpu.memref_slice %arg12[%dma_start3A_568, %dma_start3A_569] : memref<10112x128xf32, #tpu.memory_space<vmem_shared>> -> memref<10112x128xf32, #tpu.memory_space<vmem_shared>>
    tpu.enqueue_indirect_dma source(%arg11 : memref<64x128xf32, #tpu.memory_space<vmem>>) target(%dma_start3A_570 : memref<10112x128xf32, #tpu.memory_space<vmem_shared>>) offsets(%dma_start3A_567 : memref<64xi32, #tpu.memory_space<vmem>>) semaphore(%arg20 : memref<!tpu.dma_semaphore, #tpu.memory_space<semaphore_mem>>) {add = true}
    %dma_wait3A_571 = arith.constant 1 : i32
    %dma_wait3A_572 = arith.constant 0 : i32
    %dma_wait3A_573 = tpu.memref_slice %arg7[%dma_wait3A_571, %dma_wait3A_572] : memref<4x64xi32, #tpu.memory_space<vmem>> -> memref<1x64xi32, #tpu.memory_space<vmem>>
    %dma_wait3A_574 = tpu.memref_squeeze %dma_wait3A_573 : memref<1x64xi32, #tpu.memory_space<vmem>> -> memref<64xi32, #tpu.memory_space<vmem>>
    %dma_wait3A_575 = arith.constant 0 : i32
    %dma_wait3A_576 = arith.constant 0 : i32
    %dma_wait3A_577 = tpu.memref_slice %arg12[%dma_wait3A_575, %dma_wait3A_576] : memref<10112x128xf32, #tpu.memory_space<vmem_shared>> -> memref<10112x128xf32, #tpu.memory_space<vmem_shared>>
    tpu.wait_indirect_dma semaphore(%arg18 : memref<!tpu.dma_semaphore, #tpu.memory_space<semaphore_mem>>) src(%arg9 : memref<64x128xf32, #tpu.memory_space<vmem>>) dst(%dma_wait3A_577 : memref<10112x128xf32, #tpu.memory_space<vmem_shared>>)
    %get3A_578 = arith.constant 2 : i32
    %get3A_579 = arith.index_cast %get3A_578 : i32 to index
    %get3A_580 = arith.constant 64 : index
    %get3A_581 = tpu.vector_load %arg5[%get3A_579, %get3A_580] {strides = array<i32>} : memref<80x128xi32, #tpu.memory_space<vmem>>, vector<1x16xi32>,
    %get3A_582 = vector.shape_cast %get3A_581 : vector<1x16xi32> to vector<16xi32>
    %and3A_583 = arith.constant 65535 : i32
    %and3A_584 = vector.broadcast %and3A_583 : i32 to vector<16xi32>
    %and3A_585 = arith.andi %get3A_582, %and3A_584 : vector<16xi32>
    %swap3A_586 = arith.constant 1 : i32
    %swap3A_587 = arith.index_cast %swap3A_586 : i32 to index
    %swap3A_588 = arith.constant 0 : index
    %swap3A_589 = tpu.vector_load %arg6[%swap3A_587, %swap3A_588] {strides = array<i32>} : memref<4x64xi32, #tpu.memory_space<vmem>>, vector<1x16xi32>,
    %swap3A_590 = vector.shape_cast %swap3A_589 : vector<1x16xi32> to vector<16xi32>
    %swap3A_591 = vector.shape_cast %and3A_585 : vector<16xi32> to vector<1x16xi32>
    tpu.vector_store %arg6[%swap3A_587, %swap3A_588], %swap3A_591 {strides = array<i32>} : memref<4x64xi32, #tpu.memory_space<vmem>>, vector<1x16xi32>,
    %shift_right_logical3A_592 = arith.constant 16 : i32
    %shift_right_logical3A_593 = vector.broadcast %shift_right_logical3A_592 : i32 to vector<16xi32>
    %shift_right_logical3A_594 = arith.shrui %get3A_582, %shift_right_logical3A_593 : vector<16xi32>
    %swap3A_595 = arith.constant 1 : i32
    %swap3A_596 = arith.index_cast %swap3A_595 : i32 to index
    %swap3A_597 = arith.constant 0 : index
    %swap3A_598 = tpu.vector_load %arg7[%swap3A_596, %swap3A_597] {strides = array<i32>} : memref<4x64xi32, #tpu.memory_space<vmem>>, vector<1x16xi32>,
    %swap3A_599 = vector.shape_cast %swap3A_598 : vector<1x16xi32> to vector<16xi32>
    %swap3A_600 = vector.shape_cast %shift_right_logical3A_594 : vector<16xi32> to vector<1x16xi32>
    tpu.vector_store %arg7[%swap3A_596, %swap3A_597], %swap3A_600 {strides = array<i32>} : memref<4x64xi32, #tpu.memory_space<vmem>>, vector<1x16xi32>,
    %get3A_601 = arith.constant 2 : i32
    %get3A_602 = arith.index_cast %get3A_601 : i32 to index
    %get3A_603 = arith.constant 80 : index
    %get3A_604 = tpu.vector_load %arg5[%get3A_602, %get3A_603] {strides = array<i32>} : memref<80x128xi32, #tpu.memory_space<vmem>>, vector<1x16xi32>,
    %get3A_605 = vector.shape_cast %get3A_604 : vector<1x16xi32> to vector<16xi32>
    %and3A_606 = arith.constant 65535 : i32
    %and3A_607 = vector.broadcast %and3A_606 : i32 to vector<16xi32>
    %and3A_608 = arith.andi %get3A_605, %and3A_607 : vector<16xi32>
    %swap3A_609 = arith.constant 1 : i32
    %swap3A_610 = arith.index_cast %swap3A_609 : i32 to index
    %swap3A_611 = arith.constant 16 : index
    %swap3A_612 = tpu.vector_load %arg6[%swap3A_610, %swap3A_611] {strides = array<i32>} : memref<4x64xi32, #tpu.memory_space<vmem>>, vector<1x16xi32>,
    %swap3A_613 = vector.shape_cast %swap3A_612 : vector<1x16xi32> to vector<16xi32>
    %swap3A_614 = vector.shape_cast %and3A_608 : vector<16xi32> to vector<1x16xi32>
    tpu.vector_store %arg6[%swap3A_610, %swap3A_611], %swap3A_614 {strides = array<i32>} : memref<4x64xi32, #tpu.memory_space<vmem>>, vector<1x16xi32>,
    %shift_right_logical3A_615 = arith.constant 16 : i32
    %shift_right_logical3A_616 = vector.broadcast %shift_right_logical3A_615 : i32 to vector<16xi32>
    %shift_right_logical3A_617 = arith.shrui %get3A_605, %shift_right_logical3A_616 : vector<16xi32>
    %swap3A_618 = arith.constant 1 : i32
    %swap3A_619 = arith.index_cast %swap3A_618 : i32 to index
    %swap3A_620 = arith.constant 16 : index
    %swap3A_621 = tpu.vector_load %arg7[%swap3A_619, %swap3A_620] {strides = array<i32>} : memref<4x64xi32, #tpu.memory_space<vmem>>, vector<1x16xi32>,
    %swap3A_622 = vector.shape_cast %swap3A_621 : vector<1x16xi32> to vector<16xi32>
    %swap3A_623 = vector.shape_cast %shift_right_logical3A_617 : vector<16xi32> to vector<1x16xi32>
    tpu.vector_store %arg7[%swap3A_619, %swap3A_620], %swap3A_623 {strides = array<i32>} : memref<4x64xi32, #tpu.memory_space<vmem>>, vector<1x16xi32>,
    %get3A_624 = arith.constant 2 : i32
    %get3A_625 = arith.index_cast %get3A_624 : i32 to index
    %get3A_626 = arith.constant 96 : index
    %get3A_627 = tpu.vector_load %arg5[%get3A_625, %get3A_626] {strides = array<i32>} : memref<80x128xi32, #tpu.memory_space<vmem>>, vector<1x16xi32>,
    %get3A_628 = vector.shape_cast %get3A_627 : vector<1x16xi32> to vector<16xi32>
    %and3A_629 = arith.constant 65535 : i32
    %and3A_630 = vector.broadcast %and3A_629 : i32 to vector<16xi32>
    %and3A_631 = arith.andi %get3A_628, %and3A_630 : vector<16xi32>
    %swap3A_632 = arith.constant 1 : i32
    %swap3A_633 = arith.index_cast %swap3A_632 : i32 to index
    %swap3A_634 = arith.constant 32 : index
    %swap3A_635 = tpu.vector_load %arg6[%swap3A_633, %swap3A_634] {strides = array<i32>} : memref<4x64xi32, #tpu.memory_space<vmem>>, vector<1x16xi32>,
    %swap3A_636 = vector.shape_cast %swap3A_635 : vector<1x16xi32> to vector<16xi32>
    %swap3A_637 = vector.shape_cast %and3A_631 : vector<16xi32> to vector<1x16xi32>
    tpu.vector_store %arg6[%swap3A_633, %swap3A_634], %swap3A_637 {strides = array<i32>} : memref<4x64xi32, #tpu.memory_space<vmem>>, vector<1x16xi32>,
    %shift_right_logical3A_638 = arith.constant 16 : i32
    %shift_right_logical3A_639 = vector.broadcast %shift_right_logical3A_638 : i32 to vector<16xi32>
    %shift_right_logical3A_640 = arith.shrui %get3A_628, %shift_right_logical3A_639 : vector<16xi32>
    %swap3A_641 = arith.constant 1 : i32
    %swap3A_642 = arith.index_cast %swap3A_641 : i32 to index
    %swap3A_643 = arith.constant 32 : index
    %swap3A_644 = tpu.vector_load %arg7[%swap3A_642, %swap3A_643] {strides = array<i32>} : memref<4x64xi32, #tpu.memory_space<vmem>>, vector<1x16xi32>,
    %swap3A_645 = vector.shape_cast %swap3A_644 : vector<1x16xi32> to vector<16xi32>
    %swap3A_646 = vector.shape_cast %shift_right_logical3A_640 : vector<16xi32> to vector<1x16xi32>
    tpu.vector_store %arg7[%swap3A_642, %swap3A_643], %swap3A_646 {strides = array<i32>} : memref<4x64xi32, #tpu.memory_space<vmem>>, vector<1x16xi32>,
    %get3A_647 = arith.constant 2 : i32
    %get3A_648 = arith.index_cast %get3A_647 : i32 to index
    %get3A_649 = arith.constant 112 : index
    %get3A_650 = tpu.vector_load %arg5[%get3A_648, %get3A_649] {strides = array<i32>} : memref<80x128xi32, #tpu.memory_space<vmem>>, vector<1x16xi32>,
    %get3A_651 = vector.shape_cast %get3A_650 : vector<1x16xi32> to vector<16xi32>
    %and3A_652 = arith.constant 65535 : i32
    %and3A_653 = vector.broadcast %and3A_652 : i32 to vector<16xi32>
    %and3A_654 = arith.andi %get3A_651, %and3A_653 : vector<16xi32>
    %swap3A_655 = arith.constant 1 : i32
    %swap3A_656 = arith.index_cast %swap3A_655 : i32 to index
    %swap3A_657 = arith.constant 48 : index
    %swap3A_658 = tpu.vector_load %arg6[%swap3A_656, %swap3A_657] {strides = array<i32>} : memref<4x64xi32, #tpu.memory_space<vmem>>, vector<1x16xi32>,
    %swap3A_659 = vector.shape_cast %swap3A_658 : vector<1x16xi32> to vector<16xi32>
    %swap3A_660 = vector.shape_cast %and3A_654 : vector<16xi32> to vector<1x16xi32>
    tpu.vector_store %arg6[%swap3A_656, %swap3A_657], %swap3A_660 {strides = array<i32>} : memref<4x64xi32, #tpu.memory_space<vmem>>, vector<1x16xi32>,
    %shift_right_logical3A_661 = arith.constant 16 : i32
    %shift_right_logical3A_662 = vector.broadcast %shift_right_logical3A_661 : i32 to vector<16xi32>
    %shift_right_logical3A_663 = arith.shrui %get3A_651, %shift_right_logical3A_662 : vector<16xi32>
    %swap3A_664 = arith.constant 1 : i32
    %swap3A_665 = arith.index_cast %swap3A_664 : i32 to index
    %swap3A_666 = arith.constant 48 : index
    %swap3A_667 = tpu.vector_load %arg7[%swap3A_665, %swap3A_666] {strides = array<i32>} : memref<4x64xi32, #tpu.memory_space<vmem>>, vector<1x16xi32>,
    %swap3A_668 = vector.shape_cast %swap3A_667 : vector<1x16xi32> to vector<16xi32>
    %swap3A_669 = vector.shape_cast %shift_right_logical3A_663 : vector<16xi32> to vector<1x16xi32>
    tpu.vector_store %arg7[%swap3A_665, %swap3A_666], %swap3A_669 {strides = array<i32>} : memref<4x64xi32, #tpu.memory_space<vmem>>, vector<1x16xi32>,
    %dma_start3A_670 = arith.constant 1 : i32
    %dma_start3A_671 = arith.constant 0 : i32
    %dma_start3A_672 = tpu.memref_slice %arg6[%dma_start3A_670, %dma_start3A_671] : memref<4x64xi32, #tpu.memory_space<vmem>> -> memref<1x64xi32, #tpu.memory_space<vmem>>
    %dma_start3A_673 = tpu.memref_squeeze %dma_start3A_672 : memref<1x64xi32, #tpu.memory_space<vmem>> -> memref<64xi32, #tpu.memory_space<vmem>>
    %dma_start3A_674 = arith.constant 0 : i32
    %dma_start3A_675 = arith.constant 0 : i32
    %dma_start3A_676 = tpu.memref_slice %arg2[%dma_start3A_674, %dma_start3A_675] : memref<10000x128xf32, #tpu.memory_space<hbm>> -> memref<10000x128xf32, #tpu.memory_space<hbm>>
    tpu.enqueue_indirect_dma source(%dma_start3A_676 : memref<10000x128xf32, #tpu.memory_space<hbm>>) target(%arg9 : memref<64x128xf32, #tpu.memory_space<vmem>>) offsets(%dma_start3A_673 : memref<64xi32, #tpu.memory_space<vmem>>) semaphore(%arg14 : memref<!tpu.dma_semaphore, #tpu.memory_space<semaphore_mem>>)
    %scan3A_677 = arith.constant 0 : i32
    %scan3A_678 = arith.constant 1 : i32
    %scan3A_679 = arith.constant 38 : i32
    %scan3A_680 = arith.addi %scan3A_678, %scan3A_679 : i32
    %scan3A_681 = arith.constant 1 : i32
    %scan3A_682 = scf.for %scan3A_981 = %scan3A_678 to %scan3A_680 step %scan3A_681 iter_args(%scan3A_982 = %scan3A_677) -> (i32)  : i32 {
      %dma_wait3A_983 = arith.constant 0 : i32
      %dma_wait3A_984 = arith.constant 0 : i32
      %dma_wait3A_985 = tpu.memref_slice %arg6[%dma_wait3A_983, %dma_wait3A_984] : memref<4x64xi32, #tpu.memory_space<vmem>> -> memref<1x64xi32, #tpu.memory_space<vmem>>
      %dma_wait3A_986 = tpu.memref_squeeze %dma_wait3A_985 : memref<1x64xi32, #tpu.memory_space<vmem>> -> memref<64xi32, #tpu.memory_space<vmem>>
      %dma_wait3A_987 = arith.constant 0 : i32
      %dma_wait3A_988 = arith.constant 0 : i32
      %dma_wait3A_989 = tpu.memref_slice %arg2[%dma_wait3A_987, %dma_wait3A_988] : memref<10000x128xf32, #tpu.memory_space<hbm>> -> memref<10000x128xf32, #tpu.memory_space<hbm>>
      tpu.wait_indirect_dma semaphore(%arg13 : memref<!tpu.dma_semaphore, #tpu.memory_space<semaphore_mem>>) src(%dma_wait3A_989 : memref<10000x128xf32, #tpu.memory_space<hbm>>) dst(%arg8 : memref<64x128xf32, #tpu.memory_space<vmem>>)
      %dma_start3A_990 = arith.constant 0 : i32
      %dma_start3A_991 = arith.constant 0 : i32
      %dma_start3A_992 = tpu.memref_slice %arg7[%dma_start3A_990, %dma_start3A_991] : memref<4x64xi32, #tpu.memory_space<vmem>> -> memref<1x64xi32, #tpu.memory_space<vmem>>
      %dma_start3A_993 = tpu.memref_squeeze %dma_start3A_992 : memref<1x64xi32, #tpu.memory_space<vmem>> -> memref<64xi32, #tpu.memory_space<vmem>>
      %dma_start3A_994 = arith.constant 0 : i32
      %dma_start3A_995 = arith.constant 0 : i32
      %dma_start3A_996 = tpu.memref_slice %arg12[%dma_start3A_994, %dma_start3A_995] : memref<10112x128xf32, #tpu.memory_space<vmem_shared>> -> memref<10112x128xf32, #tpu.memory_space<vmem_shared>>
      tpu.enqueue_indirect_dma source(%arg8 : memref<64x128xf32, #tpu.memory_space<vmem>>) target(%dma_start3A_996 : memref<10112x128xf32, #tpu.memory_space<vmem_shared>>) offsets(%dma_start3A_993 : memref<64xi32, #tpu.memory_space<vmem>>) semaphore(%arg17 : memref<!tpu.dma_semaphore, #tpu.memory_space<semaphore_mem>>) {add = true}
      %dma_wait3A_997 = arith.constant 2 : i32
      %dma_wait3A_998 = arith.constant 0 : i32
      %dma_wait3A_999 = tpu.memref_slice %arg7[%dma_wait3A_997, %dma_wait3A_998] : memref<4x64xi32, #tpu.memory_space<vmem>> -> memref<1x64xi32, #tpu.memory_space<vmem>>
      %dma_wait3A_1000 = tpu.memref_squeeze %dma_wait3A_999 : memref<1x64xi32, #tpu.memory_space<vmem>> -> memref<64xi32, #tpu.memory_space<vmem>>
      %dma_wait3A_1001 = arith.constant 0 : i32
      %dma_wait3A_1002 = arith.constant 0 : i32
      %dma_wait3A_1003 = tpu.memref_slice %arg12[%dma_wait3A_1001, %dma_wait3A_1002] : memref<10112x128xf32, #tpu.memory_space<vmem_shared>> -> memref<10112x128xf32, #tpu.memory_space<vmem_shared>>
      tpu.wait_indirect_dma semaphore(%arg19 : memref<!tpu.dma_semaphore, #tpu.memory_space<semaphore_mem>>) src(%arg10 : memref<64x128xf32, #tpu.memory_space<vmem>>) dst(%dma_wait3A_1003 : memref<10112x128xf32, #tpu.memory_space<vmem_shared>>)
      %mul3A_1004 = arith.constant 2 : i32
      %mul3A_1005 = arith.muli %mul3A_1004, %scan3A_981 : i32
      %add3A_1006 = arith.constant 1 : i32
      %add3A_1007 = arith.addi %mul3A_1005, %add3A_1006 : i32
      %add3A_1008 = arith.constant 0 : i32
      %add3A_1009 = arith.addi %add3A_1007, %add3A_1008 : i32
      %get3A_1010 = arith.index_cast %add3A_1009 : i32 to index
      %get3A_1011 = arith.constant 0 : index
      %get3A_1012 = tpu.vector_load %arg5[%get3A_1010, %get3A_1011] {strides = array<i32>} : memref<80x128xi32, #tpu.memory_space<vmem>>, vector<1x16xi32>,
      %get3A_1013 = vector.shape_cast %get3A_1012 : vector<1x16xi32> to vector<16xi32>
      %and3A_1014 = arith.constant 65535 : i32
      %and3A_1015 = vector.broadcast %and3A_1014 : i32 to vector<16xi32>
      %and3A_1016 = arith.andi %get3A_1013, %and3A_1015 : vector<16xi32>
      %swap3A_1017 = arith.constant 2 : i32
      %swap3A_1018 = arith.index_cast %swap3A_1017 : i32 to index
      %swap3A_1019 = arith.constant 0 : index
      %swap3A_1020 = tpu.vector_load %arg6[%swap3A_1018, %swap3A_1019] {strides = array<i32>} : memref<4x64xi32, #tpu.memory_space<vmem>>, vector<1x16xi32>,
      %swap3A_1021 = vector.shape_cast %swap3A_1020 : vector<1x16xi32> to vector<16xi32>
      %swap3A_1022 = vector.shape_cast %and3A_1016 : vector<16xi32> to vector<1x16xi32>
      tpu.vector_store %arg6[%swap3A_1018, %swap3A_1019], %swap3A_1022 {strides = array<i32>} : memref<4x64xi32, #tpu.memory_space<vmem>>, vector<1x16xi32>,
      %shift_right_logical3A_1023 = arith.constant 16 : i32
      %shift_right_logical3A_1024 = vector.broadcast %shift_right_logical3A_1023 : i32 to vector<16xi32>
      %shift_right_logical3A_1025 = arith.shrui %get3A_1013, %shift_right_logical3A_1024 : vector<16xi32>
      %swap3A_1026 = arith.constant 2 : i32
      %swap3A_1027 = arith.index_cast %swap3A_1026 : i32 to index
      %swap3A_1028 = arith.constant 0 : index
      %swap3A_1029 = tpu.vector_load %arg7[%swap3A_1027, %swap3A_1028] {strides = array<i32>} : memref<4x64xi32, #tpu.memory_space<vmem>>, vector<1x16xi32>,
      %swap3A_1030 = vector.shape_cast %swap3A_1029 : vector<1x16xi32> to vector<16xi32>
      %swap3A_1031 = vector.shape_cast %shift_right_logical3A_1025 : vector<16xi32> to vector<1x16xi32>
      tpu.vector_store %arg7[%swap3A_1027, %swap3A_1028], %swap3A_1031 {strides = array<i32>} : memref<4x64xi32, #tpu.memory_space<vmem>>, vector<1x16xi32>,
      %get3A_1032 = arith.index_cast %add3A_1009 : i32 to index
      %get3A_1033 = arith.constant 16 : index
      %get3A_1034 = tpu.vector_load %arg5[%get3A_1032, %get3A_1033] {strides = array<i32>} : memref<80x128xi32, #tpu.memory_space<vmem>>, vector<1x16xi32>,
      %get3A_1035 = vector.shape_cast %get3A_1034 : vector<1x16xi32> to vector<16xi32>
      %and3A_1036 = arith.constant 65535 : i32
      %and3A_1037 = vector.broadcast %and3A_1036 : i32 to vector<16xi32>
      %and3A_1038 = arith.andi %get3A_1035, %and3A_1037 : vector<16xi32>
      %swap3A_1039 = arith.constant 2 : i32
      %swap3A_1040 = arith.index_cast %swap3A_1039 : i32 to index
      %swap3A_1041 = arith.constant 16 : index
      %swap3A_1042 = tpu.vector_load %arg6[%swap3A_1040, %swap3A_1041] {strides = array<i32>} : memref<4x64xi32, #tpu.memory_space<vmem>>, vector<1x16xi32>,
      %swap3A_1043 = vector.shape_cast %swap3A_1042 : vector<1x16xi32> to vector<16xi32>
      %swap3A_1044 = vector.shape_cast %and3A_1038 : vector<16xi32> to vector<1x16xi32>
      tpu.vector_store %arg6[%swap3A_1040, %swap3A_1041], %swap3A_1044 {strides = array<i32>} : memref<4x64xi32, #tpu.memory_space<vmem>>, vector<1x16xi32>,
      %shift_right_logical3A_1045 = arith.constant 16 : i32
      %shift_right_logical3A_1046 = vector.broadcast %shift_right_logical3A_1045 : i32 to vector<16xi32>
      %shift_right_logical3A_1047 = arith.shrui %get3A_1035, %shift_right_logical3A_1046 : vector<16xi32>
      %swap3A_1048 = arith.constant 2 : i32
      %swap3A_1049 = arith.index_cast %swap3A_1048 : i32 to index
      %swap3A_1050 = arith.constant 16 : index
      %swap3A_1051 = tpu.vector_load %arg7[%swap3A_1049, %swap3A_1050] {strides = array<i32>} : memref<4x64xi32, #tpu.memory_space<vmem>>, vector<1x16xi32>,
      %swap3A_1052 = vector.shape_cast %swap3A_1051 : vector<1x16xi32> to vector<16xi32>
      %swap3A_1053 = vector.shape_cast %shift_right_logical3A_1047 : vector<16xi32> to vector<1x16xi32>
      tpu.vector_store %arg7[%swap3A_1049, %swap3A_1050], %swap3A_1053 {strides = array<i32>} : memref<4x64xi32, #tpu.memory_space<vmem>>, vector<1x16xi32>,
      %get3A_1054 = arith.index_cast %add3A_1009 : i32 to index
      %get3A_1055 = arith.constant 32 : index
      %get3A_1056 = tpu.vector_load %arg5[%get3A_1054, %get3A_1055] {strides = array<i32>} : memref<80x128xi32, #tpu.memory_space<vmem>>, vector<1x16xi32>,
      %get3A_1057 = vector.shape_cast %get3A_1056 : vector<1x16xi32> to vector<16xi32>
      %and3A_1058 = arith.constant 65535 : i32
      %and3A_1059 = vector.broadcast %and3A_1058 : i32 to vector<16xi32>
      %and3A_1060 = arith.andi %get3A_1057, %and3A_1059 : vector<16xi32>
      %swap3A_1061 = arith.constant 2 : i32
      %swap3A_1062 = arith.index_cast %swap3A_1061 : i32 to index
      %swap3A_1063 = arith.constant 32 : index
      %swap3A_1064 = tpu.vector_load %arg6[%swap3A_1062, %swap3A_1063] {strides = array<i32>} : memref<4x64xi32, #tpu.memory_space<vmem>>, vector<1x16xi32>,
      %swap3A_1065 = vector.shape_cast %swap3A_1064 : vector<1x16xi32> to vector<16xi32>
      %swap3A_1066 = vector.shape_cast %and3A_1060 : vector<16xi32> to vector<1x16xi32>
      tpu.vector_store %arg6[%swap3A_1062, %swap3A_1063], %swap3A_1066 {strides = array<i32>} : memref<4x64xi32, #tpu.memory_space<vmem>>, vector<1x16xi32>,
      %shift_right_logical3A_1067 = arith.constant 16 : i32
      %shift_right_logical3A_1068 = vector.broadcast %shift_right_logical3A_1067 : i32 to vector<16xi32>
      %shift_right_logical3A_1069 = arith.shrui %get3A_1057, %shift_right_logical3A_1068 : vector<16xi32>
      %swap3A_1070 = arith.constant 2 : i32
      %swap3A_1071 = arith.index_cast %swap3A_1070 : i32 to index
      %swap3A_1072 = arith.constant 32 : index
      %swap3A_1073 = tpu.vector_load %arg7[%swap3A_1071, %swap3A_1072] {strides = array<i32>} : memref<4x64xi32, #tpu.memory_space<vmem>>, vector<1x16xi32>,
      %swap3A_1074 = vector.shape_cast %swap3A_1073 : vector<1x16xi32> to vector<16xi32>
      %swap3A_1075 = vector.shape_cast %shift_right_logical3A_1069 : vector<16xi32> to vector<1x16xi32>
      tpu.vector_store %arg7[%swap3A_1071, %swap3A_1072], %swap3A_1075 {strides = array<i32>} : memref<4x64xi32, #tpu.memory_space<vmem>>, vector<1x16xi32>,
      %get3A_1076 = arith.index_cast %add3A_1009 : i32 to index
      %get3A_1077 = arith.constant 48 : index
      %get3A_1078 = tpu.vector_load %arg5[%get3A_1076, %get3A_1077] {strides = array<i32>} : memref<80x128xi32, #tpu.memory_space<vmem>>, vector<1x16xi32>,
      %get3A_1079 = vector.shape_cast %get3A_1078 : vector<1x16xi32> to vector<16xi32>
      %and3A_1080 = arith.constant 65535 : i32
      %and3A_1081 = vector.broadcast %and3A_1080 : i32 to vector<16xi32>
      %and3A_1082 = arith.andi %get3A_1079, %and3A_1081 : vector<16xi32>
      %swap3A_1083 = arith.constant 2 : i32
      %swap3A_1084 = arith.index_cast %swap3A_1083 : i32 to index
      %swap3A_1085 = arith.constant 48 : index
      %swap3A_1086 = tpu.vector_load %arg6[%swap3A_1084, %swap3A_1085] {strides = array<i32>} : memref<4x64xi32, #tpu.memory_space<vmem>>, vector<1x16xi32>,
      %swap3A_1087 = vector.shape_cast %swap3A_1086 : vector<1x16xi32> to vector<16xi32>
      %swap3A_1088 = vector.shape_cast %and3A_1082 : vector<16xi32> to vector<1x16xi32>
      tpu.vector_store %arg6[%swap3A_1084, %swap3A_1085], %swap3A_1088 {strides = array<i32>} : memref<4x64xi32, #tpu.memory_space<vmem>>, vector<1x16xi32>,
      %shift_right_logical3A_1089 = arith.constant 16 : i32
      %shift_right_logical3A_1090 = vector.broadcast %shift_right_logical3A_1089 : i32 to vector<16xi32>
      %shift_right_logical3A_1091 = arith.shrui %get3A_1079, %shift_right_logical3A_1090 : vector<16xi32>
      %swap3A_1092 = arith.constant 2 : i32
      %swap3A_1093 = arith.index_cast %swap3A_1092 : i32 to index
      %swap3A_1094 = arith.constant 48 : index
      %swap3A_1095 = tpu.vector_load %arg7[%swap3A_1093, %swap3A_1094] {strides = array<i32>} : memref<4x64xi32, #tpu.memory_space<vmem>>, vector<1x16xi32>,
      %swap3A_1096 = vector.shape_cast %swap3A_1095 : vector<1x16xi32> to vector<16xi32>
      %swap3A_1097 = vector.shape_cast %shift_right_logical3A_1091 : vector<16xi32> to vector<1x16xi32>
      tpu.vector_store %arg7[%swap3A_1093, %swap3A_1094], %swap3A_1097 {strides = array<i32>} : memref<4x64xi32, #tpu.memory_space<vmem>>, vector<1x16xi32>,
      %dma_start3A_1098 = arith.constant 2 : i32
      %dma_start3A_1099 = arith.constant 0 : i32
      %dma_start3A_1100 = tpu.memref_slice %arg6[%dma_start3A_1098, %dma_start3A_1099] : memref<4x64xi32, #tpu.memory_space<vmem>> -> memref<1x64xi32, #tpu.memory_space<vmem>>
      %dma_start3A_1101 = tpu.memref_squeeze %dma_start3A_1100 : memref<1x64xi32, #tpu.memory_space<vmem>> -> memref<64xi32, #tpu.memory_space<vmem>>
      %dma_start3A_1102 = arith.constant 0 : i32
      %dma_start3A_1103 = arith.constant 0 : i32
      %dma_start3A_1104 = tpu.memref_slice %arg2[%dma_start3A_1102, %dma_start3A_1103] : memref<10000x128xf32, #tpu.memory_space<hbm>> -> memref<10000x128xf32, #tpu.memory_space<hbm>>
      tpu.enqueue_indirect_dma source(%dma_start3A_1104 : memref<10000x128xf32, #tpu.memory_space<hbm>>) target(%arg10 : memref<64x128xf32, #tpu.memory_space<vmem>>) offsets(%dma_start3A_1101 : memref<64xi32, #tpu.memory_space<vmem>>) semaphore(%arg15 : memref<!tpu.dma_semaphore, #tpu.memory_space<semaphore_mem>>)
      %dma_wait3A_1105 = arith.constant 1 : i32
      %dma_wait3A_1106 = arith.constant 0 : i32
      %dma_wait3A_1107 = tpu.memref_slice %arg6[%dma_wait3A_1105, %dma_wait3A_1106] : memref<4x64xi32, #tpu.memory_space<vmem>> -> memref<1x64xi32, #tpu.memory_space<vmem>>
      %dma_wait3A_1108 = tpu.memref_squeeze %dma_wait3A_1107 : memref<1x64xi32, #tpu.memory_space<vmem>> -> memref<64xi32, #tpu.memory_space<vmem>>
      %dma_wait3A_1109 = arith.constant 0 : i32
      %dma_wait3A_1110 = arith.constant 0 : i32
      %dma_wait3A_1111 = tpu.memref_slice %arg2[%dma_wait3A_1109, %dma_wait3A_1110] : memref<10000x128xf32, #tpu.memory_space<hbm>> -> memref<10000x128xf32, #tpu.memory_space<hbm>>
      tpu.wait_indirect_dma semaphore(%arg14 : memref<!tpu.dma_semaphore, #tpu.memory_space<semaphore_mem>>) src(%dma_wait3A_1111 : memref<10000x128xf32, #tpu.memory_space<hbm>>) dst(%arg9 : memref<64x128xf32, #tpu.memory_space<vmem>>)
      %dma_start3A_1112 = arith.constant 1 : i32
      %dma_start3A_1113 = arith.constant 0 : i32
      %dma_start3A_1114 = tpu.memref_slice %arg7[%dma_start3A_1112, %dma_start3A_1113] : memref<4x64xi32, #tpu.memory_space<vmem>> -> memref<1x64xi32, #tpu.memory_space<vmem>>
      %dma_start3A_1115 = tpu.memref_squeeze %dma_start3A_1114 : memref<1x64xi32, #tpu.memory_space<vmem>> -> memref<64xi32, #tpu.memory_space<vmem>>
      %dma_start3A_1116 = arith.constant 0 : i32
      %dma_start3A_1117 = arith.constant 0 : i32
      %dma_start3A_1118 = tpu.memref_slice %arg12[%dma_start3A_1116, %dma_start3A_1117] : memref<10112x128xf32, #tpu.memory_space<vmem_shared>> -> memref<10112x128xf32, #tpu.memory_space<vmem_shared>>
      tpu.enqueue_indirect_dma source(%arg9 : memref<64x128xf32, #tpu.memory_space<vmem>>) target(%dma_start3A_1118 : memref<10112x128xf32, #tpu.memory_space<vmem_shared>>) offsets(%dma_start3A_1115 : memref<64xi32, #tpu.memory_space<vmem>>) semaphore(%arg18 : memref<!tpu.dma_semaphore, #tpu.memory_space<semaphore_mem>>) {add = true}
      %dma_wait3A_1119 = arith.constant 3 : i32
      %dma_wait3A_1120 = arith.constant 0 : i32
      %dma_wait3A_1121 = tpu.memref_slice %arg7[%dma_wait3A_1119, %dma_wait3A_1120] : memref<4x64xi32, #tpu.memory_space<vmem>> -> memref<1x64xi32, #tpu.memory_space<vmem>>
      %dma_wait3A_1122 = tpu.memref_squeeze %dma_wait3A_1121 : memref<1x64xi32, #tpu.memory_space<vmem>> -> memref<64xi32, #tpu.memory_space<vmem>>
      %dma_wait3A_1123 = arith.constant 0 : i32
      %dma_wait3A_1124 = arith.constant 0 : i32
      %dma_wait3A_1125 = tpu.memref_slice %arg12[%dma_wait3A_1123, %dma_wait3A_1124] : memref<10112x128xf32, #tpu.memory_space<vmem_shared>> -> memref<10112x128xf32, #tpu.memory_space<vmem_shared>>
      tpu.wait_indirect_dma semaphore(%arg20 : memref<!tpu.dma_semaphore, #tpu.memory_space<semaphore_mem>>) src(%arg11 : memref<64x128xf32, #tpu.memory_space<vmem>>) dst(%dma_wait3A_1125 : memref<10112x128xf32, #tpu.memory_space<vmem_shared>>)
      %mul3A_1126 = arith.constant 2 : i32
      %mul3A_1127 = arith.muli %mul3A_1126, %scan3A_981 : i32
      %add3A_1128 = arith.constant 1 : i32
      %add3A_1129 = arith.addi %mul3A_1127, %add3A_1128 : i32
      %add3A_1130 = arith.constant 0 : i32
      %add3A_1131 = arith.addi %add3A_1129, %add3A_1130 : i32
      %get3A_1132 = arith.index_cast %add3A_1131 : i32 to index
      %get3A_1133 = arith.constant 64 : index
      %get3A_1134 = tpu.vector_load %arg5[%get3A_1132, %get3A_1133] {strides = array<i32>} : memref<80x128xi32, #tpu.memory_space<vmem>>, vector<1x16xi32>,
      %get3A_1135 = vector.shape_cast %get3A_1134 : vector<1x16xi32> to vector<16xi32>
      %and3A_1136 = arith.constant 65535 : i32
      %and3A_1137 = vector.broadcast %and3A_1136 : i32 to vector<16xi32>
      %and3A_1138 = arith.andi %get3A_1135, %and3A_1137 : vector<16xi32>
      %swap3A_1139 = arith.constant 3 : i32
      %swap3A_1140 = arith.index_cast %swap3A_1139 : i32 to index
      %swap3A_1141 = arith.constant 0 : index
      %swap3A_1142 = tpu.vector_load %arg6[%swap3A_1140, %swap3A_1141] {strides = array<i32>} : memref<4x64xi32, #tpu.memory_space<vmem>>, vector<1x16xi32>,
      %swap3A_1143 = vector.shape_cast %swap3A_1142 : vector<1x16xi32> to vector<16xi32>
      %swap3A_1144 = vector.shape_cast %and3A_1138 : vector<16xi32> to vector<1x16xi32>
      tpu.vector_store %arg6[%swap3A_1140, %swap3A_1141], %swap3A_1144 {strides = array<i32>} : memref<4x64xi32, #tpu.memory_space<vmem>>, vector<1x16xi32>,
      %shift_right_logical3A_1145 = arith.constant 16 : i32
      %shift_right_logical3A_1146 = vector.broadcast %shift_right_logical3A_1145 : i32 to vector<16xi32>
      %shift_right_logical3A_1147 = arith.shrui %get3A_1135, %shift_right_logical3A_1146 : vector<16xi32>
      %swap3A_1148 = arith.constant 3 : i32
      %swap3A_1149 = arith.index_cast %swap3A_1148 : i32 to index
      %swap3A_1150 = arith.constant 0 : index
      %swap3A_1151 = tpu.vector_load %arg7[%swap3A_1149, %swap3A_1150] {strides = array<i32>} : memref<4x64xi32, #tpu.memory_space<vmem>>, vector<1x16xi32>,
      %swap3A_1152 = vector.shape_cast %swap3A_1151 : vector<1x16xi32> to vector<16xi32>
      %swap3A_1153 = vector.shape_cast %shift_right_logical3A_1147 : vector<16xi32> to vector<1x16xi32>
      tpu.vector_store %arg7[%swap3A_1149, %swap3A_1150], %swap3A_1153 {strides = array<i32>} : memref<4x64xi32, #tpu.memory_space<vmem>>, vector<1x16xi32>,
      %get3A_1154 = arith.index_cast %add3A_1131 : i32 to index
      %get3A_1155 = arith.constant 80 : index
      %get3A_1156 = tpu.vector_load %arg5[%get3A_1154, %get3A_1155] {strides = array<i32>} : memref<80x128xi32, #tpu.memory_space<vmem>>, vector<1x16xi32>,
      %get3A_1157 = vector.shape_cast %get3A_1156 : vector<1x16xi32> to vector<16xi32>
      %and3A_1158 = arith.constant 65535 : i32
      %and3A_1159 = vector.broadcast %and3A_1158 : i32 to vector<16xi32>
      %and3A_1160 = arith.andi %get3A_1157, %and3A_1159 : vector<16xi32>
      %swap3A_1161 = arith.constant 3 : i32
      %swap3A_1162 = arith.index_cast %swap3A_1161 : i32 to index
      %swap3A_1163 = arith.constant 16 : index
      %swap3A_1164 = tpu.vector_load %arg6[%swap3A_1162, %swap3A_1163] {strides = array<i32>} : memref<4x64xi32, #tpu.memory_space<vmem>>, vector<1x16xi32>,
      %swap3A_1165 = vector.shape_cast %swap3A_1164 : vector<1x16xi32> to vector<16xi32>
      %swap3A_1166 = vector.shape_cast %and3A_1160 : vector<16xi32> to vector<1x16xi32>
      tpu.vector_store %arg6[%swap3A_1162, %swap3A_1163], %swap3A_1166 {strides = array<i32>} : memref<4x64xi32, #tpu.memory_space<vmem>>, vector<1x16xi32>,
      %shift_right_logical3A_1167 = arith.constant 16 : i32
      %shift_right_logical3A_1168 = vector.broadcast %shift_right_logical3A_1167 : i32 to vector<16xi32>
      %shift_right_logical3A_1169 = arith.shrui %get3A_1157, %shift_right_logical3A_1168 : vector<16xi32>
      %swap3A_1170 = arith.constant 3 : i32
      %swap3A_1171 = arith.index_cast %swap3A_1170 : i32 to index
      %swap3A_1172 = arith.constant 16 : index
      %swap3A_1173 = tpu.vector_load %arg7[%swap3A_1171, %swap3A_1172] {strides = array<i32>} : memref<4x64xi32, #tpu.memory_space<vmem>>, vector<1x16xi32>,
      %swap3A_1174 = vector.shape_cast %swap3A_1173 : vector<1x16xi32> to vector<16xi32>
      %swap3A_1175 = vector.shape_cast %shift_right_logical3A_1169 : vector<16xi32> to vector<1x16xi32>
      tpu.vector_store %arg7[%swap3A_1171, %swap3A_1172], %swap3A_1175 {strides = array<i32>} : memref<4x64xi32, #tpu.memory_space<vmem>>, vector<1x16xi32>,
      %get3A_1176 = arith.index_cast %add3A_1131 : i32 to index
      %get3A_1177 = arith.constant 96 : index
      %get3A_1178 = tpu.vector_load %arg5[%get3A_1176, %get3A_1177] {strides = array<i32>} : memref<80x128xi32, #tpu.memory_space<vmem>>, vector<1x16xi32>,
      %get3A_1179 = vector.shape_cast %get3A_1178 : vector<1x16xi32> to vector<16xi32>
      %and3A_1180 = arith.constant 65535 : i32
      %and3A_1181 = vector.broadcast %and3A_1180 : i32 to vector<16xi32>
      %and3A_1182 = arith.andi %get3A_1179, %and3A_1181 : vector<16xi32>
      %swap3A_1183 = arith.constant 3 : i32
      %swap3A_1184 = arith.index_cast %swap3A_1183 : i32 to index
      %swap3A_1185 = arith.constant 32 : index
      %swap3A_1186 = tpu.vector_load %arg6[%swap3A_1184, %swap3A_1185] {strides = array<i32>} : memref<4x64xi32, #tpu.memory_space<vmem>>, vector<1x16xi32>,
      %swap3A_1187 = vector.shape_cast %swap3A_1186 : vector<1x16xi32> to vector<16xi32>
      %swap3A_1188 = vector.shape_cast %and3A_1182 : vector<16xi32> to vector<1x16xi32>
      tpu.vector_store %arg6[%swap3A_1184, %swap3A_1185], %swap3A_1188 {strides = array<i32>} : memref<4x64xi32, #tpu.memory_space<vmem>>, vector<1x16xi32>,
      %shift_right_logical3A_1189 = arith.constant 16 : i32
      %shift_right_logical3A_1190 = vector.broadcast %shift_right_logical3A_1189 : i32 to vector<16xi32>
      %shift_right_logical3A_1191 = arith.shrui %get3A_1179, %shift_right_logical3A_1190 : vector<16xi32>
      %swap3A_1192 = arith.constant 3 : i32
      %swap3A_1193 = arith.index_cast %swap3A_1192 : i32 to index
      %swap3A_1194 = arith.constant 32 : index
      %swap3A_1195 = tpu.vector_load %arg7[%swap3A_1193, %swap3A_1194] {strides = array<i32>} : memref<4x64xi32, #tpu.memory_space<vmem>>, vector<1x16xi32>,
      %swap3A_1196 = vector.shape_cast %swap3A_1195 : vector<1x16xi32> to vector<16xi32>
      %swap3A_1197 = vector.shape_cast %shift_right_logical3A_1191 : vector<16xi32> to vector<1x16xi32>
      tpu.vector_store %arg7[%swap3A_1193, %swap3A_1194], %swap3A_1197 {strides = array<i32>} : memref<4x64xi32, #tpu.memory_space<vmem>>, vector<1x16xi32>,
      %get3A_1198 = arith.index_cast %add3A_1131 : i32 to index
      %get3A_1199 = arith.constant 112 : index
      %get3A_1200 = tpu.vector_load %arg5[%get3A_1198, %get3A_1199] {strides = array<i32>} : memref<80x128xi32, #tpu.memory_space<vmem>>, vector<1x16xi32>,
      %get3A_1201 = vector.shape_cast %get3A_1200 : vector<1x16xi32> to vector<16xi32>
      %and3A_1202 = arith.constant 65535 : i32
      %and3A_1203 = vector.broadcast %and3A_1202 : i32 to vector<16xi32>
      %and3A_1204 = arith.andi %get3A_1201, %and3A_1203 : vector<16xi32>
      %swap3A_1205 = arith.constant 3 : i32
      %swap3A_1206 = arith.index_cast %swap3A_1205 : i32 to index
      %swap3A_1207 = arith.constant 48 : index
      %swap3A_1208 = tpu.vector_load %arg6[%swap3A_1206, %swap3A_1207] {strides = array<i32>} : memref<4x64xi32, #tpu.memory_space<vmem>>, vector<1x16xi32>,
      %swap3A_1209 = vector.shape_cast %swap3A_1208 : vector<1x16xi32> to vector<16xi32>
      %swap3A_1210 = vector.shape_cast %and3A_1204 : vector<16xi32> to vector<1x16xi32>
      tpu.vector_store %arg6[%swap3A_1206, %swap3A_1207], %swap3A_1210 {strides = array<i32>} : memref<4x64xi32, #tpu.memory_space<vmem>>, vector<1x16xi32>,
      %shift_right_logical3A_1211 = arith.constant 16 : i32
      %shift_right_logical3A_1212 = vector.broadcast %shift_right_logical3A_1211 : i32 to vector<16xi32>
      %shift_right_logical3A_1213 = arith.shrui %get3A_1201, %shift_right_logical3A_1212 : vector<16xi32>
      %swap3A_1214 = arith.constant 3 : i32
      %swap3A_1215 = arith.index_cast %swap3A_1214 : i32 to index
      %swap3A_1216 = arith.constant 48 : index
      %swap3A_1217 = tpu.vector_load %arg7[%swap3A_1215, %swap3A_1216] {strides = array<i32>} : memref<4x64xi32, #tpu.memory_space<vmem>>, vector<1x16xi32>,
      %swap3A_1218 = vector.shape_cast %swap3A_1217 : vector<1x16xi32> to vector<16xi32>
      %swap3A_1219 = vector.shape_cast %shift_right_logical3A_1213 : vector<16xi32> to vector<1x16xi32>
      tpu.vector_store %arg7[%swap3A_1215, %swap3A_1216], %swap3A_1219 {strides = array<i32>} : memref<4x64xi32, #tpu.memory_space<vmem>>, vector<1x16xi32>,
      %dma_start3A_1220 = arith.constant 3 : i32
      %dma_start3A_1221 = arith.constant 0 : i32
      %dma_start3A_1222 = tpu.memref_slice %arg6[%dma_start3A_1220, %dma_start3A_1221] : memref<4x64xi32, #tpu.memory_space<vmem>> -> memref<1x64xi32, #tpu.memory_space<vmem>>
      %dma_start3A_1223 = tpu.memref_squeeze %dma_start3A_1222 : memref<1x64xi32, #tpu.memory_space<vmem>> -> memref<64xi32, #tpu.memory_space<vmem>>
      %dma_start3A_1224 = arith.constant 0 : i32
      %dma_start3A_1225 = arith.constant 0 : i32
      %dma_start3A_1226 = tpu.memref_slice %arg2[%dma_start3A_1224, %dma_start3A_1225] : memref<10000x128xf32, #tpu.memory_space<hbm>> -> memref<10000x128xf32, #tpu.memory_space<hbm>>
      tpu.enqueue_indirect_dma source(%dma_start3A_1226 : memref<10000x128xf32, #tpu.memory_space<hbm>>) target(%arg11 : memref<64x128xf32, #tpu.memory_space<vmem>>) offsets(%dma_start3A_1223 : memref<64xi32, #tpu.memory_space<vmem>>) semaphore(%arg16 : memref<!tpu.dma_semaphore, #tpu.memory_space<semaphore_mem>>)
      %dma_wait3A_1227 = arith.constant 2 : i32
      %dma_wait3A_1228 = arith.constant 0 : i32
      %dma_wait3A_1229 = tpu.memref_slice %arg6[%dma_wait3A_1227, %dma_wait3A_1228] : memref<4x64xi32, #tpu.memory_space<vmem>> -> memref<1x64xi32, #tpu.memory_space<vmem>>
      %dma_wait3A_1230 = tpu.memref_squeeze %dma_wait3A_1229 : memref<1x64xi32, #tpu.memory_space<vmem>> -> memref<64xi32, #tpu.memory_space<vmem>>
      %dma_wait3A_1231 = arith.constant 0 : i32
      %dma_wait3A_1232 = arith.constant 0 : i32
      %dma_wait3A_1233 = tpu.memref_slice %arg2[%dma_wait3A_1231, %dma_wait3A_1232] : memref<10000x128xf32, #tpu.memory_space<hbm>> -> memref<10000x128xf32, #tpu.memory_space<hbm>>
      tpu.wait_indirect_dma semaphore(%arg15 : memref<!tpu.dma_semaphore, #tpu.memory_space<semaphore_mem>>) src(%dma_wait3A_1233 : memref<10000x128xf32, #tpu.memory_space<hbm>>) dst(%arg10 : memref<64x128xf32, #tpu.memory_space<vmem>>)
      %dma_start3A_1234 = arith.constant 2 : i32
      %dma_start3A_1235 = arith.constant 0 : i32
      %dma_start3A_1236 = tpu.memref_slice %arg7[%dma_start3A_1234, %dma_start3A_1235] : memref<4x64xi32, #tpu.memory_space<vmem>> -> memref<1x64xi32, #tpu.memory_space<vmem>>
      %dma_start3A_1237 = tpu.memref_squeeze %dma_start3A_1236 : memref<1x64xi32, #tpu.memory_space<vmem>> -> memref<64xi32, #tpu.memory_space<vmem>>
      %dma_start3A_1238 = arith.constant 0 : i32
      %dma_start3A_1239 = arith.constant 0 : i32
      %dma_start3A_1240 = tpu.memref_slice %arg12[%dma_start3A_1238, %dma_start3A_1239] : memref<10112x128xf32, #tpu.memory_space<vmem_shared>> -> memref<10112x128xf32, #tpu.memory_space<vmem_shared>>
      tpu.enqueue_indirect_dma source(%arg10 : memref<64x128xf32, #tpu.memory_space<vmem>>) target(%dma_start3A_1240 : memref<10112x128xf32, #tpu.memory_space<vmem_shared>>) offsets(%dma_start3A_1237 : memref<64xi32, #tpu.memory_space<vmem>>) semaphore(%arg19 : memref<!tpu.dma_semaphore, #tpu.memory_space<semaphore_mem>>) {add = true}
      %dma_wait3A_1241 = arith.constant 0 : i32
      %dma_wait3A_1242 = arith.constant 0 : i32
      %dma_wait3A_1243 = tpu.memref_slice %arg7[%dma_wait3A_1241, %dma_wait3A_1242] : memref<4x64xi32, #tpu.memory_space<vmem>> -> memref<1x64xi32, #tpu.memory_space<vmem>>
      %dma_wait3A_1244 = tpu.memref_squeeze %dma_wait3A_1243 : memref<1x64xi32, #tpu.memory_space<vmem>> -> memref<64xi32, #tpu.memory_space<vmem>>
      %dma_wait3A_1245 = arith.constant 0 : i32
      %dma_wait3A_1246 = arith.constant 0 : i32
      %dma_wait3A_1247 = tpu.memref_slice %arg12[%dma_wait3A_1245, %dma_wait3A_1246] : memref<10112x128xf32, #tpu.memory_space<vmem_shared>> -> memref<10112x128xf32, #tpu.memory_space<vmem_shared>>
      tpu.wait_indirect_dma semaphore(%arg17 : memref<!tpu.dma_semaphore, #tpu.memory_space<semaphore_mem>>) src(%arg8 : memref<64x128xf32, #tpu.memory_space<vmem>>) dst(%dma_wait3A_1247 : memref<10112x128xf32, #tpu.memory_space<vmem_shared>>)
      %mul3A_1248 = arith.constant 2 : i32
      %mul3A_1249 = arith.muli %mul3A_1248, %scan3A_981 : i32
      %add3A_1250 = arith.constant 1 : i32
      %add3A_1251 = arith.addi %mul3A_1249, %add3A_1250 : i32
      %add3A_1252 = arith.constant 1 : i32
      %add3A_1253 = arith.addi %add3A_1251, %add3A_1252 : i32
      %get3A_1254 = arith.index_cast %add3A_1253 : i32 to index
      %get3A_1255 = arith.constant 0 : index
      %get3A_1256 = tpu.vector_load %arg5[%get3A_1254, %get3A_1255] {strides = array<i32>} : memref<80x128xi32, #tpu.memory_space<vmem>>, vector<1x16xi32>,
      %get3A_1257 = vector.shape_cast %get3A_1256 : vector<1x16xi32> to vector<16xi32>
      %and3A_1258 = arith.constant 65535 : i32
      %and3A_1259 = vector.broadcast %and3A_1258 : i32 to vector<16xi32>
      %and3A_1260 = arith.andi %get3A_1257, %and3A_1259 : vector<16xi32>
      %swap3A_1261 = arith.constant 0 : i32
      %swap3A_1262 = arith.index_cast %swap3A_1261 : i32 to index
      %swap3A_1263 = arith.constant 0 : index
      %swap3A_1264 = tpu.vector_load %arg6[%swap3A_1262, %swap3A_1263] {strides = array<i32>} : memref<4x64xi32, #tpu.memory_space<vmem>>, vector<1x16xi32>,
      %swap3A_1265 = vector.shape_cast %swap3A_1264 : vector<1x16xi32> to vector<16xi32>
      %swap3A_1266 = vector.shape_cast %and3A_1260 : vector<16xi32> to vector<1x16xi32>
      tpu.vector_store %arg6[%swap3A_1262, %swap3A_1263], %swap3A_1266 {strides = array<i32>} : memref<4x64xi32, #tpu.memory_space<vmem>>, vector<1x16xi32>,
      %shift_right_logical3A_1267 = arith.constant 16 : i32
      %shift_right_logical3A_1268 = vector.broadcast %shift_right_logical3A_1267 : i32 to vector<16xi32>
      %shift_right_logical3A_1269 = arith.shrui %get3A_1257, %shift_right_logical3A_1268 : vector<16xi32>
      %swap3A_1270 = arith.constant 0 : i32
      %swap3A_1271 = arith.index_cast %swap3A_1270 : i32 to index
      %swap3A_1272 = arith.constant 0 : index
      %swap3A_1273 = tpu.vector_load %arg7[%swap3A_1271, %swap3A_1272] {strides = array<i32>} : memref<4x64xi32, #tpu.memory_space<vmem>>, vector<1x16xi32>,
      %swap3A_1274 = vector.shape_cast %swap3A_1273 : vector<1x16xi32> to vector<16xi32>
      %swap3A_1275 = vector.shape_cast %shift_right_logical3A_1269 : vector<16xi32> to vector<1x16xi32>
      tpu.vector_store %arg7[%swap3A_1271, %swap3A_1272], %swap3A_1275 {strides = array<i32>} : memref<4x64xi32, #tpu.memory_space<vmem>>, vector<1x16xi32>,
      %get3A_1276 = arith.index_cast %add3A_1253 : i32 to index
      %get3A_1277 = arith.constant 16 : index
      %get3A_1278 = tpu.vector_load %arg5[%get3A_1276, %get3A_1277] {strides = array<i32>} : memref<80x128xi32, #tpu.memory_space<vmem>>, vector<1x16xi32>,
      %get3A_1279 = vector.shape_cast %get3A_1278 : vector<1x16xi32> to vector<16xi32>
      %and3A_1280 = arith.constant 65535 : i32
      %and3A_1281 = vector.broadcast %and3A_1280 : i32 to vector<16xi32>
      %and3A_1282 = arith.andi %get3A_1279, %and3A_1281 : vector<16xi32>
      %swap3A_1283 = arith.constant 0 : i32
      %swap3A_1284 = arith.index_cast %swap3A_1283 : i32 to index
      %swap3A_1285 = arith.constant 16 : index
      %swap3A_1286 = tpu.vector_load %arg6[%swap3A_1284, %swap3A_1285] {strides = array<i32>} : memref<4x64xi32, #tpu.memory_space<vmem>>, vector<1x16xi32>,
      %swap3A_1287 = vector.shape_cast %swap3A_1286 : vector<1x16xi32> to vector<16xi32>
      %swap3A_1288 = vector.shape_cast %and3A_1282 : vector<16xi32> to vector<1x16xi32>
      tpu.vector_store %arg6[%swap3A_1284, %swap3A_1285], %swap3A_1288 {strides = array<i32>} : memref<4x64xi32, #tpu.memory_space<vmem>>, vector<1x16xi32>,
      %shift_right_logical3A_1289 = arith.constant 16 : i32
      %shift_right_logical3A_1290 = vector.broadcast %shift_right_logical3A_1289 : i32 to vector<16xi32>
      %shift_right_logical3A_1291 = arith.shrui %get3A_1279, %shift_right_logical3A_1290 : vector<16xi32>
      %swap3A_1292 = arith.constant 0 : i32
      %swap3A_1293 = arith.index_cast %swap3A_1292 : i32 to index
      %swap3A_1294 = arith.constant 16 : index
      %swap3A_1295 = tpu.vector_load %arg7[%swap3A_1293, %swap3A_1294] {strides = array<i32>} : memref<4x64xi32, #tpu.memory_space<vmem>>, vector<1x16xi32>,
      %swap3A_1296 = vector.shape_cast %swap3A_1295 : vector<1x16xi32> to vector<16xi32>
      %swap3A_1297 = vector.shape_cast %shift_right_logical3A_1291 : vector<16xi32> to vector<1x16xi32>
      tpu.vector_store %arg7[%swap3A_1293, %swap3A_1294], %swap3A_1297 {strides = array<i32>} : memref<4x64xi32, #tpu.memory_space<vmem>>, vector<1x16xi32>,
      %get3A_1298 = arith.index_cast %add3A_1253 : i32 to index
      %get3A_1299 = arith.constant 32 : index
      %get3A_1300 = tpu.vector_load %arg5[%get3A_1298, %get3A_1299] {strides = array<i32>} : memref<80x128xi32, #tpu.memory_space<vmem>>, vector<1x16xi32>,
      %get3A_1301 = vector.shape_cast %get3A_1300 : vector<1x16xi32> to vector<16xi32>
      %and3A_1302 = arith.constant 65535 : i32
      %and3A_1303 = vector.broadcast %and3A_1302 : i32 to vector<16xi32>
      %and3A_1304 = arith.andi %get3A_1301, %and3A_1303 : vector<16xi32>
      %swap3A_1305 = arith.constant 0 : i32
      %swap3A_1306 = arith.index_cast %swap3A_1305 : i32 to index
      %swap3A_1307 = arith.constant 32 : index
      %swap3A_1308 = tpu.vector_load %arg6[%swap3A_1306, %swap3A_1307] {strides = array<i32>} : memref<4x64xi32, #tpu.memory_space<vmem>>, vector<1x16xi32>,
      %swap3A_1309 = vector.shape_cast %swap3A_1308 : vector<1x16xi32> to vector<16xi32>
      %swap3A_1310 = vector.shape_cast %and3A_1304 : vector<16xi32> to vector<1x16xi32>
      tpu.vector_store %arg6[%swap3A_1306, %swap3A_1307], %swap3A_1310 {strides = array<i32>} : memref<4x64xi32, #tpu.memory_space<vmem>>, vector<1x16xi32>,
      %shift_right_logical3A_1311 = arith.constant 16 : i32
      %shift_right_logical3A_1312 = vector.broadcast %shift_right_logical3A_1311 : i32 to vector<16xi32>
      %shift_right_logical3A_1313 = arith.shrui %get3A_1301, %shift_right_logical3A_1312 : vector<16xi32>
      %swap3A_1314 = arith.constant 0 : i32
      %swap3A_1315 = arith.index_cast %swap3A_1314 : i32 to index
      %swap3A_1316 = arith.constant 32 : index
      %swap3A_1317 = tpu.vector_load %arg7[%swap3A_1315, %swap3A_1316] {strides = array<i32>} : memref<4x64xi32, #tpu.memory_space<vmem>>, vector<1x16xi32>,
      %swap3A_1318 = vector.shape_cast %swap3A_1317 : vector<1x16xi32> to vector<16xi32>
      %swap3A_1319 = vector.shape_cast %shift_right_logical3A_1313 : vector<16xi32> to vector<1x16xi32>
      tpu.vector_store %arg7[%swap3A_1315, %swap3A_1316], %swap3A_1319 {strides = array<i32>} : memref<4x64xi32, #tpu.memory_space<vmem>>, vector<1x16xi32>,
      %get3A_1320 = arith.index_cast %add3A_1253 : i32 to index
      %get3A_1321 = arith.constant 48 : index
      %get3A_1322 = tpu.vector_load %arg5[%get3A_1320, %get3A_1321] {strides = array<i32>} : memref<80x128xi32, #tpu.memory_space<vmem>>, vector<1x16xi32>,
      %get3A_1323 = vector.shape_cast %get3A_1322 : vector<1x16xi32> to vector<16xi32>
      %and3A_1324 = arith.constant 65535 : i32
      %and3A_1325 = vector.broadcast %and3A_1324 : i32 to vector<16xi32>
      %and3A_1326 = arith.andi %get3A_1323, %and3A_1325 : vector<16xi32>
      %swap3A_1327 = arith.constant 0 : i32
      %swap3A_1328 = arith.index_cast %swap3A_1327 : i32 to index
      %swap3A_1329 = arith.constant 48 : index
      %swap3A_1330 = tpu.vector_load %arg6[%swap3A_1328, %swap3A_1329] {strides = array<i32>} : memref<4x64xi32, #tpu.memory_space<vmem>>, vector<1x16xi32>,
      %swap3A_1331 = vector.shape_cast %swap3A_1330 : vector<1x16xi32> to vector<16xi32>
      %swap3A_1332 = vector.shape_cast %and3A_1326 : vector<16xi32> to vector<1x16xi32>
      tpu.vector_store %arg6[%swap3A_1328, %swap3A_1329], %swap3A_1332 {strides = array<i32>} : memref<4x64xi32, #tpu.memory_space<vmem>>, vector<1x16xi32>,
      %shift_right_logical3A_1333 = arith.constant 16 : i32
      %shift_right_logical3A_1334 = vector.broadcast %shift_right_logical3A_1333 : i32 to vector<16xi32>
      %shift_right_logical3A_1335 = arith.shrui %get3A_1323, %shift_right_logical3A_1334 : vector<16xi32>
      %swap3A_1336 = arith.constant 0 : i32
      %swap3A_1337 = arith.index_cast %swap3A_1336 : i32 to index
      %swap3A_1338 = arith.constant 48 : index
      %swap3A_1339 = tpu.vector_load %arg7[%swap3A_1337, %swap3A_1338] {strides = array<i32>} : memref<4x64xi32, #tpu.memory_space<vmem>>, vector<1x16xi32>,
      %swap3A_1340 = vector.shape_cast %swap3A_1339 : vector<1x16xi32> to vector<16xi32>
      %swap3A_1341 = vector.shape_cast %shift_right_logical3A_1335 : vector<16xi32> to vector<1x16xi32>
      tpu.vector_store %arg7[%swap3A_1337, %swap3A_1338], %swap3A_1341 {strides = array<i32>} : memref<4x64xi32, #tpu.memory_space<vmem>>, vector<1x16xi32>,
      %dma_start3A_1342 = arith.constant 0 : i32
      %dma_start3A_1343 = arith.constant 0 : i32
      %dma_start3A_1344 = tpu.memref_slice %arg6[%dma_start3A_1342, %dma_start3A_1343] : memref<4x64xi32, #tpu.memory_space<vmem>> -> memref<1x64xi32, #tpu.memory_space<vmem>>
      %dma_start3A_1345 = tpu.memref_squeeze %dma_start3A_1344 : memref<1x64xi32, #tpu.memory_space<vmem>> -> memref<64xi32, #tpu.memory_space<vmem>>
      %dma_start3A_1346 = arith.constant 0 : i32
      %dma_start3A_1347 = arith.constant 0 : i32
      %dma_start3A_1348 = tpu.memref_slice %arg2[%dma_start3A_1346, %dma_start3A_1347] : memref<10000x128xf32, #tpu.memory_space<hbm>> -> memref<10000x128xf32, #tpu.memory_space<hbm>>
      tpu.enqueue_indirect_dma source(%dma_start3A_1348 : memref<10000x128xf32, #tpu.memory_space<hbm>>) target(%arg8 : memref<64x128xf32, #tpu.memory_space<vmem>>) offsets(%dma_start3A_1345 : memref<64xi32, #tpu.memory_space<vmem>>) semaphore(%arg13 : memref<!tpu.dma_semaphore, #tpu.memory_space<semaphore_mem>>)
      %dma_wait3A_1349 = arith.constant 3 : i32
      %dma_wait3A_1350 = arith.constant 0 : i32
      %dma_wait3A_1351 = tpu.memref_slice %arg6[%dma_wait3A_1349, %dma_wait3A_1350] : memref<4x64xi32, #tpu.memory_space<vmem>> -> memref<1x64xi32, #tpu.memory_space<vmem>>
      %dma_wait3A_1352 = tpu.memref_squeeze %dma_wait3A_1351 : memref<1x64xi32, #tpu.memory_space<vmem>> -> memref<64xi32, #tpu.memory_space<vmem>>
      %dma_wait3A_1353 = arith.constant 0 : i32
      %dma_wait3A_1354 = arith.constant 0 : i32
      %dma_wait3A_1355 = tpu.memref_slice %arg2[%dma_wait3A_1353, %dma_wait3A_1354] : memref<10000x128xf32, #tpu.memory_space<hbm>> -> memref<10000x128xf32, #tpu.memory_space<hbm>>
      tpu.wait_indirect_dma semaphore(%arg16 : memref<!tpu.dma_semaphore, #tpu.memory_space<semaphore_mem>>) src(%dma_wait3A_1355 : memref<10000x128xf32, #tpu.memory_space<hbm>>) dst(%arg11 : memref<64x128xf32, #tpu.memory_space<vmem>>)
      %dma_start3A_1356 = arith.constant 3 : i32
      %dma_start3A_1357 = arith.constant 0 : i32
      %dma_start3A_1358 = tpu.memref_slice %arg7[%dma_start3A_1356, %dma_start3A_1357] : memref<4x64xi32, #tpu.memory_space<vmem>> -> memref<1x64xi32, #tpu.memory_space<vmem>>
      %dma_start3A_1359 = tpu.memref_squeeze %dma_start3A_1358 : memref<1x64xi32, #tpu.memory_space<vmem>> -> memref<64xi32, #tpu.memory_space<vmem>>
      %dma_start3A_1360 = arith.constant 0 : i32
      %dma_start3A_1361 = arith.constant 0 : i32
      %dma_start3A_1362 = tpu.memref_slice %arg12[%dma_start3A_1360, %dma_start3A_1361] : memref<10112x128xf32, #tpu.memory_space<vmem_shared>> -> memref<10112x128xf32, #tpu.memory_space<vmem_shared>>
      tpu.enqueue_indirect_dma source(%arg11 : memref<64x128xf32, #tpu.memory_space<vmem>>) target(%dma_start3A_1362 : memref<10112x128xf32, #tpu.memory_space<vmem_shared>>) offsets(%dma_start3A_1359 : memref<64xi32, #tpu.memory_space<vmem>>) semaphore(%arg20 : memref<!tpu.dma_semaphore, #tpu.memory_space<semaphore_mem>>) {add = true}
      %dma_wait3A_1363 = arith.constant 1 : i32
      %dma_wait3A_1364 = arith.constant 0 : i32
      %dma_wait3A_1365 = tpu.memref_slice %arg7[%dma_wait3A_1363, %dma_wait3A_1364] : memref<4x64xi32, #tpu.memory_space<vmem>> -> memref<1x64xi32, #tpu.memory_space<vmem>>
      %dma_wait3A_1366 = tpu.memref_squeeze %dma_wait3A_1365 : memref<1x64xi32, #tpu.memory_space<vmem>> -> memref<64xi32, #tpu.memory_space<vmem>>
      %dma_wait3A_1367 = arith.constant 0 : i32
      %dma_wait3A_1368 = arith.constant 0 : i32
      %dma_wait3A_1369 = tpu.memref_slice %arg12[%dma_wait3A_1367, %dma_wait3A_1368] : memref<10112x128xf32, #tpu.memory_space<vmem_shared>> -> memref<10112x128xf32, #tpu.memory_space<vmem_shared>>
      tpu.wait_indirect_dma semaphore(%arg18 : memref<!tpu.dma_semaphore, #tpu.memory_space<semaphore_mem>>) src(%arg9 : memref<64x128xf32, #tpu.memory_space<vmem>>) dst(%dma_wait3A_1369 : memref<10112x128xf32, #tpu.memory_space<vmem_shared>>)
      %mul3A_1370 = arith.constant 2 : i32
      %mul3A_1371 = arith.muli %mul3A_1370, %scan3A_981 : i32
      %add3A_1372 = arith.constant 1 : i32
      %add3A_1373 = arith.addi %mul3A_1371, %add3A_1372 : i32
      %add3A_1374 = arith.constant 1 : i32
      %add3A_1375 = arith.addi %add3A_1373, %add3A_1374 : i32
      %get3A_1376 = arith.index_cast %add3A_1375 : i32 to index
      %get3A_1377 = arith.constant 64 : index
      %get3A_1378 = tpu.vector_load %arg5[%get3A_1376, %get3A_1377] {strides = array<i32>} : memref<80x128xi32, #tpu.memory_space<vmem>>, vector<1x16xi32>,
      %get3A_1379 = vector.shape_cast %get3A_1378 : vector<1x16xi32> to vector<16xi32>
      %and3A_1380 = arith.constant 65535 : i32
      %and3A_1381 = vector.broadcast %and3A_1380 : i32 to vector<16xi32>
      %and3A_1382 = arith.andi %get3A_1379, %and3A_1381 : vector<16xi32>
      %swap3A_1383 = arith.constant 1 : i32
      %swap3A_1384 = arith.index_cast %swap3A_1383 : i32 to index
      %swap3A_1385 = arith.constant 0 : index
      %swap3A_1386 = tpu.vector_load %arg6[%swap3A_1384, %swap3A_1385] {strides = array<i32>} : memref<4x64xi32, #tpu.memory_space<vmem>>, vector<1x16xi32>,
      %swap3A_1387 = vector.shape_cast %swap3A_1386 : vector<1x16xi32> to vector<16xi32>
      %swap3A_1388 = vector.shape_cast %and3A_1382 : vector<16xi32> to vector<1x16xi32>
      tpu.vector_store %arg6[%swap3A_1384, %swap3A_1385], %swap3A_1388 {strides = array<i32>} : memref<4x64xi32, #tpu.memory_space<vmem>>, vector<1x16xi32>,
      %shift_right_logical3A_1389 = arith.constant 16 : i32
      %shift_right_logical3A_1390 = vector.broadcast %shift_right_logical3A_1389 : i32 to vector<16xi32>
      %shift_right_logical3A_1391 = arith.shrui %get3A_1379, %shift_right_logical3A_1390 : vector<16xi32>
      %swap3A_1392 = arith.constant 1 : i32
      %swap3A_1393 = arith.index_cast %swap3A_1392 : i32 to index
      %swap3A_1394 = arith.constant 0 : index
      %swap3A_1395 = tpu.vector_load %arg7[%swap3A_1393, %swap3A_1394] {strides = array<i32>} : memref<4x64xi32, #tpu.memory_space<vmem>>, vector<1x16xi32>,
      %swap3A_1396 = vector.shape_cast %swap3A_1395 : vector<1x16xi32> to vector<16xi32>
      %swap3A_1397 = vector.shape_cast %shift_right_logical3A_1391 : vector<16xi32> to vector<1x16xi32>
      tpu.vector_store %arg7[%swap3A_1393, %swap3A_1394], %swap3A_1397 {strides = array<i32>} : memref<4x64xi32, #tpu.memory_space<vmem>>, vector<1x16xi32>,
      %get3A_1398 = arith.index_cast %add3A_1375 : i32 to index
      %get3A_1399 = arith.constant 80 : index
      %get3A_1400 = tpu.vector_load %arg5[%get3A_1398, %get3A_1399] {strides = array<i32>} : memref<80x128xi32, #tpu.memory_space<vmem>>, vector<1x16xi32>,
      %get3A_1401 = vector.shape_cast %get3A_1400 : vector<1x16xi32> to vector<16xi32>
      %and3A_1402 = arith.constant 65535 : i32
      %and3A_1403 = vector.broadcast %and3A_1402 : i32 to vector<16xi32>
      %and3A_1404 = arith.andi %get3A_1401, %and3A_1403 : vector<16xi32>
      %swap3A_1405 = arith.constant 1 : i32
      %swap3A_1406 = arith.index_cast %swap3A_1405 : i32 to index
      %swap3A_1407 = arith.constant 16 : index
      %swap3A_1408 = tpu.vector_load %arg6[%swap3A_1406, %swap3A_1407] {strides = array<i32>} : memref<4x64xi32, #tpu.memory_space<vmem>>, vector<1x16xi32>,
      %swap3A_1409 = vector.shape_cast %swap3A_1408 : vector<1x16xi32> to vector<16xi32>
      %swap3A_1410 = vector.shape_cast %and3A_1404 : vector<16xi32> to vector<1x16xi32>
      tpu.vector_store %arg6[%swap3A_1406, %swap3A_1407], %swap3A_1410 {strides = array<i32>} : memref<4x64xi32, #tpu.memory_space<vmem>>, vector<1x16xi32>,
      %shift_right_logical3A_1411 = arith.constant 16 : i32
      %shift_right_logical3A_1412 = vector.broadcast %shift_right_logical3A_1411 : i32 to vector<16xi32>
      %shift_right_logical3A_1413 = arith.shrui %get3A_1401, %shift_right_logical3A_1412 : vector<16xi32>
      %swap3A_1414 = arith.constant 1 : i32
      %swap3A_1415 = arith.index_cast %swap3A_1414 : i32 to index
      %swap3A_1416 = arith.constant 16 : index
      %swap3A_1417 = tpu.vector_load %arg7[%swap3A_1415, %swap3A_1416] {strides = array<i32>} : memref<4x64xi32, #tpu.memory_space<vmem>>, vector<1x16xi32>,
      %swap3A_1418 = vector.shape_cast %swap3A_1417 : vector<1x16xi32> to vector<16xi32>
      %swap3A_1419 = vector.shape_cast %shift_right_logical3A_1413 : vector<16xi32> to vector<1x16xi32>
      tpu.vector_store %arg7[%swap3A_1415, %swap3A_1416], %swap3A_1419 {strides = array<i32>} : memref<4x64xi32, #tpu.memory_space<vmem>>, vector<1x16xi32>,
      %get3A_1420 = arith.index_cast %add3A_1375 : i32 to index
      %get3A_1421 = arith.constant 96 : index
      %get3A_1422 = tpu.vector_load %arg5[%get3A_1420, %get3A_1421] {strides = array<i32>} : memref<80x128xi32, #tpu.memory_space<vmem>>, vector<1x16xi32>,
      %get3A_1423 = vector.shape_cast %get3A_1422 : vector<1x16xi32> to vector<16xi32>
      %and3A_1424 = arith.constant 65535 : i32
      %and3A_1425 = vector.broadcast %and3A_1424 : i32 to vector<16xi32>
      %and3A_1426 = arith.andi %get3A_1423, %and3A_1425 : vector<16xi32>
      %swap3A_1427 = arith.constant 1 : i32
      %swap3A_1428 = arith.index_cast %swap3A_1427 : i32 to index
      %swap3A_1429 = arith.constant 32 : index
      %swap3A_1430 = tpu.vector_load %arg6[%swap3A_1428, %swap3A_1429] {strides = array<i32>} : memref<4x64xi32, #tpu.memory_space<vmem>>, vector<1x16xi32>,
      %swap3A_1431 = vector.shape_cast %swap3A_1430 : vector<1x16xi32> to vector<16xi32>
      %swap3A_1432 = vector.shape_cast %and3A_1426 : vector<16xi32> to vector<1x16xi32>
      tpu.vector_store %arg6[%swap3A_1428, %swap3A_1429], %swap3A_1432 {strides = array<i32>} : memref<4x64xi32, #tpu.memory_space<vmem>>, vector<1x16xi32>,
      %shift_right_logical3A_1433 = arith.constant 16 : i32
      %shift_right_logical3A_1434 = vector.broadcast %shift_right_logical3A_1433 : i32 to vector<16xi32>
      %shift_right_logical3A_1435 = arith.shrui %get3A_1423, %shift_right_logical3A_1434 : vector<16xi32>
      %swap3A_1436 = arith.constant 1 : i32
      %swap3A_1437 = arith.index_cast %swap3A_1436 : i32 to index
      %swap3A_1438 = arith.constant 32 : index
      %swap3A_1439 = tpu.vector_load %arg7[%swap3A_1437, %swap3A_1438] {strides = array<i32>} : memref<4x64xi32, #tpu.memory_space<vmem>>, vector<1x16xi32>,
      %swap3A_1440 = vector.shape_cast %swap3A_1439 : vector<1x16xi32> to vector<16xi32>
      %swap3A_1441 = vector.shape_cast %shift_right_logical3A_1435 : vector<16xi32> to vector<1x16xi32>
      tpu.vector_store %arg7[%swap3A_1437, %swap3A_1438], %swap3A_1441 {strides = array<i32>} : memref<4x64xi32, #tpu.memory_space<vmem>>, vector<1x16xi32>,
      %get3A_1442 = arith.index_cast %add3A_1375 : i32 to index
      %get3A_1443 = arith.constant 112 : index
      %get3A_1444 = tpu.vector_load %arg5[%get3A_1442, %get3A_1443] {strides = array<i32>} : memref<80x128xi32, #tpu.memory_space<vmem>>, vector<1x16xi32>,
      %get3A_1445 = vector.shape_cast %get3A_1444 : vector<1x16xi32> to vector<16xi32>
      %and3A_1446 = arith.constant 65535 : i32
      %and3A_1447 = vector.broadcast %and3A_1446 : i32 to vector<16xi32>
      %and3A_1448 = arith.andi %get3A_1445, %and3A_1447 : vector<16xi32>
      %swap3A_1449 = arith.constant 1 : i32
      %swap3A_1450 = arith.index_cast %swap3A_1449 : i32 to index
      %swap3A_1451 = arith.constant 48 : index
      %swap3A_1452 = tpu.vector_load %arg6[%swap3A_1450, %swap3A_1451] {strides = array<i32>} : memref<4x64xi32, #tpu.memory_space<vmem>>, vector<1x16xi32>,
      %swap3A_1453 = vector.shape_cast %swap3A_1452 : vector<1x16xi32> to vector<16xi32>
      %swap3A_1454 = vector.shape_cast %and3A_1448 : vector<16xi32> to vector<1x16xi32>
      tpu.vector_store %arg6[%swap3A_1450, %swap3A_1451], %swap3A_1454 {strides = array<i32>} : memref<4x64xi32, #tpu.memory_space<vmem>>, vector<1x16xi32>,
      %shift_right_logical3A_1455 = arith.constant 16 : i32
      %shift_right_logical3A_1456 = vector.broadcast %shift_right_logical3A_1455 : i32 to vector<16xi32>
      %shift_right_logical3A_1457 = arith.shrui %get3A_1445, %shift_right_logical3A_1456 : vector<16xi32>
      %swap3A_1458 = arith.constant 1 : i32
      %swap3A_1459 = arith.index_cast %swap3A_1458 : i32 to index
      %swap3A_1460 = arith.constant 48 : index
      %swap3A_1461 = tpu.vector_load %arg7[%swap3A_1459, %swap3A_1460] {strides = array<i32>} : memref<4x64xi32, #tpu.memory_space<vmem>>, vector<1x16xi32>,
      %swap3A_1462 = vector.shape_cast %swap3A_1461 : vector<1x16xi32> to vector<16xi32>
      %swap3A_1463 = vector.shape_cast %shift_right_logical3A_1457 : vector<16xi32> to vector<1x16xi32>
      tpu.vector_store %arg7[%swap3A_1459, %swap3A_1460], %swap3A_1463 {strides = array<i32>} : memref<4x64xi32, #tpu.memory_space<vmem>>, vector<1x16xi32>,
      %dma_start3A_1464 = arith.constant 1 : i32
      %dma_start3A_1465 = arith.constant 0 : i32
      %dma_start3A_1466 = tpu.memref_slice %arg6[%dma_start3A_1464, %dma_start3A_1465] : memref<4x64xi32, #tpu.memory_space<vmem>> -> memref<1x64xi32, #tpu.memory_space<vmem>>
      %dma_start3A_1467 = tpu.memref_squeeze %dma_start3A_1466 : memref<1x64xi32, #tpu.memory_space<vmem>> -> memref<64xi32, #tpu.memory_space<vmem>>
      %dma_start3A_1468 = arith.constant 0 : i32
      %dma_start3A_1469 = arith.constant 0 : i32
      %dma_start3A_1470 = tpu.memref_slice %arg2[%dma_start3A_1468, %dma_start3A_1469] : memref<10000x128xf32, #tpu.memory_space<hbm>> -> memref<10000x128xf32, #tpu.memory_space<hbm>>
      tpu.enqueue_indirect_dma source(%dma_start3A_1470 : memref<10000x128xf32, #tpu.memory_space<hbm>>) target(%arg9 : memref<64x128xf32, #tpu.memory_space<vmem>>) offsets(%dma_start3A_1467 : memref<64xi32, #tpu.memory_space<vmem>>) semaphore(%arg14 : memref<!tpu.dma_semaphore, #tpu.memory_space<semaphore_mem>>)
      %scan3A_1471 = arith.constant 0 : i32
      scf.yield %scan3A_1471 : i32
    }
    %scan3A_683 = arith.constant 38 : i32
    %dma_wait3A_684 = arith.constant 0 : i32
    %dma_wait3A_685 = arith.constant 0 : i32
    %dma_wait3A_686 = tpu.memref_slice %arg6[%dma_wait3A_684, %dma_wait3A_685] : memref<4x64xi32, #tpu.memory_space<vmem>> -> memref<1x64xi32, #tpu.memory_space<vmem>>
    %dma_wait3A_687 = tpu.memref_squeeze %dma_wait3A_686 : memref<1x64xi32, #tpu.memory_space<vmem>> -> memref<64xi32, #tpu.memory_space<vmem>>
    %dma_wait3A_688 = arith.constant 0 : i32
    %dma_wait3A_689 = arith.constant 0 : i32
    %dma_wait3A_690 = tpu.memref_slice %arg2[%dma_wait3A_688, %dma_wait3A_689] : memref<10000x128xf32, #tpu.memory_space<hbm>> -> memref<10000x128xf32, #tpu.memory_space<hbm>>
    tpu.wait_indirect_dma semaphore(%arg13 : memref<!tpu.dma_semaphore, #tpu.memory_space<semaphore_mem>>) src(%dma_wait3A_690 : memref<10000x128xf32, #tpu.memory_space<hbm>>) dst(%arg8 : memref<64x128xf32, #tpu.memory_space<vmem>>)
    %dma_start3A_691 = arith.constant 0 : i32
    %dma_start3A_692 = arith.constant 0 : i32
    %dma_start3A_693 = tpu.memref_slice %arg7[%dma_start3A_691, %dma_start3A_692] : memref<4x64xi32, #tpu.memory_space<vmem>> -> memref<1x64xi32, #tpu.memory_space<vmem>>
    %dma_start3A_694 = tpu.memref_squeeze %dma_start3A_693 : memref<1x64xi32, #tpu.memory_space<vmem>> -> memref<64xi32, #tpu.memory_space<vmem>>
    %dma_start3A_695 = arith.constant 0 : i32
    %dma_start3A_696 = arith.constant 0 : i32
    %dma_start3A_697 = tpu.memref_slice %arg12[%dma_start3A_695, %dma_start3A_696] : memref<10112x128xf32, #tpu.memory_space<vmem_shared>> -> memref<10112x128xf32, #tpu.memory_space<vmem_shared>>
    tpu.enqueue_indirect_dma source(%arg8 : memref<64x128xf32, #tpu.memory_space<vmem>>) target(%dma_start3A_697 : memref<10112x128xf32, #tpu.memory_space<vmem_shared>>) offsets(%dma_start3A_694 : memref<64xi32, #tpu.memory_space<vmem>>) semaphore(%arg17 : memref<!tpu.dma_semaphore, #tpu.memory_space<semaphore_mem>>) {add = true}
    %dma_wait3A_698 = arith.constant 2 : i32
    %dma_wait3A_699 = arith.constant 0 : i32
    %dma_wait3A_700 = tpu.memref_slice %arg7[%dma_wait3A_698, %dma_wait3A_699] : memref<4x64xi32, #tpu.memory_space<vmem>> -> memref<1x64xi32, #tpu.memory_space<vmem>>
    %dma_wait3A_701 = tpu.memref_squeeze %dma_wait3A_700 : memref<1x64xi32, #tpu.memory_space<vmem>> -> memref<64xi32, #tpu.memory_space<vmem>>
    %dma_wait3A_702 = arith.constant 0 : i32
    %dma_wait3A_703 = arith.constant 0 : i32
    %dma_wait3A_704 = tpu.memref_slice %arg12[%dma_wait3A_702, %dma_wait3A_703] : memref<10112x128xf32, #tpu.memory_space<vmem_shared>> -> memref<10112x128xf32, #tpu.memory_space<vmem_shared>>
    tpu.wait_indirect_dma semaphore(%arg19 : memref<!tpu.dma_semaphore, #tpu.memory_space<semaphore_mem>>) src(%arg10 : memref<64x128xf32, #tpu.memory_space<vmem>>) dst(%dma_wait3A_704 : memref<10112x128xf32, #tpu.memory_space<vmem_shared>>)
    %get3A_705 = arith.constant 79 : i32
    %get3A_706 = arith.index_cast %get3A_705 : i32 to index
    %get3A_707 = arith.constant 0 : index
    %get3A_708 = tpu.vector_load %arg5[%get3A_706, %get3A_707] {strides = array<i32>} : memref<80x128xi32, #tpu.memory_space<vmem>>, vector<1x16xi32>,
    %get3A_709 = vector.shape_cast %get3A_708 : vector<1x16xi32> to vector<16xi32>
    %and3A_710 = arith.constant 65535 : i32
    %and3A_711 = vector.broadcast %and3A_710 : i32 to vector<16xi32>
    %and3A_712 = arith.andi %get3A_709, %and3A_711 : vector<16xi32>
    %swap3A_713 = arith.constant 2 : i32
    %swap3A_714 = arith.index_cast %swap3A_713 : i32 to index
    %swap3A_715 = arith.constant 0 : index
    %swap3A_716 = tpu.vector_load %arg6[%swap3A_714, %swap3A_715] {strides = array<i32>} : memref<4x64xi32, #tpu.memory_space<vmem>>, vector<1x16xi32>,
    %swap3A_717 = vector.shape_cast %swap3A_716 : vector<1x16xi32> to vector<16xi32>
    %swap3A_718 = vector.shape_cast %and3A_712 : vector<16xi32> to vector<1x16xi32>
    tpu.vector_store %arg6[%swap3A_714, %swap3A_715], %swap3A_718 {strides = array<i32>} : memref<4x64xi32, #tpu.memory_space<vmem>>, vector<1x16xi32>,
    %shift_right_logical3A_719 = arith.constant 16 : i32
    %shift_right_logical3A_720 = vector.broadcast %shift_right_logical3A_719 : i32 to vector<16xi32>
    %shift_right_logical3A_721 = arith.shrui %get3A_709, %shift_right_logical3A_720 : vector<16xi32>
    %swap3A_722 = arith.constant 2 : i32
    %swap3A_723 = arith.index_cast %swap3A_722 : i32 to index
    %swap3A_724 = arith.constant 0 : index
    %swap3A_725 = tpu.vector_load %arg7[%swap3A_723, %swap3A_724] {strides = array<i32>} : memref<4x64xi32, #tpu.memory_space<vmem>>, vector<1x16xi32>,
    %swap3A_726 = vector.shape_cast %swap3A_725 : vector<1x16xi32> to vector<16xi32>
    %swap3A_727 = vector.shape_cast %shift_right_logical3A_721 : vector<16xi32> to vector<1x16xi32>
    tpu.vector_store %arg7[%swap3A_723, %swap3A_724], %swap3A_727 {strides = array<i32>} : memref<4x64xi32, #tpu.memory_space<vmem>>, vector<1x16xi32>,
    %get3A_728 = arith.constant 79 : i32
    %get3A_729 = arith.index_cast %get3A_728 : i32 to index
    %get3A_730 = arith.constant 16 : index
    %get3A_731 = tpu.vector_load %arg5[%get3A_729, %get3A_730] {strides = array<i32>} : memref<80x128xi32, #tpu.memory_space<vmem>>, vector<1x16xi32>,
    %get3A_732 = vector.shape_cast %get3A_731 : vector<1x16xi32> to vector<16xi32>
    %and3A_733 = arith.constant 65535 : i32
    %and3A_734 = vector.broadcast %and3A_733 : i32 to vector<16xi32>
    %and3A_735 = arith.andi %get3A_732, %and3A_734 : vector<16xi32>
    %swap3A_736 = arith.constant 2 : i32
    %swap3A_737 = arith.index_cast %swap3A_736 : i32 to index
    %swap3A_738 = arith.constant 16 : index
    %swap3A_739 = tpu.vector_load %arg6[%swap3A_737, %swap3A_738] {strides = array<i32>} : memref<4x64xi32, #tpu.memory_space<vmem>>, vector<1x16xi32>,
    %swap3A_740 = vector.shape_cast %swap3A_739 : vector<1x16xi32> to vector<16xi32>
    %swap3A_741 = vector.shape_cast %and3A_735 : vector<16xi32> to vector<1x16xi32>
    tpu.vector_store %arg6[%swap3A_737, %swap3A_738], %swap3A_741 {strides = array<i32>} : memref<4x64xi32, #tpu.memory_space<vmem>>, vector<1x16xi32>,
    %shift_right_logical3A_742 = arith.constant 16 : i32
    %shift_right_logical3A_743 = vector.broadcast %shift_right_logical3A_742 : i32 to vector<16xi32>
    %shift_right_logical3A_744 = arith.shrui %get3A_732, %shift_right_logical3A_743 : vector<16xi32>
    %swap3A_745 = arith.constant 2 : i32
    %swap3A_746 = arith.index_cast %swap3A_745 : i32 to index
    %swap3A_747 = arith.constant 16 : index
    %swap3A_748 = tpu.vector_load %arg7[%swap3A_746, %swap3A_747] {strides = array<i32>} : memref<4x64xi32, #tpu.memory_space<vmem>>, vector<1x16xi32>,
    %swap3A_749 = vector.shape_cast %swap3A_748 : vector<1x16xi32> to vector<16xi32>
    %swap3A_750 = vector.shape_cast %shift_right_logical3A_744 : vector<16xi32> to vector<1x16xi32>
    tpu.vector_store %arg7[%swap3A_746, %swap3A_747], %swap3A_750 {strides = array<i32>} : memref<4x64xi32, #tpu.memory_space<vmem>>, vector<1x16xi32>,
    %get3A_751 = arith.constant 79 : i32
    %get3A_752 = arith.index_cast %get3A_751 : i32 to index
    %get3A_753 = arith.constant 32 : index
    %get3A_754 = tpu.vector_load %arg5[%get3A_752, %get3A_753] {strides = array<i32>} : memref<80x128xi32, #tpu.memory_space<vmem>>, vector<1x16xi32>,
    %get3A_755 = vector.shape_cast %get3A_754 : vector<1x16xi32> to vector<16xi32>
    %and3A_756 = arith.constant 65535 : i32
    %and3A_757 = vector.broadcast %and3A_756 : i32 to vector<16xi32>
    %and3A_758 = arith.andi %get3A_755, %and3A_757 : vector<16xi32>
    %swap3A_759 = arith.constant 2 : i32
    %swap3A_760 = arith.index_cast %swap3A_759 : i32 to index
    %swap3A_761 = arith.constant 32 : index
    %swap3A_762 = tpu.vector_load %arg6[%swap3A_760, %swap3A_761] {strides = array<i32>} : memref<4x64xi32, #tpu.memory_space<vmem>>, vector<1x16xi32>,
    %swap3A_763 = vector.shape_cast %swap3A_762 : vector<1x16xi32> to vector<16xi32>
    %swap3A_764 = vector.shape_cast %and3A_758 : vector<16xi32> to vector<1x16xi32>
    tpu.vector_store %arg6[%swap3A_760, %swap3A_761], %swap3A_764 {strides = array<i32>} : memref<4x64xi32, #tpu.memory_space<vmem>>, vector<1x16xi32>,
    %shift_right_logical3A_765 = arith.constant 16 : i32
    %shift_right_logical3A_766 = vector.broadcast %shift_right_logical3A_765 : i32 to vector<16xi32>
    %shift_right_logical3A_767 = arith.shrui %get3A_755, %shift_right_logical3A_766 : vector<16xi32>
    %swap3A_768 = arith.constant 2 : i32
    %swap3A_769 = arith.index_cast %swap3A_768 : i32 to index
    %swap3A_770 = arith.constant 32 : index
    %swap3A_771 = tpu.vector_load %arg7[%swap3A_769, %swap3A_770] {strides = array<i32>} : memref<4x64xi32, #tpu.memory_space<vmem>>, vector<1x16xi32>,
    %swap3A_772 = vector.shape_cast %swap3A_771 : vector<1x16xi32> to vector<16xi32>
    %swap3A_773 = vector.shape_cast %shift_right_logical3A_767 : vector<16xi32> to vector<1x16xi32>
    tpu.vector_store %arg7[%swap3A_769, %swap3A_770], %swap3A_773 {strides = array<i32>} : memref<4x64xi32, #tpu.memory_space<vmem>>, vector<1x16xi32>,
    %get3A_774 = arith.constant 79 : i32
    %get3A_775 = arith.index_cast %get3A_774 : i32 to index
    %get3A_776 = arith.constant 48 : index
    %get3A_777 = tpu.vector_load %arg5[%get3A_775, %get3A_776] {strides = array<i32>} : memref<80x128xi32, #tpu.memory_space<vmem>>, vector<1x16xi32>,
    %get3A_778 = vector.shape_cast %get3A_777 : vector<1x16xi32> to vector<16xi32>
    %and3A_779 = arith.constant 65535 : i32
    %and3A_780 = vector.broadcast %and3A_779 : i32 to vector<16xi32>
    %and3A_781 = arith.andi %get3A_778, %and3A_780 : vector<16xi32>
    %swap3A_782 = arith.constant 2 : i32
    %swap3A_783 = arith.index_cast %swap3A_782 : i32 to index
    %swap3A_784 = arith.constant 48 : index
    %swap3A_785 = tpu.vector_load %arg6[%swap3A_783, %swap3A_784] {strides = array<i32>} : memref<4x64xi32, #tpu.memory_space<vmem>>, vector<1x16xi32>,
    %swap3A_786 = vector.shape_cast %swap3A_785 : vector<1x16xi32> to vector<16xi32>
    %swap3A_787 = vector.shape_cast %and3A_781 : vector<16xi32> to vector<1x16xi32>
    tpu.vector_store %arg6[%swap3A_783, %swap3A_784], %swap3A_787 {strides = array<i32>} : memref<4x64xi32, #tpu.memory_space<vmem>>, vector<1x16xi32>,
    %shift_right_logical3A_788 = arith.constant 16 : i32
    %shift_right_logical3A_789 = vector.broadcast %shift_right_logical3A_788 : i32 to vector<16xi32>
    %shift_right_logical3A_790 = arith.shrui %get3A_778, %shift_right_logical3A_789 : vector<16xi32>
    %swap3A_791 = arith.constant 2 : i32
    %swap3A_792 = arith.index_cast %swap3A_791 : i32 to index
    %swap3A_793 = arith.constant 48 : index
    %swap3A_794 = tpu.vector_load %arg7[%swap3A_792, %swap3A_793] {strides = array<i32>} : memref<4x64xi32, #tpu.memory_space<vmem>>, vector<1x16xi32>,
    %swap3A_795 = vector.shape_cast %swap3A_794 : vector<1x16xi32> to vector<16xi32>
    %swap3A_796 = vector.shape_cast %shift_right_logical3A_790 : vector<16xi32> to vector<1x16xi32>
    tpu.vector_store %arg7[%swap3A_792, %swap3A_793], %swap3A_796 {strides = array<i32>} : memref<4x64xi32, #tpu.memory_space<vmem>>, vector<1x16xi32>,
    %dma_start3A_797 = arith.constant 2 : i32
    %dma_start3A_798 = arith.constant 0 : i32
    %dma_start3A_799 = tpu.memref_slice %arg6[%dma_start3A_797, %dma_start3A_798] : memref<4x64xi32, #tpu.memory_space<vmem>> -> memref<1x64xi32, #tpu.memory_space<vmem>>
    %dma_start3A_800 = tpu.memref_squeeze %dma_start3A_799 : memref<1x64xi32, #tpu.memory_space<vmem>> -> memref<64xi32, #tpu.memory_space<vmem>>
    %dma_start3A_801 = arith.constant 0 : i32
    %dma_start3A_802 = arith.constant 0 : i32
    %dma_start3A_803 = tpu.memref_slice %arg2[%dma_start3A_801, %dma_start3A_802] : memref<10000x128xf32, #tpu.memory_space<hbm>> -> memref<10000x128xf32, #tpu.memory_space<hbm>>
    tpu.enqueue_indirect_dma source(%dma_start3A_803 : memref<10000x128xf32, #tpu.memory_space<hbm>>) target(%arg10 : memref<64x128xf32, #tpu.memory_space<vmem>>) offsets(%dma_start3A_800 : memref<64xi32, #tpu.memory_space<vmem>>) semaphore(%arg15 : memref<!tpu.dma_semaphore, #tpu.memory_space<semaphore_mem>>)
    %dma_wait3A_804 = arith.constant 1 : i32
    %dma_wait3A_805 = arith.constant 0 : i32
    %dma_wait3A_806 = tpu.memref_slice %arg6[%dma_wait3A_804, %dma_wait3A_805] : memref<4x64xi32, #tpu.memory_space<vmem>> -> memref<1x64xi32, #tpu.memory_space<vmem>>
    %dma_wait3A_807 = tpu.memref_squeeze %dma_wait3A_806 : memref<1x64xi32, #tpu.memory_space<vmem>> -> memref<64xi32, #tpu.memory_space<vmem>>
    %dma_wait3A_808 = arith.constant 0 : i32
    %dma_wait3A_809 = arith.constant 0 : i32
    %dma_wait3A_810 = tpu.memref_slice %arg2[%dma_wait3A_808, %dma_wait3A_809] : memref<10000x128xf32, #tpu.memory_space<hbm>> -> memref<10000x128xf32, #tpu.memory_space<hbm>>
    tpu.wait_indirect_dma semaphore(%arg14 : memref<!tpu.dma_semaphore, #tpu.memory_space<semaphore_mem>>) src(%dma_wait3A_810 : memref<10000x128xf32, #tpu.memory_space<hbm>>) dst(%arg9 : memref<64x128xf32, #tpu.memory_space<vmem>>)
    %dma_start3A_811 = arith.constant 1 : i32
    %dma_start3A_812 = arith.constant 0 : i32
    %dma_start3A_813 = tpu.memref_slice %arg7[%dma_start3A_811, %dma_start3A_812] : memref<4x64xi32, #tpu.memory_space<vmem>> -> memref<1x64xi32, #tpu.memory_space<vmem>>
    %dma_start3A_814 = tpu.memref_squeeze %dma_start3A_813 : memref<1x64xi32, #tpu.memory_space<vmem>> -> memref<64xi32, #tpu.memory_space<vmem>>
    %dma_start3A_815 = arith.constant 0 : i32
    %dma_start3A_816 = arith.constant 0 : i32
    %dma_start3A_817 = tpu.memref_slice %arg12[%dma_start3A_815, %dma_start3A_816] : memref<10112x128xf32, #tpu.memory_space<vmem_shared>> -> memref<10112x128xf32, #tpu.memory_space<vmem_shared>>
    tpu.enqueue_indirect_dma source(%arg9 : memref<64x128xf32, #tpu.memory_space<vmem>>) target(%dma_start3A_817 : memref<10112x128xf32, #tpu.memory_space<vmem_shared>>) offsets(%dma_start3A_814 : memref<64xi32, #tpu.memory_space<vmem>>) semaphore(%arg18 : memref<!tpu.dma_semaphore, #tpu.memory_space<semaphore_mem>>) {add = true}
    %dma_wait3A_818 = arith.constant 3 : i32
    %dma_wait3A_819 = arith.constant 0 : i32
    %dma_wait3A_820 = tpu.memref_slice %arg7[%dma_wait3A_818, %dma_wait3A_819] : memref<4x64xi32, #tpu.memory_space<vmem>> -> memref<1x64xi32, #tpu.memory_space<vmem>>
    %dma_wait3A_821 = tpu.memref_squeeze %dma_wait3A_820 : memref<1x64xi32, #tpu.memory_space<vmem>> -> memref<64xi32, #tpu.memory_space<vmem>>
    %dma_wait3A_822 = arith.constant 0 : i32
    %dma_wait3A_823 = arith.constant 0 : i32
    %dma_wait3A_824 = tpu.memref_slice %arg12[%dma_wait3A_822, %dma_wait3A_823] : memref<10112x128xf32, #tpu.memory_space<vmem_shared>> -> memref<10112x128xf32, #tpu.memory_space<vmem_shared>>
    tpu.wait_indirect_dma semaphore(%arg20 : memref<!tpu.dma_semaphore, #tpu.memory_space<semaphore_mem>>) src(%arg11 : memref<64x128xf32, #tpu.memory_space<vmem>>) dst(%dma_wait3A_824 : memref<10112x128xf32, #tpu.memory_space<vmem_shared>>)
    %get3A_825 = arith.constant 79 : i32
    %get3A_826 = arith.index_cast %get3A_825 : i32 to index
    %get3A_827 = arith.constant 64 : index
    %get3A_828 = tpu.vector_load %arg5[%get3A_826, %get3A_827] {strides = array<i32>} : memref<80x128xi32, #tpu.memory_space<vmem>>, vector<1x16xi32>,
    %get3A_829 = vector.shape_cast %get3A_828 : vector<1x16xi32> to vector<16xi32>
    %and3A_830 = arith.constant 65535 : i32
    %and3A_831 = vector.broadcast %and3A_830 : i32 to vector<16xi32>
    %and3A_832 = arith.andi %get3A_829, %and3A_831 : vector<16xi32>
    %swap3A_833 = arith.constant 3 : i32
    %swap3A_834 = arith.index_cast %swap3A_833 : i32 to index
    %swap3A_835 = arith.constant 0 : index
    %swap3A_836 = tpu.vector_load %arg6[%swap3A_834, %swap3A_835] {strides = array<i32>} : memref<4x64xi32, #tpu.memory_space<vmem>>, vector<1x16xi32>,
    %swap3A_837 = vector.shape_cast %swap3A_836 : vector<1x16xi32> to vector<16xi32>
    %swap3A_838 = vector.shape_cast %and3A_832 : vector<16xi32> to vector<1x16xi32>
    tpu.vector_store %arg6[%swap3A_834, %swap3A_835], %swap3A_838 {strides = array<i32>} : memref<4x64xi32, #tpu.memory_space<vmem>>, vector<1x16xi32>,
    %shift_right_logical3A_839 = arith.constant 16 : i32
    %shift_right_logical3A_840 = vector.broadcast %shift_right_logical3A_839 : i32 to vector<16xi32>
    %shift_right_logical3A_841 = arith.shrui %get3A_829, %shift_right_logical3A_840 : vector<16xi32>
    %swap3A_842 = arith.constant 3 : i32
    %swap3A_843 = arith.index_cast %swap3A_842 : i32 to index
    %swap3A_844 = arith.constant 0 : index
    %swap3A_845 = tpu.vector_load %arg7[%swap3A_843, %swap3A_844] {strides = array<i32>} : memref<4x64xi32, #tpu.memory_space<vmem>>, vector<1x16xi32>,
    %swap3A_846 = vector.shape_cast %swap3A_845 : vector<1x16xi32> to vector<16xi32>
    %swap3A_847 = vector.shape_cast %shift_right_logical3A_841 : vector<16xi32> to vector<1x16xi32>
    tpu.vector_store %arg7[%swap3A_843, %swap3A_844], %swap3A_847 {strides = array<i32>} : memref<4x64xi32, #tpu.memory_space<vmem>>, vector<1x16xi32>,
    %get3A_848 = arith.constant 79 : i32
    %get3A_849 = arith.index_cast %get3A_848 : i32 to index
    %get3A_850 = arith.constant 80 : index
    %get3A_851 = tpu.vector_load %arg5[%get3A_849, %get3A_850] {strides = array<i32>} : memref<80x128xi32, #tpu.memory_space<vmem>>, vector<1x16xi32>,
    %get3A_852 = vector.shape_cast %get3A_851 : vector<1x16xi32> to vector<16xi32>
    %and3A_853 = arith.constant 65535 : i32
    %and3A_854 = vector.broadcast %and3A_853 : i32 to vector<16xi32>
    %and3A_855 = arith.andi %get3A_852, %and3A_854 : vector<16xi32>
    %swap3A_856 = arith.constant 3 : i32
    %swap3A_857 = arith.index_cast %swap3A_856 : i32 to index
    %swap3A_858 = arith.constant 16 : index
    %swap3A_859 = tpu.vector_load %arg6[%swap3A_857, %swap3A_858] {strides = array<i32>} : memref<4x64xi32, #tpu.memory_space<vmem>>, vector<1x16xi32>,
    %swap3A_860 = vector.shape_cast %swap3A_859 : vector<1x16xi32> to vector<16xi32>
    %swap3A_861 = vector.shape_cast %and3A_855 : vector<16xi32> to vector<1x16xi32>
    tpu.vector_store %arg6[%swap3A_857, %swap3A_858], %swap3A_861 {strides = array<i32>} : memref<4x64xi32, #tpu.memory_space<vmem>>, vector<1x16xi32>,
    %shift_right_logical3A_862 = arith.constant 16 : i32
    %shift_right_logical3A_863 = vector.broadcast %shift_right_logical3A_862 : i32 to vector<16xi32>
    %shift_right_logical3A_864 = arith.shrui %get3A_852, %shift_right_logical3A_863 : vector<16xi32>
    %swap3A_865 = arith.constant 3 : i32
    %swap3A_866 = arith.index_cast %swap3A_865 : i32 to index
    %swap3A_867 = arith.constant 16 : index
    %swap3A_868 = tpu.vector_load %arg7[%swap3A_866, %swap3A_867] {strides = array<i32>} : memref<4x64xi32, #tpu.memory_space<vmem>>, vector<1x16xi32>,
    %swap3A_869 = vector.shape_cast %swap3A_868 : vector<1x16xi32> to vector<16xi32>
    %swap3A_870 = vector.shape_cast %shift_right_logical3A_864 : vector<16xi32> to vector<1x16xi32>
    tpu.vector_store %arg7[%swap3A_866, %swap3A_867], %swap3A_870 {strides = array<i32>} : memref<4x64xi32, #tpu.memory_space<vmem>>, vector<1x16xi32>,
    %get3A_871 = arith.constant 79 : i32
    %get3A_872 = arith.index_cast %get3A_871 : i32 to index
    %get3A_873 = arith.constant 96 : index
    %get3A_874 = tpu.vector_load %arg5[%get3A_872, %get3A_873] {strides = array<i32>} : memref<80x128xi32, #tpu.memory_space<vmem>>, vector<1x16xi32>,
    %get3A_875 = vector.shape_cast %get3A_874 : vector<1x16xi32> to vector<16xi32>
    %and3A_876 = arith.constant 65535 : i32
    %and3A_877 = vector.broadcast %and3A_876 : i32 to vector<16xi32>
    %and3A_878 = arith.andi %get3A_875, %and3A_877 : vector<16xi32>
    %swap3A_879 = arith.constant 3 : i32
    %swap3A_880 = arith.index_cast %swap3A_879 : i32 to index
    %swap3A_881 = arith.constant 32 : index
    %swap3A_882 = tpu.vector_load %arg6[%swap3A_880, %swap3A_881] {strides = array<i32>} : memref<4x64xi32, #tpu.memory_space<vmem>>, vector<1x16xi32>,
    %swap3A_883 = vector.shape_cast %swap3A_882 : vector<1x16xi32> to vector<16xi32>
    %swap3A_884 = vector.shape_cast %and3A_878 : vector<16xi32> to vector<1x16xi32>
    tpu.vector_store %arg6[%swap3A_880, %swap3A_881], %swap3A_884 {strides = array<i32>} : memref<4x64xi32, #tpu.memory_space<vmem>>, vector<1x16xi32>,
    %shift_right_logical3A_885 = arith.constant 16 : i32
    %shift_right_logical3A_886 = vector.broadcast %shift_right_logical3A_885 : i32 to vector<16xi32>
    %shift_right_logical3A_887 = arith.shrui %get3A_875, %shift_right_logical3A_886 : vector<16xi32>
    %swap3A_888 = arith.constant 3 : i32
    %swap3A_889 = arith.index_cast %swap3A_888 : i32 to index
    %swap3A_890 = arith.constant 32 : index
    %swap3A_891 = tpu.vector_load %arg7[%swap3A_889, %swap3A_890] {strides = array<i32>} : memref<4x64xi32, #tpu.memory_space<vmem>>, vector<1x16xi32>,
    %swap3A_892 = vector.shape_cast %swap3A_891 : vector<1x16xi32> to vector<16xi32>
    %swap3A_893 = vector.shape_cast %shift_right_logical3A_887 : vector<16xi32> to vector<1x16xi32>
    tpu.vector_store %arg7[%swap3A_889, %swap3A_890], %swap3A_893 {strides = array<i32>} : memref<4x64xi32, #tpu.memory_space<vmem>>, vector<1x16xi32>,
    %get3A_894 = arith.constant 79 : i32
    %get3A_895 = arith.index_cast %get3A_894 : i32 to index
    %get3A_896 = arith.constant 112 : index
    %get3A_897 = tpu.vector_load %arg5[%get3A_895, %get3A_896] {strides = array<i32>} : memref<80x128xi32, #tpu.memory_space<vmem>>, vector<1x16xi32>,
    %get3A_898 = vector.shape_cast %get3A_897 : vector<1x16xi32> to vector<16xi32>
    %and3A_899 = arith.constant 65535 : i32
    %and3A_900 = vector.broadcast %and3A_899 : i32 to vector<16xi32>
    %and3A_901 = arith.andi %get3A_898, %and3A_900 : vector<16xi32>
    %swap3A_902 = arith.constant 3 : i32
    %swap3A_903 = arith.index_cast %swap3A_902 : i32 to index
    %swap3A_904 = arith.constant 48 : index
    %swap3A_905 = tpu.vector_load %arg6[%swap3A_903, %swap3A_904] {strides = array<i32>} : memref<4x64xi32, #tpu.memory_space<vmem>>, vector<1x16xi32>,
    %swap3A_906 = vector.shape_cast %swap3A_905 : vector<1x16xi32> to vector<16xi32>
    %swap3A_907 = vector.shape_cast %and3A_901 : vector<16xi32> to vector<1x16xi32>
    tpu.vector_store %arg6[%swap3A_903, %swap3A_904], %swap3A_907 {strides = array<i32>} : memref<4x64xi32, #tpu.memory_space<vmem>>, vector<1x16xi32>,
    %shift_right_logical3A_908 = arith.constant 16 : i32
    %shift_right_logical3A_909 = vector.broadcast %shift_right_logical3A_908 : i32 to vector<16xi32>
    %shift_right_logical3A_910 = arith.shrui %get3A_898, %shift_right_logical3A_909 : vector<16xi32>
    %swap3A_911 = arith.constant 3 : i32
    %swap3A_912 = arith.index_cast %swap3A_911 : i32 to index
    %swap3A_913 = arith.constant 48 : index
    %swap3A_914 = tpu.vector_load %arg7[%swap3A_912, %swap3A_913] {strides = array<i32>} : memref<4x64xi32, #tpu.memory_space<vmem>>, vector<1x16xi32>,
    %swap3A_915 = vector.shape_cast %swap3A_914 : vector<1x16xi32> to vector<16xi32>
    %swap3A_916 = vector.shape_cast %shift_right_logical3A_910 : vector<16xi32> to vector<1x16xi32>
    tpu.vector_store %arg7[%swap3A_912, %swap3A_913], %swap3A_916 {strides = array<i32>} : memref<4x64xi32, #tpu.memory_space<vmem>>, vector<1x16xi32>,
    %dma_start3A_917 = arith.constant 3 : i32
    %dma_start3A_918 = arith.constant 0 : i32
    %dma_start3A_919 = tpu.memref_slice %arg6[%dma_start3A_917, %dma_start3A_918] : memref<4x64xi32, #tpu.memory_space<vmem>> -> memref<1x64xi32, #tpu.memory_space<vmem>>
    %dma_start3A_920 = tpu.memref_squeeze %dma_start3A_919 : memref<1x64xi32, #tpu.memory_space<vmem>> -> memref<64xi32, #tpu.memory_space<vmem>>
    %dma_start3A_921 = arith.constant 0 : i32
    %dma_start3A_922 = arith.constant 0 : i32
    %dma_start3A_923 = tpu.memref_slice %arg2[%dma_start3A_921, %dma_start3A_922] : memref<10000x128xf32, #tpu.memory_space<hbm>> -> memref<10000x128xf32, #tpu.memory_space<hbm>>
    tpu.enqueue_indirect_dma source(%dma_start3A_923 : memref<10000x128xf32, #tpu.memory_space<hbm>>) target(%arg11 : memref<64x128xf32, #tpu.memory_space<vmem>>) offsets(%dma_start3A_920 : memref<64xi32, #tpu.memory_space<vmem>>) semaphore(%arg16 : memref<!tpu.dma_semaphore, #tpu.memory_space<semaphore_mem>>)
    %dma_wait3A_924 = arith.constant 2 : i32
    %dma_wait3A_925 = arith.constant 0 : i32
    %dma_wait3A_926 = tpu.memref_slice %arg6[%dma_wait3A_924, %dma_wait3A_925] : memref<4x64xi32, #tpu.memory_space<vmem>> -> memref<1x64xi32, #tpu.memory_space<vmem>>
    %dma_wait3A_927 = tpu.memref_squeeze %dma_wait3A_926 : memref<1x64xi32, #tpu.memory_space<vmem>> -> memref<64xi32, #tpu.memory_space<vmem>>
    %dma_wait3A_928 = arith.constant 0 : i32
    %dma_wait3A_929 = arith.constant 0 : i32
    %dma_wait3A_930 = tpu.memref_slice %arg2[%dma_wait3A_928, %dma_wait3A_929] : memref<10000x128xf32, #tpu.memory_space<hbm>> -> memref<10000x128xf32, #tpu.memory_space<hbm>>
    tpu.wait_indirect_dma semaphore(%arg15 : memref<!tpu.dma_semaphore, #tpu.memory_space<semaphore_mem>>) src(%dma_wait3A_930 : memref<10000x128xf32, #tpu.memory_space<hbm>>) dst(%arg10 : memref<64x128xf32, #tpu.memory_space<vmem>>)
    %dma_start3A_931 = arith.constant 2 : i32
    %dma_start3A_932 = arith.constant 0 : i32
    %dma_start3A_933 = tpu.memref_slice %arg7[%dma_start3A_931, %dma_start3A_932] : memref<4x64xi32, #tpu.memory_space<vmem>> -> memref<1x64xi32, #tpu.memory_space<vmem>>
    %dma_start3A_934 = tpu.memref_squeeze %dma_start3A_933 : memref<1x64xi32, #tpu.memory_space<vmem>> -> memref<64xi32, #tpu.memory_space<vmem>>
    %dma_start3A_935 = arith.constant 0 : i32
    %dma_start3A_936 = arith.constant 0 : i32
    %dma_start3A_937 = tpu.memref_slice %arg12[%dma_start3A_935, %dma_start3A_936] : memref<10112x128xf32, #tpu.memory_space<vmem_shared>> -> memref<10112x128xf32, #tpu.memory_space<vmem_shared>>
    tpu.enqueue_indirect_dma source(%arg10 : memref<64x128xf32, #tpu.memory_space<vmem>>) target(%dma_start3A_937 : memref<10112x128xf32, #tpu.memory_space<vmem_shared>>) offsets(%dma_start3A_934 : memref<64xi32, #tpu.memory_space<vmem>>) semaphore(%arg19 : memref<!tpu.dma_semaphore, #tpu.memory_space<semaphore_mem>>) {add = true}
    %dma_wait3A_938 = arith.constant 0 : i32
    %dma_wait3A_939 = arith.constant 0 : i32
    %dma_wait3A_940 = tpu.memref_slice %arg7[%dma_wait3A_938, %dma_wait3A_939] : memref<4x64xi32, #tpu.memory_space<vmem>> -> memref<1x64xi32, #tpu.memory_space<vmem>>
    %dma_wait3A_941 = tpu.memref_squeeze %dma_wait3A_940 : memref<1x64xi32, #tpu.memory_space<vmem>> -> memref<64xi32, #tpu.memory_space<vmem>>
    %dma_wait3A_942 = arith.constant 0 : i32
    %dma_wait3A_943 = arith.constant 0 : i32
    %dma_wait3A_944 = tpu.memref_slice %arg12[%dma_wait3A_942, %dma_wait3A_943] : memref<10112x128xf32, #tpu.memory_space<vmem_shared>> -> memref<10112x128xf32, #tpu.memory_space<vmem_shared>>
    tpu.wait_indirect_dma semaphore(%arg17 : memref<!tpu.dma_semaphore, #tpu.memory_space<semaphore_mem>>) src(%arg8 : memref<64x128xf32, #tpu.memory_space<vmem>>) dst(%dma_wait3A_944 : memref<10112x128xf32, #tpu.memory_space<vmem_shared>>)
    %dma_wait3A_945 = arith.constant 3 : i32
    %dma_wait3A_946 = arith.constant 0 : i32
    %dma_wait3A_947 = tpu.memref_slice %arg6[%dma_wait3A_945, %dma_wait3A_946] : memref<4x64xi32, #tpu.memory_space<vmem>> -> memref<1x64xi32, #tpu.memory_space<vmem>>
    %dma_wait3A_948 = tpu.memref_squeeze %dma_wait3A_947 : memref<1x64xi32, #tpu.memory_space<vmem>> -> memref<64xi32, #tpu.memory_space<vmem>>
    %dma_wait3A_949 = arith.constant 0 : i32
    %dma_wait3A_950 = arith.constant 0 : i32
    %dma_wait3A_951 = tpu.memref_slice %arg2[%dma_wait3A_949, %dma_wait3A_950] : memref<10000x128xf32, #tpu.memory_space<hbm>> -> memref<10000x128xf32, #tpu.memory_space<hbm>>
    tpu.wait_indirect_dma semaphore(%arg16 : memref<!tpu.dma_semaphore, #tpu.memory_space<semaphore_mem>>) src(%dma_wait3A_951 : memref<10000x128xf32, #tpu.memory_space<hbm>>) dst(%arg11 : memref<64x128xf32, #tpu.memory_space<vmem>>)
    %dma_start3A_952 = arith.constant 3 : i32
    %dma_start3A_953 = arith.constant 0 : i32
    %dma_start3A_954 = tpu.memref_slice %arg7[%dma_start3A_952, %dma_start3A_953] : memref<4x64xi32, #tpu.memory_space<vmem>> -> memref<1x64xi32, #tpu.memory_space<vmem>>
    %dma_start3A_955 = tpu.memref_squeeze %dma_start3A_954 : memref<1x64xi32, #tpu.memory_space<vmem>> -> memref<64xi32, #tpu.memory_space<vmem>>
    %dma_start3A_956 = arith.constant 0 : i32
    %dma_start3A_957 = arith.constant 0 : i32
    %dma_start3A_958 = tpu.memref_slice %arg12[%dma_start3A_956, %dma_start3A_957] : memref<10112x128xf32, #tpu.memory_space<vmem_shared>> -> memref<10112x128xf32, #tpu.memory_space<vmem_shared>>
    tpu.enqueue_indirect_dma source(%arg11 : memref<64x128xf32, #tpu.memory_space<vmem>>) target(%dma_start3A_958 : memref<10112x128xf32, #tpu.memory_space<vmem_shared>>) offsets(%dma_start3A_955 : memref<64xi32, #tpu.memory_space<vmem>>) semaphore(%arg20 : memref<!tpu.dma_semaphore, #tpu.memory_space<semaphore_mem>>) {add = true}
    %dma_wait3A_959 = arith.constant 1 : i32
    %dma_wait3A_960 = arith.constant 0 : i32
    %dma_wait3A_961 = tpu.memref_slice %arg7[%dma_wait3A_959, %dma_wait3A_960] : memref<4x64xi32, #tpu.memory_space<vmem>> -> memref<1x64xi32, #tpu.memory_space<vmem>>
    %dma_wait3A_962 = tpu.memref_squeeze %dma_wait3A_961 : memref<1x64xi32, #tpu.memory_space<vmem>> -> memref<64xi32, #tpu.memory_space<vmem>>
    %dma_wait3A_963 = arith.constant 0 : i32
    %dma_wait3A_964 = arith.constant 0 : i32
    %dma_wait3A_965 = tpu.memref_slice %arg12[%dma_wait3A_963, %dma_wait3A_964] : memref<10112x128xf32, #tpu.memory_space<vmem_shared>> -> memref<10112x128xf32, #tpu.memory_space<vmem_shared>>
    tpu.wait_indirect_dma semaphore(%arg18 : memref<!tpu.dma_semaphore, #tpu.memory_space<semaphore_mem>>) src(%arg9 : memref<64x128xf32, #tpu.memory_space<vmem>>) dst(%dma_wait3A_965 : memref<10112x128xf32, #tpu.memory_space<vmem_shared>>)
    %dma_wait3A_966 = arith.constant 2 : i32
    %dma_wait3A_967 = arith.constant 0 : i32
    %dma_wait3A_968 = tpu.memref_slice %arg7[%dma_wait3A_966, %dma_wait3A_967] : memref<4x64xi32, #tpu.memory_space<vmem>> -> memref<1x64xi32, #tpu.memory_space<vmem>>
    %dma_wait3A_969 = tpu.memref_squeeze %dma_wait3A_968 : memref<1x64xi32, #tpu.memory_space<vmem>> -> memref<64xi32, #tpu.memory_space<vmem>>
    %dma_wait3A_970 = arith.constant 0 : i32
    %dma_wait3A_971 = arith.constant 0 : i32
    %dma_wait3A_972 = tpu.memref_slice %arg12[%dma_wait3A_970, %dma_wait3A_971] : memref<10112x128xf32, #tpu.memory_space<vmem_shared>> -> memref<10112x128xf32, #tpu.memory_space<vmem_shared>>
    tpu.wait_indirect_dma semaphore(%arg19 : memref<!tpu.dma_semaphore, #tpu.memory_space<semaphore_mem>>) src(%arg10 : memref<64x128xf32, #tpu.memory_space<vmem>>) dst(%dma_wait3A_972 : memref<10112x128xf32, #tpu.memory_space<vmem_shared>>)
    %dma_wait3A_973 = arith.constant 3 : i32
    %dma_wait3A_974 = arith.constant 0 : i32
    %dma_wait3A_975 = tpu.memref_slice %arg7[%dma_wait3A_973, %dma_wait3A_974] : memref<4x64xi32, #tpu.memory_space<vmem>> -> memref<1x64xi32, #tpu.memory_space<vmem>>
    %dma_wait3A_976 = tpu.memref_squeeze %dma_wait3A_975 : memref<1x64xi32, #tpu.memory_space<vmem>> -> memref<64xi32, #tpu.memory_space<vmem>>
    %dma_wait3A_977 = arith.constant 0 : i32
    %dma_wait3A_978 = arith.constant 0 : i32
    %dma_wait3A_979 = tpu.memref_slice %arg12[%dma_wait3A_977, %dma_wait3A_978] : memref<10112x128xf32, #tpu.memory_space<vmem_shared>> -> memref<10112x128xf32, #tpu.memory_space<vmem_shared>>
    tpu.wait_indirect_dma semaphore(%arg20 : memref<!tpu.dma_semaphore, #tpu.memory_space<semaphore_mem>>) src(%arg11 : memref<64x128xf32, #tpu.memory_space<vmem>>) dst(%dma_wait3A_979 : memref<10112x128xf32, #tpu.memory_space<vmem_shared>>)
    %barrier3A_980 = arith.constant 0 : index
    tpu.barrier barrier_id(%barrier3A_980)
    "tpu.region"() ({
      %run_scoped3A = tpu.sem_alloc : memref<!tpu.dma_semaphore, #tpu.memory_space<semaphore_mem>>
      %dma_start3A_981 = arith.constant 0 : i32
      %dma_start3A_982 = tpu.memref_slice %arg4[%arg0, %mul3A_0, %dma_start3A_981] : memref<2x10112x128xf32, #tpu.memory_space<hbm>> -> memref<1x632x128xf32, #tpu.memory_space<hbm>>
      %dma_start3A_983 = tpu.memref_squeeze %dma_start3A_982 : memref<1x632x128xf32, #tpu.memory_space<hbm>> -> memref<632x128xf32, #tpu.memory_space<hbm>>
      %dma_start3A_984 = arith.constant 0 : i32
      %dma_start3A_985 = tpu.memref_slice %arg12[%mul3A_0, %dma_start3A_984] : memref<10112x128xf32, #tpu.memory_space<vmem_shared>> -> memref<632x128xf32, #tpu.memory_space<vmem_shared>>
      tpu.enqueue_dma source(%dma_start3A_985 : memref<632x128xf32, #tpu.memory_space<vmem_shared>>) target(%dma_start3A_983 : memref<632x128xf32, #tpu.memory_space<hbm>>) target_semaphore(%run_scoped3A : memref<!tpu.dma_semaphore, #tpu.memory_space<semaphore_mem>>)
      %dma_wait3A_986 = arith.constant 0 : i32
      %dma_wait3A_987 = tpu.memref_slice %arg4[%arg0, %mul3A_0, %dma_wait3A_986] : memref<2x10112x128xf32, #tpu.memory_space<hbm>> -> memref<1x632x128xf32, #tpu.memory_space<hbm>>
      %dma_wait3A_988 = tpu.memref_squeeze %dma_wait3A_987 : memref<1x632x128xf32, #tpu.memory_space<hbm>> -> memref<632x128xf32, #tpu.memory_space<hbm>>
      %dma_wait3A_989 = arith.constant 0 : i32
      %dma_wait3A_990 = tpu.memref_slice %arg12[%mul3A_0, %dma_wait3A_989] : memref<10112x128xf32, #tpu.memory_space<vmem_shared>> -> memref<632x128xf32, #tpu.memory_space<vmem_shared>>
      tpu.wait_dma2 semaphore(%run_scoped3A : memref<!tpu.dma_semaphore, #tpu.memory_space<semaphore_mem>>) src(%dma_wait3A_990 : memref<632x128xf32, #tpu.memory_space<vmem_shared>>) dst(%dma_wait3A_988 : memref<632x128xf32, #tpu.memory_space<hbm>>)
      tpu.yield
    }) : () -> ()
    return
  }
}

module attributes {stable_mosaic.version = 14 : i64} {
  func.func @tc_body(%arg0: i32, %arg1: memref<2x1024x128xf32, #tpu.memory_space<vmem>>, %arg2: memref<1024x1xf32, #tpu.memory_space<vmem>>, %arg3: memref<1024x1xf32, #tpu.memory_space<vmem>>, %arg4: memref<1024x128xf32, #tpu.memory_space<vmem>>, %arg5: memref<128x128xf32, #tpu.memory_space<vmem>>, %arg6: memref<128x128xf32, #tpu.memory_space<vmem>>, %arg7: memref<1x128xf32, #tpu.memory_space<vmem>>, %arg8: memref<1024x128xf32, #tpu.memory_space<vmem>>) attributes {dimension_semantics = [#tpu.dimension_semantics<arbitrary>], iteration_bounds = array<i64: 10>, scalar_prefetch = 0 : i64, scratch_operands = 0 : i64, tpu.core_type = #tpu.core_type<tc>, window_params = [{transform_indices = @transform_0, window_bounds = array<i64: 2, 1024, 128>}, {transform_indices = @transform_1, window_bounds = array<i64: 1024, 1>}, {transform_indices = @transform_2, window_bounds = array<i64: 1024, 1>}, {transform_indices = @transform_3, window_bounds = array<i64: 1024, 128>}, {pipeline_mode = #tpu.pipeline_mode<synchronous>, transform_indices = @transform_4, window_bounds = array<i64: 128, 128>}, {pipeline_mode = #tpu.pipeline_mode<synchronous>, transform_indices = @transform_5, window_bounds = array<i64: 128, 128>}, {pipeline_mode = #tpu.pipeline_mode<synchronous>, transform_indices = @transform_6, window_bounds = array<i64: 1, 128>}, {transform_indices = @transform_7, window_bounds = array<i64: 1024, 128>}]} {
    %get3A = arith.constant 0 : index
    %get3A_0 = arith.constant 0 : index
    %get3A_1 = vector.load %arg2[%get3A, %get3A_0] : memref<1024x1xf32, #tpu.memory_space<vmem>>, vector<1024x1xf32>
    %get3A_2 = arith.constant 0 : index
    %get3A_3 = arith.constant 0 : index
    %get3A_4 = vector.load %arg3[%get3A_2, %get3A_3] : memref<1024x1xf32, #tpu.memory_space<vmem>>, vector<1024x1xf32>
    %add3A = arith.addf %get3A_1, %get3A_4 : vector<1024x1xf32>
    %max3A = arith.constant 1.000000e+00 : f32
    %max3A_5 = vector.broadcast %max3A : f32 to vector<1024x1xf32>
    %max3A_6 = arith.maximumf %add3A, %max3A_5 : vector<1024x1xf32>
    %div3A = arith.constant 1.000000e+00 : f32
    %div3A_7 = vector.broadcast %div3A : f32 to vector<1024x1xf32>
    %div3A_8 = arith.divf %div3A_7, %max3A_6 : vector<1024x1xf32>
    %get3A_9 = arith.constant 0 : index
    %get3A_10 = arith.constant 0 : index
    %get3A_11 = arith.constant 0 : index
    %get3A_12 = vector.load %arg1[%get3A_9, %get3A_10, %get3A_11] : memref<2x1024x128xf32, #tpu.memory_space<vmem>>, vector<1x1024x128xf32>
    %get3A_13 = vector.shape_cast %get3A_12 : vector<1x1024x128xf32> to vector<1024x128xf32>
    %get3A_14 = arith.constant 1 : index
    %get3A_15 = arith.constant 0 : index
    %get3A_16 = arith.constant 0 : index
    %get3A_17 = vector.load %arg1[%get3A_14, %get3A_15, %get3A_16] : memref<2x1024x128xf32, #tpu.memory_space<vmem>>, vector<1x1024x128xf32>
    %get3A_18 = vector.shape_cast %get3A_17 : vector<1x1024x128xf32> to vector<1024x128xf32>
    %add3A_19 = arith.addf %get3A_13, %get3A_18 : vector<1024x128xf32>
    %mul3A = vector.broadcast %div3A_8 : vector<1024x1xf32> to vector<1024x128xf32>
    %mul3A_20 = arith.mulf %add3A_19, %mul3A : vector<1024x128xf32>
    %get3A_21 = arith.constant 0 : index
    %get3A_22 = arith.constant 0 : index
    %get3A_23 = vector.load %arg5[%get3A_21, %get3A_22] : memref<128x128xf32, #tpu.memory_space<vmem>>, vector<128x128xf32>
    %dot_general3A = arith.constant dense<0.000000e+00> : vector<1024x128xf32>
    %dot_general3A_24 = tpu.matmul %mul3A_20, %get3A_23, %dot_general3A {dimension_numbers = #tpu.dot_dimension_numbers<[1], [0], [0], [1], [0, 0, 1, 1], [], []>, transpose_lhs_hint = false} : vector<1024x128xf32>, vector<128x128xf32>, vector<1024x128xf32> -> vector<1024x128xf32>
    %get3A_25 = arith.constant 0 : index
    %get3A_26 = arith.constant 0 : index
    %get3A_27 = vector.load %arg4[%get3A_25, %get3A_26] : memref<1024x128xf32, #tpu.memory_space<vmem>>, vector<1024x128xf32>
    %get3A_28 = arith.constant 0 : index
    %get3A_29 = arith.constant 0 : index
    %get3A_30 = vector.load %arg6[%get3A_28, %get3A_29] : memref<128x128xf32, #tpu.memory_space<vmem>>, vector<128x128xf32>
    %dot_general3A_31 = arith.constant dense<0.000000e+00> : vector<1024x128xf32>
    %dot_general3A_32 = tpu.matmul %get3A_27, %get3A_30, %dot_general3A_31 {dimension_numbers = #tpu.dot_dimension_numbers<[1], [0], [0], [1], [0, 0, 1, 1], [], []>, transpose_lhs_hint = false} : vector<1024x128xf32>, vector<128x128xf32>, vector<1024x128xf32> -> vector<1024x128xf32>
    %add3A_33 = arith.addf %dot_general3A_24, %dot_general3A_32 : vector<1024x128xf32>
    %get3A_34 = arith.constant 0 : index
    %get3A_35 = arith.constant 0 : index
    %get3A_36 = vector.load %arg7[%get3A_34, %get3A_35] : memref<1x128xf32, #tpu.memory_space<vmem>>, vector<1x128xf32>
    %add3A_37 = vector.broadcast %get3A_36 : vector<1x128xf32> to vector<1024x128xf32>
    %add3A_38 = arith.addf %add3A_33, %add3A_37 : vector<1024x128xf32>
    %max3A_39 = arith.constant 0.000000e+00 : f32
    %max3A_40 = vector.broadcast %max3A_39 : f32 to vector<1024x128xf32>
    %max3A_41 = arith.maximumf %add3A_38, %max3A_40 : vector<1024x128xf32>
    %swap3A = arith.constant 0 : index
    %swap3A_42 = arith.constant 0 : index
    %swap3A_43 = vector.load %arg8[%swap3A, %swap3A_42] : memref<1024x128xf32, #tpu.memory_space<vmem>>, vector<1024x128xf32>
    tpu.vector_store %arg8[%swap3A, %swap3A_42], %max3A_41 {strides = array<i32>} : memref<1024x128xf32, #tpu.memory_space<vmem>>, vector<1024x128xf32>,
    return
  }
  func.func @transform_0(%arg0: i32) -> (i32, i32, i32) {
    %c0_i32 = arith.constant 0 : i32
    %c0_i32_0 = arith.constant 0 : i32
    %c0_i32_1 = arith.constant 0 : i32
    return %c0_i32, %arg0, %c0_i32_0 : i32, i32, i32
  }
  func.func @transform_1(%arg0: i32) -> (i32, i32) {
    %c0_i32 = arith.constant 0 : i32
    %c0_i32_0 = arith.constant 0 : i32
    return %arg0, %c0_i32 : i32, i32
  }
  func.func @transform_2(%arg0: i32) -> (i32, i32) {
    %c0_i32 = arith.constant 0 : i32
    %c0_i32_0 = arith.constant 0 : i32
    return %arg0, %c0_i32 : i32, i32
  }
  func.func @transform_3(%arg0: i32) -> (i32, i32) {
    %c0_i32 = arith.constant 0 : i32
    %c0_i32_0 = arith.constant 0 : i32
    return %arg0, %c0_i32 : i32, i32
  }
  func.func @transform_4(%arg0: i32) -> (i32, i32) {
    %c0_i32 = arith.constant 0 : i32
    %c0_i32_0 = arith.constant 0 : i32
    %c0_i32_1 = arith.constant 0 : i32
    return %c0_i32, %c0_i32_0 : i32, i32
  }
  func.func @transform_5(%arg0: i32) -> (i32, i32) {
    %c0_i32 = arith.constant 0 : i32
    %c0_i32_0 = arith.constant 0 : i32
    %c0_i32_1 = arith.constant 0 : i32
    return %c0_i32, %c0_i32_0 : i32, i32
  }
  func.func @transform_6(%arg0: i32) -> (i32, i32) {
    %c0_i32 = arith.constant 0 : i32
    %c0_i32_0 = arith.constant 0 : i32
    %c0_i32_1 = arith.constant 0 : i32
    return %c0_i32, %c0_i32_0 : i32, i32
  }
  func.func @transform_7(%arg0: i32) -> (i32, i32) {
    %c0_i32 = arith.constant 0 : i32
    %c0_i32_0 = arith.constant 0 : i32
    return %arg0, %c0_i32 : i32, i32
  }
}

module attributes {stable_mosaic.version = 14 : i64} {
  func.func @tc_body(%arg0: i32, %arg1: memref<2x1024x128xf32, #tpu.memory_space<vmem>>, %arg2: memref<1024x1xf32, #tpu.memory_space<vmem>>, %arg3: memref<1024x1xf32, #tpu.memory_space<vmem>>, %arg4: memref<1024x128xf32, #tpu.memory_space<vmem>>, %arg5: memref<128x128xf32, #tpu.memory_space<vmem>>, %arg6: memref<128x128xf32, #tpu.memory_space<vmem>>, %arg7: memref<1x128xf32, #tpu.memory_space<vmem>>, %arg8: memref<1024x128xf32, #tpu.memory_space<vmem>>) attributes {dimension_semantics = [#tpu.dimension_semantics<arbitrary>], iteration_bounds = array<i64: 10>, scalar_prefetch = 0 : i64, scratch_operands = 0 : i64, tpu.core_type = #tpu.core_type<tc>, window_params = [{transform_indices = @transform_0, window_bounds = array<i64: 2, 1024, 128>}, {transform_indices = @transform_1, window_bounds = array<i64: 1024, 1>}, {transform_indices = @transform_2, window_bounds = array<i64: 1024, 1>}, {transform_indices = @transform_3, window_bounds = array<i64: 1024, 128>}, {pipeline_mode = #tpu.pipeline_mode<synchronous>, transform_indices = @transform_4, window_bounds = array<i64: 128, 128>}, {pipeline_mode = #tpu.pipeline_mode<synchronous>, transform_indices = @transform_5, window_bounds = array<i64: 128, 128>}, {pipeline_mode = #tpu.pipeline_mode<synchronous>, transform_indices = @transform_6, window_bounds = array<i64: 1, 128>}, {transform_indices = @transform_7, window_bounds = array<i64: 1024, 128>}]} {
    %get3A = arith.constant 0 : index
    %get3A_0 = arith.constant 0 : index
    %get3A_1 = vector.load %arg2[%get3A, %get3A_0] : memref<1024x1xf32, #tpu.memory_space<vmem>>, vector<1024x1xf32>
    %get3A_2 = arith.constant 0 : index
    %get3A_3 = arith.constant 0 : index
    %get3A_4 = vector.load %arg3[%get3A_2, %get3A_3] : memref<1024x1xf32, #tpu.memory_space<vmem>>, vector<1024x1xf32>
    %add3A = arith.addf %get3A_1, %get3A_4 : vector<1024x1xf32>
    %max3A = arith.constant 1.000000e+00 : f32
    %max3A_5 = vector.broadcast %max3A : f32 to vector<1024x1xf32>
    %max3A_6 = arith.maximumf %add3A, %max3A_5 : vector<1024x1xf32>
    %div3A = arith.constant 1.000000e+00 : f32
    %div3A_7 = vector.broadcast %div3A : f32 to vector<1024x1xf32>
    %div3A_8 = arith.divf %div3A_7, %max3A_6 : vector<1024x1xf32>
    %get3A_9 = arith.constant 0 : index
    %get3A_10 = arith.constant 0 : index
    %get3A_11 = arith.constant 0 : index
    %get3A_12 = vector.load %arg1[%get3A_9, %get3A_10, %get3A_11] : memref<2x1024x128xf32, #tpu.memory_space<vmem>>, vector<1x1024x128xf32>
    %get3A_13 = vector.shape_cast %get3A_12 : vector<1x1024x128xf32> to vector<1024x128xf32>
    %get3A_14 = arith.constant 1 : index
    %get3A_15 = arith.constant 0 : index
    %get3A_16 = arith.constant 0 : index
    %get3A_17 = vector.load %arg1[%get3A_14, %get3A_15, %get3A_16] : memref<2x1024x128xf32, #tpu.memory_space<vmem>>, vector<1x1024x128xf32>
    %get3A_18 = vector.shape_cast %get3A_17 : vector<1x1024x128xf32> to vector<1024x128xf32>
    %add3A_19 = arith.addf %get3A_13, %get3A_18 : vector<1024x128xf32>
    %mul3A = vector.broadcast %div3A_8 : vector<1024x1xf32> to vector<1024x128xf32>
    %mul3A_20 = arith.mulf %add3A_19, %mul3A : vector<1024x128xf32>
    %get3A_21 = arith.constant 0 : index
    %get3A_22 = arith.constant 0 : index
    %get3A_23 = vector.load %arg5[%get3A_21, %get3A_22] : memref<128x128xf32, #tpu.memory_space<vmem>>, vector<128x128xf32>
    %dot_general3A = arith.constant dense<0.000000e+00> : vector<1024x128xf32>
    %dot_general3A_24 = tpu.matmul %mul3A_20, %get3A_23, %dot_general3A {dimension_numbers = #tpu.dot_dimension_numbers<[1], [0], [0], [1], [0, 0, 1, 1], [], []>, transpose_lhs_hint = false} : vector<1024x128xf32>, vector<128x128xf32>, vector<1024x128xf32> -> vector<1024x128xf32>
    %get3A_25 = arith.constant 0 : index
    %get3A_26 = arith.constant 0 : index
    %get3A_27 = vector.load %arg4[%get3A_25, %get3A_26] : memref<1024x128xf32, #tpu.memory_space<vmem>>, vector<1024x128xf32>
    %get3A_28 = arith.constant 0 : index
    %get3A_29 = arith.constant 0 : index
    %get3A_30 = vector.load %arg6[%get3A_28, %get3A_29] : memref<128x128xf32, #tpu.memory_space<vmem>>, vector<128x128xf32>
    %dot_general3A_31 = arith.constant dense<0.000000e+00> : vector<1024x128xf32>
    %dot_general3A_32 = tpu.matmul %get3A_27, %get3A_30, %dot_general3A_31 {dimension_numbers = #tpu.dot_dimension_numbers<[1], [0], [0], [1], [0, 0, 1, 1], [], []>, transpose_lhs_hint = false} : vector<1024x128xf32>, vector<128x128xf32>, vector<1024x128xf32> -> vector<1024x128xf32>
    %add3A_33 = arith.addf %dot_general3A_24, %dot_general3A_32 : vector<1024x128xf32>
    %get3A_34 = arith.constant 0 : index
    %get3A_35 = arith.constant 0 : index
    %get3A_36 = vector.load %arg7[%get3A_34, %get3A_35] : memref<1x128xf32, #tpu.memory_space<vmem>>, vector<1x128xf32>
    %add3A_37 = vector.broadcast %get3A_36 : vector<1x128xf32> to vector<1024x128xf32>
    %add3A_38 = arith.addf %add3A_33, %add3A_37 : vector<1024x128xf32>
    %swap3A = arith.constant 0 : index
    %swap3A_39 = arith.constant 0 : index
    %swap3A_40 = vector.load %arg8[%swap3A, %swap3A_39] : memref<1024x128xf32, #tpu.memory_space<vmem>>, vector<1024x128xf32>
    tpu.vector_store %arg8[%swap3A, %swap3A_39], %add3A_38 {strides = array<i32>} : memref<1024x128xf32, #tpu.memory_space<vmem>>, vector<1024x128xf32>,
    return
  }
  func.func @transform_0(%arg0: i32) -> (i32, i32, i32) {
    %c0_i32 = arith.constant 0 : i32
    %c0_i32_0 = arith.constant 0 : i32
    %c0_i32_1 = arith.constant 0 : i32
    return %c0_i32, %arg0, %c0_i32_0 : i32, i32, i32
  }
  func.func @transform_1(%arg0: i32) -> (i32, i32) {
    %c0_i32 = arith.constant 0 : i32
    %c0_i32_0 = arith.constant 0 : i32
    return %arg0, %c0_i32 : i32, i32
  }
  func.func @transform_2(%arg0: i32) -> (i32, i32) {
    %c0_i32 = arith.constant 0 : i32
    %c0_i32_0 = arith.constant 0 : i32
    return %arg0, %c0_i32 : i32, i32
  }
  func.func @transform_3(%arg0: i32) -> (i32, i32) {
    %c0_i32 = arith.constant 0 : i32
    %c0_i32_0 = arith.constant 0 : i32
    return %arg0, %c0_i32 : i32, i32
  }
  func.func @transform_4(%arg0: i32) -> (i32, i32) {
    %c0_i32 = arith.constant 0 : i32
    %c0_i32_0 = arith.constant 0 : i32
    %c0_i32_1 = arith.constant 0 : i32
    return %c0_i32, %c0_i32_0 : i32, i32
  }
  func.func @transform_5(%arg0: i32) -> (i32, i32) {
    %c0_i32 = arith.constant 0 : i32
    %c0_i32_0 = arith.constant 0 : i32
    %c0_i32_1 = arith.constant 0 : i32
    return %c0_i32, %c0_i32_0 : i32, i32
  }
  func.func @transform_6(%arg0: i32) -> (i32, i32) {
    %c0_i32 = arith.constant 0 : i32
    %c0_i32_0 = arith.constant 0 : i32
    %c0_i32_1 = arith.constant 0 : i32
    return %c0_i32, %c0_i32_0 : i32, i32
  }
  func.func @transform_7(%arg0: i32) -> (i32, i32) {
    %c0_i32 = arith.constant 0 : i32
    %c0_i32_0 = arith.constant 0 : i32
    return %arg0, %c0_i32 : i32, i32
  }
}

</mosaic_0001>

<sc_bundles>
// kernel: kernel.10.cloned.1.call-start
scs
__scs_entry_jumppad:
0x0: {  	(pc) =	sbr.rel $0x88, $3  }
0x1: {  	(tag) =	ssettag $0x0;
	lr =	simm.s32 $0x1  }
0x2: {  	[smem:$0x3F99] =	sst lr;
	_ =	strace $0xD0000000  }
0x3: {  	_ = 	snop  }
0x4: {  	_ = 	snop  }
0x5: {  	_ = 	snop  }
0x6: {  	_ = 	snop  }
0x7: {  	_ = 	snop  }
__scs_overlays_trampoline_lowered:
0x8: {  	[smem:$0x3FA8] =	sst s0  }
0x9: {  	[smem:$0x3FA9] =	sst s1  }
0xa: {  	[smem:$0x3FAA] =	sst s2  }
0xb: {  	[smem:$0x3FAB] =	sst s3  }
0xc: {  	[smem:$0x3FAC] =	sst s4  }
0xd: {  	[smem:$0x3FAD] =	sst s5  }
0xe: {  	[smem:$0x3FAE] =	sst s6  }
0xf: {  	[smem:$0x3FAF] =	sst s7  }
0x10: {  	[smem:$0x3FB0] =	sst s8  }
0x11: {  	[smem:$0x3FB1] =	sst s9;
	s0 =	simm.s32 @!p0 $0x0  }
0x12: {  	s1 =	sld [smem:$0x3F97];
	s0 =	simm.s32 @p0 $0x1  }
0x13: {  	[smem:$0x3FB2] =	sst s0;
	s0 =	simm.s32 @!p1 $0x0  }
0x14: {  	s2 =	sld [smem:$0x3F96];
	s0 =	simm.s32 @p1 $0x1  }
0x15: {  	[smem:$0x3FB3] =	sst s0;
	s0 =	simm.s32 @!p2 $0x0  }
0x16: {  	s3 =	sld [smem:$0x3FDB];
	s0 =	simm.s32 @p2 $0x1  }
0x17: {  	s4 =	simm.s32 $0x1BF5;
	[smem:$0x3FB5] =	sst s0  }
0x18: {  	s0 =	sld [smem:$0x3F98];
	_ =	swait.ge [sflag:s4], $0x0  }
0x19: {  	s7 =	sld [smem:$0x3F99]  }
0x1a: {  	s8 =	sadd.s32 $0xFFFFE003, lr  }
0x1b: {  	s9 =	sadd.s32 $0xFFFFFEF7, lr;
	s5 =	simm.s32 $0xFFFFFFFF;
	p2 =	slt.u32 s8, $0xFFFFF086  }
0x1c: {  	p1 =	slt.u32 s9, $0xF7A;
	s5 =	simm.s32 @!p2 $0x0  }
0x1d: {  	s5 =	simm.s32 @p1 $0x1;
	p0 =	seq.s32 s7, s2  }
0x1e: {  	s7 =	smul.u32 @!p0 $0xF7A, s2;
	p2 =	seq.s32 @!p0 s5, $0x0  }
0x1f: {  	s9 =	smul.u32 $0xF7A, s1;
	s8 =	simm.s32 @!p0 $0x1BF5;
	p2 =	por !p2, p0  }
0x20: {  	[sflag:s8] =	ssyncset.s32 @!p0 $0xFFFFF086;
	s6 =	sadd.s32 @!p0 s3, s7;
	s7 =	simm.s32 @!p0 $0x108  }
0x21: {  	s3 =	sadd.s32 s3, s9;
	s6 =	sadd.s32 @!p0 $0x88, s6;
	s7 =	simm.s32 @p2 $0x1082  }
0x22: {  	[simem:s7], [sflag:s8] =	dma.local @!p0 [hbm:s6], $0xF7A  }
0x23: {  	s9 =	sor.u32 $0xD0000000, s2;
	s6 =	simm.s32 $0x108;
	_ =	swait.ge @!p0 [sflag:s8], $0x0  }
0x24: {  	s3 =	sadd.s32 $0x88, s3;
	s6 =	simm.s32 @!p1 $0x1082;
	[sflag:s4] =	ssyncset.s32 $0xFFFFF086  }
0x25: {  	[simem:s6], [sflag:s4] =	dma.local [hbm:s3], $0xF7A  }
0x26: {  	[smem:$0x3F99] =	sst s1;
	(tag) =	ssettag s2;
	_ =	strace s9  }
0x27: {  	s1 =	sld [smem:$0x3FA9]  }
0x28: {  	s2 =	sld [smem:$0x3FAA]  }
0x29: {  	s4 =	sld [smem:$0x3FAC]  }
0x2a: {  	p0 =	seq.s32 s5, $0x0;
	s5 =	sld [smem:$0x3FAD]  }
0x2b: {  	s6 =	sld [smem:$0x3FAE]  }
0x2c: {  	s7 =	sld [smem:$0x3FAF]  }
0x2d: {  	s3 =	simm.s32 $0x108;
	s8 =	sld [smem:$0x3FB0]  }
0x2e: {  	s3 =	simm.s32 @!p0 $0x1082;
	s9 =	sld [smem:$0x3FB1]  }
0x2f: {  	lr =	sadd.s32 s0, s3;
	s0 =	sld [smem:$0x3FA8]  }
0x30: {  	s3 =	sld [smem:$0x3FAB]  }
0x31: {  	[smem:$0x3FB4] =	sst s10  }
0x32: {  	s10 =	sld [smem:$0x3FB2];
	_ =	sdelay $0x3  }
0x33: {  	p0 =	seq.s32 s10, $0x1;
	s10 =	sld [smem:$0x3FB4];
	_ =	sdelay $0x3  }
0x34: {  	[smem:$0x3FB4] =	sst s10  }
0x35: {  	s10 =	sld [smem:$0x3FB3];
	_ =	sdelay $0x3  }
0x36: {  	p1 =	seq.s32 s10, $0x1;
	s10 =	sld [smem:$0x3FB4];
	_ =	sdelay $0x3  }
0x37: {  	[smem:$0x3FB4] =	sst s10  }
0x38: {  	s10 =	sld [smem:$0x3FB5]  }
0x39: {  	_ = 	snop;
	(pc) =	sbr.ind lr, $3  }
0x3a: {  	_ = 	snop  }
0x3b: {  	_ = 	snop  }
0x3c: {  	p2 =	seq.s32 s10, $0x1;
	s10 =	sld [smem:$0x3FB4]  }
0x3d: {  	_ =	shalt  }
0x3e: {  	_ =	shalt  }
0x3f: {  	_ =	shalt  }
0x40: {  	_ =	shalt  }
0x41: {  	_ =	shalt  }
0x42: {  	_ =	shalt  }
0x43: {  	_ =	shalt  }
0x44: {  	_ =	shalt  }
0x45: {  	_ =	shalt  }
0x46: {  	_ =	shalt  }
0x47: {  	_ =	shalt  }
0x48: {  	_ =	shalt  }
0x49: {  	_ =	shalt  }
0x4a: {  	_ =	shalt  }
0x4b: {  	_ =	shalt  }
0x4c: {  	_ =	shalt  }
0x4d: {  	_ =	shalt  }
0x4e: {  	_ =	shalt  }
0x4f: {  	_ =	shalt  }
0x50: {  	_ =	shalt  }
0x51: {  	_ =	shalt  }
0x52: {  	_ =	shalt  }
0x53: {  	_ =	shalt  }
0x54: {  	_ =	shalt  }
0x55: {  	_ =	shalt  }
0x56: {  	_ =	shalt  }
0x57: {  	_ =	shalt  }
0x58: {  	_ =	shalt  }
0x59: {  	_ =	shalt  }
0x5a: {  	_ =	shalt  }
0x5b: {  	_ =	shalt  }
0x5c: {  	_ =	shalt  }
0x5d: {  	_ =	shalt  }
0x5e: {  	_ =	shalt  }
0x5f: {  	_ =	shalt  }
0x60: {  	_ =	shalt  }
0x61: {  	_ =	shalt  }
0x62: {  	_ =	shalt  }
0x63: {  	_ =	shalt  }
0x64: {  	_ =	shalt  }
0x65: {  	_ =	shalt  }
0x66: {  	_ =	shalt  }
0x67: {  	_ =	shalt  }
0x68: {  	_ =	shalt  }
0x69: {  	_ =	shalt  }
0x6a: {  	_ =	shalt  }
0x6b: {  	_ =	shalt  }
0x6c: {  	_ =	shalt  }
0x6d: {  	_ =	shalt  }
0x6e: {  	_ =	shalt  }
0x6f: {  	_ =	shalt  }
0x70: {  	_ =	shalt  }
0x71: {  	_ =	shalt  }
0x72: {  	_ =	shalt  }
0x73: {  	_ =	shalt  }
0x74: {  	_ =	shalt  }
0x75: {  	_ =	shalt  }
0x76: {  	_ =	shalt  }
0x77: {  	_ =	shalt  }
0x78: {  	_ =	shalt  }
0x79: {  	_ =	shalt  }
0x7a: {  	_ =	shalt  }
0x7b: {  	_ =	shalt  }
0x7c: {  	_ =	shalt  }
0x7d: {  	_ =	shalt  }
0x7e: {  	_ =	shalt  }
0x7f: {  	_ =	shalt  }
0x80: {  	_ =	shalt  }
0x81: {  	_ =	shalt  }
0x82: {  	_ =	shalt  }
0x83: {  	_ =	shalt  }
0x84: {  	_ =	shalt  }
0x85: {  	_ =	shalt  }
0x86: {  	_ =	shalt  }
0x87: {  	_ =	shalt  }
.Lfunc_end0:
.L_simem_size_0:
called_computation.1_lowered:
.L_overlay_start_0:
0x88: {  	s2 =	sld [smem:$0x3FD9]  }
0x89: {  	s3 =	sld [smem:$0x3FFE];
	_ =	sdelay $0x1  }
0x8a: {  	s1 =	srdreg.scid  }
0x8b: {  	s0 =	sand.u32 $0x1, s1  }
0x8c: {  	s17 =	sshll.u32 s0, $0xA;
	s2 =	sadd.s32 s3, s2  }
0x8d: {  	s2 =	sadd.s32 s2, s17  }
0x8e: {  	[smem:$0x3FC0] =	sst s2  }
0x8f: {  	_ = 	snop  }
0x90: {  	s18 =	sld [smem:$0x3FC9];
	(tm) =	ssettm $0x1  }
0x91: {  	s19 =	sld [smem:$0x3FFB];
	_ =	sdelay $0x3  }
0x92: {  	_ =	strace s19  }
0x93: {  	s2 =	sld [smem:$0x3FFC];
	_ =	sdelay $0x3  }
0x94: {  	_ =	strace s2  }
0x95: {  	s2 =	sld [smem:$0x3FFD];
	_ =	sdelay $0x3  }
0x96: {  	_ =	strace s2  }
0x97: {  	_ =	strace $0x8FFFFFFF  }
0x98: {  	s20 =	sld [smem:$0x3FDB];
	_ =	sdelay $0x1  }
0x99: {  	s4 =	simm.s32 $_scs_section_size  }
0x9a: {  	s5 =	simm.s32 $_size__tile_overlayer_lowered;
	s6 =	simm.s32 $_tile_overlayer_lowered  }
0x9b: {  	s7 =	simm.s32 $0x1BFF;
	s21 =	sshll.u32 s6, $0x1;
	s4 =	sadd.s32 s4, s20  }
0x9c: {  	s22 =	simm.s32 $0x0;
	s5 =	sshll.u32 s5, $0x1;
	s6 =	sadd.s32 s21, s4  }
0x9d: {  	[timem:s22], [sflag:s7] =	dma.local [hbm:s6], s5  }
0x9e: {  	_ =	swait.ge [sflag:s7], s5  }
0x9f: {  	s5 =	ssub.s32 $0x0, s5;
	[sflag:s7] =	ssyncset.done $0x0  }
0xa0: {  	[sflag:s7] =	ssyncadd.s32 s5;
	_ =	sdelay $0x1  }
0xa1: {  	s23 =	simm.s32 $0x1B8B  }
0xa2: {  	_ =	swait.ge [sflag:s23], $0x1  }
0xa3: {  	[sflag:s23] =	ssyncset.done $0x0  }
0xa4: {  	[sflag:s23] =	ssyncadd.s32 $0xFFFFFFFF  }
0xa5: {  	s5 =	sld [smem:$0x0]  }
0xa6: {  	s6 =	sand.u32 $0xFFFFFFFE, s1  }
0xa7: {  	p0 =	sne.s32 s1, s6  }
0xa8: {  	s6 =	sshll.u32 @p0 s6, $0xE  }
0xa9: {  	s6 =	sadd.s32 @p0 $0x11B8D, s6;
	s7 =	sshll.u32 @p0 s5, $0x11  }
0xaa: {  	s6 =	sor.u32 @p0 s7, s6  }
0xab: {  	[sflag:s6] =	ssyncadd.remote.s32 @p0 $0x1;
	_ =	sdelay $0x1  }
0xac: {  	s6 =	simm.s32 @p0 $0x1B8D  }
0xad: {  	_ =	swait.eq @p0 [sflag:s6], $0x1  }
0xae: {  	[sflag:s6] =	ssyncadd.s32 @p0 $0xFFFFFFFF  }
0xaf: {  	s7 =	sshll.u32 @!p0 s1, $0xE  }
0xb0: {  	s7 =	sor.u32 @!p0 $0x4000, s7;
	s6 =	simm.s32 @!p0 $0x1B8D  }
0xb1: {  	s5 =	sshll.u32 @!p0 s5, $0x11;
	s7 =	sadd.s32 @!p0 $0x11B8D, s7;
	_ =	swait.eq @!p0 [sflag:s6], $0x1  }
0xb2: {  	s5 =	sor.u32 @!p0 s5, s7;
	[sflag:s6] =	ssyncadd.s32 @!p0 $0xFFFFFFFF  }
0xb3: {  	s25 =	simm.s32 $0x1B8E;
	s24 =	sld [smem:$0x3FFE];
	[sflag:s5] =	ssyncadd.remote.s32 @!p0 $0x1  }
0xb4: {  	s26 =	simm.s32 $execute0_lowered;
	[smem:$0x3FD2] =	sst s25  }
0xb5: {  	s6 =	sshll.u32 s26, $0x1;
	_ =	strace $0x80000049;
	[dreg:$0x1] =	wrdreg $0xFFFFFFFF  }
0xb6: {  	s28 =	simm.s32 $_size_execute0_lowered;
	s4 =	sadd.s32 s4, s6;
	[dreg:$0x0] =	wrdreg $0x0  }
0xb7: {  	s6 =	sshll.u32 s28, $0x1;
	[dreg:$0x2] =	wrdreg s4  }
0xb8: {  	[dreg:$0x3] =	wrdreg s6  }
0xb9: {  	[dreg:$0x4] =	wrdreg $0xC0  }
0xba: {  	_ =	task [dreg:s22], $0x5FFFF  }
0xbb: {  	[dreg:$0x1] =	wrdreg $0xFFFFFFFF  }
0xbc: {  	[dreg:$0x0] =	wrdreg $0x60  }
0xbd: {  	[dreg:$0x2] =	wrdreg s18  }
0xbe: {  	[dreg:$0x3] =	wrdreg s24  }
0xbf: {  	[dreg:$0x4] =	wrdreg $0xAC000  }
0xc0: {  	[dreg:$0x5] =	wrdreg $0xA  }
0xc1: {  	_ =	task.clear_ibuf [dreg:s22], $0x6FFFF;
	_ =	strace $0x90000049  }
0xc2: {  	s29 =	simm.s32 $0xA;
	_ =	strace $0x8000004B  }
0xc3: {  	_ =	swait.ge [sflag:s29], $0x1  }
0xc4: {  	[sflag:s29] =	ssyncadd.s32 $0xFFFFFFFF  }
0xc5: {  	_ =	strace $0x9000004B  }
0xc6: {  	_ =	sfence  }
0xc7: {  	s30 =	sld [smem:$0x0];
	_ =	sdelay $0x2  }
0xc8: {  	s31 =	sshll.u32 s1, $0xD;
	s1 =	sshrl.u32 s1, $0x2  }
0xc9: {  	s4 =	sand.u32 $0x4000, s31;
	s1 =	sadd.s32 s1, s30  }
0xca: {  	s0 =	sor.u32 s4, s0;
	s1 =	sshll.u32 s1, $0x11  }
0xcb: {  	s0 =	sor.u32 s1, s0  }
0xcc: {  	s0 =	sadd.s32 $0x8F2B, s0  }
0xcd: {  	[sflag:s0] =	ssyncadd.remote.s32 $0x1  }
0xce: {  	_ =	sfence.sel $0xFFFF  }
0xcf: {  	[dreg:$0x0] =	wrdreg $0xFFFFFFFF;
	(pc) =	sbr.abs _section_cstart, $3  }
0xd0: {  	[dreg:$0x1] =	wrdreg $0xFFFFFFFF  }
0xd1: {  	_ =	task.clear_ibuf [dreg:s22], $0x2FFFF;
	_ =	strace $0x9FFFFFFF  }
0xd2: {  	(tm) =	ssettm $0x7FFFFFFF  }
0xd3: {  	_ =	shalt  }
tec
execute0_lowered:
.L_overlay_start_1:
0x0: {  	(tag) =	ssettag $0x1  }
0x1: {  	s2 =	rddreg [dreg:$0x0]  }
0x2: {  	s0 =	srdreg.scid;
	s4 =	rddreg [dreg:$0x1]  }
0x3: {  	s7 =	stileid.u32;
	s3 =	rddreg [dreg:$0x2];
	s8 =	simm.s32 $0x0  }
0x4: {  	s28 =	simm.s32 $0x6C00;
	s29 =	simm.s32 $0x2;
	s30 =	simm.s32 $0x2A80  }
0x5: {  	s31 =	simm.s32 $0x2980;
	s9 =	simm.s32 $0x6;
	s10 =	simm.s32 $0x7  }
0x6: {  	s11 =	simm.s32 $0x8;
	s12 =	simm.s32 $0x0;
	s6 =	smul.u32 $0x13C00, s7  }
0x7: {  	s0 =	sand.u32 $0x1, s0;
	s1 =	sshll.u32 s7, $0x1;
	s7 =	smul.u32 $0x4F000, s7  }
0x8: {  	[smem:$0x7FF] =	sst s8;
	s8 =	simm.s32 $0x2B80;
	s5 =	smul.u32 $0x13C000, s0  }
0x9: {  	s1 =	sor.u32 s0, s1;
	_ =	strace $0x8000004A;
	s0 =	ssub.s32 $0x2, s0  }
0xa: {  	s1 =	smul.u32 $0x500, s1;
	s19 =	sshrl.u32 s0, $0x1;
	s5 =	sadd.s32 s6, s5  }
0xb: {  	s18 =	sshrl.u32 s7, $0x2;
	s0 =	ssub.s32 s0, s19;
	s5 =	sshrl.u32 s5, $0x3  }
0xc: {  	s1 =	sadd.s32 s1, s4;
	s0 =	smax.u32 s0, $0x1;
	s4 =	sadd.s32 s5, s4  }
0xd: {  	s5 =	sadd.s32 s18, s3;
	s1 =	sadd.s32 $0x1E00, s1;
	[dreg:$0x7] =	wrdreg s0  }
0xe: {  	s7 =	simm.s32 $0x4;
	s6 =	sadd.s32 $0x12000, s5;
	[dreg:$0x5] =	wrdreg s1  }
0xf: {  	s19 =	simm.s32 $0x9;
	s20 =	sadd.s32 $0x5AE00, s4;
	[dreg:$0x4] =	wrdreg s6  }
0x10: {  	s18 =	simm.s32 $0x2C00;
	s21 =	sadd.s32 $0x2000, s5;
	[dreg:$0x6] =	wrdreg s20  }
0x11: {  	s0 =	simm.s32 $0x2B00;
	s22 =	sadd.s32 $0x4000, s5;
	[dreg:$0x8] =	wrdreg s21  }
0x12: {  	s23 =	sadd.s32 $0x6000, s5;
	s24 =	sadd.s32 $0x8000, s5;
	[dreg:$0x9] =	wrdreg s22  }
0x13: {  	s25 =	sadd.s32 $0xA000, s5;
	s26 =	sadd.s32 $0xC000, s5;
	[dreg:$0xa] =	wrdreg s23  }
0x14: {  	s16 =	sadd.s32 $0xE000, s5;
	s17 =	sadd.s32 $0x10000, s5;
	[dreg:$0xb] =	wrdreg s24  }
0x15: {  	s1 =	simm.s32 $0x8C00;
	s4 =	simm.s32 $0x3;
	[dreg:$0xc] =	wrdreg s25  }
0x16: {  	[dreg:$0xd] =	wrdreg s26;
	s20 =	simm.s32 $0x40;
	s21 =	simm.s32 $0x2800  }
0x17: {  	s22 =	simm.s32 $0x2880;
	s23 =	simm.s32 $0x4C00;
	s24 =	simm.s32 $0x1  }
0x18: {  	v0 =	vimm.f32 $0.0e+00;
	s25 =	simm.s32 $0x2A00;
	s26 =	simm.s32 $0x2900;
	s6 =	simm.s32 $0x5  }
.LBB2_1:
0x19: {  	s13 =	simm.s32 $0x0;
	s14 =	simm.s32 $0x200  }
.LBB2_2:
0x1a: {  	p0 =	sne.s32 s14, $0x7E00;
	[tilespmem:s13+$0x2C70] =	vst v0  }
0x1b: {  	[tilespmem:s13+$0x2C00] =	vst v0  }
0x1c: {  	[tilespmem:s13+$0x2C10] =	vst v0  }
.Ltmp0:
0x1d: {  	[tilespmem:s13+$0x2C20] =	vst v0;
	(pc) =	sbr.rel @p0 .LBB2_2-.Ltmp0, $4  }
0x1e: {  	[tilespmem:s13+$0x2C30] =	vst v0  }
0x1f: {  	[tilespmem:s13+$0x2C40] =	vst v0  }
0x20: {  	[tilespmem:s13+$0x2C50] =	vst v0  }
0x21: {  	[tilespmem:s13+$0x2C60] =	vst v0;
	s13 =	sshra.s32 s14, $0x2;
	s14 =	sadd.s32 $0x200, s14  }
0x22: {  	[tilespmem:s13+$0x2C70] =	vst v0  }
0x23: {  	[tilespmem:s13+$0x2C00] =	vst v0  }
0x24: {  	[tilespmem:s13+$0x2C10] =	vst v0  }
0x25: {  	[tilespmem:s13+$0x2C20] =	vst v0  }
0x26: {  	[tilespmem:s13+$0x2C30] =	vst v0  }
0x27: {  	[tilespmem:s13+$0x2C40] =	vst v0  }
0x28: {  	[tilespmem:s13+$0x2C50] =	vst v0  }
0x29: {  	[tilespmem:s13+$0x2C60] =	vst v0  }
0x2a: {  	[spmem:s5] =	stream.linear.scatter [tilespmem:s18], [sflag:$0x9], $0x2000, $0x38;
	[tilespmem:$0x1E800] =	vst v63  }
0x2b: {  	_ =	swait.ge [sflag:s19], $0x2000  }
0x2c: {  	[sflag:s19] =	ssyncset.done $0x0  }
0x2d: {  	s14 =	rddreg [dreg:$0x8];
	[sflag:s19] =	ssyncadd.s32 $0xFFFFE000  }
0x2e: {  	[spmem:s14] =	stream.linear.scatter [tilespmem:s18], [sflag:$0x9], $0x2000, $0x38;
	[tilespmem:$0x1E800] =	vst v63  }
0x2f: {  	_ =	swait.ge [sflag:s19], $0x2000  }
0x30: {  	[sflag:s19] =	ssyncset.done $0x0  }
0x31: {  	s15 =	rddreg [dreg:$0x9];
	[sflag:s19] =	ssyncadd.s32 $0xFFFFE000  }
0x32: {  	[spmem:s15] =	stream.linear.scatter [tilespmem:s18], [sflag:$0x9], $0x2000, $0x38;
	[tilespmem:$0x1E800] =	vst v63  }
0x33: {  	_ =	swait.ge [sflag:s19], $0x2000  }
0x34: {  	[sflag:s19] =	ssyncset.done $0x0  }
0x35: {  	s14 =	rddreg [dreg:$0xa];
	[sflag:s19] =	ssyncadd.s32 $0xFFFFE000  }
0x36: {  	[spmem:s14] =	stream.linear.scatter [tilespmem:s18], [sflag:$0x9], $0x2000, $0x38;
	[tilespmem:$0x1E800] =	vst v63  }
0x37: {  	_ =	swait.ge [sflag:s19], $0x2000  }
0x38: {  	[sflag:s19] =	ssyncset.done $0x0  }
0x39: {  	s15 =	rddreg [dreg:$0xb];
	[sflag:s19] =	ssyncadd.s32 $0xFFFFE000  }
0x3a: {  	[spmem:s15] =	stream.linear.scatter [tilespmem:s18], [sflag:$0x9], $0x2000, $0x38;
	[tilespmem:$0x1E800] =	vst v63  }
0x3b: {  	_ =	swait.ge [sflag:s19], $0x2000  }
0x3c: {  	[sflag:s19] =	ssyncset.done $0x0  }
0x3d: {  	s14 =	rddreg [dreg:$0xc];
	[sflag:s19] =	ssyncadd.s32 $0xFFFFE000  }
0x3e: {  	[spmem:s14] =	stream.linear.scatter [tilespmem:s18], [sflag:$0x9], $0x2000, $0x38;
	[tilespmem:$0x1E800] =	vst v63  }
0x3f: {  	_ =	swait.ge [sflag:s19], $0x2000  }
0x40: {  	[sflag:s19] =	ssyncset.done $0x0  }
0x41: {  	s15 =	rddreg [dreg:$0xd];
	[sflag:s19] =	ssyncadd.s32 $0xFFFFE000  }
0x42: {  	[spmem:s15] =	stream.linear.scatter [tilespmem:s18], [sflag:$0x9], $0x2000, $0x38;
	[tilespmem:$0x1E800] =	vst v63  }
0x43: {  	_ =	swait.ge [sflag:s19], $0x2000  }
0x44: {  	[sflag:s19] =	ssyncset.done $0x0  }
0x45: {  	[sflag:s19] =	ssyncadd.s32 $0xFFFFE000  }
0x46: {  	[spmem:s16] =	stream.linear.scatter [tilespmem:s18], [sflag:$0x9], $0x2000, $0x38;
	[tilespmem:$0x1E800] =	vst v63  }
0x47: {  	_ =	swait.ge [sflag:s19], $0x2000  }
0x48: {  	[sflag:s19] =	ssyncset.done $0x0  }
0x49: {  	[sflag:s19] =	ssyncadd.s32 $0xFFFFE000  }
0x4a: {  	[spmem:s17] =	stream.linear.scatter [tilespmem:s18], [sflag:$0x9], $0x2000, $0x38;
	[tilespmem:$0x1E800] =	vst v63  }
0x4b: {  	_ =	swait.ge [sflag:s19], $0x2000  }
0x4c: {  	[sflag:s19] =	ssyncset.done $0x0  }
0x4d: {  	s14 =	rddreg [dreg:$0x4];
	[sflag:s19] =	ssyncadd.s32 $0xFFFFE000  }
0x4e: {  	[spmem:s14] =	stream.linear.scatter [tilespmem:s18], [sflag:$0x9], $0x1C00, $0x38;
	[tilespmem:$0x1E800] =	vst v63  }
0x4f: {  	_ =	swait.ge [sflag:s19], $0x1C00  }
0x50: {  	[sflag:s19] =	ssyncset.done $0x0  }
0x51: {  	[sflag:s19] =	ssyncadd.s32 $0xFFFFE400  }
0x52: {  	[bflag:$0x0] =	sbarrier.arrive $0xFFFF  }
0x53: {  	s15 =	simm.s32 $0x0;
	s14 =	rddreg [dreg:$0x5]  }
0x54: {  	[tilespmem:s15], [sflag:$0x9] =	stream.linear.gather [hbm4b:s14+s15], $0x2800, $0x38;
	[tilespmem:$0x1E800] =	vst v63  }
0x55: {  	_ =	swait.ge [sflag:s19], $0x2800  }
0x56: {  	[sflag:s19] =	ssyncset.done $0x0  }
0x57: {  	[sflag:s19] =	ssyncadd.s32 $0xFFFFD800  }
0x58: {  	v1 =	vld [tilespmem:$0x0];
	_ =	sdelay $0x1  }
0x59: {  	v2 =	vld [tilespmem:$0x10];
	_ =	sdelay $0x1  }
0x5a: {  	v3 =	vld [tilespmem:$0x20]  }
0x5b: {  	v4 =	vand.u32 $0xFFFF, v1  }
0x5c: {  	v54 =	vld [tilespmem:$0x30];
	v1 =	vshrl.u32 v1, $0x10;
	[tilespmem:$0x2800] =	vst v4  }
0x5d: {  	[tilespmem:$0x2A00] =	vst v1;
	v1 =	vand.u32 $0xFFFF, v2  }
0x5e: {  	[tilespmem:$0x2810] =	vst v1;
	v1 =	vshrl.u32 v2, $0x10;
	v2 =	vld [tilespmem:$0x40]  }
0x5f: {  	[tilespmem:$0x2A10] =	vst v1;
	v1 =	vand.u32 $0xFFFF, v3  }
0x60: {  	[tilespmem:$0x2820] =	vst v1;
	v1 =	vshrl.u32 v3, $0x10;
	v3 =	vld [tilespmem:$0x50]  }
0x61: {  	[tilespmem:$0x2A20] =	vst v1;
	v1 =	vand.u32 $0xFFFF, v54  }
0x62: {  	v55 =	vld [tilespmem:$0x60];
	[tilespmem:$0x2830] =	vst v1;
	v1 =	vshrl.u32 v54, $0x10  }
0x63: {  	[tilespmem:$0x2A30] =	vst v1;
	v1 =	vand.u32 $0xFFFF, v2  }
0x64: {  	[tilespmem:$0x2880] =	vst v1;
	v1 =	vshrl.u32 v2, $0x10;
	v2 =	vld [tilespmem:$0x70]  }
0x65: {  	[tilespmem:$0x2A80] =	vst v1;
	v1 =	vand.u32 $0xFFFF, v3  }
0x66: {  	[tilespmem:$0x2890] =	vst v1;
	v1 =	vshrl.u32 v3, $0x10  }
0x67: {  	[tilespmem:$0x2A90] =	vst v1;
	v1 =	vand.u32 $0xFFFF, v55  }
0x68: {  	[tilespmem:$0x28A0] =	vst v1;
	v1 =	vshrl.u32 v55, $0x10  }
0x69: {  	[tilespmem:$0x2AA0] =	vst v1;
	v1 =	vand.u32 $0xFFFF, v2  }
0x6a: {  	[tilespmem:$0x28B0] =	vst v1;
	v1 =	vshrl.u32 v2, $0x10  }
0x6b: {  	[tilespmem:$0x2AB0] =	vst v1  }
0x6c: {  	[tilespmem:s18], [sflag:$0x1] =	stream.indirect.gather [hbm4b:s2+s20], $0x80, s21, s20, $0xb8;
	[tilespmem:$0x1E800] =	vst v63  }
0x6d: {  	_ = 	snop  }
0x6e: {  	[tilespmem:s23], [sflag:$0x2] =	stream.indirect.gather [hbm4b:s2+s20], $0x80, s22, s20, $0xb8;
	[tilespmem:$0x1E800] =	vst v63  }
0x6f: {  	_ =	swait.ge [sflag:s24], $0x2000  }
0x70: {  	[sflag:s24] =	ssyncset.done $0x0  }
0x71: {  	[sflag:s24] =	ssyncadd.s32 $0xFFFFE000  }
0x72: {  	[spmem:s3] =	stream.indirect.scatter.add.f32 [tilespmem:s18], [sflag:$0x5], $0x80, s25, s20, $0xb8;
	[tilespmem:$0x1E800] =	vst v63  }
0x73: {  	v1 =	vld [tilespmem:$0x80];
	_ =	sdelay $0x1  }
0x74: {  	v2 =	vld [tilespmem:$0x90];
	_ =	sdelay $0x1  }
0x75: {  	v3 =	vld [tilespmem:$0xA0]  }
0x76: {  	v56 =	vand.u32 $0xFFFF, v1  }
0x77: {  	v57 =	vld [tilespmem:$0xB0];
	v1 =	vshrl.u32 v1, $0x10;
	[tilespmem:$0x2900] =	vst v56  }
0x78: {  	[tilespmem:$0x2B00] =	vst v1;
	v1 =	vand.u32 $0xFFFF, v2  }
0x79: {  	[tilespmem:$0x2910] =	vst v1;
	v1 =	vshrl.u32 v2, $0x10  }
0x7a: {  	[tilespmem:$0x2B10] =	vst v1;
	v1 =	vand.u32 $0xFFFF, v3  }
0x7b: {  	[tilespmem:$0x2920] =	vst v1;
	v1 =	vshrl.u32 v3, $0x10  }
0x7c: {  	[tilespmem:$0x2B20] =	vst v1;
	v1 =	vand.u32 $0xFFFF, v57  }
0x7d: {  	[tilespmem:$0x2930] =	vst v1;
	v1 =	vshrl.u32 v57, $0x10  }
0x7e: {  	[tilespmem:$0x2B30] =	vst v1  }
0x7f: {  	[tilespmem:s28], [sflag:$0x3] =	stream.indirect.gather [hbm4b:s2+s20], $0x80, s26, s20, $0xb8;
	[tilespmem:$0x1E800] =	vst v63  }
0x80: {  	_ =	swait.ge [sflag:s29], $0x2000  }
0x81: {  	[sflag:s29] =	ssyncset.done $0x0  }
0x82: {  	[sflag:s29] =	ssyncadd.s32 $0xFFFFE000  }
0x83: {  	[spmem:s3] =	stream.indirect.scatter.add.f32 [tilespmem:s23], [sflag:$0x6], $0x80, s30, s20, $0xb8;
	[tilespmem:$0x1E800] =	vst v63  }
0x84: {  	v1 =	vld [tilespmem:$0xC0];
	_ =	sdelay $0x1  }
0x85: {  	v2 =	vld [tilespmem:$0xD0];
	_ =	sdelay $0x1  }
0x86: {  	v3 =	vld [tilespmem:$0xE0]  }
0x87: {  	v58 =	vand.u32 $0xFFFF, v1  }
0x88: {  	v59 =	vld [tilespmem:$0xF0];
	v1 =	vshrl.u32 v1, $0x10;
	[tilespmem:$0x2980] =	vst v58  }
0x89: {  	[tilespmem:$0x2B80] =	vst v1;
	v1 =	vand.u32 $0xFFFF, v2  }
0x8a: {  	[tilespmem:$0x2990] =	vst v1;
	v1 =	vshrl.u32 v2, $0x10  }
0x8b: {  	[tilespmem:$0x2B90] =	vst v1;
	v1 =	vand.u32 $0xFFFF, v3  }
0x8c: {  	[tilespmem:$0x29A0] =	vst v1;
	v1 =	vshrl.u32 v3, $0x10  }
0x8d: {  	[tilespmem:$0x2BA0] =	vst v1;
	v1 =	vand.u32 $0xFFFF, v59  }
0x8e: {  	[tilespmem:$0x29B0] =	vst v1;
	v1 =	vshrl.u32 v59, $0x10  }
0x8f: {  	[tilespmem:$0x2BB0] =	vst v1  }
0x90: {  	[tilespmem:s1], [sflag:$0x4] =	stream.indirect.gather [hbm4b:s2+s20], $0x80, s31, s20, $0xb8;
	[tilespmem:$0x1E800] =	vst v63  }
0x91: {  	_ =	swait.ge [sflag:s4], $0x2000  }
0x92: {  	[sflag:s4] =	ssyncset.done $0x0  }
0x93: {  	[sflag:s4] =	ssyncadd.s32 $0xFFFFE000  }
0x94: {  	[spmem:s3] =	stream.indirect.scatter.add.f32 [tilespmem:s28], [sflag:$0x7], $0x80, s0, s20, $0xb8;
	[tilespmem:$0x1E800] =	vst v63  }
0x95: {  	_ =	swait.ge [sflag:s6], $0x2000  }
0x96: {  	[sflag:s6] =	ssyncset.done $0x0  }
0x97: {  	[sflag:s6] =	ssyncadd.s32 $0xFFFFE000  }
0x98: {  	v1 =	vld [tilespmem:$0x100];
	_ =	sdelay $0x1  }
0x99: {  	v2 =	vld [tilespmem:$0x110];
	_ =	sdelay $0x1  }
0x9a: {  	v3 =	vld [tilespmem:$0x120]  }
0x9b: {  	v60 =	vand.u32 $0xFFFF, v1  }
0x9c: {  	v61 =	vld [tilespmem:$0x130];
	v1 =	vshrl.u32 v1, $0x10;
	[tilespmem:$0x2800] =	vst v60  }
0x9d: {  	[tilespmem:$0x2A00] =	vst v1;
	v1 =	vand.u32 $0xFFFF, v2  }
0x9e: {  	[tilespmem:$0x2810] =	vst v1;
	v1 =	vshrl.u32 v2, $0x10  }
0x9f: {  	[tilespmem:$0x2A10] =	vst v1;
	v1 =	vand.u32 $0xFFFF, v3  }
0xa0: {  	[tilespmem:$0x2820] =	vst v1;
	v1 =	vshrl.u32 v3, $0x10  }
0xa1: {  	[tilespmem:$0x2A20] =	vst v1;
	v1 =	vand.u32 $0xFFFF, v61  }
0xa2: {  	[tilespmem:$0x2830] =	vst v1;
	v1 =	vshrl.u32 v61, $0x10  }
0xa3: {  	[tilespmem:$0x2A30] =	vst v1  }
0xa4: {  	[tilespmem:s18], [sflag:$0x1] =	stream.indirect.gather [hbm4b:s2+s20], $0x80, s21, s20, $0xb8;
	[tilespmem:$0x1E800] =	vst v63  }
0xa5: {  	_ =	swait.ge [sflag:s7], $0x2000  }
0xa6: {  	[sflag:s7] =	ssyncset.done $0x0  }
0xa7: {  	[sflag:s7] =	ssyncadd.s32 $0xFFFFE000  }
0xa8: {  	[spmem:s3] =	stream.indirect.scatter.add.f32 [tilespmem:s1], [sflag:$0x8], $0x80, s8, s20, $0xb8;
	[tilespmem:$0x1E800] =	vst v63  }
0xa9: {  	_ =	swait.ge [sflag:s9], $0x2000  }
0xaa: {  	[sflag:s9] =	ssyncset.done $0x0  }
0xab: {  	[sflag:s9] =	ssyncadd.s32 $0xFFFFE000  }
0xac: {  	v1 =	vld [tilespmem:$0x140];
	_ =	sdelay $0x1  }
0xad: {  	v2 =	vld [tilespmem:$0x150];
	_ =	sdelay $0x1  }
0xae: {  	v3 =	vld [tilespmem:$0x160]  }
0xaf: {  	v62 =	vand.u32 $0xFFFF, v1  }
0xb0: {  	v63 =	vld [tilespmem:$0x170];
	v1 =	vshrl.u32 v1, $0x10;
	[tilespmem:$0x2880] =	vst v62  }
0xb1: {  	[tilespmem:$0x2A80] =	vst v1;
	v1 =	vand.u32 $0xFFFF, v2  }
0xb2: {  	[tilespmem:$0x2890] =	vst v1;
	v1 =	vshrl.u32 v2, $0x10  }
0xb3: {  	[tilespmem:$0x2A90] =	vst v1;
	v1 =	vand.u32 $0xFFFF, v3  }
0xb4: {  	[tilespmem:$0x28A0] =	vst v1;
	v1 =	vshrl.u32 v3, $0x10  }
0xb5: {  	[tilespmem:$0x2AA0] =	vst v1;
	v1 =	vand.u32 $0xFFFF, v63  }
0xb6: {  	[tilespmem:$0x28B0] =	vst v1;
	v1 =	vshrl.u32 v63, $0x10  }
0xb7: {  	[tilespmem:$0x2AB0] =	vst v1  }
0xb8: {  	[tilespmem:s23], [sflag:$0x2] =	stream.indirect.gather [hbm4b:s2+s20], $0x80, s22, s20, $0xb8;
	[tilespmem:$0x1E800] =	vst v63  }
0xb9: {  	_ =	swait.ge [sflag:s24], $0x2000  }
0xba: {  	[sflag:s24] =	ssyncset.done $0x0  }
0xbb: {  	[sflag:s24] =	ssyncadd.s32 $0xFFFFE000  }
0xbc: {  	[spmem:s3] =	stream.indirect.scatter.add.f32 [tilespmem:s18], [sflag:$0x5], $0x80, s25, s20, $0xb8;
	[tilespmem:$0x1E800] =	vst v63  }
0xbd: {  	_ =	swait.ge [sflag:s10], $0x2000  }
0xbe: {  	[sflag:s10] =	ssyncset.done $0x0  }
0xbf: {  	s13 =	simm.s32 $0x270;
	[sflag:s10] =	ssyncadd.s32 $0xFFFFE000  }
0xc0: {  	v1 =	vld [tilespmem:s13+$0xFFFFFF10];
	_ =	sdelay $0x4  }
0xc1: {  	v2 =	vand.u32 $0xFFFF, v1  }
0xc2: {  	v1 =	vshrl.u32 v1, $0x10;
	[tilespmem:$0x2900] =	vst v2  }
0xc3: {  	[tilespmem:$0x2B00] =	vst v1  }
0xc4: {  	v1 =	vld [tilespmem:s13+$0xFFFFFF20];
	_ =	sdelay $0x4  }
0xc5: {  	v2 =	vand.u32 $0xFFFF, v1  }
0xc6: {  	v1 =	vshrl.u32 v1, $0x10;
	[tilespmem:$0x2910] =	vst v2  }
0xc7: {  	[tilespmem:$0x2B10] =	vst v1  }
0xc8: {  	v1 =	vld [tilespmem:s13+$0xFFFFFF30];
	_ =	sdelay $0x4  }
0xc9: {  	v2 =	vand.u32 $0xFFFF, v1  }
0xca: {  	v1 =	vshrl.u32 v1, $0x10;
	[tilespmem:$0x2920] =	vst v2  }
0xcb: {  	[tilespmem:$0x2B20] =	vst v1  }
0xcc: {  	v1 =	vld [tilespmem:s13+$0xFFFFFF40];
	_ =	sdelay $0x4  }
0xcd: {  	v2 =	vand.u32 $0xFFFF, v1  }
0xce: {  	v1 =	vshrl.u32 v1, $0x10;
	[tilespmem:$0x2930] =	vst v2  }
0xcf: {  	[tilespmem:$0x2B30] =	vst v1  }
0xd0: {  	[tilespmem:s28], [sflag:$0x3] =	stream.indirect.gather [hbm4b:s2+s20], $0x80, s26, s20, $0xb8;
	[tilespmem:$0x1E800] =	vst v63  }
0xd1: {  	_ =	swait.ge [sflag:s29], $0x2000  }
0xd2: {  	[sflag:s29] =	ssyncset.done $0x0  }
0xd3: {  	[sflag:s29] =	ssyncadd.s32 $0xFFFFE000  }
0xd4: {  	[spmem:s3] =	stream.indirect.scatter.add.f32 [tilespmem:s23], [sflag:$0x6], $0x80, s30, s20, $0xb8;
	[tilespmem:$0x1E800] =	vst v63  }
0xd5: {  	_ =	swait.ge [sflag:s11], $0x2000  }
0xd6: {  	[sflag:s11] =	ssyncset.done $0x0  }
0xd7: {  	[sflag:s11] =	ssyncadd.s32 $0xFFFFE000  }
0xd8: {  	v1 =	vld [tilespmem:s13+$0xFFFFFF50];
	_ =	sdelay $0x4  }
0xd9: {  	v2 =	vand.u32 $0xFFFF, v1  }
0xda: {  	v1 =	vshrl.u32 v1, $0x10;
	[tilespmem:$0x2980] =	vst v2  }
0xdb: {  	[tilespmem:$0x2B80] =	vst v1  }
0xdc: {  	v1 =	vld [tilespmem:s13+$0xFFFFFF60];
	_ =	sdelay $0x4  }
0xdd: {  	v2 =	vand.u32 $0xFFFF, v1  }
0xde: {  	v1 =	vshrl.u32 v1, $0x10;
	[tilespmem:$0x2990] =	vst v2  }
0xdf: {  	[tilespmem:$0x2B90] =	vst v1  }
0xe0: {  	v1 =	vld [tilespmem:s13+$0xFFFFFF70];
	_ =	sdelay $0x4  }
0xe1: {  	v2 =	vand.u32 $0xFFFF, v1  }
0xe2: {  	v1 =	vshrl.u32 v1, $0x10;
	[tilespmem:$0x29A0] =	vst v2  }
0xe3: {  	[tilespmem:$0x2BA0] =	vst v1  }
0xe4: {  	v1 =	vld [tilespmem:s13+$0xFFFFFF80];
	_ =	sdelay $0x4  }
0xe5: {  	v2 =	vand.u32 $0xFFFF, v1  }
0xe6: {  	v1 =	vshrl.u32 v1, $0x10;
	[tilespmem:$0x29B0] =	vst v2  }
0xe7: {  	[tilespmem:$0x2BB0] =	vst v1  }
0xe8: {  	[tilespmem:s1], [sflag:$0x4] =	stream.indirect.gather [hbm4b:s2+s20], $0x80, s31, s20, $0xb8;
	[tilespmem:$0x1E800] =	vst v63  }
0xe9: {  	_ =	swait.ge [sflag:s4], $0x2000  }
0xea: {  	[sflag:s4] =	ssyncset.done $0x0  }
0xeb: {  	[sflag:s4] =	ssyncadd.s32 $0xFFFFE000  }
0xec: {  	[spmem:s3] =	stream.indirect.scatter.add.f32 [tilespmem:s28], [sflag:$0x7], $0x80, s0, s20, $0xb8;
	[tilespmem:$0x1E800] =	vst v63  }
0xed: {  	_ =	swait.ge [sflag:s6], $0x2000  }
0xee: {  	[sflag:s6] =	ssyncset.done $0x0  }
0xef: {  	[sflag:s6] =	ssyncadd.s32 $0xFFFFE000  }
0xf0: {  	v1 =	vld [tilespmem:s13+$0xFFFFFF90];
	_ =	sdelay $0x4  }
0xf1: {  	v2 =	vand.u32 $0xFFFF, v1  }
0xf2: {  	v1 =	vshrl.u32 v1, $0x10;
	[tilespmem:$0x2800] =	vst v2  }
0xf3: {  	[tilespmem:$0x2A00] =	vst v1  }
0xf4: {  	v1 =	vld [tilespmem:s13+$0xFFFFFFA0];
	_ =	sdelay $0x4  }
0xf5: {  	v2 =	vand.u32 $0xFFFF, v1  }
0xf6: {  	v1 =	vshrl.u32 v1, $0x10;
	[tilespmem:$0x2810] =	vst v2  }
0xf7: {  	[tilespmem:$0x2A10] =	vst v1  }
0xf8: {  	v1 =	vld [tilespmem:s13+$0xFFFFFFB0];
	_ =	sdelay $0x4  }
0xf9: {  	v2 =	vand.u32 $0xFFFF, v1  }
0xfa: {  	v1 =	vshrl.u32 v1, $0x10;
	[tilespmem:$0x2820] =	vst v2  }
0xfb: {  	[tilespmem:$0x2A20] =	vst v1  }
0xfc: {  	v1 =	vld [tilespmem:s13+$0xFFFFFFC0];
	_ =	sdelay $0x4  }
0xfd: {  	v2 =	vand.u32 $0xFFFF, v1  }
0xfe: {  	v1 =	vshrl.u32 v1, $0x10;
	[tilespmem:$0x2830] =	vst v2  }
0xff: {  	[tilespmem:$0x2A30] =	vst v1  }
0x100: {  	[tilespmem:s18], [sflag:$0x1] =	stream.indirect.gather [hbm4b:s2+s20], $0x80, s21, s20, $0xb8;
	[tilespmem:$0x1E800] =	vst v63  }
0x101: {  	_ =	swait.ge [sflag:s7], $0x2000  }
0x102: {  	[sflag:s7] =	ssyncset.done $0x0  }
0x103: {  	[sflag:s7] =	ssyncadd.s32 $0xFFFFE000  }
0x104: {  	[spmem:s3] =	stream.indirect.scatter.add.f32 [tilespmem:s1], [sflag:$0x8], $0x80, s8, s20, $0xb8;
	[tilespmem:$0x1E800] =	vst v63  }
0x105: {  	_ =	swait.ge [sflag:s9], $0x2000  }
0x106: {  	[sflag:s9] =	ssyncset.done $0x0  }
0x107: {  	[sflag:s9] =	ssyncadd.s32 $0xFFFFE000  }
0x108: {  	v1 =	vld [tilespmem:s13+$0xFFFFFFD0];
	_ =	sdelay $0x4  }
0x109: {  	v2 =	vand.u32 $0xFFFF, v1  }
0x10a: {  	v1 =	vshrl.u32 v1, $0x10;
	[tilespmem:$0x2880] =	vst v2  }
0x10b: {  	[tilespmem:$0x2A80] =	vst v1  }
0x10c: {  	v1 =	vld [tilespmem:s13+$0xFFFFFFE0];
	_ =	sdelay $0x4  }
0x10d: {  	v2 =	vand.u32 $0xFFFF, v1  }
0x10e: {  	v1 =	vshrl.u32 v1, $0x10;
	[tilespmem:$0x2890] =	vst v2  }
0x10f: {  	s14 =	simm.s32 $0xDC0;
	[tilespmem:$0x2A90] =	vst v1  }
.LBB2_4:
0x110: {  	p0 =	sne.s32 s14, $0x9DC0;
	v1 =	vld [tilespmem:s13+$0xFFFFFFF0];
	s15 =	smov.u32 s14;
	s14 =	sadd.s32 $0x400, s14  }
0x111: {  	_ =	sdelay $0x3  }
0x112: {  	v2 =	vand.u32 $0xFFFF, v1;
	v1 =	vshrl.u32 v1, $0x10  }
0x113: {  	[tilespmem:$0x28A0] =	vst v2  }
0x114: {  	[tilespmem:$0x2AA0] =	vst v1  }
0x115: {  	v1 =	vld [tilespmem:s13+$0x0];
	_ =	sdelay $0x4  }
0x116: {  	v2 =	vand.u32 $0xFFFF, v1;
	v1 =	vshrl.u32 v1, $0x10  }
0x117: {  	[tilespmem:$0x28B0] =	vst v2  }
0x118: {  	[tilespmem:$0x2AB0] =	vst v1  }
0x119: {  	[tilespmem:s23], [sflag:$0x2] =	stream.indirect.gather [hbm4b:s2+s20], $0x80, s22, s20, $0xb8;
	[tilespmem:$0x1E800] =	vst v63  }
0x11a: {  	_ =	swait.ge [sflag:s24], $0x2000  }
0x11b: {  	[sflag:s24] =	ssyncset.done $0x0  }
0x11c: {  	[sflag:s24] =	ssyncadd.s32 $0xFFFFE000  }
0x11d: {  	[spmem:s3] =	stream.indirect.scatter.add.f32 [tilespmem:s18], [sflag:$0x5], $0x80, s25, s20, $0xb8;
	[tilespmem:$0x1E800] =	vst v63  }
0x11e: {  	_ =	swait.ge [sflag:s10], $0x2000  }
0x11f: {  	[sflag:s10] =	ssyncset.done $0x0  }
0x120: {  	s13 =	sshra.s32 s15, $0x2;
	[sflag:s10] =	ssyncadd.s32 $0xFFFFE000  }
0x121: {  	v1 =	vld [tilespmem:s13+$0xFFFFFF10];
	_ =	sdelay $0x4  }
0x122: {  	v2 =	vand.u32 $0xFFFF, v1;
	v1 =	vshrl.u32 v1, $0x10  }
0x123: {  	[tilespmem:$0x2900] =	vst v2  }
0x124: {  	[tilespmem:$0x2B00] =	vst v1  }
0x125: {  	v1 =	vld [tilespmem:s13+$0xFFFFFF20];
	_ =	sdelay $0x4  }
0x126: {  	v2 =	vand.u32 $0xFFFF, v1;
	v1 =	vshrl.u32 v1, $0x10  }
0x127: {  	[tilespmem:$0x2910] =	vst v2  }
0x128: {  	[tilespmem:$0x2B10] =	vst v1  }
0x129: {  	v1 =	vld [tilespmem:s13+$0xFFFFFF30];
	_ =	sdelay $0x4  }
0x12a: {  	v2 =	vand.u32 $0xFFFF, v1;
	v1 =	vshrl.u32 v1, $0x10  }
0x12b: {  	[tilespmem:$0x2920] =	vst v2  }
0x12c: {  	[tilespmem:$0x2B20] =	vst v1  }
0x12d: {  	v1 =	vld [tilespmem:s13+$0xFFFFFF40];
	_ =	sdelay $0x4  }
0x12e: {  	v2 =	vand.u32 $0xFFFF, v1;
	v1 =	vshrl.u32 v1, $0x10  }
0x12f: {  	[tilespmem:$0x2930] =	vst v2  }
0x130: {  	[tilespmem:$0x2B30] =	vst v1  }
0x131: {  	[tilespmem:s28], [sflag:$0x3] =	stream.indirect.gather [hbm4b:s2+s20], $0x80, s26, s20, $0xb8;
	[tilespmem:$0x1E800] =	vst v63  }
0x132: {  	_ =	swait.ge [sflag:s29], $0x2000  }
0x133: {  	[sflag:s29] =	ssyncset.done $0x0  }
0x134: {  	[sflag:s29] =	ssyncadd.s32 $0xFFFFE000  }
0x135: {  	[spmem:s3] =	stream.indirect.scatter.add.f32 [tilespmem:s23], [sflag:$0x6], $0x80, s30, s20, $0xb8;
	[tilespmem:$0x1E800] =	vst v63  }
0x136: {  	_ =	swait.ge [sflag:s11], $0x2000  }
0x137: {  	[sflag:s11] =	ssyncset.done $0x0  }
0x138: {  	[sflag:s11] =	ssyncadd.s32 $0xFFFFE000  }
0x139: {  	v1 =	vld [tilespmem:s13+$0xFFFFFF50];
	_ =	sdelay $0x4  }
0x13a: {  	v2 =	vand.u32 $0xFFFF, v1;
	v1 =	vshrl.u32 v1, $0x10  }
0x13b: {  	[tilespmem:$0x2980] =	vst v2  }
0x13c: {  	[tilespmem:$0x2B80] =	vst v1  }
0x13d: {  	v1 =	vld [tilespmem:s13+$0xFFFFFF60];
	_ =	sdelay $0x4  }
0x13e: {  	v2 =	vand.u32 $0xFFFF, v1;
	v1 =	vshrl.u32 v1, $0x10  }
0x13f: {  	[tilespmem:$0x2990] =	vst v2  }
0x140: {  	[tilespmem:$0x2B90] =	vst v1  }
0x141: {  	v1 =	vld [tilespmem:s13+$0xFFFFFF70];
	_ =	sdelay $0x4  }
0x142: {  	v2 =	vand.u32 $0xFFFF, v1;
	v1 =	vshrl.u32 v1, $0x10  }
0x143: {  	[tilespmem:$0x29A0] =	vst v2  }
0x144: {  	[tilespmem:$0x2BA0] =	vst v1  }
0x145: {  	v1 =	vld [tilespmem:s13+$0xFFFFFF80];
	_ =	sdelay $0x4  }
0x146: {  	v2 =	vand.u32 $0xFFFF, v1;
	v1 =	vshrl.u32 v1, $0x10  }
0x147: {  	[tilespmem:$0x29B0] =	vst v2  }
0x148: {  	[tilespmem:$0x2BB0] =	vst v1  }
0x149: {  	[tilespmem:s1], [sflag:$0x4] =	stream.indirect.gather [hbm4b:s2+s20], $0x80, s31, s20, $0xb8;
	[tilespmem:$0x1E800] =	vst v63  }
0x14a: {  	_ =	swait.ge [sflag:s4], $0x2000  }
0x14b: {  	[sflag:s4] =	ssyncset.done $0x0  }
0x14c: {  	[sflag:s4] =	ssyncadd.s32 $0xFFFFE000  }
0x14d: {  	[spmem:s3] =	stream.indirect.scatter.add.f32 [tilespmem:s28], [sflag:$0x7], $0x80, s0, s20, $0xb8;
	[tilespmem:$0x1E800] =	vst v63  }
0x14e: {  	_ =	swait.ge [sflag:s6], $0x2000  }
0x14f: {  	[sflag:s6] =	ssyncset.done $0x0  }
0x150: {  	[sflag:s6] =	ssyncadd.s32 $0xFFFFE000  }
0x151: {  	v1 =	vld [tilespmem:s13+$0xFFFFFF90];
	_ =	sdelay $0x4  }
0x152: {  	v2 =	vand.u32 $0xFFFF, v1;
	v1 =	vshrl.u32 v1, $0x10  }
0x153: {  	[tilespmem:$0x2800] =	vst v2  }
0x154: {  	[tilespmem:$0x2A00] =	vst v1  }
0x155: {  	v1 =	vld [tilespmem:s13+$0xFFFFFFA0];
	_ =	sdelay $0x4  }
0x156: {  	v2 =	vand.u32 $0xFFFF, v1;
	v1 =	vshrl.u32 v1, $0x10  }
0x157: {  	[tilespmem:$0x2810] =	vst v2  }
0x158: {  	[tilespmem:$0x2A10] =	vst v1  }
0x159: {  	v1 =	vld [tilespmem:s13+$0xFFFFFFB0];
	_ =	sdelay $0x4  }
0x15a: {  	v2 =	vand.u32 $0xFFFF, v1;
	v1 =	vshrl.u32 v1, $0x10  }
0x15b: {  	[tilespmem:$0x2820] =	vst v2  }
0x15c: {  	[tilespmem:$0x2A20] =	vst v1  }
0x15d: {  	v1 =	vld [tilespmem:s13+$0xFFFFFFC0];
	_ =	sdelay $0x4  }
0x15e: {  	v2 =	vand.u32 $0xFFFF, v1;
	v1 =	vshrl.u32 v1, $0x10  }
0x15f: {  	[tilespmem:$0x2830] =	vst v2  }
0x160: {  	[tilespmem:$0x2A30] =	vst v1  }
0x161: {  	[tilespmem:s18], [sflag:$0x1] =	stream.indirect.gather [hbm4b:s2+s20], $0x80, s21, s20, $0xb8;
	[tilespmem:$0x1E800] =	vst v63  }
0x162: {  	_ =	swait.ge [sflag:s7], $0x2000  }
0x163: {  	[sflag:s7] =	ssyncset.done $0x0  }
0x164: {  	[sflag:s7] =	ssyncadd.s32 $0xFFFFE000  }
0x165: {  	[spmem:s3] =	stream.indirect.scatter.add.f32 [tilespmem:s1], [sflag:$0x8], $0x80, s8, s20, $0xb8;
	[tilespmem:$0x1E800] =	vst v63  }
0x166: {  	_ =	swait.ge [sflag:s9], $0x2000  }
0x167: {  	[sflag:s9] =	ssyncset.done $0x0  }
0x168: {  	[sflag:s9] =	ssyncadd.s32 $0xFFFFE000  }
0x169: {  	v1 =	vld [tilespmem:s13+$0xFFFFFFD0];
	_ =	sdelay $0x4  }
0x16a: {  	v2 =	vand.u32 $0xFFFF, v1;
	v1 =	vshrl.u32 v1, $0x10  }
0x16b: {  	[tilespmem:$0x2880] =	vst v2  }
0x16c: {  	[tilespmem:$0x2A80] =	vst v1  }
0x16d: {  	v1 =	vld [tilespmem:s13+$0xFFFFFFE0];
	_ =	sdelay $0x2  }
.Ltmp1:
0x16e: {  	(pc) =	sbr.rel @p0 .LBB2_4-.Ltmp1, $4  }
0x16f: {  	_ = 	snop  }
0x170: {  	v2 =	vand.u32 $0xFFFF, v1;
	v1 =	vshrl.u32 v1, $0x10  }
0x171: {  	[tilespmem:$0x2890] =	vst v2  }
0x172: {  	[tilespmem:$0x2A90] =	vst v1  }
0x173: {  	v1 =	vld [tilespmem:s13+$0xFFFFFFF0];
	_ =	sdelay $0x4  }
0x174: {  	v2 =	vand.u32 $0xFFFF, v1  }
0x175: {  	v1 =	vshrl.u32 v1, $0x10;
	[tilespmem:$0x28A0] =	vst v2  }
0x176: {  	[tilespmem:$0x2AA0] =	vst v1  }
0x177: {  	v1 =	vld [tilespmem:s13+$0x0];
	_ =	sdelay $0x4  }
0x178: {  	v2 =	vand.u32 $0xFFFF, v1  }
0x179: {  	v1 =	vshrl.u32 v1, $0x10;
	[tilespmem:$0x28B0] =	vst v2  }
0x17a: {  	[tilespmem:$0x2AB0] =	vst v1  }
0x17b: {  	[tilespmem:s23], [sflag:$0x2] =	stream.indirect.gather [hbm4b:s2+s20], $0x80, s22, s20, $0xb8;
	[tilespmem:$0x1E800] =	vst v63  }
0x17c: {  	_ =	swait.ge [sflag:s24], $0x2000  }
0x17d: {  	[sflag:s24] =	ssyncset.done $0x0  }
0x17e: {  	[sflag:s24] =	ssyncadd.s32 $0xFFFFE000  }
0x17f: {  	[spmem:s3] =	stream.indirect.scatter.add.f32 [tilespmem:s18], [sflag:$0x5], $0x80, s25, s20, $0xb8;
	[tilespmem:$0x1E800] =	vst v63  }
0x180: {  	_ =	swait.ge [sflag:s10], $0x2000  }
0x181: {  	[sflag:s10] =	ssyncset.done $0x0  }
0x182: {  	[sflag:s10] =	ssyncadd.s32 $0xFFFFE000  }
0x183: {  	v1 =	vld [tilespmem:$0x2780];
	_ =	sdelay $0x1  }
0x184: {  	v2 =	vld [tilespmem:$0x2790];
	_ =	sdelay $0x1  }
0x185: {  	v3 =	vld [tilespmem:$0x27A0]  }
0x186: {  	v4 =	vand.u32 $0xFFFF, v1  }
0x187: {  	v61 =	vld [tilespmem:$0x27B0];
	v1 =	vshrl.u32 v1, $0x10;
	[tilespmem:$0x2900] =	vst v4  }
0x188: {  	[tilespmem:$0x2B00] =	vst v1;
	v1 =	vand.u32 $0xFFFF, v2  }
0x189: {  	[tilespmem:$0x2910] =	vst v1;
	v1 =	vshrl.u32 v2, $0x10  }
0x18a: {  	[tilespmem:$0x2B10] =	vst v1;
	v1 =	vand.u32 $0xFFFF, v3  }
0x18b: {  	[tilespmem:$0x2920] =	vst v1;
	v1 =	vshrl.u32 v3, $0x10  }
0x18c: {  	[tilespmem:$0x2B20] =	vst v1;
	v1 =	vand.u32 $0xFFFF, v61  }
0x18d: {  	[tilespmem:$0x2930] =	vst v1;
	v1 =	vshrl.u32 v61, $0x10  }
0x18e: {  	[tilespmem:$0x2B30] =	vst v1  }
0x18f: {  	[tilespmem:s28], [sflag:$0x3] =	stream.indirect.gather [hbm4b:s2+s20], $0x80, s26, s20, $0xb8;
	[tilespmem:$0x1E800] =	vst v63  }
0x190: {  	_ =	swait.ge [sflag:s29], $0x2000  }
0x191: {  	[sflag:s29] =	ssyncset.done $0x0  }
0x192: {  	[sflag:s29] =	ssyncadd.s32 $0xFFFFE000  }
0x193: {  	[spmem:s3] =	stream.indirect.scatter.add.f32 [tilespmem:s23], [sflag:$0x6], $0x80, s30, s20, $0xb8;
	[tilespmem:$0x1E800] =	vst v63  }
0x194: {  	_ =	swait.ge [sflag:s11], $0x2000  }
0x195: {  	[sflag:s11] =	ssyncset.done $0x0  }
0x196: {  	[sflag:s11] =	ssyncadd.s32 $0xFFFFE000  }
0x197: {  	v1 =	vld [tilespmem:$0x27C0];
	_ =	sdelay $0x1  }
0x198: {  	v2 =	vld [tilespmem:$0x27D0];
	_ =	sdelay $0x1  }
0x199: {  	v3 =	vld [tilespmem:$0x27E0]  }
0x19a: {  	v62 =	vand.u32 $0xFFFF, v1  }
0x19b: {  	v63 =	vld [tilespmem:$0x27F0];
	v1 =	vshrl.u32 v1, $0x10;
	[tilespmem:$0x2980] =	vst v62  }
0x19c: {  	[tilespmem:$0x2B80] =	vst v1;
	v1 =	vand.u32 $0xFFFF, v2  }
0x19d: {  	[tilespmem:$0x2990] =	vst v1;
	v1 =	vshrl.u32 v2, $0x10  }
0x19e: {  	[tilespmem:$0x2B90] =	vst v1;
	v1 =	vand.u32 $0xFFFF, v3  }
0x19f: {  	[tilespmem:$0x29A0] =	vst v1;
	v1 =	vshrl.u32 v3, $0x10  }
0x1a0: {  	[tilespmem:$0x2BA0] =	vst v1;
	v1 =	vand.u32 $0xFFFF, v63  }
0x1a1: {  	[tilespmem:$0x29B0] =	vst v1;
	v1 =	vshrl.u32 v63, $0x10  }
0x1a2: {  	[tilespmem:$0x2BB0] =	vst v1  }
0x1a3: {  	[tilespmem:s1], [sflag:$0x4] =	stream.indirect.gather [hbm4b:s2+s20], $0x80, s31, s20, $0xb8;
	[tilespmem:$0x1E800] =	vst v63  }
0x1a4: {  	_ =	swait.ge [sflag:s4], $0x2000  }
0x1a5: {  	[sflag:s4] =	ssyncset.done $0x0  }
0x1a6: {  	[sflag:s4] =	ssyncadd.s32 $0xFFFFE000  }
0x1a7: {  	[spmem:s3] =	stream.indirect.scatter.add.f32 [tilespmem:s28], [sflag:$0x7], $0x80, s0, s20, $0xb8;
	[tilespmem:$0x1E800] =	vst v63  }
0x1a8: {  	_ =	swait.ge [sflag:s6], $0x2000  }
0x1a9: {  	[sflag:s6] =	ssyncset.done $0x0  }
0x1aa: {  	[sflag:s6] =	ssyncadd.s32 $0xFFFFE000  }
0x1ab: {  	_ =	swait.ge [sflag:s7], $0x2000  }
0x1ac: {  	[sflag:s7] =	ssyncset.done $0x0  }
0x1ad: {  	[sflag:s7] =	ssyncadd.s32 $0xFFFFE000  }
0x1ae: {  	[spmem:s3] =	stream.indirect.scatter.add.f32 [tilespmem:s1], [sflag:$0x8], $0x80, s8, s20, $0xb8;
	[tilespmem:$0x1E800] =	vst v63  }
0x1af: {  	_ =	swait.ge [sflag:s9], $0x2000  }
0x1b0: {  	[sflag:s9] =	ssyncset.done $0x0  }
0x1b1: {  	[sflag:s9] =	ssyncadd.s32 $0xFFFFE000  }
0x1b2: {  	_ =	swait.ge [sflag:s10], $0x2000  }
0x1b3: {  	[sflag:s10] =	ssyncset.done $0x0  }
0x1b4: {  	[sflag:s10] =	ssyncadd.s32 $0xFFFFE000  }
0x1b5: {  	_ =	swait.ge [sflag:s11], $0x2000  }
0x1b6: {  	[sflag:s11] =	ssyncset.done $0x0  }
0x1b7: {  	s14 =	stileid.u32;
	[sflag:s11] =	ssyncadd.s32 $0xFFFFE000  }
0x1b8: {  	s13 =	sshll.u32 s14, $0x6;
	[bflag:$0x0] =	sbarrier.arrive $0xFFFF  }
0x1b9: {  	s14 =	sshrl.u32 s5, $0x3;
	s13 =	sor.u32 $0x1C09, s13;
	s15 =	rddreg [dreg:$0x6]  }
0x1ba: {  	[hbm:s15], [sflag:s13] =	dma.local [spmem:s14], $0x2780  }
0x1bb: {  	_ =	swait.ge [sflag:s19], $0x2780  }
0x1bc: {  	s12 =	sadd.s32 $0x1, s12;
	s15 =	rddreg [dreg:$0x7]  }
0x1bd: {  	p0 =	sne.s32 s12, s15  }
.Ltmp2:
0x1be: {  	_ = 	snop;
	(pc) =	sbr.rel @p0 .LBB2_1-.Ltmp2, $3  }
0x1bf: {  	_ =	sdelay $0x1  }
0x1c0: {  	[sflag:s19] =	ssyncset.done $0x0  }
0x1c1: {  	[sflag:s19] =	ssyncadd.s32 $0xFFFFD880  }
0x1c2: {  	_ =	sfence.sel $0x180000  }
0x1c3: {  	[bflag:$0x0] =	sbarrier.arrive $0xFFFF  }
0x1c4: {  	_ =	strace $0x9000004A  }
0x1c5: {  	s0 =	stileid.u32;
	[bflag:$0x2] =	sbarrier.arrive $0xFFFF  }
0x1c6: {  	p0 =	sne.s32 s0, $0x0;
	s0 =	rddreg [dreg:$0x3]  }
0x1c7: {  	s0 =	sadd.s32 @!p0 $0x100000, s0  }
0x1c8: {  	[sflag:s0] =	ssyncadd.tile.s32 @!p0 $0x1;
	_ =	shalt  }
.Lfunc_end2:
_tile_overlayer_lowered:
.L_overlay_start_2:
0x1c9: {  	(tag) =	ssettag $0x2  }
0x1ca: {  	s0 =	rddreg [dreg:$0x0];
	s2 =	stileid.u32  }
0x1cb: {  	s1 =	rddreg [dreg:$0x1];
	p0 =	sne.s32 s2, $0x0  }
0x1cc: {  	s3 =	rddreg [dreg:$0x2];
	[bflag:$0x3] =	sbarrier.arrive $0xFFFF;
	s2 =	simm.s32 @!p0 $0x1C09  }
0x1cd: {  	[timem:s3], [sflag:s2] =	dma.local @!p0 [hbm:s0], s1  }
0x1ce: {  	s0 =	simm.s32 @!p0 $0x9  }
0x1cf: {  	_ =	swait.ge @!p0 [sflag:s0], s1  }
0x1d0: {  	s1 =	ssub.s32 @!p0 $0x0, s1;
	[sflag:s0] =	ssyncset.done @!p0 $0x0  }
0x1d1: {  	[sflag:s0] =	ssyncadd.s32 @!p0 s1  }
0x1d2: {  	[bflag:$0x3] =	sbarrier.arrive $0xFFFF  }
0x1d3: {  	_ =	shalt  }

// kernel: kernel.13.cloned.1.call-start
scs
__scs_entry_jumppad:
0x0: {  	(pc) =	sbr.rel $0x88, $3  }
0x1: {  	(tag) =	ssettag $0x0;
	lr =	simm.s32 $0x1  }
0x2: {  	[smem:$0x3F99] =	sst lr;
	_ =	strace $0xD0000000  }
0x3: {  	_ = 	snop  }
0x4: {  	_ = 	snop  }
0x5: {  	_ = 	snop  }
0x6: {  	_ = 	snop  }
0x7: {  	_ = 	snop  }
__scs_overlays_trampoline_lowered:
0x8: {  	[smem:$0x3FA8] =	sst s0  }
0x9: {  	[smem:$0x3FA9] =	sst s1  }
0xa: {  	[smem:$0x3FAA] =	sst s2  }
0xb: {  	[smem:$0x3FAB] =	sst s3  }
0xc: {  	[smem:$0x3FAC] =	sst s4  }
0xd: {  	[smem:$0x3FAD] =	sst s5  }
0xe: {  	[smem:$0x3FAE] =	sst s6  }
0xf: {  	[smem:$0x3FAF] =	sst s7  }
0x10: {  	[smem:$0x3FB0] =	sst s8  }
0x11: {  	[smem:$0x3FB1] =	sst s9;
	s0 =	simm.s32 @!p0 $0x0  }
0x12: {  	s1 =	sld [smem:$0x3F97];
	s0 =	simm.s32 @p0 $0x1  }
0x13: {  	[smem:$0x3FB2] =	sst s0;
	s0 =	simm.s32 @!p1 $0x0  }
0x14: {  	s2 =	sld [smem:$0x3F96];
	s0 =	simm.s32 @p1 $0x1  }
0x15: {  	[smem:$0x3FB3] =	sst s0;
	s0 =	simm.s32 @!p2 $0x0  }
0x16: {  	s3 =	sld [smem:$0x3FDB];
	s0 =	simm.s32 @p2 $0x1  }
0x17: {  	s4 =	simm.s32 $0x1BF5;
	[smem:$0x3FB5] =	sst s0  }
0x18: {  	s0 =	sld [smem:$0x3F98];
	_ =	swait.ge [sflag:s4], $0x0  }
0x19: {  	s7 =	sld [smem:$0x3F99]  }
0x1a: {  	s8 =	sadd.s32 $0xFFFFE003, lr  }
0x1b: {  	s9 =	sadd.s32 $0xFFFFFEF7, lr;
	s5 =	simm.s32 $0xFFFFFFFF;
	p2 =	slt.u32 s8, $0xFFFFF086  }
0x1c: {  	p1 =	slt.u32 s9, $0xF7A;
	s5 =	simm.s32 @!p2 $0x0  }
0x1d: {  	s5 =	simm.s32 @p1 $0x1;
	p0 =	seq.s32 s7, s2  }
0x1e: {  	s7 =	smul.u32 @!p0 $0xF7A, s2;
	p2 =	seq.s32 @!p0 s5, $0x0  }
0x1f: {  	s9 =	smul.u32 $0xF7A, s1;
	s8 =	simm.s32 @!p0 $0x1BF5;
	p2 =	por !p2, p0  }
0x20: {  	[sflag:s8] =	ssyncset.s32 @!p0 $0xFFFFF086;
	s6 =	sadd.s32 @!p0 s3, s7;
	s7 =	simm.s32 @!p0 $0x108  }
0x21: {  	s3 =	sadd.s32 s3, s9;
	s6 =	sadd.s32 @!p0 $0x88, s6;
	s7 =	simm.s32 @p2 $0x1082  }
0x22: {  	[simem:s7], [sflag:s8] =	dma.local @!p0 [hbm:s6], $0xF7A  }
0x23: {  	s9 =	sor.u32 $0xD0000000, s2;
	s6 =	simm.s32 $0x108;
	_ =	swait.ge @!p0 [sflag:s8], $0x0  }
0x24: {  	s3 =	sadd.s32 $0x88, s3;
	s6 =	simm.s32 @!p1 $0x1082;
	[sflag:s4] =	ssyncset.s32 $0xFFFFF086  }
0x25: {  	[simem:s6], [sflag:s4] =	dma.local [hbm:s3], $0xF7A  }
0x26: {  	[smem:$0x3F99] =	sst s1;
	(tag) =	ssettag s2;
	_ =	strace s9  }
0x27: {  	s1 =	sld [smem:$0x3FA9]  }
0x28: {  	s2 =	sld [smem:$0x3FAA]  }
0x29: {  	s4 =	sld [smem:$0x3FAC]  }
0x2a: {  	p0 =	seq.s32 s5, $0x0;
	s5 =	sld [smem:$0x3FAD]  }
0x2b: {  	s6 =	sld [smem:$0x3FAE]  }
0x2c: {  	s7 =	sld [smem:$0x3FAF]  }
0x2d: {  	s3 =	simm.s32 $0x108;
	s8 =	sld [smem:$0x3FB0]  }
0x2e: {  	s3 =	simm.s32 @!p0 $0x1082;
	s9 =	sld [smem:$0x3FB1]  }
0x2f: {  	lr =	sadd.s32 s0, s3;
	s0 =	sld [smem:$0x3FA8]  }
0x30: {  	s3 =	sld [smem:$0x3FAB]  }
0x31: {  	[smem:$0x3FB4] =	sst s10  }
0x32: {  	s10 =	sld [smem:$0x3FB2];
	_ =	sdelay $0x3  }
0x33: {  	p0 =	seq.s32 s10, $0x1;
	s10 =	sld [smem:$0x3FB4];
	_ =	sdelay $0x3  }
0x34: {  	[smem:$0x3FB4] =	sst s10  }
0x35: {  	s10 =	sld [smem:$0x3FB3];
	_ =	sdelay $0x3  }
0x36: {  	p1 =	seq.s32 s10, $0x1;
	s10 =	sld [smem:$0x3FB4];
	_ =	sdelay $0x3  }
0x37: {  	[smem:$0x3FB4] =	sst s10  }
0x38: {  	s10 =	sld [smem:$0x3FB5]  }
0x39: {  	_ = 	snop;
	(pc) =	sbr.ind lr, $3  }
0x3a: {  	_ = 	snop  }
0x3b: {  	_ = 	snop  }
0x3c: {  	p2 =	seq.s32 s10, $0x1;
	s10 =	sld [smem:$0x3FB4]  }
0x3d: {  	_ =	shalt  }
0x3e: {  	_ =	shalt  }
0x3f: {  	_ =	shalt  }
0x40: {  	_ =	shalt  }
0x41: {  	_ =	shalt  }
0x42: {  	_ =	shalt  }
0x43: {  	_ =	shalt  }
0x44: {  	_ =	shalt  }
0x45: {  	_ =	shalt  }
0x46: {  	_ =	shalt  }
0x47: {  	_ =	shalt  }
0x48: {  	_ =	shalt  }
0x49: {  	_ =	shalt  }
0x4a: {  	_ =	shalt  }
0x4b: {  	_ =	shalt  }
0x4c: {  	_ =	shalt  }
0x4d: {  	_ =	shalt  }
0x4e: {  	_ =	shalt  }
0x4f: {  	_ =	shalt  }
0x50: {  	_ =	shalt  }
0x51: {  	_ =	shalt  }
0x52: {  	_ =	shalt  }
0x53: {  	_ =	shalt  }
0x54: {  	_ =	shalt  }
0x55: {  	_ =	shalt  }
0x56: {  	_ =	shalt  }
0x57: {  	_ =	shalt  }
0x58: {  	_ =	shalt  }
0x59: {  	_ =	shalt  }
0x5a: {  	_ =	shalt  }
0x5b: {  	_ =	shalt  }
0x5c: {  	_ =	shalt  }
0x5d: {  	_ =	shalt  }
0x5e: {  	_ =	shalt  }
0x5f: {  	_ =	shalt  }
0x60: {  	_ =	shalt  }
0x61: {  	_ =	shalt  }
0x62: {  	_ =	shalt  }
0x63: {  	_ =	shalt  }
0x64: {  	_ =	shalt  }
0x65: {  	_ =	shalt  }
0x66: {  	_ =	shalt  }
0x67: {  	_ =	shalt  }
0x68: {  	_ =	shalt  }
0x69: {  	_ =	shalt  }
0x6a: {  	_ =	shalt  }
0x6b: {  	_ =	shalt  }
0x6c: {  	_ =	shalt  }
0x6d: {  	_ =	shalt  }
0x6e: {  	_ =	shalt  }
0x6f: {  	_ =	shalt  }
0x70: {  	_ =	shalt  }
0x71: {  	_ =	shalt  }
0x72: {  	_ =	shalt  }
0x73: {  	_ =	shalt  }
0x74: {  	_ =	shalt  }
0x75: {  	_ =	shalt  }
0x76: {  	_ =	shalt  }
0x77: {  	_ =	shalt  }
0x78: {  	_ =	shalt  }
0x79: {  	_ =	shalt  }
0x7a: {  	_ =	shalt  }
0x7b: {  	_ =	shalt  }
0x7c: {  	_ =	shalt  }
0x7d: {  	_ =	shalt  }
0x7e: {  	_ =	shalt  }
0x7f: {  	_ =	shalt  }
0x80: {  	_ =	shalt  }
0x81: {  	_ =	shalt  }
0x82: {  	_ =	shalt  }
0x83: {  	_ =	shalt  }
0x84: {  	_ =	shalt  }
0x85: {  	_ =	shalt  }
0x86: {  	_ =	shalt  }
0x87: {  	_ =	shalt  }
.Lfunc_end0:
.L_simem_size_0:
called_computation.2_lowered:
.L_overlay_start_0:
0x88: {  	s2 =	sld [smem:$0x3FD9]  }
0x89: {  	s3 =	sld [smem:$0x3FFE];
	_ =	sdelay $0x1  }
0x8a: {  	s1 =	srdreg.scid  }
0x8b: {  	s0 =	sand.u32 $0x1, s1  }
0x8c: {  	s17 =	sshll.u32 s0, $0xA;
	s2 =	sadd.s32 s3, s2  }
0x8d: {  	s2 =	sadd.s32 s2, s17  }
0x8e: {  	[smem:$0x3FC0] =	sst s2  }
0x8f: {  	_ = 	snop  }
0x90: {  	s2 =	sld [smem:$0x3FD0];
	(tm) =	ssettm $0x1  }
0x91: {  	s18 =	sld [smem:$0x3FFB];
	_ =	sdelay $0x3  }
0x92: {  	_ =	strace s18  }
0x93: {  	s3 =	sld [smem:$0x3FFC];
	_ =	sdelay $0x3  }
0x94: {  	_ =	strace s3  }
0x95: {  	s3 =	sld [smem:$0x3FFD];
	_ =	sdelay $0x3  }
0x96: {  	_ =	strace s3  }
0x97: {  	_ =	strace $0x8FFFFFFF  }
0x98: {  	s19 =	sld [smem:$0x3FDB];
	_ =	sdelay $0x1  }
0x99: {  	s4 =	simm.s32 $_scs_section_size  }
0x9a: {  	s5 =	simm.s32 $_size__tile_overlayer_lowered;
	s6 =	simm.s32 $_tile_overlayer_lowered  }
0x9b: {  	s22 =	simm.s32 $0x1BFF;
	s21 =	sshll.u32 s6, $0x1;
	s3 =	sadd.s32 s4, s19  }
0x9c: {  	s7 =	simm.s32 $0x0;
	s20 =	sshll.u32 s5, $0x1;
	s5 =	sadd.s32 s21, s3  }
0x9d: {  	[timem:s7], [sflag:s22] =	dma.local [hbm:s5], s20  }
0x9e: {  	_ =	swait.ge [sflag:s22], s20  }
0x9f: {  	s4 =	ssub.s32 $0x0, s20;
	[sflag:s22] =	ssyncset.done $0x0  }
0xa0: {  	[sflag:s22] =	ssyncadd.s32 s4;
	_ =	sdelay $0x1  }
0xa1: {  	s23 =	simm.s32 $0x1B8B  }
0xa2: {  	_ =	swait.ge [sflag:s23], $0x1  }
0xa3: {  	[sflag:s23] =	ssyncset.done $0x0  }
0xa4: {  	s25 =	simm.s32 $0x1B8E;
	s24 =	sld [smem:$0x3FFE];
	[sflag:s23] =	ssyncadd.s32 $0xFFFFFFFF  }
0xa5: {  	s26 =	simm.s32 $execute0_lowered;
	[smem:$0x3FD2] =	sst s25  }
0xa6: {  	s5 =	sshll.u32 s26, $0x1;
	_ =	strace $0x8000004C;
	[dreg:$0x1] =	wrdreg $0xFFFFFFFF  }
0xa7: {  	s28 =	simm.s32 $_size_execute0_lowered;
	s3 =	sadd.s32 s3, s5;
	[dreg:$0x0] =	wrdreg $0x0  }
0xa8: {  	s5 =	sshll.u32 s28, $0x1;
	[dreg:$0x2] =	wrdreg s3  }
0xa9: {  	[dreg:$0x3] =	wrdreg s5  }
0xaa: {  	[dreg:$0x4] =	wrdreg $0xC0  }
0xab: {  	_ =	task [dreg:s7], $0x5FFFF  }
0xac: {  	[dreg:$0x1] =	wrdreg $0xFFFFFFFF  }
0xad: {  	[dreg:$0x0] =	wrdreg $0x60  }
0xae: {  	[dreg:$0x2] =	wrdreg s2  }
0xaf: {  	[dreg:$0x3] =	wrdreg s24  }
0xb0: {  	[dreg:$0x4] =	wrdreg $0xAC000  }
0xb1: {  	[dreg:$0x5] =	wrdreg $0x9  }
0xb2: {  	_ =	task.clear_ibuf [dreg:s7], $0x6FFFF;
	_ =	strace $0x9000004C  }
0xb3: {  	s29 =	simm.s32 $0x9;
	_ =	strace $0x8000004E  }
0xb4: {  	_ =	swait.ge [sflag:s29], $0x1  }
0xb5: {  	[sflag:s29] =	ssyncadd.s32 $0xFFFFFFFF  }
0xb6: {  	_ =	strace $0x9000004E  }
0xb7: {  	_ =	sfence  }
0xb8: {  	s30 =	sld [smem:$0x0];
	_ =	sdelay $0x2  }
0xb9: {  	s31 =	sshll.u32 s1, $0xD;
	s1 =	sshrl.u32 s1, $0x2  }
0xba: {  	s3 =	sand.u32 $0x4000, s31;
	s1 =	sadd.s32 s1, s30  }
0xbb: {  	s0 =	sor.u32 s3, s0;
	s1 =	sshll.u32 s1, $0x11  }
0xbc: {  	s0 =	sor.u32 s1, s0  }
0xbd: {  	s0 =	sadd.s32 $0x8F2B, s0  }
0xbe: {  	[sflag:s0] =	ssyncadd.remote.s32 $0x1  }
0xbf: {  	_ =	sfence.sel $0xFFFF  }
0xc0: {  	[dreg:$0x0] =	wrdreg $0xFFFFFFFF;
	(pc) =	sbr.abs _section_cstart, $3  }
0xc1: {  	[dreg:$0x1] =	wrdreg $0xFFFFFFFF  }
0xc2: {  	_ =	task.clear_ibuf [dreg:s7], $0x2FFFF;
	_ =	strace $0x9FFFFFFF  }
0xc3: {  	(tm) =	ssettm $0x7FFFFFFF  }
tec
execute0_lowered:
.L_overlay_start_1:
0x0: {  	(tag) =	ssettag $0x1  }
0x1: {  	s2 =	rddreg [dreg:$0x0]  }
0x2: {  	s0 =	srdreg.scid;
	s4 =	rddreg [dreg:$0x1]  }
0x3: {  	s7 =	stileid.u32;
	s3 =	rddreg [dreg:$0x2];
	s8 =	simm.s32 $0x0  }
0x4: {  	s28 =	simm.s32 $0x6C00;
	s29 =	simm.s32 $0x2;
	s30 =	simm.s32 $0x2A80  }
0x5: {  	s31 =	simm.s32 $0x2980;
	s9 =	simm.s32 $0x6;
	s10 =	simm.s32 $0x7  }
0x6: {  	s11 =	simm.s32 $0x8;
	s12 =	simm.s32 $0x0;
	s6 =	smul.u32 $0x13C00, s7  }
0x7: {  	s0 =	sand.u32 $0x1, s0;
	s1 =	sshll.u32 s7, $0x1;
	s7 =	smul.u32 $0x4F000, s7  }
0x8: {  	[smem:$0x7FF] =	sst s8;
	s8 =	simm.s32 $0x2B80;
	s5 =	smul.u32 $0x13C000, s0  }
0x9: {  	s1 =	sor.u32 s0, s1;
	_ =	strace $0x8000004D;
	s0 =	ssub.s32 $0x2, s0  }
0xa: {  	s1 =	smul.u32 $0x500, s1;
	s19 =	sshrl.u32 s0, $0x1;
	s5 =	sadd.s32 s6, s5  }
0xb: {  	s18 =	sshrl.u32 s7, $0x2;
	s0 =	ssub.s32 s0, s19;
	s5 =	sshrl.u32 s5, $0x3  }
0xc: {  	s1 =	sadd.s32 s1, s4;
	s0 =	smax.u32 s0, $0x1;
	s4 =	sadd.s32 s5, s4  }
0xd: {  	s5 =	sadd.s32 s18, s3;
	s1 =	sadd.s32 $0x1E00, s1;
	[dreg:$0x7] =	wrdreg s0  }
0xe: {  	s7 =	simm.s32 $0x4;
	s6 =	sadd.s32 $0x12000, s5;
	[dreg:$0x5] =	wrdreg s1  }
0xf: {  	s19 =	simm.s32 $0x9;
	s20 =	sadd.s32 $0xBE00, s4;
	[dreg:$0x4] =	wrdreg s6  }
0x10: {  	s18 =	simm.s32 $0x2C00;
	s21 =	sadd.s32 $0x2000, s5;
	[dreg:$0x6] =	wrdreg s20  }
0x11: {  	s0 =	simm.s32 $0x2B00;
	s22 =	sadd.s32 $0x4000, s5;
	[dreg:$0x8] =	wrdreg s21  }
0x12: {  	s23 =	sadd.s32 $0x6000, s5;
	s24 =	sadd.s32 $0x8000, s5;
	[dreg:$0x9] =	wrdreg s22  }
0x13: {  	s25 =	sadd.s32 $0xA000, s5;
	s26 =	sadd.s32 $0xC000, s5;
	[dreg:$0xa] =	wrdreg s23  }
0x14: {  	s16 =	sadd.s32 $0xE000, s5;
	s17 =	sadd.s32 $0x10000, s5;
	[dreg:$0xb] =	wrdreg s24  }
0x15: {  	s1 =	simm.s32 $0x8C00;
	s4 =	simm.s32 $0x3;
	[dreg:$0xc] =	wrdreg s25  }
0x16: {  	[dreg:$0xd] =	wrdreg s26;
	s20 =	simm.s32 $0x40;
	s21 =	simm.s32 $0x2800  }
0x17: {  	s22 =	simm.s32 $0x2880;
	s23 =	simm.s32 $0x4C00;
	s24 =	simm.s32 $0x1  }
0x18: {  	v0 =	vimm.f32 $0.0e+00;
	s25 =	simm.s32 $0x2A00;
	s26 =	simm.s32 $0x2900;
	s6 =	simm.s32 $0x5  }
.LBB2_1:
0x19: {  	s13 =	simm.s32 $0x0;
	s14 =	simm.s32 $0x200  }
.LBB2_2:
0x1a: {  	p0 =	sne.s32 s14, $0x7E00;
	[tilespmem:s13+$0x2C70] =	vst v0  }
0x1b: {  	[tilespmem:s13+$0x2C00] =	vst v0  }
0x1c: {  	[tilespmem:s13+$0x2C10] =	vst v0  }
.Ltmp0:
0x1d: {  	[tilespmem:s13+$0x2C20] =	vst v0;
	(pc) =	sbr.rel @p0 .LBB2_2-.Ltmp0, $4  }
0x1e: {  	[tilespmem:s13+$0x2C30] =	vst v0  }
0x1f: {  	[tilespmem:s13+$0x2C40] =	vst v0  }
0x20: {  	[tilespmem:s13+$0x2C50] =	vst v0  }
0x21: {  	[tilespmem:s13+$0x2C60] =	vst v0;
	s13 =	sshra.s32 s14, $0x2;
	s14 =	sadd.s32 $0x200, s14  }
0x22: {  	[tilespmem:s13+$0x2C70] =	vst v0  }
0x23: {  	[tilespmem:s13+$0x2C00] =	vst v0  }
0x24: {  	[tilespmem:s13+$0x2C10] =	vst v0  }
0x25: {  	[tilespmem:s13+$0x2C20] =	vst v0  }
0x26: {  	[tilespmem:s13+$0x2C30] =	vst v0  }
0x27: {  	[tilespmem:s13+$0x2C40] =	vst v0  }
0x28: {  	[tilespmem:s13+$0x2C50] =	vst v0  }
0x29: {  	[tilespmem:s13+$0x2C60] =	vst v0  }
0x2a: {  	[spmem:s5] =	stream.linear.scatter [tilespmem:s18], [sflag:$0x9], $0x2000, $0x38;
	[tilespmem:$0x1E800] =	vst v63  }
0x2b: {  	_ =	swait.ge [sflag:s19], $0x2000  }
0x2c: {  	[sflag:s19] =	ssyncset.done $0x0  }
0x2d: {  	s14 =	rddreg [dreg:$0x8];
	[sflag:s19] =	ssyncadd.s32 $0xFFFFE000  }
0x2e: {  	[spmem:s14] =	stream.linear.scatter [tilespmem:s18], [sflag:$0x9], $0x2000, $0x38;
	[tilespmem:$0x1E800] =	vst v63  }
0x2f: {  	_ =	swait.ge [sflag:s19], $0x2000  }
0x30: {  	[sflag:s19] =	ssyncset.done $0x0  }
0x31: {  	s15 =	rddreg [dreg:$0x9];
	[sflag:s19] =	ssyncadd.s32 $0xFFFFE000  }
0x32: {  	[spmem:s15] =	stream.linear.scatter [tilespmem:s18], [sflag:$0x9], $0x2000, $0x38;
	[tilespmem:$0x1E800] =	vst v63  }
0x33: {  	_ =	swait.ge [sflag:s19], $0x2000  }
0x34: {  	[sflag:s19] =	ssyncset.done $0x0  }
0x35: {  	s14 =	rddreg [dreg:$0xa];
	[sflag:s19] =	ssyncadd.s32 $0xFFFFE000  }
0x36: {  	[spmem:s14] =	stream.linear.scatter [tilespmem:s18], [sflag:$0x9], $0x2000, $0x38;
	[tilespmem:$0x1E800] =	vst v63  }
0x37: {  	_ =	swait.ge [sflag:s19], $0x2000  }
0x38: {  	[sflag:s19] =	ssyncset.done $0x0  }
0x39: {  	s15 =	rddreg [dreg:$0xb];
	[sflag:s19] =	ssyncadd.s32 $0xFFFFE000  }
0x3a: {  	[spmem:s15] =	stream.linear.scatter [tilespmem:s18], [sflag:$0x9], $0x2000, $0x38;
	[tilespmem:$0x1E800] =	vst v63  }
0x3b: {  	_ =	swait.ge [sflag:s19], $0x2000  }
0x3c: {  	[sflag:s19] =	ssyncset.done $0x0  }
0x3d: {  	s14 =	rddreg [dreg:$0xc];
	[sflag:s19] =	ssyncadd.s32 $0xFFFFE000  }
0x3e: {  	[spmem:s14] =	stream.linear.scatter [tilespmem:s18], [sflag:$0x9], $0x2000, $0x38;
	[tilespmem:$0x1E800] =	vst v63  }
0x3f: {  	_ =	swait.ge [sflag:s19], $0x2000  }
0x40: {  	[sflag:s19] =	ssyncset.done $0x0  }
0x41: {  	s15 =	rddreg [dreg:$0xd];
	[sflag:s19] =	ssyncadd.s32 $0xFFFFE000  }
0x42: {  	[spmem:s15] =	stream.linear.scatter [tilespmem:s18], [sflag:$0x9], $0x2000, $0x38;
	[tilespmem:$0x1E800] =	vst v63  }
0x43: {  	_ =	swait.ge [sflag:s19], $0x2000  }
0x44: {  	[sflag:s19] =	ssyncset.done $0x0  }
0x45: {  	[sflag:s19] =	ssyncadd.s32 $0xFFFFE000  }
0x46: {  	[spmem:s16] =	stream.linear.scatter [tilespmem:s18], [sflag:$0x9], $0x2000, $0x38;
	[tilespmem:$0x1E800] =	vst v63  }
0x47: {  	_ =	swait.ge [sflag:s19], $0x2000  }
0x48: {  	[sflag:s19] =	ssyncset.done $0x0  }
0x49: {  	[sflag:s19] =	ssyncadd.s32 $0xFFFFE000  }
0x4a: {  	[spmem:s17] =	stream.linear.scatter [tilespmem:s18], [sflag:$0x9], $0x2000, $0x38;
	[tilespmem:$0x1E800] =	vst v63  }
0x4b: {  	_ =	swait.ge [sflag:s19], $0x2000  }
0x4c: {  	[sflag:s19] =	ssyncset.done $0x0  }
0x4d: {  	s14 =	rddreg [dreg:$0x4];
	[sflag:s19] =	ssyncadd.s32 $0xFFFFE000  }
0x4e: {  	[spmem:s14] =	stream.linear.scatter [tilespmem:s18], [sflag:$0x9], $0x1C00, $0x38;
	[tilespmem:$0x1E800] =	vst v63  }
0x4f: {  	_ =	swait.ge [sflag:s19], $0x1C00  }
0x50: {  	[sflag:s19] =	ssyncset.done $0x0  }
0x51: {  	[sflag:s19] =	ssyncadd.s32 $0xFFFFE400  }
0x52: {  	[bflag:$0x0] =	sbarrier.arrive $0xFFFF  }
0x53: {  	s15 =	simm.s32 $0x0;
	s14 =	rddreg [dreg:$0x5]  }
0x54: {  	[tilespmem:s15], [sflag:$0x9] =	stream.linear.gather [hbm4b:s14+s15], $0x2800, $0x38;
	[tilespmem:$0x1E800] =	vst v63  }
0x55: {  	_ =	swait.ge [sflag:s19], $0x2800  }
0x56: {  	[sflag:s19] =	ssyncset.done $0x0  }
0x57: {  	[sflag:s19] =	ssyncadd.s32 $0xFFFFD800  }
0x58: {  	v1 =	vld [tilespmem:$0x0];
	_ =	sdelay $0x1  }
0x59: {  	v2 =	vld [tilespmem:$0x10];
	_ =	sdelay $0x1  }
0x5a: {  	v3 =	vld [tilespmem:$0x20]  }
0x5b: {  	v4 =	vand.u32 $0xFFFF, v1  }
0x5c: {  	v54 =	vld [tilespmem:$0x30];
	v1 =	vshrl.u32 v1, $0x10;
	[tilespmem:$0x2800] =	vst v4  }
0x5d: {  	[tilespmem:$0x2A00] =	vst v1;
	v1 =	vand.u32 $0xFFFF, v2  }
0x5e: {  	[tilespmem:$0x2810] =	vst v1;
	v1 =	vshrl.u32 v2, $0x10;
	v2 =	vld [tilespmem:$0x40]  }
0x5f: {  	[tilespmem:$0x2A10] =	vst v1;
	v1 =	vand.u32 $0xFFFF, v3  }
0x60: {  	[tilespmem:$0x2820] =	vst v1;
	v1 =	vshrl.u32 v3, $0x10;
	v3 =	vld [tilespmem:$0x50]  }
0x61: {  	[tilespmem:$0x2A20] =	vst v1;
	v1 =	vand.u32 $0xFFFF, v54  }
0x62: {  	v55 =	vld [tilespmem:$0x60];
	[tilespmem:$0x2830] =	vst v1;
	v1 =	vshrl.u32 v54, $0x10  }
0x63: {  	[tilespmem:$0x2A30] =	vst v1;
	v1 =	vand.u32 $0xFFFF, v2  }
0x64: {  	[tilespmem:$0x2880] =	vst v1;
	v1 =	vshrl.u32 v2, $0x10;
	v2 =	vld [tilespmem:$0x70]  }
0x65: {  	[tilespmem:$0x2A80] =	vst v1;
	v1 =	vand.u32 $0xFFFF, v3  }
0x66: {  	[tilespmem:$0x2890] =	vst v1;
	v1 =	vshrl.u32 v3, $0x10  }
0x67: {  	[tilespmem:$0x2A90] =	vst v1;
	v1 =	vand.u32 $0xFFFF, v55  }
0x68: {  	[tilespmem:$0x28A0] =	vst v1;
	v1 =	vshrl.u32 v55, $0x10  }
0x69: {  	[tilespmem:$0x2AA0] =	vst v1;
	v1 =	vand.u32 $0xFFFF, v2  }
0x6a: {  	[tilespmem:$0x28B0] =	vst v1;
	v1 =	vshrl.u32 v2, $0x10  }
0x6b: {  	[tilespmem:$0x2AB0] =	vst v1  }
0x6c: {  	[tilespmem:s18], [sflag:$0x1] =	stream.indirect.gather [hbm4b:s2+s20], $0x80, s21, s20, $0xb8;
	[tilespmem:$0x1E800] =	vst v63  }
0x6d: {  	_ = 	snop  }
0x6e: {  	[tilespmem:s23], [sflag:$0x2] =	stream.indirect.gather [hbm4b:s2+s20], $0x80, s22, s20, $0xb8;
	[tilespmem:$0x1E800] =	vst v63  }
0x6f: {  	_ =	swait.ge [sflag:s24], $0x2000  }
0x70: {  	[sflag:s24] =	ssyncset.done $0x0  }
0x71: {  	[sflag:s24] =	ssyncadd.s32 $0xFFFFE000  }
0x72: {  	[spmem:s3] =	stream.indirect.scatter.add.f32 [tilespmem:s18], [sflag:$0x5], $0x80, s25, s20, $0xb8;
	[tilespmem:$0x1E800] =	vst v63  }
0x73: {  	v1 =	vld [tilespmem:$0x80];
	_ =	sdelay $0x1  }
0x74: {  	v2 =	vld [tilespmem:$0x90];
	_ =	sdelay $0x1  }
0x75: {  	v3 =	vld [tilespmem:$0xA0]  }
0x76: {  	v56 =	vand.u32 $0xFFFF, v1  }
0x77: {  	v57 =	vld [tilespmem:$0xB0];
	v1 =	vshrl.u32 v1, $0x10;
	[tilespmem:$0x2900] =	vst v56  }
0x78: {  	[tilespmem:$0x2B00] =	vst v1;
	v1 =	vand.u32 $0xFFFF, v2  }
0x79: {  	[tilespmem:$0x2910] =	vst v1;
	v1 =	vshrl.u32 v2, $0x10  }
0x7a: {  	[tilespmem:$0x2B10] =	vst v1;
	v1 =	vand.u32 $0xFFFF, v3  }
0x7b: {  	[tilespmem:$0x2920] =	vst v1;
	v1 =	vshrl.u32 v3, $0x10  }
0x7c: {  	[tilespmem:$0x2B20] =	vst v1;
	v1 =	vand.u32 $0xFFFF, v57  }
0x7d: {  	[tilespmem:$0x2930] =	vst v1;
	v1 =	vshrl.u32 v57, $0x10  }
0x7e: {  	[tilespmem:$0x2B30] =	vst v1  }
0x7f: {  	[tilespmem:s28], [sflag:$0x3] =	stream.indirect.gather [hbm4b:s2+s20], $0x80, s26, s20, $0xb8;
	[tilespmem:$0x1E800] =	vst v63  }
0x80: {  	_ =	swait.ge [sflag:s29], $0x2000  }
0x81: {  	[sflag:s29] =	ssyncset.done $0x0  }
0x82: {  	[sflag:s29] =	ssyncadd.s32 $0xFFFFE000  }
0x83: {  	[spmem:s3] =	stream.indirect.scatter.add.f32 [tilespmem:s23], [sflag:$0x6], $0x80, s30, s20, $0xb8;
	[tilespmem:$0x1E800] =	vst v63  }
0x84: {  	v1 =	vld [tilespmem:$0xC0];
	_ =	sdelay $0x1  }
0x85: {  	v2 =	vld [tilespmem:$0xD0];
	_ =	sdelay $0x1  }
0x86: {  	v3 =	vld [tilespmem:$0xE0]  }
0x87: {  	v58 =	vand.u32 $0xFFFF, v1  }
0x88: {  	v59 =	vld [tilespmem:$0xF0];
	v1 =	vshrl.u32 v1, $0x10;
	[tilespmem:$0x2980] =	vst v58  }
0x89: {  	[tilespmem:$0x2B80] =	vst v1;
	v1 =	vand.u32 $0xFFFF, v2  }
0x8a: {  	[tilespmem:$0x2990] =	vst v1;
	v1 =	vshrl.u32 v2, $0x10  }
0x8b: {  	[tilespmem:$0x2B90] =	vst v1;
	v1 =	vand.u32 $0xFFFF, v3  }
0x8c: {  	[tilespmem:$0x29A0] =	vst v1;
	v1 =	vshrl.u32 v3, $0x10  }
0x8d: {  	[tilespmem:$0x2BA0] =	vst v1;
	v1 =	vand.u32 $0xFFFF, v59  }
0x8e: {  	[tilespmem:$0x29B0] =	vst v1;
	v1 =	vshrl.u32 v59, $0x10  }
0x8f: {  	[tilespmem:$0x2BB0] =	vst v1  }
0x90: {  	[tilespmem:s1], [sflag:$0x4] =	stream.indirect.gather [hbm4b:s2+s20], $0x80, s31, s20, $0xb8;
	[tilespmem:$0x1E800] =	vst v63  }
0x91: {  	_ =	swait.ge [sflag:s4], $0x2000  }
0x92: {  	[sflag:s4] =	ssyncset.done $0x0  }
0x93: {  	[sflag:s4] =	ssyncadd.s32 $0xFFFFE000  }
0x94: {  	[spmem:s3] =	stream.indirect.scatter.add.f32 [tilespmem:s28], [sflag:$0x7], $0x80, s0, s20, $0xb8;
	[tilespmem:$0x1E800] =	vst v63  }
0x95: {  	_ =	swait.ge [sflag:s6], $0x2000  }
0x96: {  	[sflag:s6] =	ssyncset.done $0x0  }
0x97: {  	[sflag:s6] =	ssyncadd.s32 $0xFFFFE000  }
0x98: {  	v1 =	vld [tilespmem:$0x100];
	_ =	sdelay $0x1  }
0x99: {  	v2 =	vld [tilespmem:$0x110];
	_ =	sdelay $0x1  }
0x9a: {  	v3 =	vld [tilespmem:$0x120]  }
0x9b: {  	v60 =	vand.u32 $0xFFFF, v1  }
0x9c: {  	v61 =	vld [tilespmem:$0x130];
	v1 =	vshrl.u32 v1, $0x10;
	[tilespmem:$0x2800] =	vst v60  }
0x9d: {  	[tilespmem:$0x2A00] =	vst v1;
	v1 =	vand.u32 $0xFFFF, v2  }
0x9e: {  	[tilespmem:$0x2810] =	vst v1;
	v1 =	vshrl.u32 v2, $0x10  }
0x9f: {  	[tilespmem:$0x2A10] =	vst v1;
	v1 =	vand.u32 $0xFFFF, v3  }
0xa0: {  	[tilespmem:$0x2820] =	vst v1;
	v1 =	vshrl.u32 v3, $0x10  }
0xa1: {  	[tilespmem:$0x2A20] =	vst v1;
	v1 =	vand.u32 $0xFFFF, v61  }
0xa2: {  	[tilespmem:$0x2830] =	vst v1;
	v1 =	vshrl.u32 v61, $0x10  }
0xa3: {  	[tilespmem:$0x2A30] =	vst v1  }
0xa4: {  	[tilespmem:s18], [sflag:$0x1] =	stream.indirect.gather [hbm4b:s2+s20], $0x80, s21, s20, $0xb8;
	[tilespmem:$0x1E800] =	vst v63  }
0xa5: {  	_ =	swait.ge [sflag:s7], $0x2000  }
0xa6: {  	[sflag:s7] =	ssyncset.done $0x0  }
0xa7: {  	[sflag:s7] =	ssyncadd.s32 $0xFFFFE000  }
0xa8: {  	[spmem:s3] =	stream.indirect.scatter.add.f32 [tilespmem:s1], [sflag:$0x8], $0x80, s8, s20, $0xb8;
	[tilespmem:$0x1E800] =	vst v63  }
0xa9: {  	_ =	swait.ge [sflag:s9], $0x2000  }
0xaa: {  	[sflag:s9] =	ssyncset.done $0x0  }
0xab: {  	[sflag:s9] =	ssyncadd.s32 $0xFFFFE000  }
0xac: {  	v1 =	vld [tilespmem:$0x140];
	_ =	sdelay $0x1  }
0xad: {  	v2 =	vld [tilespmem:$0x150];
	_ =	sdelay $0x1  }
0xae: {  	v3 =	vld [tilespmem:$0x160]  }
0xaf: {  	v62 =	vand.u32 $0xFFFF, v1  }
0xb0: {  	v63 =	vld [tilespmem:$0x170];
	v1 =	vshrl.u32 v1, $0x10;
	[tilespmem:$0x2880] =	vst v62  }
0xb1: {  	[tilespmem:$0x2A80] =	vst v1;
	v1 =	vand.u32 $0xFFFF, v2  }
0xb2: {  	[tilespmem:$0x2890] =	vst v1;
	v1 =	vshrl.u32 v2, $0x10  }
0xb3: {  	[tilespmem:$0x2A90] =	vst v1;
	v1 =	vand.u32 $0xFFFF, v3  }
0xb4: {  	[tilespmem:$0x28A0] =	vst v1;
	v1 =	vshrl.u32 v3, $0x10  }
0xb5: {  	[tilespmem:$0x2AA0] =	vst v1;
	v1 =	vand.u32 $0xFFFF, v63  }
0xb6: {  	[tilespmem:$0x28B0] =	vst v1;
	v1 =	vshrl.u32 v63, $0x10  }
0xb7: {  	[tilespmem:$0x2AB0] =	vst v1  }
0xb8: {  	[tilespmem:s23], [sflag:$0x2] =	stream.indirect.gather [hbm4b:s2+s20], $0x80, s22, s20, $0xb8;
	[tilespmem:$0x1E800] =	vst v63  }
0xb9: {  	_ =	swait.ge [sflag:s24], $0x2000  }
0xba: {  	[sflag:s24] =	ssyncset.done $0x0  }
0xbb: {  	[sflag:s24] =	ssyncadd.s32 $0xFFFFE000  }
0xbc: {  	[spmem:s3] =	stream.indirect.scatter.add.f32 [tilespmem:s18], [sflag:$0x5], $0x80, s25, s20, $0xb8;
	[tilespmem:$0x1E800] =	vst v63  }
0xbd: {  	_ =	swait.ge [sflag:s10], $0x2000  }
0xbe: {  	[sflag:s10] =	ssyncset.done $0x0  }
0xbf: {  	s13 =	simm.s32 $0x270;
	[sflag:s10] =	ssyncadd.s32 $0xFFFFE000  }
0xc0: {  	v1 =	vld [tilespmem:s13+$0xFFFFFF10];
	_ =	sdelay $0x4  }
0xc1: {  	v2 =	vand.u32 $0xFFFF, v1  }
0xc2: {  	v1 =	vshrl.u32 v1, $0x10;
	[tilespmem:$0x2900] =	vst v2  }
0xc3: {  	[tilespmem:$0x2B00] =	vst v1  }
0xc4: {  	v1 =	vld [tilespmem:s13+$0xFFFFFF20];
	_ =	sdelay $0x4  }
0xc5: {  	v2 =	vand.u32 $0xFFFF, v1  }
0xc6: {  	v1 =	vshrl.u32 v1, $0x10;
	[tilespmem:$0x2910] =	vst v2  }
0xc7: {  	[tilespmem:$0x2B10] =	vst v1  }
0xc8: {  	v1 =	vld [tilespmem:s13+$0xFFFFFF30];
	_ =	sdelay $0x4  }
0xc9: {  	v2 =	vand.u32 $0xFFFF, v1  }
0xca: {  	v1 =	vshrl.u32 v1, $0x10;
	[tilespmem:$0x2920] =	vst v2  }
0xcb: {  	[tilespmem:$0x2B20] =	vst v1  }
0xcc: {  	v1 =	vld [tilespmem:s13+$0xFFFFFF40];
	_ =	sdelay $0x4  }
0xcd: {  	v2 =	vand.u32 $0xFFFF, v1  }
0xce: {  	v1 =	vshrl.u32 v1, $0x10;
	[tilespmem:$0x2930] =	vst v2  }
0xcf: {  	[tilespmem:$0x2B30] =	vst v1  }
0xd0: {  	[tilespmem:s28], [sflag:$0x3] =	stream.indirect.gather [hbm4b:s2+s20], $0x80, s26, s20, $0xb8;
	[tilespmem:$0x1E800] =	vst v63  }
0xd1: {  	_ =	swait.ge [sflag:s29], $0x2000  }
0xd2: {  	[sflag:s29] =	ssyncset.done $0x0  }
0xd3: {  	[sflag:s29] =	ssyncadd.s32 $0xFFFFE000  }
0xd4: {  	[spmem:s3] =	stream.indirect.scatter.add.f32 [tilespmem:s23], [sflag:$0x6], $0x80, s30, s20, $0xb8;
	[tilespmem:$0x1E800] =	vst v63  }
0xd5: {  	_ =	swait.ge [sflag:s11], $0x2000  }
0xd6: {  	[sflag:s11] =	ssyncset.done $0x0  }
0xd7: {  	[sflag:s11] =	ssyncadd.s32 $0xFFFFE000  }
0xd8: {  	v1 =	vld [tilespmem:s13+$0xFFFFFF50];
	_ =	sdelay $0x4  }
0xd9: {  	v2 =	vand.u32 $0xFFFF, v1  }
0xda: {  	v1 =	vshrl.u32 v1, $0x10;
	[tilespmem:$0x2980] =	vst v2  }
0xdb: {  	[tilespmem:$0x2B80] =	vst v1  }
0xdc: {  	v1 =	vld [tilespmem:s13+$0xFFFFFF60];
	_ =	sdelay $0x4  }
0xdd: {  	v2 =	vand.u32 $0xFFFF, v1  }
0xde: {  	v1 =	vshrl.u32 v1, $0x10;
	[tilespmem:$0x2990] =	vst v2  }
0xdf: {  	[tilespmem:$0x2B90] =	vst v1  }
0xe0: {  	v1 =	vld [tilespmem:s13+$0xFFFFFF70];
	_ =	sdelay $0x4  }
0xe1: {  	v2 =	vand.u32 $0xFFFF, v1  }
0xe2: {  	v1 =	vshrl.u32 v1, $0x10;
	[tilespmem:$0x29A0] =	vst v2  }
0xe3: {  	[tilespmem:$0x2BA0] =	vst v1  }
0xe4: {  	v1 =	vld [tilespmem:s13+$0xFFFFFF80];
	_ =	sdelay $0x4  }
0xe5: {  	v2 =	vand.u32 $0xFFFF, v1  }
0xe6: {  	v1 =	vshrl.u32 v1, $0x10;
	[tilespmem:$0x29B0] =	vst v2  }
0xe7: {  	[tilespmem:$0x2BB0] =	vst v1  }
0xe8: {  	[tilespmem:s1], [sflag:$0x4] =	stream.indirect.gather [hbm4b:s2+s20], $0x80, s31, s20, $0xb8;
	[tilespmem:$0x1E800] =	vst v63  }
0xe9: {  	_ =	swait.ge [sflag:s4], $0x2000  }
0xea: {  	[sflag:s4] =	ssyncset.done $0x0  }
0xeb: {  	[sflag:s4] =	ssyncadd.s32 $0xFFFFE000  }
0xec: {  	[spmem:s3] =	stream.indirect.scatter.add.f32 [tilespmem:s28], [sflag:$0x7], $0x80, s0, s20, $0xb8;
	[tilespmem:$0x1E800] =	vst v63  }
0xed: {  	_ =	swait.ge [sflag:s6], $0x2000  }
0xee: {  	[sflag:s6] =	ssyncset.done $0x0  }
0xef: {  	[sflag:s6] =	ssyncadd.s32 $0xFFFFE000  }
0xf0: {  	v1 =	vld [tilespmem:s13+$0xFFFFFF90];
	_ =	sdelay $0x4  }
0xf1: {  	v2 =	vand.u32 $0xFFFF, v1  }
0xf2: {  	v1 =	vshrl.u32 v1, $0x10;
	[tilespmem:$0x2800] =	vst v2  }
0xf3: {  	[tilespmem:$0x2A00] =	vst v1  }
0xf4: {  	v1 =	vld [tilespmem:s13+$0xFFFFFFA0];
	_ =	sdelay $0x4  }
0xf5: {  	v2 =	vand.u32 $0xFFFF, v1  }
0xf6: {  	v1 =	vshrl.u32 v1, $0x10;
	[tilespmem:$0x2810] =	vst v2  }
0xf7: {  	[tilespmem:$0x2A10] =	vst v1  }
0xf8: {  	v1 =	vld [tilespmem:s13+$0xFFFFFFB0];
	_ =	sdelay $0x4  }
0xf9: {  	v2 =	vand.u32 $0xFFFF, v1  }
0xfa: {  	v1 =	vshrl.u32 v1, $0x10;
	[tilespmem:$0x2820] =	vst v2  }
0xfb: {  	[tilespmem:$0x2A20] =	vst v1  }
0xfc: {  	v1 =	vld [tilespmem:s13+$0xFFFFFFC0];
	_ =	sdelay $0x4  }
0xfd: {  	v2 =	vand.u32 $0xFFFF, v1  }
0xfe: {  	v1 =	vshrl.u32 v1, $0x10;
	[tilespmem:$0x2830] =	vst v2  }
0xff: {  	[tilespmem:$0x2A30] =	vst v1  }
0x100: {  	[tilespmem:s18], [sflag:$0x1] =	stream.indirect.gather [hbm4b:s2+s20], $0x80, s21, s20, $0xb8;
	[tilespmem:$0x1E800] =	vst v63  }
0x101: {  	_ =	swait.ge [sflag:s7], $0x2000  }
0x102: {  	[sflag:s7] =	ssyncset.done $0x0  }
0x103: {  	[sflag:s7] =	ssyncadd.s32 $0xFFFFE000  }
0x104: {  	[spmem:s3] =	stream.indirect.scatter.add.f32 [tilespmem:s1], [sflag:$0x8], $0x80, s8, s20, $0xb8;
	[tilespmem:$0x1E800] =	vst v63  }
0x105: {  	_ =	swait.ge [sflag:s9], $0x2000  }
0x106: {  	[sflag:s9] =	ssyncset.done $0x0  }
0x107: {  	[sflag:s9] =	ssyncadd.s32 $0xFFFFE000  }
0x108: {  	v1 =	vld [tilespmem:s13+$0xFFFFFFD0];
	_ =	sdelay $0x4  }
0x109: {  	v2 =	vand.u32 $0xFFFF, v1  }
0x10a: {  	v1 =	vshrl.u32 v1, $0x10;
	[tilespmem:$0x2880] =	vst v2  }
0x10b: {  	[tilespmem:$0x2A80] =	vst v1  }
0x10c: {  	v1 =	vld [tilespmem:s13+$0xFFFFFFE0];
	_ =	sdelay $0x4  }
0x10d: {  	v2 =	vand.u32 $0xFFFF, v1  }
0x10e: {  	v1 =	vshrl.u32 v1, $0x10;
	[tilespmem:$0x2890] =	vst v2  }
0x10f: {  	s14 =	simm.s32 $0xDC0;
	[tilespmem:$0x2A90] =	vst v1  }
.LBB2_4:
0x110: {  	p0 =	sne.s32 s14, $0x9DC0;
	v1 =	vld [tilespmem:s13+$0xFFFFFFF0];
	s15 =	smov.u32 s14;
	s14 =	sadd.s32 $0x400, s14  }
0x111: {  	_ =	sdelay $0x3  }
0x112: {  	v2 =	vand.u32 $0xFFFF, v1;
	v1 =	vshrl.u32 v1, $0x10  }
0x113: {  	[tilespmem:$0x28A0] =	vst v2  }
0x114: {  	[tilespmem:$0x2AA0] =	vst v1  }
0x115: {  	v1 =	vld [tilespmem:s13+$0x0];
	_ =	sdelay $0x4  }
0x116: {  	v2 =	vand.u32 $0xFFFF, v1;
	v1 =	vshrl.u32 v1, $0x10  }
0x117: {  	[tilespmem:$0x28B0] =	vst v2  }
0x118: {  	[tilespmem:$0x2AB0] =	vst v1  }
0x119: {  	[tilespmem:s23], [sflag:$0x2] =	stream.indirect.gather [hbm4b:s2+s20], $0x80, s22, s20, $0xb8;
	[tilespmem:$0x1E800] =	vst v63  }
0x11a: {  	_ =	swait.ge [sflag:s24], $0x2000  }
0x11b: {  	[sflag:s24] =	ssyncset.done $0x0  }
0x11c: {  	[sflag:s24] =	ssyncadd.s32 $0xFFFFE000  }
0x11d: {  	[spmem:s3] =	stream.indirect.scatter.add.f32 [tilespmem:s18], [sflag:$0x5], $0x80, s25, s20, $0xb8;
	[tilespmem:$0x1E800] =	vst v63  }
0x11e: {  	_ =	swait.ge [sflag:s10], $0x2000  }
0x11f: {  	[sflag:s10] =	ssyncset.done $0x0  }
0x120: {  	s13 =	sshra.s32 s15, $0x2;
	[sflag:s10] =	ssyncadd.s32 $0xFFFFE000  }
0x121: {  	v1 =	vld [tilespmem:s13+$0xFFFFFF10];
	_ =	sdelay $0x4  }
0x122: {  	v2 =	vand.u32 $0xFFFF, v1;
	v1 =	vshrl.u32 v1, $0x10  }
0x123: {  	[tilespmem:$0x2900] =	vst v2  }
0x124: {  	[tilespmem:$0x2B00] =	vst v1  }
0x125: {  	v1 =	vld [tilespmem:s13+$0xFFFFFF20];
	_ =	sdelay $0x4  }
0x126: {  	v2 =	vand.u32 $0xFFFF, v1;
	v1 =	vshrl.u32 v1, $0x10  }
0x127: {  	[tilespmem:$0x2910] =	vst v2  }
0x128: {  	[tilespmem:$0x2B10] =	vst v1  }
0x129: {  	v1 =	vld [tilespmem:s13+$0xFFFFFF30];
	_ =	sdelay $0x4  }
0x12a: {  	v2 =	vand.u32 $0xFFFF, v1;
	v1 =	vshrl.u32 v1, $0x10  }
0x12b: {  	[tilespmem:$0x2920] =	vst v2  }
0x12c: {  	[tilespmem:$0x2B20] =	vst v1  }
0x12d: {  	v1 =	vld [tilespmem:s13+$0xFFFFFF40];
	_ =	sdelay $0x4  }
0x12e: {  	v2 =	vand.u32 $0xFFFF, v1;
	v1 =	vshrl.u32 v1, $0x10  }
0x12f: {  	[tilespmem:$0x2930] =	vst v2  }
0x130: {  	[tilespmem:$0x2B30] =	vst v1  }
0x131: {  	[tilespmem:s28], [sflag:$0x3] =	stream.indirect.gather [hbm4b:s2+s20], $0x80, s26, s20, $0xb8;
	[tilespmem:$0x1E800] =	vst v63  }
0x132: {  	_ =	swait.ge [sflag:s29], $0x2000  }
0x133: {  	[sflag:s29] =	ssyncset.done $0x0  }
0x134: {  	[sflag:s29] =	ssyncadd.s32 $0xFFFFE000  }
0x135: {  	[spmem:s3] =	stream.indirect.scatter.add.f32 [tilespmem:s23], [sflag:$0x6], $0x80, s30, s20, $0xb8;
	[tilespmem:$0x1E800] =	vst v63  }
0x136: {  	_ =	swait.ge [sflag:s11], $0x2000  }
0x137: {  	[sflag:s11] =	ssyncset.done $0x0  }
0x138: {  	[sflag:s11] =	ssyncadd.s32 $0xFFFFE000  }
0x139: {  	v1 =	vld [tilespmem:s13+$0xFFFFFF50];
	_ =	sdelay $0x4  }
0x13a: {  	v2 =	vand.u32 $0xFFFF, v1;
	v1 =	vshrl.u32 v1, $0x10  }
0x13b: {  	[tilespmem:$0x2980] =	vst v2  }
0x13c: {  	[tilespmem:$0x2B80] =	vst v1  }
0x13d: {  	v1 =	vld [tilespmem:s13+$0xFFFFFF60];
	_ =	sdelay $0x4  }
0x13e: {  	v2 =	vand.u32 $0xFFFF, v1;
	v1 =	vshrl.u32 v1, $0x10  }
0x13f: {  	[tilespmem:$0x2990] =	vst v2  }
0x140: {  	[tilespmem:$0x2B90] =	vst v1  }
0x141: {  	v1 =	vld [tilespmem:s13+$0xFFFFFF70];
	_ =	sdelay $0x4  }
0x142: {  	v2 =	vand.u32 $0xFFFF, v1;
	v1 =	vshrl.u32 v1, $0x10  }
0x143: {  	[tilespmem:$0x29A0] =	vst v2  }
0x144: {  	[tilespmem:$0x2BA0] =	vst v1  }
0x145: {  	v1 =	vld [tilespmem:s13+$0xFFFFFF80];
	_ =	sdelay $0x4  }
0x146: {  	v2 =	vand.u32 $0xFFFF, v1;
	v1 =	vshrl.u32 v1, $0x10  }
0x147: {  	[tilespmem:$0x29B0] =	vst v2  }
0x148: {  	[tilespmem:$0x2BB0] =	vst v1  }
0x149: {  	[tilespmem:s1], [sflag:$0x4] =	stream.indirect.gather [hbm4b:s2+s20], $0x80, s31, s20, $0xb8;
	[tilespmem:$0x1E800] =	vst v63  }
0x14a: {  	_ =	swait.ge [sflag:s4], $0x2000  }
0x14b: {  	[sflag:s4] =	ssyncset.done $0x0  }
0x14c: {  	[sflag:s4] =	ssyncadd.s32 $0xFFFFE000  }
0x14d: {  	[spmem:s3] =	stream.indirect.scatter.add.f32 [tilespmem:s28], [sflag:$0x7], $0x80, s0, s20, $0xb8;
	[tilespmem:$0x1E800] =	vst v63  }
0x14e: {  	_ =	swait.ge [sflag:s6], $0x2000  }
0x14f: {  	[sflag:s6] =	ssyncset.done $0x0  }
0x150: {  	[sflag:s6] =	ssyncadd.s32 $0xFFFFE000  }
0x151: {  	v1 =	vld [tilespmem:s13+$0xFFFFFF90];
	_ =	sdelay $0x4  }
0x152: {  	v2 =	vand.u32 $0xFFFF, v1;
	v1 =	vshrl.u32 v1, $0x10  }
0x153: {  	[tilespmem:$0x2800] =	vst v2  }
0x154: {  	[tilespmem:$0x2A00] =	vst v1  }
0x155: {  	v1 =	vld [tilespmem:s13+$0xFFFFFFA0];
	_ =	sdelay $0x4  }
0x156: {  	v2 =	vand.u32 $0xFFFF, v1;
	v1 =	vshrl.u32 v1, $0x10  }
0x157: {  	[tilespmem:$0x2810] =	vst v2  }
0x158: {  	[tilespmem:$0x2A10] =	vst v1  }
0x159: {  	v1 =	vld [tilespmem:s13+$0xFFFFFFB0];
	_ =	sdelay $0x4  }
0x15a: {  	v2 =	vand.u32 $0xFFFF, v1;
	v1 =	vshrl.u32 v1, $0x10  }
0x15b: {  	[tilespmem:$0x2820] =	vst v2  }
0x15c: {  	[tilespmem:$0x2A20] =	vst v1  }
0x15d: {  	v1 =	vld [tilespmem:s13+$0xFFFFFFC0];
	_ =	sdelay $0x4  }
0x15e: {  	v2 =	vand.u32 $0xFFFF, v1;
	v1 =	vshrl.u32 v1, $0x10  }
0x15f: {  	[tilespmem:$0x2830] =	vst v2  }
0x160: {  	[tilespmem:$0x2A30] =	vst v1  }
0x161: {  	[tilespmem:s18], [sflag:$0x1] =	stream.indirect.gather [hbm4b:s2+s20], $0x80, s21, s20, $0xb8;
	[tilespmem:$0x1E800] =	vst v63  }
0x162: {  	_ =	swait.ge [sflag:s7], $0x2000  }
0x163: {  	[sflag:s7] =	ssyncset.done $0x0  }
0x164: {  	[sflag:s7] =	ssyncadd.s32 $0xFFFFE000  }
0x165: {  	[spmem:s3] =	stream.indirect.scatter.add.f32 [tilespmem:s1], [sflag:$0x8], $0x80, s8, s20, $0xb8;
	[tilespmem:$0x1E800] =	vst v63  }
0x166: {  	_ =	swait.ge [sflag:s9], $0x2000  }
0x167: {  	[sflag:s9] =	ssyncset.done $0x0  }
0x168: {  	[sflag:s9] =	ssyncadd.s32 $0xFFFFE000  }
0x169: {  	v1 =	vld [tilespmem:s13+$0xFFFFFFD0];
	_ =	sdelay $0x4  }
0x16a: {  	v2 =	vand.u32 $0xFFFF, v1;
	v1 =	vshrl.u32 v1, $0x10  }
0x16b: {  	[tilespmem:$0x2880] =	vst v2  }
0x16c: {  	[tilespmem:$0x2A80] =	vst v1  }
0x16d: {  	v1 =	vld [tilespmem:s13+$0xFFFFFFE0];
	_ =	sdelay $0x2  }
.Ltmp1:
0x16e: {  	(pc) =	sbr.rel @p0 .LBB2_4-.Ltmp1, $4  }
0x16f: {  	_ = 	snop  }
0x170: {  	v2 =	vand.u32 $0xFFFF, v1;
	v1 =	vshrl.u32 v1, $0x10  }
0x171: {  	[tilespmem:$0x2890] =	vst v2  }
0x172: {  	[tilespmem:$0x2A90] =	vst v1  }
0x173: {  	v1 =	vld [tilespmem:s13+$0xFFFFFFF0];
	_ =	sdelay $0x4  }
0x174: {  	v2 =	vand.u32 $0xFFFF, v1  }
0x175: {  	v1 =	vshrl.u32 v1, $0x10;
	[tilespmem:$0x28A0] =	vst v2  }
0x176: {  	[tilespmem:$0x2AA0] =	vst v1  }
0x177: {  	v1 =	vld [tilespmem:s13+$0x0];
	_ =	sdelay $0x4  }
0x178: {  	v2 =	vand.u32 $0xFFFF, v1  }
0x179: {  	v1 =	vshrl.u32 v1, $0x10;
	[tilespmem:$0x28B0] =	vst v2  }
0x17a: {  	[tilespmem:$0x2AB0] =	vst v1  }
0x17b: {  	[tilespmem:s23], [sflag:$0x2] =	stream.indirect.gather [hbm4b:s2+s20], $0x80, s22, s20, $0xb8;
	[tilespmem:$0x1E800] =	vst v63  }
0x17c: {  	_ =	swait.ge [sflag:s24], $0x2000  }
0x17d: {  	[sflag:s24] =	ssyncset.done $0x0  }
0x17e: {  	[sflag:s24] =	ssyncadd.s32 $0xFFFFE000  }
0x17f: {  	[spmem:s3] =	stream.indirect.scatter.add.f32 [tilespmem:s18], [sflag:$0x5], $0x80, s25, s20, $0xb8;
	[tilespmem:$0x1E800] =	vst v63  }
0x180: {  	_ =	swait.ge [sflag:s10], $0x2000  }
0x181: {  	[sflag:s10] =	ssyncset.done $0x0  }
0x182: {  	[sflag:s10] =	ssyncadd.s32 $0xFFFFE000  }
0x183: {  	v1 =	vld [tilespmem:$0x2780];
	_ =	sdelay $0x1  }
0x184: {  	v2 =	vld [tilespmem:$0x2790];
	_ =	sdelay $0x1  }
0x185: {  	v3 =	vld [tilespmem:$0x27A0]  }
0x186: {  	v4 =	vand.u32 $0xFFFF, v1  }
0x187: {  	v61 =	vld [tilespmem:$0x27B0];
	v1 =	vshrl.u32 v1, $0x10;
	[tilespmem:$0x2900] =	vst v4  }
0x188: {  	[tilespmem:$0x2B00] =	vst v1;
	v1 =	vand.u32 $0xFFFF, v2  }
0x189: {  	[tilespmem:$0x2910] =	vst v1;
	v1 =	vshrl.u32 v2, $0x10  }
0x18a: {  	[tilespmem:$0x2B10] =	vst v1;
	v1 =	vand.u32 $0xFFFF, v3  }
0x18b: {  	[tilespmem:$0x2920] =	vst v1;
	v1 =	vshrl.u32 v3, $0x10  }
0x18c: {  	[tilespmem:$0x2B20] =	vst v1;
	v1 =	vand.u32 $0xFFFF, v61  }
0x18d: {  	[tilespmem:$0x2930] =	vst v1;
	v1 =	vshrl.u32 v61, $0x10  }
0x18e: {  	[tilespmem:$0x2B30] =	vst v1  }
0x18f: {  	[tilespmem:s28], [sflag:$0x3] =	stream.indirect.gather [hbm4b:s2+s20], $0x80, s26, s20, $0xb8;
	[tilespmem:$0x1E800] =	vst v63  }
0x190: {  	_ =	swait.ge [sflag:s29], $0x2000  }
0x191: {  	[sflag:s29] =	ssyncset.done $0x0  }
0x192: {  	[sflag:s29] =	ssyncadd.s32 $0xFFFFE000  }
0x193: {  	[spmem:s3] =	stream.indirect.scatter.add.f32 [tilespmem:s23], [sflag:$0x6], $0x80, s30, s20, $0xb8;
	[tilespmem:$0x1E800] =	vst v63  }
0x194: {  	_ =	swait.ge [sflag:s11], $0x2000  }
0x195: {  	[sflag:s11] =	ssyncset.done $0x0  }
0x196: {  	[sflag:s11] =	ssyncadd.s32 $0xFFFFE000  }
0x197: {  	v1 =	vld [tilespmem:$0x27C0];
	_ =	sdelay $0x1  }
0x198: {  	v2 =	vld [tilespmem:$0x27D0];
	_ =	sdelay $0x1  }
0x199: {  	v3 =	vld [tilespmem:$0x27E0]  }
0x19a: {  	v62 =	vand.u32 $0xFFFF, v1  }
0x19b: {  	v63 =	vld [tilespmem:$0x27F0];
	v1 =	vshrl.u32 v1, $0x10;
	[tilespmem:$0x2980] =	vst v62  }
0x19c: {  	[tilespmem:$0x2B80] =	vst v1;
	v1 =	vand.u32 $0xFFFF, v2  }
0x19d: {  	[tilespmem:$0x2990] =	vst v1;
	v1 =	vshrl.u32 v2, $0x10  }
0x19e: {  	[tilespmem:$0x2B90] =	vst v1;
	v1 =	vand.u32 $0xFFFF, v3  }
0x19f: {  	[tilespmem:$0x29A0] =	vst v1;
	v1 =	vshrl.u32 v3, $0x10  }
0x1a0: {  	[tilespmem:$0x2BA0] =	vst v1;
	v1 =	vand.u32 $0xFFFF, v63  }
0x1a1: {  	[tilespmem:$0x29B0] =	vst v1;
	v1 =	vshrl.u32 v63, $0x10  }
0x1a2: {  	[tilespmem:$0x2BB0] =	vst v1  }
0x1a3: {  	[tilespmem:s1], [sflag:$0x4] =	stream.indirect.gather [hbm4b:s2+s20], $0x80, s31, s20, $0xb8;
	[tilespmem:$0x1E800] =	vst v63  }
0x1a4: {  	_ =	swait.ge [sflag:s4], $0x2000  }
0x1a5: {  	[sflag:s4] =	ssyncset.done $0x0  }
0x1a6: {  	[sflag:s4] =	ssyncadd.s32 $0xFFFFE000  }
0x1a7: {  	[spmem:s3] =	stream.indirect.scatter.add.f32 [tilespmem:s28], [sflag:$0x7], $0x80, s0, s20, $0xb8;
	[tilespmem:$0x1E800] =	vst v63  }
0x1a8: {  	_ =	swait.ge [sflag:s6], $0x2000  }
0x1a9: {  	[sflag:s6] =	ssyncset.done $0x0  }
0x1aa: {  	[sflag:s6] =	ssyncadd.s32 $0xFFFFE000  }
0x1ab: {  	_ =	swait.ge [sflag:s7], $0x2000  }
0x1ac: {  	[sflag:s7] =	ssyncset.done $0x0  }
0x1ad: {  	[sflag:s7] =	ssyncadd.s32 $0xFFFFE000  }
0x1ae: {  	[spmem:s3] =	stream.indirect.scatter.add.f32 [tilespmem:s1], [sflag:$0x8], $0x80, s8, s20, $0xb8;
	[tilespmem:$0x1E800] =	vst v63  }
0x1af: {  	_ =	swait.ge [sflag:s9], $0x2000  }
0x1b0: {  	[sflag:s9] =	ssyncset.done $0x0  }
0x1b1: {  	[sflag:s9] =	ssyncadd.s32 $0xFFFFE000  }
0x1b2: {  	_ =	swait.ge [sflag:s10], $0x2000  }
0x1b3: {  	[sflag:s10] =	ssyncset.done $0x0  }
0x1b4: {  	[sflag:s10] =	ssyncadd.s32 $0xFFFFE000  }
0x1b5: {  	_ =	swait.ge [sflag:s11], $0x2000  }
0x1b6: {  	[sflag:s11] =	ssyncset.done $0x0  }
0x1b7: {  	s14 =	stileid.u32;
	[sflag:s11] =	ssyncadd.s32 $0xFFFFE000  }
0x1b8: {  	s13 =	sshll.u32 s14, $0x6;
	[bflag:$0x0] =	sbarrier.arrive $0xFFFF  }
0x1b9: {  	s14 =	sshrl.u32 s5, $0x3;
	s13 =	sor.u32 $0x1C09, s13;
	s15 =	rddreg [dreg:$0x6]  }
0x1ba: {  	[hbm:s15], [sflag:s13] =	dma.local [spmem:s14], $0x2780  }
0x1bb: {  	_ =	swait.ge [sflag:s19], $0x2780  }
0x1bc: {  	s12 =	sadd.s32 $0x1, s12;
	s15 =	rddreg [dreg:$0x7]  }
0x1bd: {  	p0 =	sne.s32 s12, s15  }
.Ltmp2:
0x1be: {  	_ = 	snop;
	(pc) =	sbr.rel @p0 .LBB2_1-.Ltmp2, $3  }
0x1bf: {  	_ =	sdelay $0x1  }
0x1c0: {  	[sflag:s19] =	ssyncset.done $0x0  }
0x1c1: {  	[sflag:s19] =	ssyncadd.s32 $0xFFFFD880  }
0x1c2: {  	_ =	sfence.sel $0x180000  }
0x1c3: {  	[bflag:$0x0] =	sbarrier.arrive $0xFFFF  }
0x1c4: {  	_ =	strace $0x9000004D  }
0x1c5: {  	s0 =	stileid.u32;
	[bflag:$0x2] =	sbarrier.arrive $0xFFFF  }
0x1c6: {  	p0 =	sne.s32 s0, $0x0;
	s0 =	rddreg [dreg:$0x3]  }
0x1c7: {  	s0 =	sadd.s32 @!p0 $0x100000, s0  }
0x1c8: {  	[sflag:s0] =	ssyncadd.tile.s32 @!p0 $0x1;
	_ =	shalt  }
.Lfunc_end2:
_tile_overlayer_lowered:
.L_overlay_start_2:
0x1c9: {  	(tag) =	ssettag $0x2  }
0x1ca: {  	s0 =	rddreg [dreg:$0x0];
	s2 =	stileid.u32  }
0x1cb: {  	s1 =	rddreg [dreg:$0x1];
	p0 =	sne.s32 s2, $0x0  }
0x1cc: {  	s3 =	rddreg [dreg:$0x2];
	[bflag:$0x3] =	sbarrier.arrive $0xFFFF;
	s2 =	simm.s32 @!p0 $0x1C09  }
0x1cd: {  	[timem:s3], [sflag:s2] =	dma.local @!p0 [hbm:s0], s1  }
0x1ce: {  	s0 =	simm.s32 @!p0 $0x9  }
0x1cf: {  	_ =	swait.ge @!p0 [sflag:s0], s1  }
0x1d0: {  	s1 =	ssub.s32 @!p0 $0x0, s1;
	[sflag:s0] =	ssyncset.done @!p0 $0x0  }
0x1d1: {  	[sflag:s0] =	ssyncadd.s32 @!p0 s1  }
0x1d2: {  	[bflag:$0x3] =	sbarrier.arrive $0xFFFF  }
0x1d3: {  	_ =	shalt  }

// kernel: kernel.7.cloned.1.call-start
scs
__scs_entry_jumppad:
0x0: {  	(pc) =	sbr.rel $0x88, $3  }
0x1: {  	(tag) =	ssettag $0x0;
	lr =	simm.s32 $0x1  }
0x2: {  	[smem:$0x3F99] =	sst lr;
	_ =	strace $0xD0000000  }
0x3: {  	_ = 	snop  }
0x4: {  	_ = 	snop  }
0x5: {  	_ = 	snop  }
0x6: {  	_ = 	snop  }
0x7: {  	_ = 	snop  }
__scs_overlays_trampoline_lowered:
0x8: {  	[smem:$0x3FA8] =	sst s0  }
0x9: {  	[smem:$0x3FA9] =	sst s1  }
0xa: {  	[smem:$0x3FAA] =	sst s2  }
0xb: {  	[smem:$0x3FAB] =	sst s3  }
0xc: {  	[smem:$0x3FAC] =	sst s4  }
0xd: {  	[smem:$0x3FAD] =	sst s5  }
0xe: {  	[smem:$0x3FAE] =	sst s6  }
0xf: {  	[smem:$0x3FAF] =	sst s7  }
0x10: {  	[smem:$0x3FB0] =	sst s8  }
0x11: {  	[smem:$0x3FB1] =	sst s9;
	s0 =	simm.s32 @!p0 $0x0  }
0x12: {  	s1 =	sld [smem:$0x3F97];
	s0 =	simm.s32 @p0 $0x1  }
0x13: {  	[smem:$0x3FB2] =	sst s0;
	s0 =	simm.s32 @!p1 $0x0  }
0x14: {  	s2 =	sld [smem:$0x3F96];
	s0 =	simm.s32 @p1 $0x1  }
0x15: {  	[smem:$0x3FB3] =	sst s0;
	s0 =	simm.s32 @!p2 $0x0  }
0x16: {  	s3 =	sld [smem:$0x3FDB];
	s0 =	simm.s32 @p2 $0x1  }
0x17: {  	s4 =	simm.s32 $0x1BF5;
	[smem:$0x3FB5] =	sst s0  }
0x18: {  	s0 =	sld [smem:$0x3F98];
	_ =	swait.ge [sflag:s4], $0x0  }
0x19: {  	s7 =	sld [smem:$0x3F99]  }
0x1a: {  	s8 =	sadd.s32 $0xFFFFE003, lr  }
0x1b: {  	s9 =	sadd.s32 $0xFFFFFEF7, lr;
	s5 =	simm.s32 $0xFFFFFFFF;
	p2 =	slt.u32 s8, $0xFFFFF086  }
0x1c: {  	p1 =	slt.u32 s9, $0xF7A;
	s5 =	simm.s32 @!p2 $0x0  }
0x1d: {  	s5 =	simm.s32 @p1 $0x1;
	p0 =	seq.s32 s7, s2  }
0x1e: {  	s7 =	smul.u32 @!p0 $0xF7A, s2;
	p2 =	seq.s32 @!p0 s5, $0x0  }
0x1f: {  	s9 =	smul.u32 $0xF7A, s1;
	s8 =	simm.s32 @!p0 $0x1BF5;
	p2 =	por !p2, p0  }
0x20: {  	[sflag:s8] =	ssyncset.s32 @!p0 $0xFFFFF086;
	s6 =	sadd.s32 @!p0 s3, s7;
	s7 =	simm.s32 @!p0 $0x108  }
0x21: {  	s3 =	sadd.s32 s3, s9;
	s6 =	sadd.s32 @!p0 $0x88, s6;
	s7 =	simm.s32 @p2 $0x1082  }
0x22: {  	[simem:s7], [sflag:s8] =	dma.local @!p0 [hbm:s6], $0xF7A  }
0x23: {  	s9 =	sor.u32 $0xD0000000, s2;
	s6 =	simm.s32 $0x108;
	_ =	swait.ge @!p0 [sflag:s8], $0x0  }
0x24: {  	s3 =	sadd.s32 $0x88, s3;
	s6 =	simm.s32 @!p1 $0x1082;
	[sflag:s4] =	ssyncset.s32 $0xFFFFF086  }
0x25: {  	[simem:s6], [sflag:s4] =	dma.local [hbm:s3], $0xF7A  }
0x26: {  	[smem:$0x3F99] =	sst s1;
	(tag) =	ssettag s2;
	_ =	strace s9  }
0x27: {  	s1 =	sld [smem:$0x3FA9]  }
0x28: {  	s2 =	sld [smem:$0x3FAA]  }
0x29: {  	s4 =	sld [smem:$0x3FAC]  }
0x2a: {  	p0 =	seq.s32 s5, $0x0;
	s5 =	sld [smem:$0x3FAD]  }
0x2b: {  	s6 =	sld [smem:$0x3FAE]  }
0x2c: {  	s7 =	sld [smem:$0x3FAF]  }
0x2d: {  	s3 =	simm.s32 $0x108;
	s8 =	sld [smem:$0x3FB0]  }
0x2e: {  	s3 =	simm.s32 @!p0 $0x1082;
	s9 =	sld [smem:$0x3FB1]  }
0x2f: {  	lr =	sadd.s32 s0, s3;
	s0 =	sld [smem:$0x3FA8]  }
0x30: {  	s3 =	sld [smem:$0x3FAB]  }
0x31: {  	[smem:$0x3FB4] =	sst s10  }
0x32: {  	s10 =	sld [smem:$0x3FB2];
	_ =	sdelay $0x3  }
0x33: {  	p0 =	seq.s32 s10, $0x1;
	s10 =	sld [smem:$0x3FB4];
	_ =	sdelay $0x3  }
0x34: {  	[smem:$0x3FB4] =	sst s10  }
0x35: {  	s10 =	sld [smem:$0x3FB3];
	_ =	sdelay $0x3  }
0x36: {  	p1 =	seq.s32 s10, $0x1;
	s10 =	sld [smem:$0x3FB4];
	_ =	sdelay $0x3  }
0x37: {  	[smem:$0x3FB4] =	sst s10  }
0x38: {  	s10 =	sld [smem:$0x3FB5]  }
0x39: {  	_ = 	snop;
	(pc) =	sbr.ind lr, $3  }
0x3a: {  	_ = 	snop  }
0x3b: {  	_ = 	snop  }
0x3c: {  	p2 =	seq.s32 s10, $0x1;
	s10 =	sld [smem:$0x3FB4]  }
0x3d: {  	_ =	shalt  }
0x3e: {  	_ =	shalt  }
0x3f: {  	_ =	shalt  }
0x40: {  	_ =	shalt  }
0x41: {  	_ =	shalt  }
0x42: {  	_ =	shalt  }
0x43: {  	_ =	shalt  }
0x44: {  	_ =	shalt  }
0x45: {  	_ =	shalt  }
0x46: {  	_ =	shalt  }
0x47: {  	_ =	shalt  }
0x48: {  	_ =	shalt  }
0x49: {  	_ =	shalt  }
0x4a: {  	_ =	shalt  }
0x4b: {  	_ =	shalt  }
0x4c: {  	_ =	shalt  }
0x4d: {  	_ =	shalt  }
0x4e: {  	_ =	shalt  }
0x4f: {  	_ =	shalt  }
0x50: {  	_ =	shalt  }
0x51: {  	_ =	shalt  }
0x52: {  	_ =	shalt  }
0x53: {  	_ =	shalt  }
0x54: {  	_ =	shalt  }
0x55: {  	_ =	shalt  }
0x56: {  	_ =	shalt  }
0x57: {  	_ =	shalt  }
0x58: {  	_ =	shalt  }
0x59: {  	_ =	shalt  }
0x5a: {  	_ =	shalt  }
0x5b: {  	_ =	shalt  }
0x5c: {  	_ =	shalt  }
0x5d: {  	_ =	shalt  }
0x5e: {  	_ =	shalt  }
0x5f: {  	_ =	shalt  }
0x60: {  	_ =	shalt  }
0x61: {  	_ =	shalt  }
0x62: {  	_ =	shalt  }
0x63: {  	_ =	shalt  }
0x64: {  	_ =	shalt  }
0x65: {  	_ =	shalt  }
0x66: {  	_ =	shalt  }
0x67: {  	_ =	shalt  }
0x68: {  	_ =	shalt  }
0x69: {  	_ =	shalt  }
0x6a: {  	_ =	shalt  }
0x6b: {  	_ =	shalt  }
0x6c: {  	_ =	shalt  }
0x6d: {  	_ =	shalt  }
0x6e: {  	_ =	shalt  }
0x6f: {  	_ =	shalt  }
0x70: {  	_ =	shalt  }
0x71: {  	_ =	shalt  }
0x72: {  	_ =	shalt  }
0x73: {  	_ =	shalt  }
0x74: {  	_ =	shalt  }
0x75: {  	_ =	shalt  }
0x76: {  	_ =	shalt  }
0x77: {  	_ =	shalt  }
0x78: {  	_ =	shalt  }
0x79: {  	_ =	shalt  }
0x7a: {  	_ =	shalt  }
0x7b: {  	_ =	shalt  }
0x7c: {  	_ =	shalt  }
0x7d: {  	_ =	shalt  }
0x7e: {  	_ =	shalt  }
0x7f: {  	_ =	shalt  }
0x80: {  	_ =	shalt  }
0x81: {  	_ =	shalt  }
0x82: {  	_ =	shalt  }
0x83: {  	_ =	shalt  }
0x84: {  	_ =	shalt  }
0x85: {  	_ =	shalt  }
0x86: {  	_ =	shalt  }
0x87: {  	_ =	shalt  }
.Lfunc_end0:
.L_simem_size_0:
called_computation_lowered:
.L_overlay_start_0:
0x88: {  	s2 =	sld [smem:$0x3FD9]  }
0x89: {  	s3 =	sld [smem:$0x3FFE];
	_ =	sdelay $0x1  }
0x8a: {  	s1 =	srdreg.scid  }
0x8b: {  	s0 =	sand.u32 $0x1, s1  }
0x8c: {  	s16 =	sshll.u32 s0, $0xA;
	s2 =	sadd.s32 s3, s2  }
0x8d: {  	s2 =	sadd.s32 s2, s16  }
0x8e: {  	[smem:$0x3FC0] =	sst s2  }
0x8f: {  	_ = 	snop  }
0x90: {  	(tm) =	ssettm $0x1  }
0x91: {  	s17 =	sld [smem:$0x3FFB];
	_ =	sdelay $0x3  }
0x92: {  	_ =	strace s17  }
0x93: {  	s2 =	sld [smem:$0x3FFC];
	_ =	sdelay $0x3  }
0x94: {  	_ =	strace s2  }
0x95: {  	s2 =	sld [smem:$0x3FFD];
	_ =	sdelay $0x3  }
0x96: {  	_ =	strace s2  }
0x97: {  	_ =	strace $0x8FFFFFFF  }
0x98: {  	s18 =	sld [smem:$0x3FDB];
	_ =	sdelay $0x1  }
0x99: {  	s19 =	simm.s32 $_scs_section_size  }
0x9a: {  	s4 =	simm.s32 $_size__tile_overlayer_lowered;
	s5 =	simm.s32 $_tile_overlayer_lowered  }
0x9b: {  	s22 =	simm.s32 $0x1BFF;
	s21 =	sshll.u32 s5, $0x1;
	s2 =	sadd.s32 s19, s18  }
0x9c: {  	s6 =	simm.s32 $0x0;
	s20 =	sshll.u32 s4, $0x1;
	s4 =	sadd.s32 s21, s2  }
0x9d: {  	[timem:s6], [sflag:s22] =	dma.local [hbm:s4], s20  }
0x9e: {  	_ =	swait.ge [sflag:s22], s20  }
0x9f: {  	s3 =	ssub.s32 $0x0, s20;
	[sflag:s22] =	ssyncset.done $0x0  }
0xa0: {  	[sflag:s22] =	ssyncadd.s32 s3;
	_ =	sdelay $0x1  }
0xa1: {  	s23 =	simm.s32 $0x1B8B  }
0xa2: {  	_ =	swait.ge [sflag:s23], $0x1  }
0xa3: {  	[sflag:s23] =	ssyncset.done $0x0  }
0xa4: {  	s25 =	simm.s32 $0x1B8E;
	s24 =	sld [smem:$0x3FFE];
	[sflag:s23] =	ssyncadd.s32 $0xFFFFFFFF  }
0xa5: {  	s26 =	simm.s32 $execute0_lowered;
	[smem:$0x3FD2] =	sst s25  }
0xa6: {  	s4 =	sshll.u32 s26, $0x1;
	_ =	strace $0x80000046;
	[dreg:$0x1] =	wrdreg $0xFFFFFFFF  }
0xa7: {  	s28 =	simm.s32 $_size_execute0_lowered;
	s2 =	sadd.s32 s2, s4;
	[dreg:$0x0] =	wrdreg $0x0  }
0xa8: {  	s4 =	sshll.u32 s28, $0x1;
	[dreg:$0x2] =	wrdreg s2  }
0xa9: {  	[dreg:$0x3] =	wrdreg s4  }
0xaa: {  	[dreg:$0x4] =	wrdreg $0xC0  }
0xab: {  	_ =	task [dreg:s6], $0x5FFFF  }
0xac: {  	[dreg:$0x1] =	wrdreg $0xFFFFFFFF  }
0xad: {  	[dreg:$0x0] =	wrdreg $0x60  }
0xae: {  	[dreg:$0x2] =	wrdreg s24  }
0xaf: {  	[dreg:$0x3] =	wrdreg $0x69000  }
0xb0: {  	[dreg:$0x4] =	wrdreg $0x9  }
0xb1: {  	_ =	task.clear_ibuf [dreg:s6], $0x5FFFF;
	_ =	strace $0x90000046  }
0xb2: {  	s29 =	simm.s32 $0x9;
	_ =	strace $0x80000048  }
0xb3: {  	_ =	swait.ge [sflag:s29], $0x1  }
0xb4: {  	[sflag:s29] =	ssyncadd.s32 $0xFFFFFFFF  }
0xb5: {  	_ =	strace $0x90000048  }
0xb6: {  	_ =	sfence  }
0xb7: {  	s30 =	sld [smem:$0x0];
	_ =	sdelay $0x2  }
0xb8: {  	s31 =	sshll.u32 s1, $0xD;
	s1 =	sshrl.u32 s1, $0x2  }
0xb9: {  	s3 =	sand.u32 $0x4000, s31;
	s1 =	sadd.s32 s1, s30  }
0xba: {  	s0 =	sor.u32 s3, s0;
	s1 =	sshll.u32 s1, $0x11  }
0xbb: {  	s0 =	sor.u32 s1, s0  }
0xbc: {  	s0 =	sadd.s32 $0x8F2B, s0  }
0xbd: {  	[sflag:s0] =	ssyncadd.remote.s32 $0x1  }
0xbe: {  	_ =	sfence.sel $0xFFFF  }
0xbf: {  	[dreg:$0x0] =	wrdreg $0xFFFFFFFF;
	(pc) =	sbr.abs _section_cstart, $3  }
0xc0: {  	[dreg:$0x1] =	wrdreg $0xFFFFFFFF  }
0xc1: {  	_ =	task.clear_ibuf [dreg:s6], $0x2FFFF;
	_ =	strace $0x9FFFFFFF  }
0xc2: {  	(tm) =	ssettm $0x7FFFFFFF  }
0xc3: {  	_ =	shalt  }
tec
execute0_lowered:
.L_overlay_start_1:
0x0: {  	(tag) =	ssettag $0x1  }
0x1: {  	s1 =	srdreg.scid  }
0x2: {  	s0 =	stileid.u32;
	s5 =	rddreg [dreg:$0x0]  }
0x3: {  	s2 =	rddreg [dreg:$0x1];
	s3 =	simm.s32 $0x0;
	s12 =	simm.s32 $0x1  }
0x4: {  	s13 =	simm.s32 $0x2900;
	s14 =	simm.s32 $0x80;
	s15 =	simm.s32 $0x2800  }
0x5: {  	s18 =	simm.s32 $0x0;
	s4 =	sand.u32 $0x1, s1;
	s8 =	smul.u32 $0x13C00, s0  }
0x6: {  	s30 =	sshll.u32 s0, $0x1;
	[smem:$0x7FF] =	sst s3;
	s9 =	smul.u32 $0x4F000, s0  }
0x7: {  	s16 =	sshll.u32 s0, $0x6;
	s1 =	sor.u32 s4, s30;
	s7 =	smul.u32 $0x13C000, s4  }
0x8: {  	s4 =	ssub.s32 $0x2, s4;
	s16 =	sor.u32 $0x1C01, s16;
	s6 =	smul.u32 $0x500, s1  }
0x9: {  	s1 =	rddreg [dreg:$0x2];
	_ =	strace $0x80000047;
	s31 =	sshrl.u32 s4, $0x1  }
0xa: {  	s9 =	sshrl.u32 s9, $0x2;
	s7 =	sadd.s32 s8, s7;
	s8 =	ssub.s32 s4, s31  }
0xb: {  	s4 =	sadd.s32 s9, s2;
	s6 =	sadd.s32 s6, s5;
	s7 =	sshrl.u32 s7, $0x3  }
0xc: {  	s8 =	smax.u32 s8, $0x1;
	s9 =	sadd.s32 $0x4000, s4;
	s10 =	sadd.s32 $0x8000, s4  }
0xd: {  	s11 =	sadd.s32 $0xC000, s4;
	s17 =	sshrl.u32 s4, $0x3;
	s7 =	sadd.s32 s7, s5  }
0xe: {  	v0 =	vimm.f32 $0.0e+00;
	v1 =	vimm.f32 $1.000000000e+00;
	s5 =	sadd.s32 $0x1E00, s6;
	s6 =	sadd.s32 $0x10000, s4;
	s7 =	sadd.s32 $0xBE00, s7  }
.LBB2_1:
0xf: {  	[tilespmem:s3], [sflag:$0x1] =	stream.linear.gather [hbm4b:s5+s3], $0x2800, $0x38;
	[tilespmem:$0x1A500] =	vst v63  }
0x10: {  	_ =	swait.ge [sflag:s12], $0x2800  }
0x11: {  	[sflag:s12] =	ssyncset.done $0x0  }
0x12: {  	s19 =	simm.s32 $0x0;
	s20 =	simm.s32 $0x200;
	[sflag:s12] =	ssyncadd.s32 $0xFFFFD800  }
.LBB2_2:
0x13: {  	p0 =	sne.s32 s20, $0xFE00;
	[tilespmem:s19+$0x2970] =	vst v0  }
0x14: {  	[tilespmem:s19+$0x2900] =	vst v0  }
0x15: {  	[tilespmem:s19+$0x2910] =	vst v0  }
.Ltmp0:
0x16: {  	[tilespmem:s19+$0x2920] =	vst v0;
	(pc) =	sbr.rel @p0 .LBB2_2-.Ltmp0, $4  }
0x17: {  	[tilespmem:s19+$0x2930] =	vst v0  }
0x18: {  	[tilespmem:s19+$0x2940] =	vst v0  }
0x19: {  	[tilespmem:s19+$0x2950] =	vst v0  }
0x1a: {  	[tilespmem:s19+$0x2960] =	vst v0;
	s19 =	sshra.s32 s20, $0x2;
	s20 =	sadd.s32 $0x200, s20  }
0x1b: {  	[tilespmem:s19+$0x2970] =	vst v0  }
0x1c: {  	[tilespmem:s19+$0x2900] =	vst v0  }
0x1d: {  	[tilespmem:s19+$0x2910] =	vst v0  }
0x1e: {  	[tilespmem:s19+$0x2920] =	vst v0  }
0x1f: {  	[tilespmem:s19+$0x2930] =	vst v0  }
0x20: {  	[tilespmem:s19+$0x2940] =	vst v0  }
0x21: {  	[tilespmem:s19+$0x2950] =	vst v0  }
0x22: {  	[tilespmem:s19+$0x2960] =	vst v0  }
0x23: {  	[spmem:s4] =	stream.linear.scatter [tilespmem:s13], [sflag:$0x1], $0x4000, $0x38;
	[tilespmem:$0x1A500] =	vst v63  }
0x24: {  	_ =	swait.ge [sflag:s12], $0x4000  }
0x25: {  	[sflag:s12] =	ssyncset.done $0x0  }
0x26: {  	[sflag:s12] =	ssyncadd.s32 $0xFFFFC000  }
0x27: {  	[spmem:s9] =	stream.linear.scatter [tilespmem:s13], [sflag:$0x1], $0x4000, $0x38;
	[tilespmem:$0x1A500] =	vst v63  }
0x28: {  	_ =	swait.ge [sflag:s12], $0x4000  }
0x29: {  	[sflag:s12] =	ssyncset.done $0x0  }
0x2a: {  	[sflag:s12] =	ssyncadd.s32 $0xFFFFC000  }
0x2b: {  	[spmem:s10] =	stream.linear.scatter [tilespmem:s13], [sflag:$0x1], $0x4000, $0x38;
	[tilespmem:$0x1A500] =	vst v63  }
0x2c: {  	_ =	swait.ge [sflag:s12], $0x4000  }
0x2d: {  	[sflag:s12] =	ssyncset.done $0x0  }
0x2e: {  	[sflag:s12] =	ssyncadd.s32 $0xFFFFC000  }
0x2f: {  	[spmem:s11] =	stream.linear.scatter [tilespmem:s13], [sflag:$0x1], $0x4000, $0x38;
	[tilespmem:$0x1A500] =	vst v63  }
0x30: {  	_ =	swait.ge [sflag:s12], $0x4000  }
0x31: {  	[sflag:s12] =	ssyncset.done $0x0  }
0x32: {  	[sflag:s12] =	ssyncadd.s32 $0xFFFFC000  }
0x33: {  	[spmem:s6] =	stream.linear.scatter [tilespmem:s13], [sflag:$0x1], $0x3C00, $0x38;
	[tilespmem:$0x1A500] =	vst v63  }
0x34: {  	_ =	swait.ge [sflag:s12], $0x3C00  }
0x35: {  	[sflag:s12] =	ssyncset.done $0x0  }
0x36: {  	s19 =	simm.s32 $0x0;
	s20 =	simm.s32 $0x200;
	[sflag:s12] =	ssyncadd.s32 $0xFFFFC400  }
.LBB2_4:
0x37: {  	p0 =	sne.s32 s20, $0xFE00;
	[tilespmem:s19+$0x2970] =	vst v1  }
0x38: {  	[tilespmem:s19+$0x2900] =	vst v1  }
0x39: {  	[tilespmem:s19+$0x2910] =	vst v1  }
.Ltmp1:
0x3a: {  	[tilespmem:s19+$0x2920] =	vst v1;
	(pc) =	sbr.rel @p0 .LBB2_4-.Ltmp1, $4  }
0x3b: {  	[tilespmem:s19+$0x2930] =	vst v1  }
0x3c: {  	[tilespmem:s19+$0x2940] =	vst v1  }
0x3d: {  	[tilespmem:s19+$0x2950] =	vst v1  }
0x3e: {  	[tilespmem:s19+$0x2960] =	vst v1;
	s19 =	sshra.s32 s20, $0x2;
	s20 =	sadd.s32 $0x200, s20  }
0x3f: {  	[tilespmem:s19+$0x2970] =	vst v1  }
0x40: {  	[tilespmem:s19+$0x2900] =	vst v1  }
0x41: {  	[tilespmem:s19+$0x2910] =	vst v1  }
0x42: {  	[tilespmem:s19+$0x2920] =	vst v1  }
0x43: {  	[tilespmem:s19+$0x2930] =	vst v1  }
0x44: {  	[tilespmem:s19+$0x2940] =	vst v1  }
0x45: {  	[tilespmem:s19+$0x2950] =	vst v1  }
0x46: {  	[tilespmem:s19+$0x2960] =	vst v1  }
0x47: {  	s31 =	simm.s32 $0x0;
	[bflag:$0x0] =	sbarrier.arrive $0xFFFF  }
0x48: {  	v2 =	vld [tilespmem:s31+$0x0];
	_ =	sdelay $0x4  }
0x49: {  	v2 =	vshrl.u32 v2, $0x10  }
0x4a: {  	[tilespmem:$0x2800] =	vst v2  }
0x4b: {  	v2 =	vld [tilespmem:s31+$0x10];
	_ =	sdelay $0x4  }
0x4c: {  	v2 =	vshrl.u32 v2, $0x10  }
0x4d: {  	[tilespmem:$0x2810] =	vst v2  }
0x4e: {  	v2 =	vld [tilespmem:s31+$0x20];
	_ =	sdelay $0x4  }
0x4f: {  	v2 =	vshrl.u32 v2, $0x10  }
0x50: {  	[tilespmem:$0x2820] =	vst v2  }
0x51: {  	v2 =	vld [tilespmem:s31+$0x30];
	_ =	sdelay $0x4  }
0x52: {  	v2 =	vshrl.u32 v2, $0x10  }
0x53: {  	[tilespmem:$0x2830] =	vst v2  }
0x54: {  	v2 =	vld [tilespmem:s31+$0x40];
	_ =	sdelay $0x4  }
0x55: {  	v2 =	vshrl.u32 v2, $0x10  }
0x56: {  	[tilespmem:$0x2840] =	vst v2  }
0x57: {  	v2 =	vld [tilespmem:s31+$0x50];
	_ =	sdelay $0x4  }
0x58: {  	v2 =	vshrl.u32 v2, $0x10  }
0x59: {  	[tilespmem:$0x2850] =	vst v2  }
0x5a: {  	v2 =	vld [tilespmem:s31+$0x60];
	_ =	sdelay $0x4  }
0x5b: {  	v2 =	vshrl.u32 v2, $0x10  }
0x5c: {  	[tilespmem:$0x2860] =	vst v2  }
0x5d: {  	v2 =	vld [tilespmem:s31+$0x70];
	_ =	sdelay $0x4  }
0x5e: {  	v2 =	vshrl.u32 v2, $0x10  }
0x5f: {  	[tilespmem:$0x2870] =	vst v2  }
0x60: {  	[spmem:s2] =	stream.indirect.scatter.add.f32 [tilespmem:s13], [sflag:$0x1], $0x80, s15, s14, $0xb8;
	[tilespmem:$0x1A500] =	vst v63  }
0x61: {  	_ =	swait.ge [sflag:s12], $0x4000  }
0x62: {  	s19 =	simm.s32 $0x200;
	s22 =	simm.s32 $0x400;
	[sflag:s12] =	ssyncset.done $0x0  }
.LBB2_6:
0x63: {  	s21 =	sshra.s32 s19, $0x2  }
0x64: {  	[sflag:s12] =	ssyncadd.s32 $0xFFFFC000;
	s19 =	smov.u32 s22;
	s20 =	sadd.s32 $0x200, s22  }
0x65: {  	p0 =	sne.s32 s22, $0x9E00;
	v2 =	vld [tilespmem:s21+$0x0];
	_ =	sdelay $0x4  }
0x66: {  	v2 =	vshrl.u32 v2, $0x10  }
0x67: {  	[tilespmem:$0x2800] =	vst v2  }
0x68: {  	v2 =	vld [tilespmem:s21+$0x10];
	_ =	sdelay $0x4  }
0x69: {  	v2 =	vshrl.u32 v2, $0x10  }
0x6a: {  	[tilespmem:$0x2810] =	vst v2  }
0x6b: {  	v2 =	vld [tilespmem:s21+$0x20];
	_ =	sdelay $0x4  }
0x6c: {  	v2 =	vshrl.u32 v2, $0x10  }
0x6d: {  	[tilespmem:$0x2820] =	vst v2  }
0x6e: {  	v2 =	vld [tilespmem:s21+$0x30];
	_ =	sdelay $0x4  }
0x6f: {  	v2 =	vshrl.u32 v2, $0x10  }
0x70: {  	[tilespmem:$0x2830] =	vst v2  }
0x71: {  	v2 =	vld [tilespmem:s21+$0x40];
	_ =	sdelay $0x4  }
0x72: {  	v2 =	vshrl.u32 v2, $0x10  }
0x73: {  	[tilespmem:$0x2840] =	vst v2  }
0x74: {  	v2 =	vld [tilespmem:s21+$0x50];
	_ =	sdelay $0x4  }
0x75: {  	v2 =	vshrl.u32 v2, $0x10  }
0x76: {  	[tilespmem:$0x2850] =	vst v2  }
0x77: {  	v2 =	vld [tilespmem:s21+$0x60];
	_ =	sdelay $0x4  }
0x78: {  	v2 =	vshrl.u32 v2, $0x10  }
0x79: {  	[tilespmem:$0x2860] =	vst v2  }
0x7a: {  	v2 =	vld [tilespmem:s21+$0x70];
	_ =	sdelay $0x4  }
.Ltmp2:
0x7b: {  	v2 =	vshrl.u32 v2, $0x10;
	(pc) =	sbr.rel @p0 .LBB2_6-.Ltmp2, $4  }
0x7c: {  	[tilespmem:$0x2870] =	vst v2  }
0x7d: {  	[spmem:s2] =	stream.indirect.scatter.add.f32 [tilespmem:s13], [sflag:$0x1], $0x80, s15, s14, $0xb8;
	[tilespmem:$0x1A500] =	vst v63  }
0x7e: {  	_ =	swait.ge [sflag:s12], $0x4000  }
0x7f: {  	s22 =	smov.u32 s20;
	[sflag:s12] =	ssyncset.done $0x0  }
0x80: {  	s19 =	sshra.s32 s19, $0x2;
	[sflag:s12] =	ssyncadd.s32 $0xFFFFC000  }
0x81: {  	v2 =	vld [tilespmem:s19+$0x0];
	_ =	sdelay $0x4  }
0x82: {  	v2 =	vshrl.u32 v2, $0x10  }
0x83: {  	[tilespmem:$0x2800] =	vst v2  }
0x84: {  	v2 =	vld [tilespmem:s19+$0x10];
	_ =	sdelay $0x4  }
0x85: {  	v2 =	vshrl.u32 v2, $0x10  }
0x86: {  	[tilespmem:$0x2810] =	vst v2  }
0x87: {  	v2 =	vld [tilespmem:s19+$0x20];
	_ =	sdelay $0x4  }
0x88: {  	v2 =	vshrl.u32 v2, $0x10  }
0x89: {  	[tilespmem:$0x2820] =	vst v2  }
0x8a: {  	v2 =	vld [tilespmem:s19+$0x30];
	_ =	sdelay $0x4  }
0x8b: {  	v2 =	vshrl.u32 v2, $0x10  }
0x8c: {  	[tilespmem:$0x2830] =	vst v2  }
0x8d: {  	v2 =	vld [tilespmem:s19+$0x40];
	_ =	sdelay $0x4  }
0x8e: {  	v2 =	vshrl.u32 v2, $0x10  }
0x8f: {  	[tilespmem:$0x2840] =	vst v2  }
0x90: {  	v2 =	vld [tilespmem:s19+$0x50];
	_ =	sdelay $0x4  }
0x91: {  	v2 =	vshrl.u32 v2, $0x10  }
0x92: {  	[tilespmem:$0x2850] =	vst v2  }
0x93: {  	v2 =	vld [tilespmem:s19+$0x60];
	_ =	sdelay $0x4  }
0x94: {  	v2 =	vshrl.u32 v2, $0x10  }
0x95: {  	[tilespmem:$0x2860] =	vst v2  }
0x96: {  	v2 =	vld [tilespmem:s19+$0x70];
	_ =	sdelay $0x4  }
0x97: {  	v2 =	vshrl.u32 v2, $0x10  }
0x98: {  	[tilespmem:$0x2870] =	vst v2  }
0x99: {  	[spmem:s2] =	stream.indirect.scatter.add.f32 [tilespmem:s13], [sflag:$0x1], $0x80, s15, s14, $0xb8;
	[tilespmem:$0x1A500] =	vst v63  }
0x9a: {  	_ =	swait.ge [sflag:s12], $0x4000  }
0x9b: {  	s18 =	sadd.s32 $0x1, s18;
	[sflag:s12] =	ssyncset.done $0x0  }
0x9c: {  	p0 =	sne.s32 s18, s8;
	[sflag:s12] =	ssyncadd.s32 $0xFFFFC000  }
.Ltmp3:
0x9d: {  	[bflag:$0x0] =	sbarrier.arrive $0xFFFF;
	(pc) =	sbr.rel @p0 .LBB2_1-.Ltmp3, $4  }
0x9e: {  	[hbm:s7], [sflag:s16] =	dma.local [spmem:s17], $0x2780  }
0x9f: {  	_ =	swait.ge [sflag:s12], $0x2780  }
0xa0: {  	[sflag:s12] =	ssyncset.done $0x0  }
0xa1: {  	[sflag:s12] =	ssyncadd.s32 $0xFFFFD880  }
0xa2: {  	_ =	sfence.sel $0x180000  }
0xa3: {  	[bflag:$0x0] =	sbarrier.arrive $0xFFFF  }
0xa4: {  	p0 =	sne.s32 s0, $0x0;
	_ =	strace $0x90000047  }
0xa5: {  	s0 =	sadd.s32 @!p0 $0x100000, s1;
	[bflag:$0x2] =	sbarrier.arrive $0xFFFF  }
0xa6: {  	[sflag:s0] =	ssyncadd.tile.s32 @!p0 $0x1;
	_ =	shalt  }
.Lfunc_end2:
_tile_overlayer_lowered:
.L_overlay_start_2:
0xa7: {  	(tag) =	ssettag $0x2  }
0xa8: {  	s0 =	rddreg [dreg:$0x0];
	s2 =	stileid.u32  }
0xa9: {  	s1 =	rddreg [dreg:$0x1];
	p0 =	sne.s32 s2, $0x0  }
0xaa: {  	s3 =	rddreg [dreg:$0x2];
	[bflag:$0x3] =	sbarrier.arrive $0xFFFF;
	s2 =	simm.s32 @!p0 $0x1C01  }
0xab: {  	[timem:s3], [sflag:s2] =	dma.local @!p0 [hbm:s0], s1  }
0xac: {  	s0 =	simm.s32 @!p0 $0x1  }
0xad: {  	_ =	swait.ge @!p0 [sflag:s0], s1  }
0xae: {  	s1 =	ssub.s32 @!p0 $0x0, s1;
	[sflag:s0] =	ssyncset.done @!p0 $0x0  }
0xaf: {  	[sflag:s0] =	ssyncadd.s32 @!p0 s1  }
0xb0: {  	[bflag:$0x3] =	sbarrier.arrive $0xFFFF  }
0xb1: {  	_ =	shalt  }

</sc_bundles>
